<compile_context>
chip_gen: v7x
topology: tpu7x:2x2x1
jax: 0.10.2.dev20260603
libtpu: 0.0.44.dev20260713+nightly
codegen_flags: <defaults>
</compile_context>

<pallas_src>
import functools

import jax
import jax.numpy as jnp
from jax import lax
from jax.experimental import pallas as pl
from jax.experimental.pallas import tpu as pltpu
from jax.experimental.pallas import tpu_sc as plsc

_NUM_CORES = 2
_NUM_SUBCORES = 16
_NW = _NUM_CORES * _NUM_SUBCORES
_LANES = 16
_NBUF = 3


@functools.lru_cache(maxsize=None)
def _make_gather(batch: int, seq: int, vocab: int, dim: int):
    assert batch % _NW == 0
    b_per_w = batch // _NW
    n_blk = b_per_w // _LANES
    assert dim == 32
    halves = dim // _LANES
    n_body = (seq - 2) // _NBUF
    tail = seq - n_body * _NBUF

    mesh = plsc.VectorSubcoreMesh(core_axis_name="c", subcore_axis_name="s")

    @functools.partial(
        pl.kernel,
        mesh=mesh,
        compiler_params=pltpu.CompilerParams(
            use_tc_tiling_on_sc=False, needs_layout_passes=False
        ),
        out_type=jax.ShapeDtypeStruct((seq, dim, batch), jnp.float32),
        scratch_types=[
            pltpu.VMEM((seq, b_per_w), jnp.int32),
            *( [pltpu.VMEM((halves * b_per_w,), jnp.int32)] * _NBUF ),
            *( [pltpu.VMEM((halves * b_per_w, _LANES), jnp.float32)] * _NBUF ),
            *( [pltpu.VMEM((dim, b_per_w + 1), jnp.float32)] * _NBUF ),
            *( [pltpu.SemaphoreType.DMA] * (2 * _NBUF) ),
        ],
    )
    def gather_kernel(table_hbm, idx_hbm, out_hbm, idx_all, *bufs):
        didx_bufs = bufs[0:_NBUF]
        rows = bufs[_NBUF:2 * _NBUF]
        tvs = bufs[2 * _NBUF:3 * _NBUF]
        gsems = bufs[3 * _NBUF:4 * _NBUF]
        wsems = bufs[4 * _NBUF:5 * _NBUF]

        wid = lax.axis_index("s") * _NUM_CORES + lax.axis_index("c")
        b0 = wid * b_per_w

        pltpu.sync_copy(idx_hbm.at[:, pl.ds(b0, b_per_w)], idx_all)

        def start(l, k):
            def bld(jb, c):
                v = idx_all[l, pl.ds(jb * _LANES, _LANES)] * halves
                for h in range(halves):
                    didx_bufs[k][pl.ds(h * b_per_w + jb * _LANES, _LANES)] = v + h
                return c

            lax.fori_loop(0, n_blk, bld, 0, unroll=4)
            pltpu.async_copy(table_hbm.at[didx_bufs[k]], rows[k], gsems[k])

        def wait_gather(l, k):
            pltpu.make_async_copy(
                table_hbm.at[didx_bufs[k]], rows[k], gsems[k]
            ).wait()

        def wait_write(l, k):
            pltpu.make_async_copy(
                tvs[k].at[:, pl.ds(0, b_per_w)],
                out_hbm.at[l, :, pl.ds(b0, b_per_w)],
                wsems[k],
            ).wait()

        def compute_and_write(l, k):
            iota = lax.iota(jnp.int32, _LANES)

            def tr(jb, c):
                for rr in range(8):
                    r = jb * 8 + rr
                    rsplat = jnp.full((_LANES,), r, jnp.int32)
                    for h in range(halves):
                        v = rows[k][h * b_per_w + r, :]
                        plsc.store_scatter(tvs[k], [iota + h * _LANES, rsplat], v)
                return c

            lax.fori_loop(0, b_per_w // 8, tr, 0, unroll=2)

            pltpu.async_copy(
                tvs[k].at[:, pl.ds(0, b_per_w)],
                out_hbm.at[l, :, pl.ds(b0, b_per_w)],
                wsems[k],
            )

        start(0, 0)
        start(1, 1)

        def body(i, carry):
            for k in range(_NBUF):
                l = _NBUF * i + k
                start(l + 2, (k + 2) % _NBUF)
                wait_gather(l, k)

                @pl.when(i >= 1)
                def _():
                    wait_write(l, k)

                compute_and_write(l, k)
            return carry

        lax.fori_loop(0, n_body, body, 0)

        for t in range(tail):
            l = _NBUF * n_body + t
            k = l % _NBUF
            wait_gather(l, k)
            if n_body >= 1:
                wait_write(l, k)
            compute_and_write(l, k)

        for k in range(_NBUF):
            pltpu.make_async_copy(
                tvs[k].at[:, pl.ds(0, b_per_w)],
                out_hbm.at[0, :, pl.ds(b0, b_per_w)],
                wsems[k],
            ).wait()

    return gather_kernel


def kernel(inputs, table):
    b, l = inputs.shape
    vocab, dim = table.shape
    idx_lmajor = inputs.T
    tbl16 = table.reshape(vocab * dim // _LANES, _LANES)
    out = _make_gather(b, l, vocab, dim)(tbl16, idx_lmajor)
    return out.transpose(2, 0, 1)

# --- scband reference (transcript-rebuilt; emitter-appended) ---
"""Pipeline reference for scband-embed-layer-77945066488283 (READ-ONLY COPY).

The authoritative reference and input builder live on the scoring server;
editing this copy changes nothing except your own understanding.
"""

import jax, jax.numpy as jnp
import numpy as np

VOCAB = 1000000
EMBED_DIM = 32
B = 16384
L = 50

def setup_inputs(seed: int = 0) -> dict:
    key = jax.random.key(seed)
    k1, k2 = jax.random.split(key)
    inputs = jax.random.randint(k1, (B, L), 0, VOCAB, dtype=jnp.int64 if jax.config.jax_enable_x64 else jnp.int32)
    scale = np.sqrt(3.0 / EMBED_DIM)
    table = jax.random.uniform(k2, (VOCAB, EMBED_DIM), dtype=jnp.float32, minval=-scale, maxval=scale)
    return {"inputs": inputs, "table": table}

def reference(inputs, table):
    # Embed_Layer.forward: x = encoder(inputs); x = dropout(x)
    # Module constructed with training=False -> dropout is identity (eval mode).
    x = jnp.take(table, inputs, axis=0)
    return x

if __name__ == "__main__":
    import jax
    _d = setup_inputs()
    print(jax.jit(kernel)(*tuple(_d.values())))

</pallas_src>

<mosaic_0001>
#map = affine_map<(d0, d1) -> (0, 0)>
#map1 = affine_map<(d0, d1) -> (0, 0, 0)>
module attributes {stable_mosaic.version = 14 : i64} {
  func.func @gather_kernel(%arg0: i32, %arg1: i32, %arg2: memref<2000000x16xf32, #tpu.memory_space<hbm>>, %arg3: memref<50x16384xi32, #tpu.memory_space<hbm>>, %arg4: memref<50x32x16384xf32, #tpu.memory_space<hbm>>, %arg5: memref<50x512xi32, #tpu.memory_space<vmem>>, %arg6: memref<1024xi32, #tpu.memory_space<vmem>>, %arg7: memref<1024xi32, #tpu.memory_space<vmem>>, %arg8: memref<1024xi32, #tpu.memory_space<vmem>>, %arg9: memref<1024x16xf32, #tpu.memory_space<vmem>>, %arg10: memref<1024x16xf32, #tpu.memory_space<vmem>>, %arg11: memref<1024x16xf32, #tpu.memory_space<vmem>>, %arg12: memref<32x513xf32, #tpu.memory_space<vmem>>, %arg13: memref<32x513xf32, #tpu.memory_space<vmem>>, %arg14: memref<32x513xf32, #tpu.memory_space<vmem>>, %arg15: memref<!tpu.dma_semaphore, #tpu.memory_space<semaphore_mem>>, %arg16: memref<!tpu.dma_semaphore, #tpu.memory_space<semaphore_mem>>, %arg17: memref<!tpu.dma_semaphore, #tpu.memory_space<semaphore_mem>>, %arg18: memref<!tpu.dma_semaphore, #tpu.memory_space<semaphore_mem>>, %arg19: memref<!tpu.dma_semaphore, #tpu.memory_space<semaphore_mem>>, %arg20: memref<!tpu.dma_semaphore, #tpu.memory_space<semaphore_mem>>) attributes {dimension_semantics = [#tpu.dimension_semantics<core_parallel>, #tpu.dimension_semantics<subcore_parallel>], iteration_bounds = array<i64: 2, 16>, scalar_prefetch = 0 : i64, scratch_operands = 16 : i64, tpu.core_type = #tpu.core_type<sc_vector_subcore>, window_params = [{transform_indices = #map}, {transform_indices = #map}, {transform_indices = #map1}]} {
    %mul3A = arith.constant 2 : i32
    %mul3A_0 = arith.muli %arg1, %mul3A : i32
    %add3A = arith.addi %mul3A_0, %arg0 : i32
    %mul3A_1 = arith.constant 512 : i32
    %mul3A_2 = arith.muli %add3A, %mul3A_1 : i32
    "tpu.region"() ({
      %run_scoped3A = tpu.sem_alloc : memref<!tpu.dma_semaphore, #tpu.memory_space<semaphore_mem>>
      %dma_start3A_134 = arith.constant 0 : i32
      %dma_start3A_135 = tpu.memref_slice %arg3[%dma_start3A_134, %mul3A_2] : memref<50x16384xi32, #tpu.memory_space<hbm>> -> memref<50x512xi32, #tpu.memory_space<hbm>>
      %dma_start3A_136 = arith.constant 0 : i32
      %dma_start3A_137 = tpu.memref_slice %arg3[%dma_start3A_136, %mul3A_2] : memref<50x16384xi32, #tpu.memory_space<hbm>> -> memref<50x512xi32, #tpu.memory_space<hbm>>
      tpu.enqueue_dma source(%dma_start3A_137 : memref<50x512xi32, #tpu.memory_space<hbm>>) target(%arg5 : memref<50x512xi32, #tpu.memory_space<vmem>>) target_semaphore(%run_scoped3A : memref<!tpu.dma_semaphore, #tpu.memory_space<semaphore_mem>>)
      %dma_wait3A_138 = arith.constant 0 : i32
      %dma_wait3A_139 = tpu.memref_slice %arg3[%dma_wait3A_138, %mul3A_2] : memref<50x16384xi32, #tpu.memory_space<hbm>> -> memref<50x512xi32, #tpu.memory_space<hbm>>
      %dma_wait3A_140 = arith.constant 0 : i32
      %dma_wait3A_141 = tpu.memref_slice %arg3[%dma_wait3A_140, %mul3A_2] : memref<50x16384xi32, #tpu.memory_space<hbm>> -> memref<50x512xi32, #tpu.memory_space<hbm>>
      tpu.wait_dma2 semaphore(%run_scoped3A : memref<!tpu.dma_semaphore, #tpu.memory_space<semaphore_mem>>) src(%dma_wait3A_141 : memref<50x512xi32, #tpu.memory_space<hbm>>) dst(%arg5 : memref<50x512xi32, #tpu.memory_space<vmem>>)
      tpu.yield
    }) : () -> ()
    %scan3A = arith.constant 0 : i32
    %scan3A_3 = arith.constant 0 : i32
    %scan3A_4 = arith.constant 32 : i32
    %scan3A_5 = arith.addi %scan3A_3, %scan3A_4 : i32
    %scan3A_6 = arith.constant 4 : i32
    scf.for %scan3A_134 = %scan3A_3 to %scan3A_5 step %scan3A_6  : i32 {
      %mul3A_135 = arith.constant 16 : i32
      %mul3A_136 = arith.muli %scan3A_134, %mul3A_135 : i32
      %get3A = arith.constant 0 : i32
      %get3A_137 = arith.index_cast %get3A : i32 to index
      %get3A_138 = arith.index_cast %mul3A_136 : i32 to index
      %get3A_139 = tpu.vector_load %arg5[%get3A_137, %get3A_138] {strides = array<i32>} : memref<50x512xi32, #tpu.memory_space<vmem>>, vector<16xi32>,
      %mul3A_140 = arith.constant 2 : i32
      %mul3A_141 = vector.broadcast %mul3A_140 : i32 to vector<16xi32>
      %mul3A_142 = arith.muli %get3A_139, %mul3A_141 : vector<16xi32>
      %add3A_143 = arith.constant 0 : i32
      %add3A_144 = vector.broadcast %add3A_143 : i32 to vector<16xi32>
      %add3A_145 = arith.addi %mul3A_142, %add3A_144 : vector<16xi32>
      %mul3A_146 = arith.constant 16 : i32
      %mul3A_147 = arith.muli %scan3A_134, %mul3A_146 : i32
      %add3A_148 = arith.constant 0 : i32
      %add3A_149 = arith.addi %add3A_148, %mul3A_147 : i32
      %swap3A = arith.index_cast %add3A_149 : i32 to index
      %swap3A_150 = tpu.vector_load %arg6[%swap3A] {strides = array<i32>} : memref<1024xi32, #tpu.memory_space<vmem>>, vector<16xi32>,
      tpu.vector_store %arg6[%swap3A], %add3A_145 {strides = array<i32>} : memref<1024xi32, #tpu.memory_space<vmem>>, vector<16xi32>,
      %add3A_151 = arith.constant 1 : i32
      %add3A_152 = vector.broadcast %add3A_151 : i32 to vector<16xi32>
      %add3A_153 = arith.addi %mul3A_142, %add3A_152 : vector<16xi32>
      %mul3A_154 = arith.constant 16 : i32
      %mul3A_155 = arith.muli %scan3A_134, %mul3A_154 : i32
      %add3A_156 = arith.constant 512 : i32
      %add3A_157 = arith.addi %add3A_156, %mul3A_155 : i32
      %swap3A_158 = arith.index_cast %add3A_157 : i32 to index
      %swap3A_159 = tpu.vector_load %arg6[%swap3A_158] {strides = array<i32>} : memref<1024xi32, #tpu.memory_space<vmem>>, vector<16xi32>,
      tpu.vector_store %arg6[%swap3A_158], %add3A_153 {strides = array<i32>} : memref<1024xi32, #tpu.memory_space<vmem>>, vector<16xi32>,
      %scan3A_160 = arith.constant 1 : i32
      %scan3A_161 = arith.addi %scan3A_134, %scan3A_160 : i32
      %mul3A_162 = arith.constant 16 : i32
      %mul3A_163 = arith.muli %scan3A_161, %mul3A_162 : i32
      %get3A_164 = arith.constant 0 : i32
      %get3A_165 = arith.index_cast %get3A_164 : i32 to index
      %get3A_166 = arith.index_cast %mul3A_163 : i32 to index
      %get3A_167 = tpu.vector_load %arg5[%get3A_165, %get3A_166] {strides = array<i32>} : memref<50x512xi32, #tpu.memory_space<vmem>>, vector<16xi32>,
      %mul3A_168 = arith.constant 2 : i32
      %mul3A_169 = vector.broadcast %mul3A_168 : i32 to vector<16xi32>
      %mul3A_170 = arith.muli %get3A_167, %mul3A_169 : vector<16xi32>
      %add3A_171 = arith.constant 0 : i32
      %add3A_172 = vector.broadcast %add3A_171 : i32 to vector<16xi32>
      %add3A_173 = arith.addi %mul3A_170, %add3A_172 : vector<16xi32>
      %mul3A_174 = arith.constant 16 : i32
      %mul3A_175 = arith.muli %scan3A_161, %mul3A_174 : i32
      %add3A_176 = arith.constant 0 : i32
      %add3A_177 = arith.addi %add3A_176, %mul3A_175 : i32
      %swap3A_178 = arith.index_cast %add3A_177 : i32 to index
      %swap3A_179 = tpu.vector_load %arg6[%swap3A_178] {strides = array<i32>} : memref<1024xi32, #tpu.memory_space<vmem>>, vector<16xi32>,
      tpu.vector_store %arg6[%swap3A_178], %add3A_173 {strides = array<i32>} : memref<1024xi32, #tpu.memory_space<vmem>>, vector<16xi32>,
      %add3A_180 = arith.constant 1 : i32
      %add3A_181 = vector.broadcast %add3A_180 : i32 to vector<16xi32>
      %add3A_182 = arith.addi %mul3A_170, %add3A_181 : vector<16xi32>
      %mul3A_183 = arith.constant 16 : i32
      %mul3A_184 = arith.muli %scan3A_161, %mul3A_183 : i32
      %add3A_185 = arith.constant 512 : i32
      %add3A_186 = arith.addi %add3A_185, %mul3A_184 : i32
      %swap3A_187 = arith.index_cast %add3A_186 : i32 to index
      %swap3A_188 = tpu.vector_load %arg6[%swap3A_187] {strides = array<i32>} : memref<1024xi32, #tpu.memory_space<vmem>>, vector<16xi32>,
      tpu.vector_store %arg6[%swap3A_187], %add3A_182 {strides = array<i32>} : memref<1024xi32, #tpu.memory_space<vmem>>, vector<16xi32>,
      %scan3A_189 = arith.constant 2 : i32
      %scan3A_190 = arith.addi %scan3A_134, %scan3A_189 : i32
      %mul3A_191 = arith.constant 16 : i32
      %mul3A_192 = arith.muli %scan3A_190, %mul3A_191 : i32
      %get3A_193 = arith.constant 0 : i32
      %get3A_194 = arith.index_cast %get3A_193 : i32 to index
      %get3A_195 = arith.index_cast %mul3A_192 : i32 to index
      %get3A_196 = tpu.vector_load %arg5[%get3A_194, %get3A_195] {strides = array<i32>} : memref<50x512xi32, #tpu.memory_space<vmem>>, vector<16xi32>,
      %mul3A_197 = arith.constant 2 : i32
      %mul3A_198 = vector.broadcast %mul3A_197 : i32 to vector<16xi32>
      %mul3A_199 = arith.muli %get3A_196, %mul3A_198 : vector<16xi32>
      %add3A_200 = arith.constant 0 : i32
      %add3A_201 = vector.broadcast %add3A_200 : i32 to vector<16xi32>
      %add3A_202 = arith.addi %mul3A_199, %add3A_201 : vector<16xi32>
      %mul3A_203 = arith.constant 16 : i32
      %mul3A_204 = arith.muli %scan3A_190, %mul3A_203 : i32
      %add3A_205 = arith.constant 0 : i32
      %add3A_206 = arith.addi %add3A_205, %mul3A_204 : i32
      %swap3A_207 = arith.index_cast %add3A_206 : i32 to index
      %swap3A_208 = tpu.vector_load %arg6[%swap3A_207] {strides = array<i32>} : memref<1024xi32, #tpu.memory_space<vmem>>, vector<16xi32>,
      tpu.vector_store %arg6[%swap3A_207], %add3A_202 {strides = array<i32>} : memref<1024xi32, #tpu.memory_space<vmem>>, vector<16xi32>,
      %add3A_209 = arith.constant 1 : i32
      %add3A_210 = vector.broadcast %add3A_209 : i32 to vector<16xi32>
      %add3A_211 = arith.addi %mul3A_199, %add3A_210 : vector<16xi32>
      %mul3A_212 = arith.constant 16 : i32
      %mul3A_213 = arith.muli %scan3A_190, %mul3A_212 : i32
      %add3A_214 = arith.constant 512 : i32
      %add3A_215 = arith.addi %add3A_214, %mul3A_213 : i32
      %swap3A_216 = arith.index_cast %add3A_215 : i32 to index
      %swap3A_217 = tpu.vector_load %arg6[%swap3A_216] {strides = array<i32>} : memref<1024xi32, #tpu.memory_space<vmem>>, vector<16xi32>,
      tpu.vector_store %arg6[%swap3A_216], %add3A_211 {strides = array<i32>} : memref<1024xi32, #tpu.memory_space<vmem>>, vector<16xi32>,
      %scan3A_218 = arith.constant 3 : i32
      %scan3A_219 = arith.addi %scan3A_134, %scan3A_218 : i32
      %mul3A_220 = arith.constant 16 : i32
      %mul3A_221 = arith.muli %scan3A_219, %mul3A_220 : i32
      %get3A_222 = arith.constant 0 : i32
      %get3A_223 = arith.index_cast %get3A_222 : i32 to index
      %get3A_224 = arith.index_cast %mul3A_221 : i32 to index
      %get3A_225 = tpu.vector_load %arg5[%get3A_223, %get3A_224] {strides = array<i32>} : memref<50x512xi32, #tpu.memory_space<vmem>>, vector<16xi32>,
      %mul3A_226 = arith.constant 2 : i32
      %mul3A_227 = vector.broadcast %mul3A_226 : i32 to vector<16xi32>
      %mul3A_228 = arith.muli %get3A_225, %mul3A_227 : vector<16xi32>
      %add3A_229 = arith.constant 0 : i32
      %add3A_230 = vector.broadcast %add3A_229 : i32 to vector<16xi32>
      %add3A_231 = arith.addi %mul3A_228, %add3A_230 : vector<16xi32>
      %mul3A_232 = arith.constant 16 : i32
      %mul3A_233 = arith.muli %scan3A_219, %mul3A_232 : i32
      %add3A_234 = arith.constant 0 : i32
      %add3A_235 = arith.addi %add3A_234, %mul3A_233 : i32
      %swap3A_236 = arith.index_cast %add3A_235 : i32 to index
      %swap3A_237 = tpu.vector_load %arg6[%swap3A_236] {strides = array<i32>} : memref<1024xi32, #tpu.memory_space<vmem>>, vector<16xi32>,
      tpu.vector_store %arg6[%swap3A_236], %add3A_231 {strides = array<i32>} : memref<1024xi32, #tpu.memory_space<vmem>>, vector<16xi32>,
      %add3A_238 = arith.constant 1 : i32
      %add3A_239 = vector.broadcast %add3A_238 : i32 to vector<16xi32>
      %add3A_240 = arith.addi %mul3A_228, %add3A_239 : vector<16xi32>
      %mul3A_241 = arith.constant 16 : i32
      %mul3A_242 = arith.muli %scan3A_219, %mul3A_241 : i32
      %add3A_243 = arith.constant 512 : i32
      %add3A_244 = arith.addi %add3A_243, %mul3A_242 : i32
      %swap3A_245 = arith.index_cast %add3A_244 : i32 to index
      %swap3A_246 = tpu.vector_load %arg6[%swap3A_245] {strides = array<i32>} : memref<1024xi32, #tpu.memory_space<vmem>>, vector<16xi32>,
      tpu.vector_store %arg6[%swap3A_245], %add3A_240 {strides = array<i32>} : memref<1024xi32, #tpu.memory_space<vmem>>, vector<16xi32>,
    }
    %scan3A_7 = arith.constant 32 : i32
    %dma_start3A = arith.constant 0 : i32
    %dma_start3A_8 = arith.constant 0 : i32
    %dma_start3A_9 = tpu.memref_slice %arg2[%dma_start3A, %dma_start3A_8] : memref<2000000x16xf32, #tpu.memory_space<hbm>> -> memref<2000000x16xf32, #tpu.memory_space<hbm>>
    tpu.enqueue_indirect_dma source(%dma_start3A_9 : memref<2000000x16xf32, #tpu.memory_space<hbm>>) target(%arg9 : memref<1024x16xf32, #tpu.memory_space<vmem>>) offsets(%arg6 : memref<1024xi32, #tpu.memory_space<vmem>>) semaphore(%arg15 : memref<!tpu.dma_semaphore, #tpu.memory_space<semaphore_mem>>)
    %scan3A_10 = arith.constant 0 : i32
    %scan3A_11 = arith.constant 0 : i32
    %scan3A_12 = arith.constant 32 : i32
    %scan3A_13 = arith.addi %scan3A_11, %scan3A_12 : i32
    %scan3A_14 = arith.constant 4 : i32
    scf.for %scan3A_134 = %scan3A_11 to %scan3A_13 step %scan3A_14  : i32 {
      %mul3A_135 = arith.constant 16 : i32
      %mul3A_136 = arith.muli %scan3A_134, %mul3A_135 : i32
      %get3A = arith.constant 1 : i32
      %get3A_137 = arith.index_cast %get3A : i32 to index
      %get3A_138 = arith.index_cast %mul3A_136 : i32 to index
      %get3A_139 = tpu.vector_load %arg5[%get3A_137, %get3A_138] {strides = array<i32>} : memref<50x512xi32, #tpu.memory_space<vmem>>, vector<16xi32>,
      %mul3A_140 = arith.constant 2 : i32
      %mul3A_141 = vector.broadcast %mul3A_140 : i32 to vector<16xi32>
      %mul3A_142 = arith.muli %get3A_139, %mul3A_141 : vector<16xi32>
      %add3A_143 = arith.constant 0 : i32
      %add3A_144 = vector.broadcast %add3A_143 : i32 to vector<16xi32>
      %add3A_145 = arith.addi %mul3A_142, %add3A_144 : vector<16xi32>
      %mul3A_146 = arith.constant 16 : i32
      %mul3A_147 = arith.muli %scan3A_134, %mul3A_146 : i32
      %add3A_148 = arith.constant 0 : i32
      %add3A_149 = arith.addi %add3A_148, %mul3A_147 : i32
      %swap3A = arith.index_cast %add3A_149 : i32 to index
      %swap3A_150 = tpu.vector_load %arg7[%swap3A] {strides = array<i32>} : memref<1024xi32, #tpu.memory_space<vmem>>, vector<16xi32>,
      tpu.vector_store %arg7[%swap3A], %add3A_145 {strides = array<i32>} : memref<1024xi32, #tpu.memory_space<vmem>>, vector<16xi32>,
      %add3A_151 = arith.constant 1 : i32
      %add3A_152 = vector.broadcast %add3A_151 : i32 to vector<16xi32>
      %add3A_153 = arith.addi %mul3A_142, %add3A_152 : vector<16xi32>
      %mul3A_154 = arith.constant 16 : i32
      %mul3A_155 = arith.muli %scan3A_134, %mul3A_154 : i32
      %add3A_156 = arith.constant 512 : i32
      %add3A_157 = arith.addi %add3A_156, %mul3A_155 : i32
      %swap3A_158 = arith.index_cast %add3A_157 : i32 to index
      %swap3A_159 = tpu.vector_load %arg7[%swap3A_158] {strides = array<i32>} : memref<1024xi32, #tpu.memory_space<vmem>>, vector<16xi32>,
      tpu.vector_store %arg7[%swap3A_158], %add3A_153 {strides = array<i32>} : memref<1024xi32, #tpu.memory_space<vmem>>, vector<16xi32>,
      %scan3A_160 = arith.constant 1 : i32
      %scan3A_161 = arith.addi %scan3A_134, %scan3A_160 : i32
      %mul3A_162 = arith.constant 16 : i32
      %mul3A_163 = arith.muli %scan3A_161, %mul3A_162 : i32
      %get3A_164 = arith.constant 1 : i32
      %get3A_165 = arith.index_cast %get3A_164 : i32 to index
      %get3A_166 = arith.index_cast %mul3A_163 : i32 to index
      %get3A_167 = tpu.vector_load %arg5[%get3A_165, %get3A_166] {strides = array<i32>} : memref<50x512xi32, #tpu.memory_space<vmem>>, vector<16xi32>,
      %mul3A_168 = arith.constant 2 : i32
      %mul3A_169 = vector.broadcast %mul3A_168 : i32 to vector<16xi32>
      %mul3A_170 = arith.muli %get3A_167, %mul3A_169 : vector<16xi32>
      %add3A_171 = arith.constant 0 : i32
      %add3A_172 = vector.broadcast %add3A_171 : i32 to vector<16xi32>
      %add3A_173 = arith.addi %mul3A_170, %add3A_172 : vector<16xi32>
      %mul3A_174 = arith.constant 16 : i32
      %mul3A_175 = arith.muli %scan3A_161, %mul3A_174 : i32
      %add3A_176 = arith.constant 0 : i32
      %add3A_177 = arith.addi %add3A_176, %mul3A_175 : i32
      %swap3A_178 = arith.index_cast %add3A_177 : i32 to index
      %swap3A_179 = tpu.vector_load %arg7[%swap3A_178] {strides = array<i32>} : memref<1024xi32, #tpu.memory_space<vmem>>, vector<16xi32>,
      tpu.vector_store %arg7[%swap3A_178], %add3A_173 {strides = array<i32>} : memref<1024xi32, #tpu.memory_space<vmem>>, vector<16xi32>,
      %add3A_180 = arith.constant 1 : i32
      %add3A_181 = vector.broadcast %add3A_180 : i32 to vector<16xi32>
      %add3A_182 = arith.addi %mul3A_170, %add3A_181 : vector<16xi32>
      %mul3A_183 = arith.constant 16 : i32
      %mul3A_184 = arith.muli %scan3A_161, %mul3A_183 : i32
      %add3A_185 = arith.constant 512 : i32
      %add3A_186 = arith.addi %add3A_185, %mul3A_184 : i32
      %swap3A_187 = arith.index_cast %add3A_186 : i32 to index
      %swap3A_188 = tpu.vector_load %arg7[%swap3A_187] {strides = array<i32>} : memref<1024xi32, #tpu.memory_space<vmem>>, vector<16xi32>,
      tpu.vector_store %arg7[%swap3A_187], %add3A_182 {strides = array<i32>} : memref<1024xi32, #tpu.memory_space<vmem>>, vector<16xi32>,
      %scan3A_189 = arith.constant 2 : i32
      %scan3A_190 = arith.addi %scan3A_134, %scan3A_189 : i32
      %mul3A_191 = arith.constant 16 : i32
      %mul3A_192 = arith.muli %scan3A_190, %mul3A_191 : i32
      %get3A_193 = arith.constant 1 : i32
      %get3A_194 = arith.index_cast %get3A_193 : i32 to index
      %get3A_195 = arith.index_cast %mul3A_192 : i32 to index
      %get3A_196 = tpu.vector_load %arg5[%get3A_194, %get3A_195] {strides = array<i32>} : memref<50x512xi32, #tpu.memory_space<vmem>>, vector<16xi32>,
      %mul3A_197 = arith.constant 2 : i32
      %mul3A_198 = vector.broadcast %mul3A_197 : i32 to vector<16xi32>
      %mul3A_199 = arith.muli %get3A_196, %mul3A_198 : vector<16xi32>
      %add3A_200 = arith.constant 0 : i32
      %add3A_201 = vector.broadcast %add3A_200 : i32 to vector<16xi32>
      %add3A_202 = arith.addi %mul3A_199, %add3A_201 : vector<16xi32>
      %mul3A_203 = arith.constant 16 : i32
      %mul3A_204 = arith.muli %scan3A_190, %mul3A_203 : i32
      %add3A_205 = arith.constant 0 : i32
      %add3A_206 = arith.addi %add3A_205, %mul3A_204 : i32
      %swap3A_207 = arith.index_cast %add3A_206 : i32 to index
      %swap3A_208 = tpu.vector_load %arg7[%swap3A_207] {strides = array<i32>} : memref<1024xi32, #tpu.memory_space<vmem>>, vector<16xi32>,
      tpu.vector_store %arg7[%swap3A_207], %add3A_202 {strides = array<i32>} : memref<1024xi32, #tpu.memory_space<vmem>>, vector<16xi32>,
      %add3A_209 = arith.constant 1 : i32
      %add3A_210 = vector.broadcast %add3A_209 : i32 to vector<16xi32>
      %add3A_211 = arith.addi %mul3A_199, %add3A_210 : vector<16xi32>
      %mul3A_212 = arith.constant 16 : i32
      %mul3A_213 = arith.muli %scan3A_190, %mul3A_212 : i32
      %add3A_214 = arith.constant 512 : i32
      %add3A_215 = arith.addi %add3A_214, %mul3A_213 : i32
      %swap3A_216 = arith.index_cast %add3A_215 : i32 to index
      %swap3A_217 = tpu.vector_load %arg7[%swap3A_216] {strides = array<i32>} : memref<1024xi32, #tpu.memory_space<vmem>>, vector<16xi32>,
      tpu.vector_store %arg7[%swap3A_216], %add3A_211 {strides = array<i32>} : memref<1024xi32, #tpu.memory_space<vmem>>, vector<16xi32>,
      %scan3A_218 = arith.constant 3 : i32
      %scan3A_219 = arith.addi %scan3A_134, %scan3A_218 : i32
      %mul3A_220 = arith.constant 16 : i32
      %mul3A_221 = arith.muli %scan3A_219, %mul3A_220 : i32
      %get3A_222 = arith.constant 1 : i32
      %get3A_223 = arith.index_cast %get3A_222 : i32 to index
      %get3A_224 = arith.index_cast %mul3A_221 : i32 to index
      %get3A_225 = tpu.vector_load %arg5[%get3A_223, %get3A_224] {strides = array<i32>} : memref<50x512xi32, #tpu.memory_space<vmem>>, vector<16xi32>,
      %mul3A_226 = arith.constant 2 : i32
      %mul3A_227 = vector.broadcast %mul3A_226 : i32 to vector<16xi32>
      %mul3A_228 = arith.muli %get3A_225, %mul3A_227 : vector<16xi32>
      %add3A_229 = arith.constant 0 : i32
      %add3A_230 = vector.broadcast %add3A_229 : i32 to vector<16xi32>
      %add3A_231 = arith.addi %mul3A_228, %add3A_230 : vector<16xi32>
      %mul3A_232 = arith.constant 16 : i32
      %mul3A_233 = arith.muli %scan3A_219, %mul3A_232 : i32
      %add3A_234 = arith.constant 0 : i32
      %add3A_235 = arith.addi %add3A_234, %mul3A_233 : i32
      %swap3A_236 = arith.index_cast %add3A_235 : i32 to index
      %swap3A_237 = tpu.vector_load %arg7[%swap3A_236] {strides = array<i32>} : memref<1024xi32, #tpu.memory_space<vmem>>, vector<16xi32>,
      tpu.vector_store %arg7[%swap3A_236], %add3A_231 {strides = array<i32>} : memref<1024xi32, #tpu.memory_space<vmem>>, vector<16xi32>,
      %add3A_238 = arith.constant 1 : i32
      %add3A_239 = vector.broadcast %add3A_238 : i32 to vector<16xi32>
      %add3A_240 = arith.addi %mul3A_228, %add3A_239 : vector<16xi32>
      %mul3A_241 = arith.constant 16 : i32
      %mul3A_242 = arith.muli %scan3A_219, %mul3A_241 : i32
      %add3A_243 = arith.constant 512 : i32
      %add3A_244 = arith.addi %add3A_243, %mul3A_242 : i32
      %swap3A_245 = arith.index_cast %add3A_244 : i32 to index
      %swap3A_246 = tpu.vector_load %arg7[%swap3A_245] {strides = array<i32>} : memref<1024xi32, #tpu.memory_space<vmem>>, vector<16xi32>,
      tpu.vector_store %arg7[%swap3A_245], %add3A_240 {strides = array<i32>} : memref<1024xi32, #tpu.memory_space<vmem>>, vector<16xi32>,
    }
    %scan3A_15 = arith.constant 32 : i32
    %dma_start3A_16 = arith.constant 0 : i32
    %dma_start3A_17 = arith.constant 0 : i32
    %dma_start3A_18 = tpu.memref_slice %arg2[%dma_start3A_16, %dma_start3A_17] : memref<2000000x16xf32, #tpu.memory_space<hbm>> -> memref<2000000x16xf32, #tpu.memory_space<hbm>>
    tpu.enqueue_indirect_dma source(%dma_start3A_18 : memref<2000000x16xf32, #tpu.memory_space<hbm>>) target(%arg10 : memref<1024x16xf32, #tpu.memory_space<vmem>>) offsets(%arg7 : memref<1024xi32, #tpu.memory_space<vmem>>) semaphore(%arg16 : memref<!tpu.dma_semaphore, #tpu.memory_space<semaphore_mem>>)
    %scan3A_19 = arith.constant 0 : i32
    %scan3A_20 = arith.constant 0 : i32
    %scan3A_21 = arith.constant 16 : i32
    %scan3A_22 = arith.addi %scan3A_20, %scan3A_21 : i32
    %scan3A_23 = arith.constant 1 : i32
    scf.for %scan3A_134 = %scan3A_20 to %scan3A_22 step %scan3A_23  : i32 {
      %mul3A_135 = arith.constant 3 : i32
      %mul3A_136 = arith.muli %mul3A_135, %scan3A_134 : i32
      %add3A_137 = arith.constant 0 : i32
      %add3A_138 = arith.addi %mul3A_136, %add3A_137 : i32
      %add3A_139 = arith.constant 2 : i32
      %add3A_140 = arith.addi %add3A_138, %add3A_139 : i32
      %scan3A_141 = arith.constant 0 : i32
      %scan3A_142 = arith.constant 0 : i32
      %scan3A_143 = arith.constant 32 : i32
      %scan3A_144 = arith.addi %scan3A_142, %scan3A_143 : i32
      %scan3A_145 = arith.constant 4 : i32
      scf.for %scan3A_258 = %scan3A_142 to %scan3A_144 step %scan3A_145  : i32 {
        %mul3A_259 = arith.constant 16 : i32
        %mul3A_260 = arith.muli %scan3A_258, %mul3A_259 : i32
        %get3A = arith.index_cast %add3A_140 : i32 to index
        %get3A_261 = arith.index_cast %mul3A_260 : i32 to index
        %get3A_262 = tpu.vector_load %arg5[%get3A, %get3A_261] {strides = array<i32>} : memref<50x512xi32, #tpu.memory_space<vmem>>, vector<16xi32>,
        %mul3A_263 = arith.constant 2 : i32
        %mul3A_264 = vector.broadcast %mul3A_263 : i32 to vector<16xi32>
        %mul3A_265 = arith.muli %get3A_262, %mul3A_264 : vector<16xi32>
        %add3A_266 = arith.constant 0 : i32
        %add3A_267 = vector.broadcast %add3A_266 : i32 to vector<16xi32>
        %add3A_268 = arith.addi %mul3A_265, %add3A_267 : vector<16xi32>
        %mul3A_269 = arith.constant 16 : i32
        %mul3A_270 = arith.muli %scan3A_258, %mul3A_269 : i32
        %add3A_271 = arith.constant 0 : i32
        %add3A_272 = arith.addi %add3A_271, %mul3A_270 : i32
        %swap3A = arith.index_cast %add3A_272 : i32 to index
        %swap3A_273 = tpu.vector_load %arg8[%swap3A] {strides = array<i32>} : memref<1024xi32, #tpu.memory_space<vmem>>, vector<16xi32>,
        tpu.vector_store %arg8[%swap3A], %add3A_268 {strides = array<i32>} : memref<1024xi32, #tpu.memory_space<vmem>>, vector<16xi32>,
        %add3A_274 = arith.constant 1 : i32
        %add3A_275 = vector.broadcast %add3A_274 : i32 to vector<16xi32>
        %add3A_276 = arith.addi %mul3A_265, %add3A_275 : vector<16xi32>
        %mul3A_277 = arith.constant 16 : i32
        %mul3A_278 = arith.muli %scan3A_258, %mul3A_277 : i32
        %add3A_279 = arith.constant 512 : i32
        %add3A_280 = arith.addi %add3A_279, %mul3A_278 : i32
        %swap3A_281 = arith.index_cast %add3A_280 : i32 to index
        %swap3A_282 = tpu.vector_load %arg8[%swap3A_281] {strides = array<i32>} : memref<1024xi32, #tpu.memory_space<vmem>>, vector<16xi32>,
        tpu.vector_store %arg8[%swap3A_281], %add3A_276 {strides = array<i32>} : memref<1024xi32, #tpu.memory_space<vmem>>, vector<16xi32>,
        %scan3A_283 = arith.constant 1 : i32
        %scan3A_284 = arith.addi %scan3A_258, %scan3A_283 : i32
        %mul3A_285 = arith.constant 16 : i32
        %mul3A_286 = arith.muli %scan3A_284, %mul3A_285 : i32
        %get3A_287 = arith.index_cast %add3A_140 : i32 to index
        %get3A_288 = arith.index_cast %mul3A_286 : i32 to index
        %get3A_289 = tpu.vector_load %arg5[%get3A_287, %get3A_288] {strides = array<i32>} : memref<50x512xi32, #tpu.memory_space<vmem>>, vector<16xi32>,
        %mul3A_290 = arith.constant 2 : i32
        %mul3A_291 = vector.broadcast %mul3A_290 : i32 to vector<16xi32>
        %mul3A_292 = arith.muli %get3A_289, %mul3A_291 : vector<16xi32>
        %add3A_293 = arith.constant 0 : i32
        %add3A_294 = vector.broadcast %add3A_293 : i32 to vector<16xi32>
        %add3A_295 = arith.addi %mul3A_292, %add3A_294 : vector<16xi32>
        %mul3A_296 = arith.constant 16 : i32
        %mul3A_297 = arith.muli %scan3A_284, %mul3A_296 : i32
        %add3A_298 = arith.constant 0 : i32
        %add3A_299 = arith.addi %add3A_298, %mul3A_297 : i32
        %swap3A_300 = arith.index_cast %add3A_299 : i32 to index
        %swap3A_301 = tpu.vector_load %arg8[%swap3A_300] {strides = array<i32>} : memref<1024xi32, #tpu.memory_space<vmem>>, vector<16xi32>,
        tpu.vector_store %arg8[%swap3A_300], %add3A_295 {strides = array<i32>} : memref<1024xi32, #tpu.memory_space<vmem>>, vector<16xi32>,
        %add3A_302 = arith.constant 1 : i32
        %add3A_303 = vector.broadcast %add3A_302 : i32 to vector<16xi32>
        %add3A_304 = arith.addi %mul3A_292, %add3A_303 : vector<16xi32>
        %mul3A_305 = arith.constant 16 : i32
        %mul3A_306 = arith.muli %scan3A_284, %mul3A_305 : i32
        %add3A_307 = arith.constant 512 : i32
        %add3A_308 = arith.addi %add3A_307, %mul3A_306 : i32
        %swap3A_309 = arith.index_cast %add3A_308 : i32 to index
        %swap3A_310 = tpu.vector_load %arg8[%swap3A_309] {strides = array<i32>} : memref<1024xi32, #tpu.memory_space<vmem>>, vector<16xi32>,
        tpu.vector_store %arg8[%swap3A_309], %add3A_304 {strides = array<i32>} : memref<1024xi32, #tpu.memory_space<vmem>>, vector<16xi32>,
        %scan3A_311 = arith.constant 2 : i32
        %scan3A_312 = arith.addi %scan3A_258, %scan3A_311 : i32
        %mul3A_313 = arith.constant 16 : i32
        %mul3A_314 = arith.muli %scan3A_312, %mul3A_313 : i32
        %get3A_315 = arith.index_cast %add3A_140 : i32 to index
        %get3A_316 = arith.index_cast %mul3A_314 : i32 to index
        %get3A_317 = tpu.vector_load %arg5[%get3A_315, %get3A_316] {strides = array<i32>} : memref<50x512xi32, #tpu.memory_space<vmem>>, vector<16xi32>,
        %mul3A_318 = arith.constant 2 : i32
        %mul3A_319 = vector.broadcast %mul3A_318 : i32 to vector<16xi32>
        %mul3A_320 = arith.muli %get3A_317, %mul3A_319 : vector<16xi32>
        %add3A_321 = arith.constant 0 : i32
        %add3A_322 = vector.broadcast %add3A_321 : i32 to vector<16xi32>
        %add3A_323 = arith.addi %mul3A_320, %add3A_322 : vector<16xi32>
        %mul3A_324 = arith.constant 16 : i32
        %mul3A_325 = arith.muli %scan3A_312, %mul3A_324 : i32
        %add3A_326 = arith.constant 0 : i32
        %add3A_327 = arith.addi %add3A_326, %mul3A_325 : i32
        %swap3A_328 = arith.index_cast %add3A_327 : i32 to index
        %swap3A_329 = tpu.vector_load %arg8[%swap3A_328] {strides = array<i32>} : memref<1024xi32, #tpu.memory_space<vmem>>, vector<16xi32>,
        tpu.vector_store %arg8[%swap3A_328], %add3A_323 {strides = array<i32>} : memref<1024xi32, #tpu.memory_space<vmem>>, vector<16xi32>,
        %add3A_330 = arith.constant 1 : i32
        %add3A_331 = vector.broadcast %add3A_330 : i32 to vector<16xi32>
        %add3A_332 = arith.addi %mul3A_320, %add3A_331 : vector<16xi32>
        %mul3A_333 = arith.constant 16 : i32
        %mul3A_334 = arith.muli %scan3A_312, %mul3A_333 : i32
        %add3A_335 = arith.constant 512 : i32
        %add3A_336 = arith.addi %add3A_335, %mul3A_334 : i32
        %swap3A_337 = arith.index_cast %add3A_336 : i32 to index
        %swap3A_338 = tpu.vector_load %arg8[%swap3A_337] {strides = array<i32>} : memref<1024xi32, #tpu.memory_space<vmem>>, vector<16xi32>,
        tpu.vector_store %arg8[%swap3A_337], %add3A_332 {strides = array<i32>} : memref<1024xi32, #tpu.memory_space<vmem>>, vector<16xi32>,
        %scan3A_339 = arith.constant 3 : i32
        %scan3A_340 = arith.addi %scan3A_258, %scan3A_339 : i32
        %mul3A_341 = arith.constant 16 : i32
        %mul3A_342 = arith.muli %scan3A_340, %mul3A_341 : i32
        %get3A_343 = arith.index_cast %add3A_140 : i32 to index
        %get3A_344 = arith.index_cast %mul3A_342 : i32 to index
        %get3A_345 = tpu.vector_load %arg5[%get3A_343, %get3A_344] {strides = array<i32>} : memref<50x512xi32, #tpu.memory_space<vmem>>, vector<16xi32>,
        %mul3A_346 = arith.constant 2 : i32
        %mul3A_347 = vector.broadcast %mul3A_346 : i32 to vector<16xi32>
        %mul3A_348 = arith.muli %get3A_345, %mul3A_347 : vector<16xi32>
        %add3A_349 = arith.constant 0 : i32
        %add3A_350 = vector.broadcast %add3A_349 : i32 to vector<16xi32>
        %add3A_351 = arith.addi %mul3A_348, %add3A_350 : vector<16xi32>
        %mul3A_352 = arith.constant 16 : i32
        %mul3A_353 = arith.muli %scan3A_340, %mul3A_352 : i32
        %add3A_354 = arith.constant 0 : i32
        %add3A_355 = arith.addi %add3A_354, %mul3A_353 : i32
        %swap3A_356 = arith.index_cast %add3A_355 : i32 to index
        %swap3A_357 = tpu.vector_load %arg8[%swap3A_356] {strides = array<i32>} : memref<1024xi32, #tpu.memory_space<vmem>>, vector<16xi32>,
        tpu.vector_store %arg8[%swap3A_356], %add3A_351 {strides = array<i32>} : memref<1024xi32, #tpu.memory_space<vmem>>, vector<16xi32>,
        %add3A_358 = arith.constant 1 : i32
        %add3A_359 = vector.broadcast %add3A_358 : i32 to vector<16xi32>
        %add3A_360 = arith.addi %mul3A_348, %add3A_359 : vector<16xi32>
        %mul3A_361 = arith.constant 16 : i32
        %mul3A_362 = arith.muli %scan3A_340, %mul3A_361 : i32
        %add3A_363 = arith.constant 512 : i32
        %add3A_364 = arith.addi %add3A_363, %mul3A_362 : i32
        %swap3A_365 = arith.index_cast %add3A_364 : i32 to index
        %swap3A_366 = tpu.vector_load %arg8[%swap3A_365] {strides = array<i32>} : memref<1024xi32, #tpu.memory_space<vmem>>, vector<16xi32>,
        tpu.vector_store %arg8[%swap3A_365], %add3A_360 {strides = array<i32>} : memref<1024xi32, #tpu.memory_space<vmem>>, vector<16xi32>,
      }
      %scan3A_146 = arith.constant 32 : i32
      %dma_start3A_147 = arith.constant 0 : i32
      %dma_start3A_148 = arith.constant 0 : i32
      %dma_start3A_149 = tpu.memref_slice %arg2[%dma_start3A_147, %dma_start3A_148] : memref<2000000x16xf32, #tpu.memory_space<hbm>> -> memref<2000000x16xf32, #tpu.memory_space<hbm>>
      tpu.enqueue_indirect_dma source(%dma_start3A_149 : memref<2000000x16xf32, #tpu.memory_space<hbm>>) target(%arg11 : memref<1024x16xf32, #tpu.memory_space<vmem>>) offsets(%arg8 : memref<1024xi32, #tpu.memory_space<vmem>>) semaphore(%arg17 : memref<!tpu.dma_semaphore, #tpu.memory_space<semaphore_mem>>)
      %dma_wait3A_150 = arith.constant 0 : i32
      %dma_wait3A_151 = arith.constant 0 : i32
      %dma_wait3A_152 = tpu.memref_slice %arg2[%dma_wait3A_150, %dma_wait3A_151] : memref<2000000x16xf32, #tpu.memory_space<hbm>> -> memref<2000000x16xf32, #tpu.memory_space<hbm>>
      tpu.wait_indirect_dma semaphore(%arg15 : memref<!tpu.dma_semaphore, #tpu.memory_space<semaphore_mem>>) src(%dma_wait3A_152 : memref<2000000x16xf32, #tpu.memory_space<hbm>>) dst(%arg9 : memref<1024x16xf32, #tpu.memory_space<vmem>>)
      %ge3A = arith.constant 1 : i32
      %ge3A_153 = arith.cmpi sge, %scan3A_134, %ge3A : i32
      %convert_element_type3A = arith.extui %ge3A_153 : i1 to i32
      %cond3A = arith.constant 0 : i32
      %cond3A_154 = arith.cmpi ne, %convert_element_type3A, %cond3A : i32
      scf.if %cond3A_154 {
        %dma_wait3A_258 = arith.constant 0 : i32
        %dma_wait3A_259 = arith.constant 0 : i32
        %dma_wait3A_260 = tpu.memref_slice %arg12[%dma_wait3A_258, %dma_wait3A_259] : memref<32x513xf32, #tpu.memory_space<vmem>> -> memref<32x512xf32, #tpu.memory_space<vmem>>
        %dma_wait3A_261 = arith.constant 0 : i32
        %dma_wait3A_262 = tpu.memref_slice %arg4[%add3A_138, %dma_wait3A_261, %mul3A_2] : memref<50x32x16384xf32, #tpu.memory_space<hbm>> -> memref<1x32x512xf32, #tpu.memory_space<hbm>>
        %dma_wait3A_263 = tpu.memref_squeeze %dma_wait3A_262 : memref<1x32x512xf32, #tpu.memory_space<hbm>> -> memref<32x512xf32, #tpu.memory_space<hbm>>
        %dma_wait3A_264 = arith.constant 0 : i32
        %dma_wait3A_265 = tpu.memref_slice %arg4[%add3A_138, %dma_wait3A_264, %mul3A_2] : memref<50x32x16384xf32, #tpu.memory_space<hbm>> -> memref<1x32x512xf32, #tpu.memory_space<hbm>>
        %dma_wait3A_266 = tpu.memref_squeeze %dma_wait3A_265 : memref<1x32x512xf32, #tpu.memory_space<hbm>> -> memref<32x512xf32, #tpu.memory_space<hbm>>
        %dma_wait3A_267 = arith.constant 0 : i32
        %dma_wait3A_268 = arith.constant 0 : i32
        %dma_wait3A_269 = tpu.memref_slice %arg12[%dma_wait3A_267, %dma_wait3A_268] : memref<32x513xf32, #tpu.memory_space<vmem>> -> memref<32x512xf32, #tpu.memory_space<vmem>>
        tpu.wait_dma2 semaphore(%arg18 : memref<!tpu.dma_semaphore, #tpu.memory_space<semaphore_mem>>) src(%dma_wait3A_269 : memref<32x512xf32, #tpu.memory_space<vmem>>) dst(%dma_wait3A_266 : memref<32x512xf32, #tpu.memory_space<hbm>>)
      } else {
      }
      %iota3A_155 = tpu.iota {dimensions = array<i32: 0>} : vector<16xi32>
      %scan3A_156 = arith.constant 0 : i32
      %scan3A_157 = arith.constant 0 : i32
      %scan3A_158 = arith.constant 64 : i32
      %scan3A_159 = arith.addi %scan3A_157, %scan3A_158 : i32
      %scan3A_160 = arith.constant 2 : i32
      scf.for %scan3A_258 = %scan3A_157 to %scan3A_159 step %scan3A_160  : i32 {
        %mul3A_259 = arith.constant 8 : i32
        %mul3A_260 = arith.muli %scan3A_258, %mul3A_259 : i32
        %add3A_261 = arith.constant 0 : i32
        %add3A_262 = arith.addi %mul3A_260, %add3A_261 : i32
        %broadcast_in_dim3A = vector.broadcast %add3A_262 : i32 to vector<16xi32>
        %add3A_263 = arith.constant 0 : i32
        %add3A_264 = arith.addi %add3A_263, %add3A_262 : i32
        %get3A = arith.index_cast %add3A_264 : i32 to index
        %get3A_265 = arith.constant 0 : index
        %get3A_266 = tpu.vector_load %arg9[%get3A, %get3A_265] {strides = array<i32>} : memref<1024x16xf32, #tpu.memory_space<vmem>>, vector<16xf32>,
        %add3A_267 = arith.constant 0 : i32
        %add3A_268 = vector.broadcast %add3A_267 : i32 to vector<16xi32>
        %add3A_269 = arith.addi %iota3A_155, %add3A_268 : vector<16xi32>
        tpu.vector_store_idx %arg12[%add3A_269, %broadcast_in_dim3A], %get3A_266 : memref<32x513xf32, #tpu.memory_space<vmem>>[vector<16xi32>, vector<16xi32>], vector<16xf32>,
        %add3A_270 = arith.constant 512 : i32
        %add3A_271 = arith.addi %add3A_270, %add3A_262 : i32
        %get3A_272 = arith.index_cast %add3A_271 : i32 to index
        %get3A_273 = arith.constant 0 : index
        %get3A_274 = tpu.vector_load %arg9[%get3A_272, %get3A_273] {strides = array<i32>} : memref<1024x16xf32, #tpu.memory_space<vmem>>, vector<16xf32>,
        %add3A_275 = arith.constant 16 : i32
        %add3A_276 = vector.broadcast %add3A_275 : i32 to vector<16xi32>
        %add3A_277 = arith.addi %iota3A_155, %add3A_276 : vector<16xi32>
        tpu.vector_store_idx %arg12[%add3A_277, %broadcast_in_dim3A], %get3A_274 : memref<32x513xf32, #tpu.memory_space<vmem>>[vector<16xi32>, vector<16xi32>], vector<16xf32>,
        %mul3A_278 = arith.constant 8 : i32
        %mul3A_279 = arith.muli %scan3A_258, %mul3A_278 : i32
        %add3A_280 = arith.constant 1 : i32
        %add3A_281 = arith.addi %mul3A_279, %add3A_280 : i32
        %broadcast_in_dim3A_282 = vector.broadcast %add3A_281 : i32 to vector<16xi32>
        %add3A_283 = arith.constant 0 : i32
        %add3A_284 = arith.addi %add3A_283, %add3A_281 : i32
        %get3A_285 = arith.index_cast %add3A_284 : i32 to index
        %get3A_286 = arith.constant 0 : index
        %get3A_287 = tpu.vector_load %arg9[%get3A_285, %get3A_286] {strides = array<i32>} : memref<1024x16xf32, #tpu.memory_space<vmem>>, vector<16xf32>,
        %add3A_288 = arith.constant 0 : i32
        %add3A_289 = vector.broadcast %add3A_288 : i32 to vector<16xi32>
        %add3A_290 = arith.addi %iota3A_155, %add3A_289 : vector<16xi32>
        tpu.vector_store_idx %arg12[%add3A_290, %broadcast_in_dim3A_282], %get3A_287 : memref<32x513xf32, #tpu.memory_space<vmem>>[vector<16xi32>, vector<16xi32>], vector<16xf32>,
        %add3A_291 = arith.constant 512 : i32
        %add3A_292 = arith.addi %add3A_291, %add3A_281 : i32
        %get3A_293 = arith.index_cast %add3A_292 : i32 to index
        %get3A_294 = arith.constant 0 : index
        %get3A_295 = tpu.vector_load %arg9[%get3A_293, %get3A_294] {strides = array<i32>} : memref<1024x16xf32, #tpu.memory_space<vmem>>, vector<16xf32>,
        %add3A_296 = arith.constant 16 : i32
        %add3A_297 = vector.broadcast %add3A_296 : i32 to vector<16xi32>
        %add3A_298 = arith.addi %iota3A_155, %add3A_297 : vector<16xi32>
        tpu.vector_store_idx %arg12[%add3A_298, %broadcast_in_dim3A_282], %get3A_295 : memref<32x513xf32, #tpu.memory_space<vmem>>[vector<16xi32>, vector<16xi32>], vector<16xf32>,
        %mul3A_299 = arith.constant 8 : i32
        %mul3A_300 = arith.muli %scan3A_258, %mul3A_299 : i32
        %add3A_301 = arith.constant 2 : i32
        %add3A_302 = arith.addi %mul3A_300, %add3A_301 : i32
        %broadcast_in_dim3A_303 = vector.broadcast %add3A_302 : i32 to vector<16xi32>
        %add3A_304 = arith.constant 0 : i32
        %add3A_305 = arith.addi %add3A_304, %add3A_302 : i32
        %get3A_306 = arith.index_cast %add3A_305 : i32 to index
        %get3A_307 = arith.constant 0 : index
        %get3A_308 = tpu.vector_load %arg9[%get3A_306, %get3A_307] {strides = array<i32>} : memref<1024x16xf32, #tpu.memory_space<vmem>>, vector<16xf32>,
        %add3A_309 = arith.constant 0 : i32
        %add3A_310 = vector.broadcast %add3A_309 : i32 to vector<16xi32>
        %add3A_311 = arith.addi %iota3A_155, %add3A_310 : vector<16xi32>
        tpu.vector_store_idx %arg12[%add3A_311, %broadcast_in_dim3A_303], %get3A_308 : memref<32x513xf32, #tpu.memory_space<vmem>>[vector<16xi32>, vector<16xi32>], vector<16xf32>,
        %add3A_312 = arith.constant 512 : i32
        %add3A_313 = arith.addi %add3A_312, %add3A_302 : i32
        %get3A_314 = arith.index_cast %add3A_313 : i32 to index
        %get3A_315 = arith.constant 0 : index
        %get3A_316 = tpu.vector_load %arg9[%get3A_314, %get3A_315] {strides = array<i32>} : memref<1024x16xf32, #tpu.memory_space<vmem>>, vector<16xf32>,
        %add3A_317 = arith.constant 16 : i32
        %add3A_318 = vector.broadcast %add3A_317 : i32 to vector<16xi32>
        %add3A_319 = arith.addi %iota3A_155, %add3A_318 : vector<16xi32>
        tpu.vector_store_idx %arg12[%add3A_319, %broadcast_in_dim3A_303], %get3A_316 : memref<32x513xf32, #tpu.memory_space<vmem>>[vector<16xi32>, vector<16xi32>], vector<16xf32>,
        %mul3A_320 = arith.constant 8 : i32
        %mul3A_321 = arith.muli %scan3A_258, %mul3A_320 : i32
        %add3A_322 = arith.constant 3 : i32
        %add3A_323 = arith.addi %mul3A_321, %add3A_322 : i32
        %broadcast_in_dim3A_324 = vector.broadcast %add3A_323 : i32 to vector<16xi32>
        %add3A_325 = arith.constant 0 : i32
        %add3A_326 = arith.addi %add3A_325, %add3A_323 : i32
        %get3A_327 = arith.index_cast %add3A_326 : i32 to index
        %get3A_328 = arith.constant 0 : index
        %get3A_329 = tpu.vector_load %arg9[%get3A_327, %get3A_328] {strides = array<i32>} : memref<1024x16xf32, #tpu.memory_space<vmem>>, vector<16xf32>,
        %add3A_330 = arith.constant 0 : i32
        %add3A_331 = vector.broadcast %add3A_330 : i32 to vector<16xi32>
        %add3A_332 = arith.addi %iota3A_155, %add3A_331 : vector<16xi32>
        tpu.vector_store_idx %arg12[%add3A_332, %broadcast_in_dim3A_324], %get3A_329 : memref<32x513xf32, #tpu.memory_space<vmem>>[vector<16xi32>, vector<16xi32>], vector<16xf32>,
        %add3A_333 = arith.constant 512 : i32
        %add3A_334 = arith.addi %add3A_333, %add3A_323 : i32
        %get3A_335 = arith.index_cast %add3A_334 : i32 to index
        %get3A_336 = arith.constant 0 : index
        %get3A_337 = tpu.vector_load %arg9[%get3A_335, %get3A_336] {strides = array<i32>} : memref<1024x16xf32, #tpu.memory_space<vmem>>, vector<16xf32>,
        %add3A_338 = arith.constant 16 : i32
        %add3A_339 = vector.broadcast %add3A_338 : i32 to vector<16xi32>
        %add3A_340 = arith.addi %iota3A_155, %add3A_339 : vector<16xi32>
        tpu.vector_store_idx %arg12[%add3A_340, %broadcast_in_dim3A_324], %get3A_337 : memref<32x513xf32, #tpu.memory_space<vmem>>[vector<16xi32>, vector<16xi32>], vector<16xf32>,
        %mul3A_341 = arith.constant 8 : i32
        %mul3A_342 = arith.muli %scan3A_258, %mul3A_341 : i32
        %add3A_343 = arith.constant 4 : i32
        %add3A_344 = arith.addi %mul3A_342, %add3A_343 : i32
        %broadcast_in_dim3A_345 = vector.broadcast %add3A_344 : i32 to vector<16xi32>
        %add3A_346 = arith.constant 0 : i32
        %add3A_347 = arith.addi %add3A_346, %add3A_344 : i32
        %get3A_348 = arith.index_cast %add3A_347 : i32 to index
        %get3A_349 = arith.constant 0 : index
        %get3A_350 = tpu.vector_load %arg9[%get3A_348, %get3A_349] {strides = array<i32>} : memref<1024x16xf32, #tpu.memory_space<vmem>>, vector<16xf32>,
        %add3A_351 = arith.constant 0 : i32
        %add3A_352 = vector.broadcast %add3A_351 : i32 to vector<16xi32>
        %add3A_353 = arith.addi %iota3A_155, %add3A_352 : vector<16xi32>
        tpu.vector_store_idx %arg12[%add3A_353, %broadcast_in_dim3A_345], %get3A_350 : memref<32x513xf32, #tpu.memory_space<vmem>>[vector<16xi32>, vector<16xi32>], vector<16xf32>,
        %add3A_354 = arith.constant 512 : i32
        %add3A_355 = arith.addi %add3A_354, %add3A_344 : i32
        %get3A_356 = arith.index_cast %add3A_355 : i32 to index
        %get3A_357 = arith.constant 0 : index
        %get3A_358 = tpu.vector_load %arg9[%get3A_356, %get3A_357] {strides = array<i32>} : memref<1024x16xf32, #tpu.memory_space<vmem>>, vector<16xf32>,
        %add3A_359 = arith.constant 16 : i32
        %add3A_360 = vector.broadcast %add3A_359 : i32 to vector<16xi32>
        %add3A_361 = arith.addi %iota3A_155, %add3A_360 : vector<16xi32>
        tpu.vector_store_idx %arg12[%add3A_361, %broadcast_in_dim3A_345], %get3A_358 : memref<32x513xf32, #tpu.memory_space<vmem>>[vector<16xi32>, vector<16xi32>], vector<16xf32>,
        %mul3A_362 = arith.constant 8 : i32
        %mul3A_363 = arith.muli %scan3A_258, %mul3A_362 : i32
        %add3A_364 = arith.constant 5 : i32
        %add3A_365 = arith.addi %mul3A_363, %add3A_364 : i32
        %broadcast_in_dim3A_366 = vector.broadcast %add3A_365 : i32 to vector<16xi32>
        %add3A_367 = arith.constant 0 : i32
        %add3A_368 = arith.addi %add3A_367, %add3A_365 : i32
        %get3A_369 = arith.index_cast %add3A_368 : i32 to index
        %get3A_370 = arith.constant 0 : index
        %get3A_371 = tpu.vector_load %arg9[%get3A_369, %get3A_370] {strides = array<i32>} : memref<1024x16xf32, #tpu.memory_space<vmem>>, vector<16xf32>,
        %add3A_372 = arith.constant 0 : i32
        %add3A_373 = vector.broadcast %add3A_372 : i32 to vector<16xi32>
        %add3A_374 = arith.addi %iota3A_155, %add3A_373 : vector<16xi32>
        tpu.vector_store_idx %arg12[%add3A_374, %broadcast_in_dim3A_366], %get3A_371 : memref<32x513xf32, #tpu.memory_space<vmem>>[vector<16xi32>, vector<16xi32>], vector<16xf32>,
        %add3A_375 = arith.constant 512 : i32
        %add3A_376 = arith.addi %add3A_375, %add3A_365 : i32
        %get3A_377 = arith.index_cast %add3A_376 : i32 to index
        %get3A_378 = arith.constant 0 : index
        %get3A_379 = tpu.vector_load %arg9[%get3A_377, %get3A_378] {strides = array<i32>} : memref<1024x16xf32, #tpu.memory_space<vmem>>, vector<16xf32>,
        %add3A_380 = arith.constant 16 : i32
        %add3A_381 = vector.broadcast %add3A_380 : i32 to vector<16xi32>
        %add3A_382 = arith.addi %iota3A_155, %add3A_381 : vector<16xi32>
        tpu.vector_store_idx %arg12[%add3A_382, %broadcast_in_dim3A_366], %get3A_379 : memref<32x513xf32, #tpu.memory_space<vmem>>[vector<16xi32>, vector<16xi32>], vector<16xf32>,
        %mul3A_383 = arith.constant 8 : i32
        %mul3A_384 = arith.muli %scan3A_258, %mul3A_383 : i32
        %add3A_385 = arith.constant 6 : i32
        %add3A_386 = arith.addi %mul3A_384, %add3A_385 : i32
        %broadcast_in_dim3A_387 = vector.broadcast %add3A_386 : i32 to vector<16xi32>
        %add3A_388 = arith.constant 0 : i32
        %add3A_389 = arith.addi %add3A_388, %add3A_386 : i32
        %get3A_390 = arith.index_cast %add3A_389 : i32 to index
        %get3A_391 = arith.constant 0 : index
        %get3A_392 = tpu.vector_load %arg9[%get3A_390, %get3A_391] {strides = array<i32>} : memref<1024x16xf32, #tpu.memory_space<vmem>>, vector<16xf32>,
        %add3A_393 = arith.constant 0 : i32
        %add3A_394 = vector.broadcast %add3A_393 : i32 to vector<16xi32>
        %add3A_395 = arith.addi %iota3A_155, %add3A_394 : vector<16xi32>
        tpu.vector_store_idx %arg12[%add3A_395, %broadcast_in_dim3A_387], %get3A_392 : memref<32x513xf32, #tpu.memory_space<vmem>>[vector<16xi32>, vector<16xi32>], vector<16xf32>,
        %add3A_396 = arith.constant 512 : i32
        %add3A_397 = arith.addi %add3A_396, %add3A_386 : i32
        %get3A_398 = arith.index_cast %add3A_397 : i32 to index
        %get3A_399 = arith.constant 0 : index
        %get3A_400 = tpu.vector_load %arg9[%get3A_398, %get3A_399] {strides = array<i32>} : memref<1024x16xf32, #tpu.memory_space<vmem>>, vector<16xf32>,
        %add3A_401 = arith.constant 16 : i32
        %add3A_402 = vector.broadcast %add3A_401 : i32 to vector<16xi32>
        %add3A_403 = arith.addi %iota3A_155, %add3A_402 : vector<16xi32>
        tpu.vector_store_idx %arg12[%add3A_403, %broadcast_in_dim3A_387], %get3A_400 : memref<32x513xf32, #tpu.memory_space<vmem>>[vector<16xi32>, vector<16xi32>], vector<16xf32>,
        %mul3A_404 = arith.constant 8 : i32
        %mul3A_405 = arith.muli %scan3A_258, %mul3A_404 : i32
        %add3A_406 = arith.constant 7 : i32
        %add3A_407 = arith.addi %mul3A_405, %add3A_406 : i32
        %broadcast_in_dim3A_408 = vector.broadcast %add3A_407 : i32 to vector<16xi32>
        %add3A_409 = arith.constant 0 : i32
        %add3A_410 = arith.addi %add3A_409, %add3A_407 : i32
        %get3A_411 = arith.index_cast %add3A_410 : i32 to index
        %get3A_412 = arith.constant 0 : index
        %get3A_413 = tpu.vector_load %arg9[%get3A_411, %get3A_412] {strides = array<i32>} : memref<1024x16xf32, #tpu.memory_space<vmem>>, vector<16xf32>,
        %add3A_414 = arith.constant 0 : i32
        %add3A_415 = vector.broadcast %add3A_414 : i32 to vector<16xi32>
        %add3A_416 = arith.addi %iota3A_155, %add3A_415 : vector<16xi32>
        tpu.vector_store_idx %arg12[%add3A_416, %broadcast_in_dim3A_408], %get3A_413 : memref<32x513xf32, #tpu.memory_space<vmem>>[vector<16xi32>, vector<16xi32>], vector<16xf32>,
        %add3A_417 = arith.constant 512 : i32
        %add3A_418 = arith.addi %add3A_417, %add3A_407 : i32
        %get3A_419 = arith.index_cast %add3A_418 : i32 to index
        %get3A_420 = arith.constant 0 : index
        %get3A_421 = tpu.vector_load %arg9[%get3A_419, %get3A_420] {strides = array<i32>} : memref<1024x16xf32, #tpu.memory_space<vmem>>, vector<16xf32>,
        %add3A_422 = arith.constant 16 : i32
        %add3A_423 = vector.broadcast %add3A_422 : i32 to vector<16xi32>
        %add3A_424 = arith.addi %iota3A_155, %add3A_423 : vector<16xi32>
        tpu.vector_store_idx %arg12[%add3A_424, %broadcast_in_dim3A_408], %get3A_421 : memref<32x513xf32, #tpu.memory_space<vmem>>[vector<16xi32>, vector<16xi32>], vector<16xf32>,
        %scan3A_425 = arith.constant 1 : i32
        %scan3A_426 = arith.addi %scan3A_258, %scan3A_425 : i32
        %mul3A_427 = arith.constant 8 : i32
        %mul3A_428 = arith.muli %scan3A_426, %mul3A_427 : i32
        %add3A_429 = arith.constant 0 : i32
        %add3A_430 = arith.addi %mul3A_428, %add3A_429 : i32
        %broadcast_in_dim3A_431 = vector.broadcast %add3A_430 : i32 to vector<16xi32>
        %add3A_432 = arith.constant 0 : i32
        %add3A_433 = arith.addi %add3A_432, %add3A_430 : i32
        %get3A_434 = arith.index_cast %add3A_433 : i32 to index
        %get3A_435 = arith.constant 0 : index
        %get3A_436 = tpu.vector_load %arg9[%get3A_434, %get3A_435] {strides = array<i32>} : memref<1024x16xf32, #tpu.memory_space<vmem>>, vector<16xf32>,
        %add3A_437 = arith.constant 0 : i32
        %add3A_438 = vector.broadcast %add3A_437 : i32 to vector<16xi32>
        %add3A_439 = arith.addi %iota3A_155, %add3A_438 : vector<16xi32>
        tpu.vector_store_idx %arg12[%add3A_439, %broadcast_in_dim3A_431], %get3A_436 : memref<32x513xf32, #tpu.memory_space<vmem>>[vector<16xi32>, vector<16xi32>], vector<16xf32>,
        %add3A_440 = arith.constant 512 : i32
        %add3A_441 = arith.addi %add3A_440, %add3A_430 : i32
        %get3A_442 = arith.index_cast %add3A_441 : i32 to index
        %get3A_443 = arith.constant 0 : index
        %get3A_444 = tpu.vector_load %arg9[%get3A_442, %get3A_443] {strides = array<i32>} : memref<1024x16xf32, #tpu.memory_space<vmem>>, vector<16xf32>,
        %add3A_445 = arith.constant 16 : i32
        %add3A_446 = vector.broadcast %add3A_445 : i32 to vector<16xi32>
        %add3A_447 = arith.addi %iota3A_155, %add3A_446 : vector<16xi32>
        tpu.vector_store_idx %arg12[%add3A_447, %broadcast_in_dim3A_431], %get3A_444 : memref<32x513xf32, #tpu.memory_space<vmem>>[vector<16xi32>, vector<16xi32>], vector<16xf32>,
        %mul3A_448 = arith.constant 8 : i32
        %mul3A_449 = arith.muli %scan3A_426, %mul3A_448 : i32
        %add3A_450 = arith.constant 1 : i32
        %add3A_451 = arith.addi %mul3A_449, %add3A_450 : i32
        %broadcast_in_dim3A_452 = vector.broadcast %add3A_451 : i32 to vector<16xi32>
        %add3A_453 = arith.constant 0 : i32
        %add3A_454 = arith.addi %add3A_453, %add3A_451 : i32
        %get3A_455 = arith.index_cast %add3A_454 : i32 to index
        %get3A_456 = arith.constant 0 : index
        %get3A_457 = tpu.vector_load %arg9[%get3A_455, %get3A_456] {strides = array<i32>} : memref<1024x16xf32, #tpu.memory_space<vmem>>, vector<16xf32>,
        %add3A_458 = arith.constant 0 : i32
        %add3A_459 = vector.broadcast %add3A_458 : i32 to vector<16xi32>
        %add3A_460 = arith.addi %iota3A_155, %add3A_459 : vector<16xi32>
        tpu.vector_store_idx %arg12[%add3A_460, %broadcast_in_dim3A_452], %get3A_457 : memref<32x513xf32, #tpu.memory_space<vmem>>[vector<16xi32>, vector<16xi32>], vector<16xf32>,
        %add3A_461 = arith.constant 512 : i32
        %add3A_462 = arith.addi %add3A_461, %add3A_451 : i32
        %get3A_463 = arith.index_cast %add3A_462 : i32 to index
        %get3A_464 = arith.constant 0 : index
        %get3A_465 = tpu.vector_load %arg9[%get3A_463, %get3A_464] {strides = array<i32>} : memref<1024x16xf32, #tpu.memory_space<vmem>>, vector<16xf32>,
        %add3A_466 = arith.constant 16 : i32
        %add3A_467 = vector.broadcast %add3A_466 : i32 to vector<16xi32>
        %add3A_468 = arith.addi %iota3A_155, %add3A_467 : vector<16xi32>
        tpu.vector_store_idx %arg12[%add3A_468, %broadcast_in_dim3A_452], %get3A_465 : memref<32x513xf32, #tpu.memory_space<vmem>>[vector<16xi32>, vector<16xi32>], vector<16xf32>,
        %mul3A_469 = arith.constant 8 : i32
        %mul3A_470 = arith.muli %scan3A_426, %mul3A_469 : i32
        %add3A_471 = arith.constant 2 : i32
        %add3A_472 = arith.addi %mul3A_470, %add3A_471 : i32
        %broadcast_in_dim3A_473 = vector.broadcast %add3A_472 : i32 to vector<16xi32>
        %add3A_474 = arith.constant 0 : i32
        %add3A_475 = arith.addi %add3A_474, %add3A_472 : i32
        %get3A_476 = arith.index_cast %add3A_475 : i32 to index
        %get3A_477 = arith.constant 0 : index
        %get3A_478 = tpu.vector_load %arg9[%get3A_476, %get3A_477] {strides = array<i32>} : memref<1024x16xf32, #tpu.memory_space<vmem>>, vector<16xf32>,
        %add3A_479 = arith.constant 0 : i32
        %add3A_480 = vector.broadcast %add3A_479 : i32 to vector<16xi32>
        %add3A_481 = arith.addi %iota3A_155, %add3A_480 : vector<16xi32>
        tpu.vector_store_idx %arg12[%add3A_481, %broadcast_in_dim3A_473], %get3A_478 : memref<32x513xf32, #tpu.memory_space<vmem>>[vector<16xi32>, vector<16xi32>], vector<16xf32>,
        %add3A_482 = arith.constant 512 : i32
        %add3A_483 = arith.addi %add3A_482, %add3A_472 : i32
        %get3A_484 = arith.index_cast %add3A_483 : i32 to index
        %get3A_485 = arith.constant 0 : index
        %get3A_486 = tpu.vector_load %arg9[%get3A_484, %get3A_485] {strides = array<i32>} : memref<1024x16xf32, #tpu.memory_space<vmem>>, vector<16xf32>,
        %add3A_487 = arith.constant 16 : i32
        %add3A_488 = vector.broadcast %add3A_487 : i32 to vector<16xi32>
        %add3A_489 = arith.addi %iota3A_155, %add3A_488 : vector<16xi32>
        tpu.vector_store_idx %arg12[%add3A_489, %broadcast_in_dim3A_473], %get3A_486 : memref<32x513xf32, #tpu.memory_space<vmem>>[vector<16xi32>, vector<16xi32>], vector<16xf32>,
        %mul3A_490 = arith.constant 8 : i32
        %mul3A_491 = arith.muli %scan3A_426, %mul3A_490 : i32
        %add3A_492 = arith.constant 3 : i32
        %add3A_493 = arith.addi %mul3A_491, %add3A_492 : i32
        %broadcast_in_dim3A_494 = vector.broadcast %add3A_493 : i32 to vector<16xi32>
        %add3A_495 = arith.constant 0 : i32
        %add3A_496 = arith.addi %add3A_495, %add3A_493 : i32
        %get3A_497 = arith.index_cast %add3A_496 : i32 to index
        %get3A_498 = arith.constant 0 : index
        %get3A_499 = tpu.vector_load %arg9[%get3A_497, %get3A_498] {strides = array<i32>} : memref<1024x16xf32, #tpu.memory_space<vmem>>, vector<16xf32>,
        %add3A_500 = arith.constant 0 : i32
        %add3A_501 = vector.broadcast %add3A_500 : i32 to vector<16xi32>
        %add3A_502 = arith.addi %iota3A_155, %add3A_501 : vector<16xi32>
        tpu.vector_store_idx %arg12[%add3A_502, %broadcast_in_dim3A_494], %get3A_499 : memref<32x513xf32, #tpu.memory_space<vmem>>[vector<16xi32>, vector<16xi32>], vector<16xf32>,
        %add3A_503 = arith.constant 512 : i32
        %add3A_504 = arith.addi %add3A_503, %add3A_493 : i32
        %get3A_505 = arith.index_cast %add3A_504 : i32 to index
        %get3A_506 = arith.constant 0 : index
        %get3A_507 = tpu.vector_load %arg9[%get3A_505, %get3A_506] {strides = array<i32>} : memref<1024x16xf32, #tpu.memory_space<vmem>>, vector<16xf32>,
        %add3A_508 = arith.constant 16 : i32
        %add3A_509 = vector.broadcast %add3A_508 : i32 to vector<16xi32>
        %add3A_510 = arith.addi %iota3A_155, %add3A_509 : vector<16xi32>
        tpu.vector_store_idx %arg12[%add3A_510, %broadcast_in_dim3A_494], %get3A_507 : memref<32x513xf32, #tpu.memory_space<vmem>>[vector<16xi32>, vector<16xi32>], vector<16xf32>,
        %mul3A_511 = arith.constant 8 : i32
        %mul3A_512 = arith.muli %scan3A_426, %mul3A_511 : i32
        %add3A_513 = arith.constant 4 : i32
        %add3A_514 = arith.addi %mul3A_512, %add3A_513 : i32
        %broadcast_in_dim3A_515 = vector.broadcast %add3A_514 : i32 to vector<16xi32>
        %add3A_516 = arith.constant 0 : i32
        %add3A_517 = arith.addi %add3A_516, %add3A_514 : i32
        %get3A_518 = arith.index_cast %add3A_517 : i32 to index
        %get3A_519 = arith.constant 0 : index
        %get3A_520 = tpu.vector_load %arg9[%get3A_518, %get3A_519] {strides = array<i32>} : memref<1024x16xf32, #tpu.memory_space<vmem>>, vector<16xf32>,
        %add3A_521 = arith.constant 0 : i32
        %add3A_522 = vector.broadcast %add3A_521 : i32 to vector<16xi32>
        %add3A_523 = arith.addi %iota3A_155, %add3A_522 : vector<16xi32>
        tpu.vector_store_idx %arg12[%add3A_523, %broadcast_in_dim3A_515], %get3A_520 : memref<32x513xf32, #tpu.memory_space<vmem>>[vector<16xi32>, vector<16xi32>], vector<16xf32>,
        %add3A_524 = arith.constant 512 : i32
        %add3A_525 = arith.addi %add3A_524, %add3A_514 : i32
        %get3A_526 = arith.index_cast %add3A_525 : i32 to index
        %get3A_527 = arith.constant 0 : index
        %get3A_528 = tpu.vector_load %arg9[%get3A_526, %get3A_527] {strides = array<i32>} : memref<1024x16xf32, #tpu.memory_space<vmem>>, vector<16xf32>,
        %add3A_529 = arith.constant 16 : i32
        %add3A_530 = vector.broadcast %add3A_529 : i32 to vector<16xi32>
        %add3A_531 = arith.addi %iota3A_155, %add3A_530 : vector<16xi32>
        tpu.vector_store_idx %arg12[%add3A_531, %broadcast_in_dim3A_515], %get3A_528 : memref<32x513xf32, #tpu.memory_space<vmem>>[vector<16xi32>, vector<16xi32>], vector<16xf32>,
        %mul3A_532 = arith.constant 8 : i32
        %mul3A_533 = arith.muli %scan3A_426, %mul3A_532 : i32
        %add3A_534 = arith.constant 5 : i32
        %add3A_535 = arith.addi %mul3A_533, %add3A_534 : i32
        %broadcast_in_dim3A_536 = vector.broadcast %add3A_535 : i32 to vector<16xi32>
        %add3A_537 = arith.constant 0 : i32
        %add3A_538 = arith.addi %add3A_537, %add3A_535 : i32
        %get3A_539 = arith.index_cast %add3A_538 : i32 to index
        %get3A_540 = arith.constant 0 : index
        %get3A_541 = tpu.vector_load %arg9[%get3A_539, %get3A_540] {strides = array<i32>} : memref<1024x16xf32, #tpu.memory_space<vmem>>, vector<16xf32>,
        %add3A_542 = arith.constant 0 : i32
        %add3A_543 = vector.broadcast %add3A_542 : i32 to vector<16xi32>
        %add3A_544 = arith.addi %iota3A_155, %add3A_543 : vector<16xi32>
        tpu.vector_store_idx %arg12[%add3A_544, %broadcast_in_dim3A_536], %get3A_541 : memref<32x513xf32, #tpu.memory_space<vmem>>[vector<16xi32>, vector<16xi32>], vector<16xf32>,
        %add3A_545 = arith.constant 512 : i32
        %add3A_546 = arith.addi %add3A_545, %add3A_535 : i32
        %get3A_547 = arith.index_cast %add3A_546 : i32 to index
        %get3A_548 = arith.constant 0 : index
        %get3A_549 = tpu.vector_load %arg9[%get3A_547, %get3A_548] {strides = array<i32>} : memref<1024x16xf32, #tpu.memory_space<vmem>>, vector<16xf32>,
        %add3A_550 = arith.constant 16 : i32
        %add3A_551 = vector.broadcast %add3A_550 : i32 to vector<16xi32>
        %add3A_552 = arith.addi %iota3A_155, %add3A_551 : vector<16xi32>
        tpu.vector_store_idx %arg12[%add3A_552, %broadcast_in_dim3A_536], %get3A_549 : memref<32x513xf32, #tpu.memory_space<vmem>>[vector<16xi32>, vector<16xi32>], vector<16xf32>,
        %mul3A_553 = arith.constant 8 : i32
        %mul3A_554 = arith.muli %scan3A_426, %mul3A_553 : i32
        %add3A_555 = arith.constant 6 : i32
        %add3A_556 = arith.addi %mul3A_554, %add3A_555 : i32
        %broadcast_in_dim3A_557 = vector.broadcast %add3A_556 : i32 to vector<16xi32>
        %add3A_558 = arith.constant 0 : i32
        %add3A_559 = arith.addi %add3A_558, %add3A_556 : i32
        %get3A_560 = arith.index_cast %add3A_559 : i32 to index
        %get3A_561 = arith.constant 0 : index
        %get3A_562 = tpu.vector_load %arg9[%get3A_560, %get3A_561] {strides = array<i32>} : memref<1024x16xf32, #tpu.memory_space<vmem>>, vector<16xf32>,
        %add3A_563 = arith.constant 0 : i32
        %add3A_564 = vector.broadcast %add3A_563 : i32 to vector<16xi32>
        %add3A_565 = arith.addi %iota3A_155, %add3A_564 : vector<16xi32>
        tpu.vector_store_idx %arg12[%add3A_565, %broadcast_in_dim3A_557], %get3A_562 : memref<32x513xf32, #tpu.memory_space<vmem>>[vector<16xi32>, vector<16xi32>], vector<16xf32>,
        %add3A_566 = arith.constant 512 : i32
        %add3A_567 = arith.addi %add3A_566, %add3A_556 : i32
        %get3A_568 = arith.index_cast %add3A_567 : i32 to index
        %get3A_569 = arith.constant 0 : index
        %get3A_570 = tpu.vector_load %arg9[%get3A_568, %get3A_569] {strides = array<i32>} : memref<1024x16xf32, #tpu.memory_space<vmem>>, vector<16xf32>,
        %add3A_571 = arith.constant 16 : i32
        %add3A_572 = vector.broadcast %add3A_571 : i32 to vector<16xi32>
        %add3A_573 = arith.addi %iota3A_155, %add3A_572 : vector<16xi32>
        tpu.vector_store_idx %arg12[%add3A_573, %broadcast_in_dim3A_557], %get3A_570 : memref<32x513xf32, #tpu.memory_space<vmem>>[vector<16xi32>, vector<16xi32>], vector<16xf32>,
        %mul3A_574 = arith.constant 8 : i32
        %mul3A_575 = arith.muli %scan3A_426, %mul3A_574 : i32
        %add3A_576 = arith.constant 7 : i32
        %add3A_577 = arith.addi %mul3A_575, %add3A_576 : i32
        %broadcast_in_dim3A_578 = vector.broadcast %add3A_577 : i32 to vector<16xi32>
        %add3A_579 = arith.constant 0 : i32
        %add3A_580 = arith.addi %add3A_579, %add3A_577 : i32
        %get3A_581 = arith.index_cast %add3A_580 : i32 to index
        %get3A_582 = arith.constant 0 : index
        %get3A_583 = tpu.vector_load %arg9[%get3A_581, %get3A_582] {strides = array<i32>} : memref<1024x16xf32, #tpu.memory_space<vmem>>, vector<16xf32>,
        %add3A_584 = arith.constant 0 : i32
        %add3A_585 = vector.broadcast %add3A_584 : i32 to vector<16xi32>
        %add3A_586 = arith.addi %iota3A_155, %add3A_585 : vector<16xi32>
        tpu.vector_store_idx %arg12[%add3A_586, %broadcast_in_dim3A_578], %get3A_583 : memref<32x513xf32, #tpu.memory_space<vmem>>[vector<16xi32>, vector<16xi32>], vector<16xf32>,
        %add3A_587 = arith.constant 512 : i32
        %add3A_588 = arith.addi %add3A_587, %add3A_577 : i32
        %get3A_589 = arith.index_cast %add3A_588 : i32 to index
        %get3A_590 = arith.constant 0 : index
        %get3A_591 = tpu.vector_load %arg9[%get3A_589, %get3A_590] {strides = array<i32>} : memref<1024x16xf32, #tpu.memory_space<vmem>>, vector<16xf32>,
        %add3A_592 = arith.constant 16 : i32
        %add3A_593 = vector.broadcast %add3A_592 : i32 to vector<16xi32>
        %add3A_594 = arith.addi %iota3A_155, %add3A_593 : vector<16xi32>
        tpu.vector_store_idx %arg12[%add3A_594, %broadcast_in_dim3A_578], %get3A_591 : memref<32x513xf32, #tpu.memory_space<vmem>>[vector<16xi32>, vector<16xi32>], vector<16xf32>,
      }
      %scan3A_161 = arith.constant 64 : i32
      %dma_start3A_162 = arith.constant 0 : i32
      %dma_start3A_163 = arith.constant 0 : i32
      %dma_start3A_164 = tpu.memref_slice %arg12[%dma_start3A_162, %dma_start3A_163] : memref<32x513xf32, #tpu.memory_space<vmem>> -> memref<32x512xf32, #tpu.memory_space<vmem>>
      %dma_start3A_165 = arith.constant 0 : i32
      %dma_start3A_166 = tpu.memref_slice %arg4[%add3A_138, %dma_start3A_165, %mul3A_2] : memref<50x32x16384xf32, #tpu.memory_space<hbm>> -> memref<1x32x512xf32, #tpu.memory_space<hbm>>
      %dma_start3A_167 = tpu.memref_squeeze %dma_start3A_166 : memref<1x32x512xf32, #tpu.memory_space<hbm>> -> memref<32x512xf32, #tpu.memory_space<hbm>>
      %dma_start3A_168 = arith.constant 0 : i32
      %dma_start3A_169 = tpu.memref_slice %arg4[%add3A_138, %dma_start3A_168, %mul3A_2] : memref<50x32x16384xf32, #tpu.memory_space<hbm>> -> memref<1x32x512xf32, #tpu.memory_space<hbm>>
      %dma_start3A_170 = tpu.memref_squeeze %dma_start3A_169 : memref<1x32x512xf32, #tpu.memory_space<hbm>> -> memref<32x512xf32, #tpu.memory_space<hbm>>
      %dma_start3A_171 = arith.constant 0 : i32
      %dma_start3A_172 = arith.constant 0 : i32
      %dma_start3A_173 = tpu.memref_slice %arg12[%dma_start3A_171, %dma_start3A_172] : memref<32x513xf32, #tpu.memory_space<vmem>> -> memref<32x512xf32, #tpu.memory_space<vmem>>
      tpu.enqueue_dma source(%dma_start3A_173 : memref<32x512xf32, #tpu.memory_space<vmem>>) target(%dma_start3A_170 : memref<32x512xf32, #tpu.memory_space<hbm>>) target_semaphore(%arg18 : memref<!tpu.dma_semaphore, #tpu.memory_space<semaphore_mem>>)
      %mul3A_174 = arith.constant 3 : i32
      %mul3A_175 = arith.muli %mul3A_174, %scan3A_134 : i32
      %add3A_176 = arith.constant 1 : i32
      %add3A_177 = arith.addi %mul3A_175, %add3A_176 : i32
      %add3A_178 = arith.constant 2 : i32
      %add3A_179 = arith.addi %add3A_177, %add3A_178 : i32
      %scan3A_180 = arith.constant 0 : i32
      %scan3A_181 = arith.constant 0 : i32
      %scan3A_182 = arith.constant 32 : i32
      %scan3A_183 = arith.addi %scan3A_181, %scan3A_182 : i32
      %scan3A_184 = arith.constant 4 : i32
      scf.for %scan3A_258 = %scan3A_181 to %scan3A_183 step %scan3A_184  : i32 {
        %mul3A_259 = arith.constant 16 : i32
        %mul3A_260 = arith.muli %scan3A_258, %mul3A_259 : i32
        %get3A = arith.index_cast %add3A_179 : i32 to index
        %get3A_261 = arith.index_cast %mul3A_260 : i32 to index
        %get3A_262 = tpu.vector_load %arg5[%get3A, %get3A_261] {strides = array<i32>} : memref<50x512xi32, #tpu.memory_space<vmem>>, vector<16xi32>,
        %mul3A_263 = arith.constant 2 : i32
        %mul3A_264 = vector.broadcast %mul3A_263 : i32 to vector<16xi32>
        %mul3A_265 = arith.muli %get3A_262, %mul3A_264 : vector<16xi32>
        %add3A_266 = arith.constant 0 : i32
        %add3A_267 = vector.broadcast %add3A_266 : i32 to vector<16xi32>
        %add3A_268 = arith.addi %mul3A_265, %add3A_267 : vector<16xi32>
        %mul3A_269 = arith.constant 16 : i32
        %mul3A_270 = arith.muli %scan3A_258, %mul3A_269 : i32
        %add3A_271 = arith.constant 0 : i32
        %add3A_272 = arith.addi %add3A_271, %mul3A_270 : i32
        %swap3A = arith.index_cast %add3A_272 : i32 to index
        %swap3A_273 = tpu.vector_load %arg6[%swap3A] {strides = array<i32>} : memref<1024xi32, #tpu.memory_space<vmem>>, vector<16xi32>,
        tpu.vector_store %arg6[%swap3A], %add3A_268 {strides = array<i32>} : memref<1024xi32, #tpu.memory_space<vmem>>, vector<16xi32>,
        %add3A_274 = arith.constant 1 : i32
        %add3A_275 = vector.broadcast %add3A_274 : i32 to vector<16xi32>
        %add3A_276 = arith.addi %mul3A_265, %add3A_275 : vector<16xi32>
        %mul3A_277 = arith.constant 16 : i32
        %mul3A_278 = arith.muli %scan3A_258, %mul3A_277 : i32
        %add3A_279 = arith.constant 512 : i32
        %add3A_280 = arith.addi %add3A_279, %mul3A_278 : i32
        %swap3A_281 = arith.index_cast %add3A_280 : i32 to index
        %swap3A_282 = tpu.vector_load %arg6[%swap3A_281] {strides = array<i32>} : memref<1024xi32, #tpu.memory_space<vmem>>, vector<16xi32>,
        tpu.vector_store %arg6[%swap3A_281], %add3A_276 {strides = array<i32>} : memref<1024xi32, #tpu.memory_space<vmem>>, vector<16xi32>,
        %scan3A_283 = arith.constant 1 : i32
        %scan3A_284 = arith.addi %scan3A_258, %scan3A_283 : i32
        %mul3A_285 = arith.constant 16 : i32
        %mul3A_286 = arith.muli %scan3A_284, %mul3A_285 : i32
        %get3A_287 = arith.index_cast %add3A_179 : i32 to index
        %get3A_288 = arith.index_cast %mul3A_286 : i32 to index
        %get3A_289 = tpu.vector_load %arg5[%get3A_287, %get3A_288] {strides = array<i32>} : memref<50x512xi32, #tpu.memory_space<vmem>>, vector<16xi32>,
        %mul3A_290 = arith.constant 2 : i32
        %mul3A_291 = vector.broadcast %mul3A_290 : i32 to vector<16xi32>
        %mul3A_292 = arith.muli %get3A_289, %mul3A_291 : vector<16xi32>
        %add3A_293 = arith.constant 0 : i32
        %add3A_294 = vector.broadcast %add3A_293 : i32 to vector<16xi32>
        %add3A_295 = arith.addi %mul3A_292, %add3A_294 : vector<16xi32>
        %mul3A_296 = arith.constant 16 : i32
        %mul3A_297 = arith.muli %scan3A_284, %mul3A_296 : i32
        %add3A_298 = arith.constant 0 : i32
        %add3A_299 = arith.addi %add3A_298, %mul3A_297 : i32
        %swap3A_300 = arith.index_cast %add3A_299 : i32 to index
        %swap3A_301 = tpu.vector_load %arg6[%swap3A_300] {strides = array<i32>} : memref<1024xi32, #tpu.memory_space<vmem>>, vector<16xi32>,
        tpu.vector_store %arg6[%swap3A_300], %add3A_295 {strides = array<i32>} : memref<1024xi32, #tpu.memory_space<vmem>>, vector<16xi32>,
        %add3A_302 = arith.constant 1 : i32
        %add3A_303 = vector.broadcast %add3A_302 : i32 to vector<16xi32>
        %add3A_304 = arith.addi %mul3A_292, %add3A_303 : vector<16xi32>
        %mul3A_305 = arith.constant 16 : i32
        %mul3A_306 = arith.muli %scan3A_284, %mul3A_305 : i32
        %add3A_307 = arith.constant 512 : i32
        %add3A_308 = arith.addi %add3A_307, %mul3A_306 : i32
        %swap3A_309 = arith.index_cast %add3A_308 : i32 to index
        %swap3A_310 = tpu.vector_load %arg6[%swap3A_309] {strides = array<i32>} : memref<1024xi32, #tpu.memory_space<vmem>>, vector<16xi32>,
        tpu.vector_store %arg6[%swap3A_309], %add3A_304 {strides = array<i32>} : memref<1024xi32, #tpu.memory_space<vmem>>, vector<16xi32>,
        %scan3A_311 = arith.constant 2 : i32
        %scan3A_312 = arith.addi %scan3A_258, %scan3A_311 : i32
        %mul3A_313 = arith.constant 16 : i32
        %mul3A_314 = arith.muli %scan3A_312, %mul3A_313 : i32
        %get3A_315 = arith.index_cast %add3A_179 : i32 to index
        %get3A_316 = arith.index_cast %mul3A_314 : i32 to index
        %get3A_317 = tpu.vector_load %arg5[%get3A_315, %get3A_316] {strides = array<i32>} : memref<50x512xi32, #tpu.memory_space<vmem>>, vector<16xi32>,
        %mul3A_318 = arith.constant 2 : i32
        %mul3A_319 = vector.broadcast %mul3A_318 : i32 to vector<16xi32>
        %mul3A_320 = arith.muli %get3A_317, %mul3A_319 : vector<16xi32>
        %add3A_321 = arith.constant 0 : i32
        %add3A_322 = vector.broadcast %add3A_321 : i32 to vector<16xi32>
        %add3A_323 = arith.addi %mul3A_320, %add3A_322 : vector<16xi32>
        %mul3A_324 = arith.constant 16 : i32
        %mul3A_325 = arith.muli %scan3A_312, %mul3A_324 : i32
        %add3A_326 = arith.constant 0 : i32
        %add3A_327 = arith.addi %add3A_326, %mul3A_325 : i32
        %swap3A_328 = arith.index_cast %add3A_327 : i32 to index
        %swap3A_329 = tpu.vector_load %arg6[%swap3A_328] {strides = array<i32>} : memref<1024xi32, #tpu.memory_space<vmem>>, vector<16xi32>,
        tpu.vector_store %arg6[%swap3A_328], %add3A_323 {strides = array<i32>} : memref<1024xi32, #tpu.memory_space<vmem>>, vector<16xi32>,
        %add3A_330 = arith.constant 1 : i32
        %add3A_331 = vector.broadcast %add3A_330 : i32 to vector<16xi32>
        %add3A_332 = arith.addi %mul3A_320, %add3A_331 : vector<16xi32>
        %mul3A_333 = arith.constant 16 : i32
        %mul3A_334 = arith.muli %scan3A_312, %mul3A_333 : i32
        %add3A_335 = arith.constant 512 : i32
        %add3A_336 = arith.addi %add3A_335, %mul3A_334 : i32
        %swap3A_337 = arith.index_cast %add3A_336 : i32 to index
        %swap3A_338 = tpu.vector_load %arg6[%swap3A_337] {strides = array<i32>} : memref<1024xi32, #tpu.memory_space<vmem>>, vector<16xi32>,
        tpu.vector_store %arg6[%swap3A_337], %add3A_332 {strides = array<i32>} : memref<1024xi32, #tpu.memory_space<vmem>>, vector<16xi32>,
        %scan3A_339 = arith.constant 3 : i32
        %scan3A_340 = arith.addi %scan3A_258, %scan3A_339 : i32
        %mul3A_341 = arith.constant 16 : i32
        %mul3A_342 = arith.muli %scan3A_340, %mul3A_341 : i32
        %get3A_343 = arith.index_cast %add3A_179 : i32 to index
        %get3A_344 = arith.index_cast %mul3A_342 : i32 to index
        %get3A_345 = tpu.vector_load %arg5[%get3A_343, %get3A_344] {strides = array<i32>} : memref<50x512xi32, #tpu.memory_space<vmem>>, vector<16xi32>,
        %mul3A_346 = arith.constant 2 : i32
        %mul3A_347 = vector.broadcast %mul3A_346 : i32 to vector<16xi32>
        %mul3A_348 = arith.muli %get3A_345, %mul3A_347 : vector<16xi32>
        %add3A_349 = arith.constant 0 : i32
        %add3A_350 = vector.broadcast %add3A_349 : i32 to vector<16xi32>
        %add3A_351 = arith.addi %mul3A_348, %add3A_350 : vector<16xi32>
        %mul3A_352 = arith.constant 16 : i32
        %mul3A_353 = arith.muli %scan3A_340, %mul3A_352 : i32
        %add3A_354 = arith.constant 0 : i32
        %add3A_355 = arith.addi %add3A_354, %mul3A_353 : i32
        %swap3A_356 = arith.index_cast %add3A_355 : i32 to index
        %swap3A_357 = tpu.vector_load %arg6[%swap3A_356] {strides = array<i32>} : memref<1024xi32, #tpu.memory_space<vmem>>, vector<16xi32>,
        tpu.vector_store %arg6[%swap3A_356], %add3A_351 {strides = array<i32>} : memref<1024xi32, #tpu.memory_space<vmem>>, vector<16xi32>,
        %add3A_358 = arith.constant 1 : i32
        %add3A_359 = vector.broadcast %add3A_358 : i32 to vector<16xi32>
        %add3A_360 = arith.addi %mul3A_348, %add3A_359 : vector<16xi32>
        %mul3A_361 = arith.constant 16 : i32
        %mul3A_362 = arith.muli %scan3A_340, %mul3A_361 : i32
        %add3A_363 = arith.constant 512 : i32
        %add3A_364 = arith.addi %add3A_363, %mul3A_362 : i32
        %swap3A_365 = arith.index_cast %add3A_364 : i32 to index
        %swap3A_366 = tpu.vector_load %arg6[%swap3A_365] {strides = array<i32>} : memref<1024xi32, #tpu.memory_space<vmem>>, vector<16xi32>,
        tpu.vector_store %arg6[%swap3A_365], %add3A_360 {strides = array<i32>} : memref<1024xi32, #tpu.memory_space<vmem>>, vector<16xi32>,
      }
      %scan3A_185 = arith.constant 32 : i32
      %dma_start3A_186 = arith.constant 0 : i32
      %dma_start3A_187 = arith.constant 0 : i32
      %dma_start3A_188 = tpu.memref_slice %arg2[%dma_start3A_186, %dma_start3A_187] : memref<2000000x16xf32, #tpu.memory_space<hbm>> -> memref<2000000x16xf32, #tpu.memory_space<hbm>>
      tpu.enqueue_indirect_dma source(%dma_start3A_188 : memref<2000000x16xf32, #tpu.memory_space<hbm>>) target(%arg9 : memref<1024x16xf32, #tpu.memory_space<vmem>>) offsets(%arg6 : memref<1024xi32, #tpu.memory_space<vmem>>) semaphore(%arg15 : memref<!tpu.dma_semaphore, #tpu.memory_space<semaphore_mem>>)
      %dma_wait3A_189 = arith.constant 0 : i32
      %dma_wait3A_190 = arith.constant 0 : i32
      %dma_wait3A_191 = tpu.memref_slice %arg2[%dma_wait3A_189, %dma_wait3A_190] : memref<2000000x16xf32, #tpu.memory_space<hbm>> -> memref<2000000x16xf32, #tpu.memory_space<hbm>>
      tpu.wait_indirect_dma semaphore(%arg16 : memref<!tpu.dma_semaphore, #tpu.memory_space<semaphore_mem>>) src(%dma_wait3A_191 : memref<2000000x16xf32, #tpu.memory_space<hbm>>) dst(%arg10 : memref<1024x16xf32, #tpu.memory_space<vmem>>)
      %ge3A_192 = arith.constant 1 : i32
      %ge3A_193 = arith.cmpi sge, %scan3A_134, %ge3A_192 : i32
      %convert_element_type3A_194 = arith.extui %ge3A_193 : i1 to i32
      %cond3A_195 = arith.constant 0 : i32
      %cond3A_196 = arith.cmpi ne, %convert_element_type3A_194, %cond3A_195 : i32
      scf.if %cond3A_196 {
        %dma_wait3A_258 = arith.constant 0 : i32
        %dma_wait3A_259 = arith.constant 0 : i32
        %dma_wait3A_260 = tpu.memref_slice %arg13[%dma_wait3A_258, %dma_wait3A_259] : memref<32x513xf32, #tpu.memory_space<vmem>> -> memref<32x512xf32, #tpu.memory_space<vmem>>
        %dma_wait3A_261 = arith.constant 0 : i32
        %dma_wait3A_262 = tpu.memref_slice %arg4[%add3A_177, %dma_wait3A_261, %mul3A_2] : memref<50x32x16384xf32, #tpu.memory_space<hbm>> -> memref<1x32x512xf32, #tpu.memory_space<hbm>>
        %dma_wait3A_263 = tpu.memref_squeeze %dma_wait3A_262 : memref<1x32x512xf32, #tpu.memory_space<hbm>> -> memref<32x512xf32, #tpu.memory_space<hbm>>
        %dma_wait3A_264 = arith.constant 0 : i32
        %dma_wait3A_265 = tpu.memref_slice %arg4[%add3A_177, %dma_wait3A_264, %mul3A_2] : memref<50x32x16384xf32, #tpu.memory_space<hbm>> -> memref<1x32x512xf32, #tpu.memory_space<hbm>>
        %dma_wait3A_266 = tpu.memref_squeeze %dma_wait3A_265 : memref<1x32x512xf32, #tpu.memory_space<hbm>> -> memref<32x512xf32, #tpu.memory_space<hbm>>
        %dma_wait3A_267 = arith.constant 0 : i32
        %dma_wait3A_268 = arith.constant 0 : i32
        %dma_wait3A_269 = tpu.memref_slice %arg13[%dma_wait3A_267, %dma_wait3A_268] : memref<32x513xf32, #tpu.memory_space<vmem>> -> memref<32x512xf32, #tpu.memory_space<vmem>>
        tpu.wait_dma2 semaphore(%arg19 : memref<!tpu.dma_semaphore, #tpu.memory_space<semaphore_mem>>) src(%dma_wait3A_269 : memref<32x512xf32, #tpu.memory_space<vmem>>) dst(%dma_wait3A_266 : memref<32x512xf32, #tpu.memory_space<hbm>>)
      } else {
      }
      %iota3A_197 = tpu.iota {dimensions = array<i32: 0>} : vector<16xi32>
      %scan3A_198 = arith.constant 0 : i32
      %scan3A_199 = arith.constant 0 : i32
      %scan3A_200 = arith.constant 64 : i32
      %scan3A_201 = arith.addi %scan3A_199, %scan3A_200 : i32
      %scan3A_202 = arith.constant 2 : i32
      scf.for %scan3A_258 = %scan3A_199 to %scan3A_201 step %scan3A_202  : i32 {
        %mul3A_259 = arith.constant 8 : i32
        %mul3A_260 = arith.muli %scan3A_258, %mul3A_259 : i32
        %add3A_261 = arith.constant 0 : i32
        %add3A_262 = arith.addi %mul3A_260, %add3A_261 : i32
        %broadcast_in_dim3A = vector.broadcast %add3A_262 : i32 to vector<16xi32>
        %add3A_263 = arith.constant 0 : i32
        %add3A_264 = arith.addi %add3A_263, %add3A_262 : i32
        %get3A = arith.index_cast %add3A_264 : i32 to index
        %get3A_265 = arith.constant 0 : index
        %get3A_266 = tpu.vector_load %arg10[%get3A, %get3A_265] {strides = array<i32>} : memref<1024x16xf32, #tpu.memory_space<vmem>>, vector<16xf32>,
        %add3A_267 = arith.constant 0 : i32
        %add3A_268 = vector.broadcast %add3A_267 : i32 to vector<16xi32>
        %add3A_269 = arith.addi %iota3A_197, %add3A_268 : vector<16xi32>
        tpu.vector_store_idx %arg13[%add3A_269, %broadcast_in_dim3A], %get3A_266 : memref<32x513xf32, #tpu.memory_space<vmem>>[vector<16xi32>, vector<16xi32>], vector<16xf32>,
        %add3A_270 = arith.constant 512 : i32
        %add3A_271 = arith.addi %add3A_270, %add3A_262 : i32
        %get3A_272 = arith.index_cast %add3A_271 : i32 to index
        %get3A_273 = arith.constant 0 : index
        %get3A_274 = tpu.vector_load %arg10[%get3A_272, %get3A_273] {strides = array<i32>} : memref<1024x16xf32, #tpu.memory_space<vmem>>, vector<16xf32>,
        %add3A_275 = arith.constant 16 : i32
        %add3A_276 = vector.broadcast %add3A_275 : i32 to vector<16xi32>
        %add3A_277 = arith.addi %iota3A_197, %add3A_276 : vector<16xi32>
        tpu.vector_store_idx %arg13[%add3A_277, %broadcast_in_dim3A], %get3A_274 : memref<32x513xf32, #tpu.memory_space<vmem>>[vector<16xi32>, vector<16xi32>], vector<16xf32>,
        %mul3A_278 = arith.constant 8 : i32
        %mul3A_279 = arith.muli %scan3A_258, %mul3A_278 : i32
        %add3A_280 = arith.constant 1 : i32
        %add3A_281 = arith.addi %mul3A_279, %add3A_280 : i32
        %broadcast_in_dim3A_282 = vector.broadcast %add3A_281 : i32 to vector<16xi32>
        %add3A_283 = arith.constant 0 : i32
        %add3A_284 = arith.addi %add3A_283, %add3A_281 : i32
        %get3A_285 = arith.index_cast %add3A_284 : i32 to index
        %get3A_286 = arith.constant 0 : index
        %get3A_287 = tpu.vector_load %arg10[%get3A_285, %get3A_286] {strides = array<i32>} : memref<1024x16xf32, #tpu.memory_space<vmem>>, vector<16xf32>,
        %add3A_288 = arith.constant 0 : i32
        %add3A_289 = vector.broadcast %add3A_288 : i32 to vector<16xi32>
        %add3A_290 = arith.addi %iota3A_197, %add3A_289 : vector<16xi32>
        tpu.vector_store_idx %arg13[%add3A_290, %broadcast_in_dim3A_282], %get3A_287 : memref<32x513xf32, #tpu.memory_space<vmem>>[vector<16xi32>, vector<16xi32>], vector<16xf32>,
        %add3A_291 = arith.constant 512 : i32
        %add3A_292 = arith.addi %add3A_291, %add3A_281 : i32
        %get3A_293 = arith.index_cast %add3A_292 : i32 to index
        %get3A_294 = arith.constant 0 : index
        %get3A_295 = tpu.vector_load %arg10[%get3A_293, %get3A_294] {strides = array<i32>} : memref<1024x16xf32, #tpu.memory_space<vmem>>, vector<16xf32>,
        %add3A_296 = arith.constant 16 : i32
        %add3A_297 = vector.broadcast %add3A_296 : i32 to vector<16xi32>
        %add3A_298 = arith.addi %iota3A_197, %add3A_297 : vector<16xi32>
        tpu.vector_store_idx %arg13[%add3A_298, %broadcast_in_dim3A_282], %get3A_295 : memref<32x513xf32, #tpu.memory_space<vmem>>[vector<16xi32>, vector<16xi32>], vector<16xf32>,
        %mul3A_299 = arith.constant 8 : i32
        %mul3A_300 = arith.muli %scan3A_258, %mul3A_299 : i32
        %add3A_301 = arith.constant 2 : i32
        %add3A_302 = arith.addi %mul3A_300, %add3A_301 : i32
        %broadcast_in_dim3A_303 = vector.broadcast %add3A_302 : i32 to vector<16xi32>
        %add3A_304 = arith.constant 0 : i32
        %add3A_305 = arith.addi %add3A_304, %add3A_302 : i32
        %get3A_306 = arith.index_cast %add3A_305 : i32 to index
        %get3A_307 = arith.constant 0 : index
        %get3A_308 = tpu.vector_load %arg10[%get3A_306, %get3A_307] {strides = array<i32>} : memref<1024x16xf32, #tpu.memory_space<vmem>>, vector<16xf32>,
        %add3A_309 = arith.constant 0 : i32
        %add3A_310 = vector.broadcast %add3A_309 : i32 to vector<16xi32>
        %add3A_311 = arith.addi %iota3A_197, %add3A_310 : vector<16xi32>
        tpu.vector_store_idx %arg13[%add3A_311, %broadcast_in_dim3A_303], %get3A_308 : memref<32x513xf32, #tpu.memory_space<vmem>>[vector<16xi32>, vector<16xi32>], vector<16xf32>,
        %add3A_312 = arith.constant 512 : i32
        %add3A_313 = arith.addi %add3A_312, %add3A_302 : i32
        %get3A_314 = arith.index_cast %add3A_313 : i32 to index
        %get3A_315 = arith.constant 0 : index
        %get3A_316 = tpu.vector_load %arg10[%get3A_314, %get3A_315] {strides = array<i32>} : memref<1024x16xf32, #tpu.memory_space<vmem>>, vector<16xf32>,
        %add3A_317 = arith.constant 16 : i32
        %add3A_318 = vector.broadcast %add3A_317 : i32 to vector<16xi32>
        %add3A_319 = arith.addi %iota3A_197, %add3A_318 : vector<16xi32>
        tpu.vector_store_idx %arg13[%add3A_319, %broadcast_in_dim3A_303], %get3A_316 : memref<32x513xf32, #tpu.memory_space<vmem>>[vector<16xi32>, vector<16xi32>], vector<16xf32>,
        %mul3A_320 = arith.constant 8 : i32
        %mul3A_321 = arith.muli %scan3A_258, %mul3A_320 : i32
        %add3A_322 = arith.constant 3 : i32
        %add3A_323 = arith.addi %mul3A_321, %add3A_322 : i32
        %broadcast_in_dim3A_324 = vector.broadcast %add3A_323 : i32 to vector<16xi32>
        %add3A_325 = arith.constant 0 : i32
        %add3A_326 = arith.addi %add3A_325, %add3A_323 : i32
        %get3A_327 = arith.index_cast %add3A_326 : i32 to index
        %get3A_328 = arith.constant 0 : index
        %get3A_329 = tpu.vector_load %arg10[%get3A_327, %get3A_328] {strides = array<i32>} : memref<1024x16xf32, #tpu.memory_space<vmem>>, vector<16xf32>,
        %add3A_330 = arith.constant 0 : i32
        %add3A_331 = vector.broadcast %add3A_330 : i32 to vector<16xi32>
        %add3A_332 = arith.addi %iota3A_197, %add3A_331 : vector<16xi32>
        tpu.vector_store_idx %arg13[%add3A_332, %broadcast_in_dim3A_324], %get3A_329 : memref<32x513xf32, #tpu.memory_space<vmem>>[vector<16xi32>, vector<16xi32>], vector<16xf32>,
        %add3A_333 = arith.constant 512 : i32
        %add3A_334 = arith.addi %add3A_333, %add3A_323 : i32
        %get3A_335 = arith.index_cast %add3A_334 : i32 to index
        %get3A_336 = arith.constant 0 : index
        %get3A_337 = tpu.vector_load %arg10[%get3A_335, %get3A_336] {strides = array<i32>} : memref<1024x16xf32, #tpu.memory_space<vmem>>, vector<16xf32>,
        %add3A_338 = arith.constant 16 : i32
        %add3A_339 = vector.broadcast %add3A_338 : i32 to vector<16xi32>
        %add3A_340 = arith.addi %iota3A_197, %add3A_339 : vector<16xi32>
        tpu.vector_store_idx %arg13[%add3A_340, %broadcast_in_dim3A_324], %get3A_337 : memref<32x513xf32, #tpu.memory_space<vmem>>[vector<16xi32>, vector<16xi32>], vector<16xf32>,
        %mul3A_341 = arith.constant 8 : i32
        %mul3A_342 = arith.muli %scan3A_258, %mul3A_341 : i32
        %add3A_343 = arith.constant 4 : i32
        %add3A_344 = arith.addi %mul3A_342, %add3A_343 : i32
        %broadcast_in_dim3A_345 = vector.broadcast %add3A_344 : i32 to vector<16xi32>
        %add3A_346 = arith.constant 0 : i32
        %add3A_347 = arith.addi %add3A_346, %add3A_344 : i32
        %get3A_348 = arith.index_cast %add3A_347 : i32 to index
        %get3A_349 = arith.constant 0 : index
        %get3A_350 = tpu.vector_load %arg10[%get3A_348, %get3A_349] {strides = array<i32>} : memref<1024x16xf32, #tpu.memory_space<vmem>>, vector<16xf32>,
        %add3A_351 = arith.constant 0 : i32
        %add3A_352 = vector.broadcast %add3A_351 : i32 to vector<16xi32>
        %add3A_353 = arith.addi %iota3A_197, %add3A_352 : vector<16xi32>
        tpu.vector_store_idx %arg13[%add3A_353, %broadcast_in_dim3A_345], %get3A_350 : memref<32x513xf32, #tpu.memory_space<vmem>>[vector<16xi32>, vector<16xi32>], vector<16xf32>,
        %add3A_354 = arith.constant 512 : i32
        %add3A_355 = arith.addi %add3A_354, %add3A_344 : i32
        %get3A_356 = arith.index_cast %add3A_355 : i32 to index
        %get3A_357 = arith.constant 0 : index
        %get3A_358 = tpu.vector_load %arg10[%get3A_356, %get3A_357] {strides = array<i32>} : memref<1024x16xf32, #tpu.memory_space<vmem>>, vector<16xf32>,
        %add3A_359 = arith.constant 16 : i32
        %add3A_360 = vector.broadcast %add3A_359 : i32 to vector<16xi32>
        %add3A_361 = arith.addi %iota3A_197, %add3A_360 : vector<16xi32>
        tpu.vector_store_idx %arg13[%add3A_361, %broadcast_in_dim3A_345], %get3A_358 : memref<32x513xf32, #tpu.memory_space<vmem>>[vector<16xi32>, vector<16xi32>], vector<16xf32>,
        %mul3A_362 = arith.constant 8 : i32
        %mul3A_363 = arith.muli %scan3A_258, %mul3A_362 : i32
        %add3A_364 = arith.constant 5 : i32
        %add3A_365 = arith.addi %mul3A_363, %add3A_364 : i32
        %broadcast_in_dim3A_366 = vector.broadcast %add3A_365 : i32 to vector<16xi32>
        %add3A_367 = arith.constant 0 : i32
        %add3A_368 = arith.addi %add3A_367, %add3A_365 : i32
        %get3A_369 = arith.index_cast %add3A_368 : i32 to index
        %get3A_370 = arith.constant 0 : index
        %get3A_371 = tpu.vector_load %arg10[%get3A_369, %get3A_370] {strides = array<i32>} : memref<1024x16xf32, #tpu.memory_space<vmem>>, vector<16xf32>,
        %add3A_372 = arith.constant 0 : i32
        %add3A_373 = vector.broadcast %add3A_372 : i32 to vector<16xi32>
        %add3A_374 = arith.addi %iota3A_197, %add3A_373 : vector<16xi32>
        tpu.vector_store_idx %arg13[%add3A_374, %broadcast_in_dim3A_366], %get3A_371 : memref<32x513xf32, #tpu.memory_space<vmem>>[vector<16xi32>, vector<16xi32>], vector<16xf32>,
        %add3A_375 = arith.constant 512 : i32
        %add3A_376 = arith.addi %add3A_375, %add3A_365 : i32
        %get3A_377 = arith.index_cast %add3A_376 : i32 to index
        %get3A_378 = arith.constant 0 : index
        %get3A_379 = tpu.vector_load %arg10[%get3A_377, %get3A_378] {strides = array<i32>} : memref<1024x16xf32, #tpu.memory_space<vmem>>, vector<16xf32>,
        %add3A_380 = arith.constant 16 : i32
        %add3A_381 = vector.broadcast %add3A_380 : i32 to vector<16xi32>
        %add3A_382 = arith.addi %iota3A_197, %add3A_381 : vector<16xi32>
        tpu.vector_store_idx %arg13[%add3A_382, %broadcast_in_dim3A_366], %get3A_379 : memref<32x513xf32, #tpu.memory_space<vmem>>[vector<16xi32>, vector<16xi32>], vector<16xf32>,
        %mul3A_383 = arith.constant 8 : i32
        %mul3A_384 = arith.muli %scan3A_258, %mul3A_383 : i32
        %add3A_385 = arith.constant 6 : i32
        %add3A_386 = arith.addi %mul3A_384, %add3A_385 : i32
        %broadcast_in_dim3A_387 = vector.broadcast %add3A_386 : i32 to vector<16xi32>
        %add3A_388 = arith.constant 0 : i32
        %add3A_389 = arith.addi %add3A_388, %add3A_386 : i32
        %get3A_390 = arith.index_cast %add3A_389 : i32 to index
        %get3A_391 = arith.constant 0 : index
        %get3A_392 = tpu.vector_load %arg10[%get3A_390, %get3A_391] {strides = array<i32>} : memref<1024x16xf32, #tpu.memory_space<vmem>>, vector<16xf32>,
        %add3A_393 = arith.constant 0 : i32
        %add3A_394 = vector.broadcast %add3A_393 : i32 to vector<16xi32>
        %add3A_395 = arith.addi %iota3A_197, %add3A_394 : vector<16xi32>
        tpu.vector_store_idx %arg13[%add3A_395, %broadcast_in_dim3A_387], %get3A_392 : memref<32x513xf32, #tpu.memory_space<vmem>>[vector<16xi32>, vector<16xi32>], vector<16xf32>,
        %add3A_396 = arith.constant 512 : i32
        %add3A_397 = arith.addi %add3A_396, %add3A_386 : i32
        %get3A_398 = arith.index_cast %add3A_397 : i32 to index
        %get3A_399 = arith.constant 0 : index
        %get3A_400 = tpu.vector_load %arg10[%get3A_398, %get3A_399] {strides = array<i32>} : memref<1024x16xf32, #tpu.memory_space<vmem>>, vector<16xf32>,
        %add3A_401 = arith.constant 16 : i32
        %add3A_402 = vector.broadcast %add3A_401 : i32 to vector<16xi32>
        %add3A_403 = arith.addi %iota3A_197, %add3A_402 : vector<16xi32>
        tpu.vector_store_idx %arg13[%add3A_403, %broadcast_in_dim3A_387], %get3A_400 : memref<32x513xf32, #tpu.memory_space<vmem>>[vector<16xi32>, vector<16xi32>], vector<16xf32>,
        %mul3A_404 = arith.constant 8 : i32
        %mul3A_405 = arith.muli %scan3A_258, %mul3A_404 : i32
        %add3A_406 = arith.constant 7 : i32
        %add3A_407 = arith.addi %mul3A_405, %add3A_406 : i32
        %broadcast_in_dim3A_408 = vector.broadcast %add3A_407 : i32 to vector<16xi32>
        %add3A_409 = arith.constant 0 : i32
        %add3A_410 = arith.addi %add3A_409, %add3A_407 : i32
        %get3A_411 = arith.index_cast %add3A_410 : i32 to index
        %get3A_412 = arith.constant 0 : index
        %get3A_413 = tpu.vector_load %arg10[%get3A_411, %get3A_412] {strides = array<i32>} : memref<1024x16xf32, #tpu.memory_space<vmem>>, vector<16xf32>,
        %add3A_414 = arith.constant 0 : i32
        %add3A_415 = vector.broadcast %add3A_414 : i32 to vector<16xi32>
        %add3A_416 = arith.addi %iota3A_197, %add3A_415 : vector<16xi32>
        tpu.vector_store_idx %arg13[%add3A_416, %broadcast_in_dim3A_408], %get3A_413 : memref<32x513xf32, #tpu.memory_space<vmem>>[vector<16xi32>, vector<16xi32>], vector<16xf32>,
        %add3A_417 = arith.constant 512 : i32
        %add3A_418 = arith.addi %add3A_417, %add3A_407 : i32
        %get3A_419 = arith.index_cast %add3A_418 : i32 to index
        %get3A_420 = arith.constant 0 : index
        %get3A_421 = tpu.vector_load %arg10[%get3A_419, %get3A_420] {strides = array<i32>} : memref<1024x16xf32, #tpu.memory_space<vmem>>, vector<16xf32>,
        %add3A_422 = arith.constant 16 : i32
        %add3A_423 = vector.broadcast %add3A_422 : i32 to vector<16xi32>
        %add3A_424 = arith.addi %iota3A_197, %add3A_423 : vector<16xi32>
        tpu.vector_store_idx %arg13[%add3A_424, %broadcast_in_dim3A_408], %get3A_421 : memref<32x513xf32, #tpu.memory_space<vmem>>[vector<16xi32>, vector<16xi32>], vector<16xf32>,
        %scan3A_425 = arith.constant 1 : i32
        %scan3A_426 = arith.addi %scan3A_258, %scan3A_425 : i32
        %mul3A_427 = arith.constant 8 : i32
        %mul3A_428 = arith.muli %scan3A_426, %mul3A_427 : i32
        %add3A_429 = arith.constant 0 : i32
        %add3A_430 = arith.addi %mul3A_428, %add3A_429 : i32
        %broadcast_in_dim3A_431 = vector.broadcast %add3A_430 : i32 to vector<16xi32>
        %add3A_432 = arith.constant 0 : i32
        %add3A_433 = arith.addi %add3A_432, %add3A_430 : i32
        %get3A_434 = arith.index_cast %add3A_433 : i32 to index
        %get3A_435 = arith.constant 0 : index
        %get3A_436 = tpu.vector_load %arg10[%get3A_434, %get3A_435] {strides = array<i32>} : memref<1024x16xf32, #tpu.memory_space<vmem>>, vector<16xf32>,
        %add3A_437 = arith.constant 0 : i32
        %add3A_438 = vector.broadcast %add3A_437 : i32 to vector<16xi32>
        %add3A_439 = arith.addi %iota3A_197, %add3A_438 : vector<16xi32>
        tpu.vector_store_idx %arg13[%add3A_439, %broadcast_in_dim3A_431], %get3A_436 : memref<32x513xf32, #tpu.memory_space<vmem>>[vector<16xi32>, vector<16xi32>], vector<16xf32>,
        %add3A_440 = arith.constant 512 : i32
        %add3A_441 = arith.addi %add3A_440, %add3A_430 : i32
        %get3A_442 = arith.index_cast %add3A_441 : i32 to index
        %get3A_443 = arith.constant 0 : index
        %get3A_444 = tpu.vector_load %arg10[%get3A_442, %get3A_443] {strides = array<i32>} : memref<1024x16xf32, #tpu.memory_space<vmem>>, vector<16xf32>,
        %add3A_445 = arith.constant 16 : i32
        %add3A_446 = vector.broadcast %add3A_445 : i32 to vector<16xi32>
        %add3A_447 = arith.addi %iota3A_197, %add3A_446 : vector<16xi32>
        tpu.vector_store_idx %arg13[%add3A_447, %broadcast_in_dim3A_431], %get3A_444 : memref<32x513xf32, #tpu.memory_space<vmem>>[vector<16xi32>, vector<16xi32>], vector<16xf32>,
        %mul3A_448 = arith.constant 8 : i32
        %mul3A_449 = arith.muli %scan3A_426, %mul3A_448 : i32
        %add3A_450 = arith.constant 1 : i32
        %add3A_451 = arith.addi %mul3A_449, %add3A_450 : i32
        %broadcast_in_dim3A_452 = vector.broadcast %add3A_451 : i32 to vector<16xi32>
        %add3A_453 = arith.constant 0 : i32
        %add3A_454 = arith.addi %add3A_453, %add3A_451 : i32
        %get3A_455 = arith.index_cast %add3A_454 : i32 to index
        %get3A_456 = arith.constant 0 : index
        %get3A_457 = tpu.vector_load %arg10[%get3A_455, %get3A_456] {strides = array<i32>} : memref<1024x16xf32, #tpu.memory_space<vmem>>, vector<16xf32>,
        %add3A_458 = arith.constant 0 : i32
        %add3A_459 = vector.broadcast %add3A_458 : i32 to vector<16xi32>
        %add3A_460 = arith.addi %iota3A_197, %add3A_459 : vector<16xi32>
        tpu.vector_store_idx %arg13[%add3A_460, %broadcast_in_dim3A_452], %get3A_457 : memref<32x513xf32, #tpu.memory_space<vmem>>[vector<16xi32>, vector<16xi32>], vector<16xf32>,
        %add3A_461 = arith.constant 512 : i32
        %add3A_462 = arith.addi %add3A_461, %add3A_451 : i32
        %get3A_463 = arith.index_cast %add3A_462 : i32 to index
        %get3A_464 = arith.constant 0 : index
        %get3A_465 = tpu.vector_load %arg10[%get3A_463, %get3A_464] {strides = array<i32>} : memref<1024x16xf32, #tpu.memory_space<vmem>>, vector<16xf32>,
        %add3A_466 = arith.constant 16 : i32
        %add3A_467 = vector.broadcast %add3A_466 : i32 to vector<16xi32>
        %add3A_468 = arith.addi %iota3A_197, %add3A_467 : vector<16xi32>
        tpu.vector_store_idx %arg13[%add3A_468, %broadcast_in_dim3A_452], %get3A_465 : memref<32x513xf32, #tpu.memory_space<vmem>>[vector<16xi32>, vector<16xi32>], vector<16xf32>,
        %mul3A_469 = arith.constant 8 : i32
        %mul3A_470 = arith.muli %scan3A_426, %mul3A_469 : i32
        %add3A_471 = arith.constant 2 : i32
        %add3A_472 = arith.addi %mul3A_470, %add3A_471 : i32
        %broadcast_in_dim3A_473 = vector.broadcast %add3A_472 : i32 to vector<16xi32>
        %add3A_474 = arith.constant 0 : i32
        %add3A_475 = arith.addi %add3A_474, %add3A_472 : i32
        %get3A_476 = arith.index_cast %add3A_475 : i32 to index
        %get3A_477 = arith.constant 0 : index
        %get3A_478 = tpu.vector_load %arg10[%get3A_476, %get3A_477] {strides = array<i32>} : memref<1024x16xf32, #tpu.memory_space<vmem>>, vector<16xf32>,
        %add3A_479 = arith.constant 0 : i32
        %add3A_480 = vector.broadcast %add3A_479 : i32 to vector<16xi32>
        %add3A_481 = arith.addi %iota3A_197, %add3A_480 : vector<16xi32>
        tpu.vector_store_idx %arg13[%add3A_481, %broadcast_in_dim3A_473], %get3A_478 : memref<32x513xf32, #tpu.memory_space<vmem>>[vector<16xi32>, vector<16xi32>], vector<16xf32>,
        %add3A_482 = arith.constant 512 : i32
        %add3A_483 = arith.addi %add3A_482, %add3A_472 : i32
        %get3A_484 = arith.index_cast %add3A_483 : i32 to index
        %get3A_485 = arith.constant 0 : index
        %get3A_486 = tpu.vector_load %arg10[%get3A_484, %get3A_485] {strides = array<i32>} : memref<1024x16xf32, #tpu.memory_space<vmem>>, vector<16xf32>,
        %add3A_487 = arith.constant 16 : i32
        %add3A_488 = vector.broadcast %add3A_487 : i32 to vector<16xi32>
        %add3A_489 = arith.addi %iota3A_197, %add3A_488 : vector<16xi32>
        tpu.vector_store_idx %arg13[%add3A_489, %broadcast_in_dim3A_473], %get3A_486 : memref<32x513xf32, #tpu.memory_space<vmem>>[vector<16xi32>, vector<16xi32>], vector<16xf32>,
        %mul3A_490 = arith.constant 8 : i32
        %mul3A_491 = arith.muli %scan3A_426, %mul3A_490 : i32
        %add3A_492 = arith.constant 3 : i32
        %add3A_493 = arith.addi %mul3A_491, %add3A_492 : i32
        %broadcast_in_dim3A_494 = vector.broadcast %add3A_493 : i32 to vector<16xi32>
        %add3A_495 = arith.constant 0 : i32
        %add3A_496 = arith.addi %add3A_495, %add3A_493 : i32
        %get3A_497 = arith.index_cast %add3A_496 : i32 to index
        %get3A_498 = arith.constant 0 : index
        %get3A_499 = tpu.vector_load %arg10[%get3A_497, %get3A_498] {strides = array<i32>} : memref<1024x16xf32, #tpu.memory_space<vmem>>, vector<16xf32>,
        %add3A_500 = arith.constant 0 : i32
        %add3A_501 = vector.broadcast %add3A_500 : i32 to vector<16xi32>
        %add3A_502 = arith.addi %iota3A_197, %add3A_501 : vector<16xi32>
        tpu.vector_store_idx %arg13[%add3A_502, %broadcast_in_dim3A_494], %get3A_499 : memref<32x513xf32, #tpu.memory_space<vmem>>[vector<16xi32>, vector<16xi32>], vector<16xf32>,
        %add3A_503 = arith.constant 512 : i32
        %add3A_504 = arith.addi %add3A_503, %add3A_493 : i32
        %get3A_505 = arith.index_cast %add3A_504 : i32 to index
        %get3A_506 = arith.constant 0 : index
        %get3A_507 = tpu.vector_load %arg10[%get3A_505, %get3A_506] {strides = array<i32>} : memref<1024x16xf32, #tpu.memory_space<vmem>>, vector<16xf32>,
        %add3A_508 = arith.constant 16 : i32
        %add3A_509 = vector.broadcast %add3A_508 : i32 to vector<16xi32>
        %add3A_510 = arith.addi %iota3A_197, %add3A_509 : vector<16xi32>
        tpu.vector_store_idx %arg13[%add3A_510, %broadcast_in_dim3A_494], %get3A_507 : memref<32x513xf32, #tpu.memory_space<vmem>>[vector<16xi32>, vector<16xi32>], vector<16xf32>,
        %mul3A_511 = arith.constant 8 : i32
        %mul3A_512 = arith.muli %scan3A_426, %mul3A_511 : i32
        %add3A_513 = arith.constant 4 : i32
        %add3A_514 = arith.addi %mul3A_512, %add3A_513 : i32
        %broadcast_in_dim3A_515 = vector.broadcast %add3A_514 : i32 to vector<16xi32>
        %add3A_516 = arith.constant 0 : i32
        %add3A_517 = arith.addi %add3A_516, %add3A_514 : i32
        %get3A_518 = arith.index_cast %add3A_517 : i32 to index
        %get3A_519 = arith.constant 0 : index
        %get3A_520 = tpu.vector_load %arg10[%get3A_518, %get3A_519] {strides = array<i32>} : memref<1024x16xf32, #tpu.memory_space<vmem>>, vector<16xf32>,
        %add3A_521 = arith.constant 0 : i32
        %add3A_522 = vector.broadcast %add3A_521 : i32 to vector<16xi32>
        %add3A_523 = arith.addi %iota3A_197, %add3A_522 : vector<16xi32>
        tpu.vector_store_idx %arg13[%add3A_523, %broadcast_in_dim3A_515], %get3A_520 : memref<32x513xf32, #tpu.memory_space<vmem>>[vector<16xi32>, vector<16xi32>], vector<16xf32>,
        %add3A_524 = arith.constant 512 : i32
        %add3A_525 = arith.addi %add3A_524, %add3A_514 : i32
        %get3A_526 = arith.index_cast %add3A_525 : i32 to index
        %get3A_527 = arith.constant 0 : index
        %get3A_528 = tpu.vector_load %arg10[%get3A_526, %get3A_527] {strides = array<i32>} : memref<1024x16xf32, #tpu.memory_space<vmem>>, vector<16xf32>,
        %add3A_529 = arith.constant 16 : i32
        %add3A_530 = vector.broadcast %add3A_529 : i32 to vector<16xi32>
        %add3A_531 = arith.addi %iota3A_197, %add3A_530 : vector<16xi32>
        tpu.vector_store_idx %arg13[%add3A_531, %broadcast_in_dim3A_515], %get3A_528 : memref<32x513xf32, #tpu.memory_space<vmem>>[vector<16xi32>, vector<16xi32>], vector<16xf32>,
        %mul3A_532 = arith.constant 8 : i32
        %mul3A_533 = arith.muli %scan3A_426, %mul3A_532 : i32
        %add3A_534 = arith.constant 5 : i32
        %add3A_535 = arith.addi %mul3A_533, %add3A_534 : i32
        %broadcast_in_dim3A_536 = vector.broadcast %add3A_535 : i32 to vector<16xi32>
        %add3A_537 = arith.constant 0 : i32
        %add3A_538 = arith.addi %add3A_537, %add3A_535 : i32
        %get3A_539 = arith.index_cast %add3A_538 : i32 to index
        %get3A_540 = arith.constant 0 : index
        %get3A_541 = tpu.vector_load %arg10[%get3A_539, %get3A_540] {strides = array<i32>} : memref<1024x16xf32, #tpu.memory_space<vmem>>, vector<16xf32>,
        %add3A_542 = arith.constant 0 : i32
        %add3A_543 = vector.broadcast %add3A_542 : i32 to vector<16xi32>
        %add3A_544 = arith.addi %iota3A_197, %add3A_543 : vector<16xi32>
        tpu.vector_store_idx %arg13[%add3A_544, %broadcast_in_dim3A_536], %get3A_541 : memref<32x513xf32, #tpu.memory_space<vmem>>[vector<16xi32>, vector<16xi32>], vector<16xf32>,
        %add3A_545 = arith.constant 512 : i32
        %add3A_546 = arith.addi %add3A_545, %add3A_535 : i32
        %get3A_547 = arith.index_cast %add3A_546 : i32 to index
        %get3A_548 = arith.constant 0 : index
        %get3A_549 = tpu.vector_load %arg10[%get3A_547, %get3A_548] {strides = array<i32>} : memref<1024x16xf32, #tpu.memory_space<vmem>>, vector<16xf32>,
        %add3A_550 = arith.constant 16 : i32
        %add3A_551 = vector.broadcast %add3A_550 : i32 to vector<16xi32>
        %add3A_552 = arith.addi %iota3A_197, %add3A_551 : vector<16xi32>
        tpu.vector_store_idx %arg13[%add3A_552, %broadcast_in_dim3A_536], %get3A_549 : memref<32x513xf32, #tpu.memory_space<vmem>>[vector<16xi32>, vector<16xi32>], vector<16xf32>,
        %mul3A_553 = arith.constant 8 : i32
        %mul3A_554 = arith.muli %scan3A_426, %mul3A_553 : i32
        %add3A_555 = arith.constant 6 : i32
        %add3A_556 = arith.addi %mul3A_554, %add3A_555 : i32
        %broadcast_in_dim3A_557 = vector.broadcast %add3A_556 : i32 to vector<16xi32>
        %add3A_558 = arith.constant 0 : i32
        %add3A_559 = arith.addi %add3A_558, %add3A_556 : i32
        %get3A_560 = arith.index_cast %add3A_559 : i32 to index
        %get3A_561 = arith.constant 0 : index
        %get3A_562 = tpu.vector_load %arg10[%get3A_560, %get3A_561] {strides = array<i32>} : memref<1024x16xf32, #tpu.memory_space<vmem>>, vector<16xf32>,
        %add3A_563 = arith.constant 0 : i32
        %add3A_564 = vector.broadcast %add3A_563 : i32 to vector<16xi32>
        %add3A_565 = arith.addi %iota3A_197, %add3A_564 : vector<16xi32>
        tpu.vector_store_idx %arg13[%add3A_565, %broadcast_in_dim3A_557], %get3A_562 : memref<32x513xf32, #tpu.memory_space<vmem>>[vector<16xi32>, vector<16xi32>], vector<16xf32>,
        %add3A_566 = arith.constant 512 : i32
        %add3A_567 = arith.addi %add3A_566, %add3A_556 : i32
        %get3A_568 = arith.index_cast %add3A_567 : i32 to index
        %get3A_569 = arith.constant 0 : index
        %get3A_570 = tpu.vector_load %arg10[%get3A_568, %get3A_569] {strides = array<i32>} : memref<1024x16xf32, #tpu.memory_space<vmem>>, vector<16xf32>,
        %add3A_571 = arith.constant 16 : i32
        %add3A_572 = vector.broadcast %add3A_571 : i32 to vector<16xi32>
        %add3A_573 = arith.addi %iota3A_197, %add3A_572 : vector<16xi32>
        tpu.vector_store_idx %arg13[%add3A_573, %broadcast_in_dim3A_557], %get3A_570 : memref<32x513xf32, #tpu.memory_space<vmem>>[vector<16xi32>, vector<16xi32>], vector<16xf32>,
        %mul3A_574 = arith.constant 8 : i32
        %mul3A_575 = arith.muli %scan3A_426, %mul3A_574 : i32
        %add3A_576 = arith.constant 7 : i32
        %add3A_577 = arith.addi %mul3A_575, %add3A_576 : i32
        %broadcast_in_dim3A_578 = vector.broadcast %add3A_577 : i32 to vector<16xi32>
        %add3A_579 = arith.constant 0 : i32
        %add3A_580 = arith.addi %add3A_579, %add3A_577 : i32
        %get3A_581 = arith.index_cast %add3A_580 : i32 to index
        %get3A_582 = arith.constant 0 : index
        %get3A_583 = tpu.vector_load %arg10[%get3A_581, %get3A_582] {strides = array<i32>} : memref<1024x16xf32, #tpu.memory_space<vmem>>, vector<16xf32>,
        %add3A_584 = arith.constant 0 : i32
        %add3A_585 = vector.broadcast %add3A_584 : i32 to vector<16xi32>
        %add3A_586 = arith.addi %iota3A_197, %add3A_585 : vector<16xi32>
        tpu.vector_store_idx %arg13[%add3A_586, %broadcast_in_dim3A_578], %get3A_583 : memref<32x513xf32, #tpu.memory_space<vmem>>[vector<16xi32>, vector<16xi32>], vector<16xf32>,
        %add3A_587 = arith.constant 512 : i32
        %add3A_588 = arith.addi %add3A_587, %add3A_577 : i32
        %get3A_589 = arith.index_cast %add3A_588 : i32 to index
        %get3A_590 = arith.constant 0 : index
        %get3A_591 = tpu.vector_load %arg10[%get3A_589, %get3A_590] {strides = array<i32>} : memref<1024x16xf32, #tpu.memory_space<vmem>>, vector<16xf32>,
        %add3A_592 = arith.constant 16 : i32
        %add3A_593 = vector.broadcast %add3A_592 : i32 to vector<16xi32>
        %add3A_594 = arith.addi %iota3A_197, %add3A_593 : vector<16xi32>
        tpu.vector_store_idx %arg13[%add3A_594, %broadcast_in_dim3A_578], %get3A_591 : memref<32x513xf32, #tpu.memory_space<vmem>>[vector<16xi32>, vector<16xi32>], vector<16xf32>,
      }
      %scan3A_203 = arith.constant 64 : i32
      %dma_start3A_204 = arith.constant 0 : i32
      %dma_start3A_205 = arith.constant 0 : i32
      %dma_start3A_206 = tpu.memref_slice %arg13[%dma_start3A_204, %dma_start3A_205] : memref<32x513xf32, #tpu.memory_space<vmem>> -> memref<32x512xf32, #tpu.memory_space<vmem>>
      %dma_start3A_207 = arith.constant 0 : i32
      %dma_start3A_208 = tpu.memref_slice %arg4[%add3A_177, %dma_start3A_207, %mul3A_2] : memref<50x32x16384xf32, #tpu.memory_space<hbm>> -> memref<1x32x512xf32, #tpu.memory_space<hbm>>
      %dma_start3A_209 = tpu.memref_squeeze %dma_start3A_208 : memref<1x32x512xf32, #tpu.memory_space<hbm>> -> memref<32x512xf32, #tpu.memory_space<hbm>>
      %dma_start3A_210 = arith.constant 0 : i32
      %dma_start3A_211 = tpu.memref_slice %arg4[%add3A_177, %dma_start3A_210, %mul3A_2] : memref<50x32x16384xf32, #tpu.memory_space<hbm>> -> memref<1x32x512xf32, #tpu.memory_space<hbm>>
      %dma_start3A_212 = tpu.memref_squeeze %dma_start3A_211 : memref<1x32x512xf32, #tpu.memory_space<hbm>> -> memref<32x512xf32, #tpu.memory_space<hbm>>
      %dma_start3A_213 = arith.constant 0 : i32
      %dma_start3A_214 = arith.constant 0 : i32
      %dma_start3A_215 = tpu.memref_slice %arg13[%dma_start3A_213, %dma_start3A_214] : memref<32x513xf32, #tpu.memory_space<vmem>> -> memref<32x512xf32, #tpu.memory_space<vmem>>
      tpu.enqueue_dma source(%dma_start3A_215 : memref<32x512xf32, #tpu.memory_space<vmem>>) target(%dma_start3A_212 : memref<32x512xf32, #tpu.memory_space<hbm>>) target_semaphore(%arg19 : memref<!tpu.dma_semaphore, #tpu.memory_space<semaphore_mem>>)
      %mul3A_216 = arith.constant 3 : i32
      %mul3A_217 = arith.muli %mul3A_216, %scan3A_134 : i32
      %add3A_218 = arith.constant 2 : i32
      %add3A_219 = arith.addi %mul3A_217, %add3A_218 : i32
      %add3A_220 = arith.constant 2 : i32
      %add3A_221 = arith.addi %add3A_219, %add3A_220 : i32
      %scan3A_222 = arith.constant 0 : i32
      %scan3A_223 = arith.constant 0 : i32
      %scan3A_224 = arith.constant 32 : i32
      %scan3A_225 = arith.addi %scan3A_223, %scan3A_224 : i32
      %scan3A_226 = arith.constant 4 : i32
      scf.for %scan3A_258 = %scan3A_223 to %scan3A_225 step %scan3A_226  : i32 {
        %mul3A_259 = arith.constant 16 : i32
        %mul3A_260 = arith.muli %scan3A_258, %mul3A_259 : i32
        %get3A = arith.index_cast %add3A_221 : i32 to index
        %get3A_261 = arith.index_cast %mul3A_260 : i32 to index
        %get3A_262 = tpu.vector_load %arg5[%get3A, %get3A_261] {strides = array<i32>} : memref<50x512xi32, #tpu.memory_space<vmem>>, vector<16xi32>,
        %mul3A_263 = arith.constant 2 : i32
        %mul3A_264 = vector.broadcast %mul3A_263 : i32 to vector<16xi32>
        %mul3A_265 = arith.muli %get3A_262, %mul3A_264 : vector<16xi32>
        %add3A_266 = arith.constant 0 : i32
        %add3A_267 = vector.broadcast %add3A_266 : i32 to vector<16xi32>
        %add3A_268 = arith.addi %mul3A_265, %add3A_267 : vector<16xi32>
        %mul3A_269 = arith.constant 16 : i32
        %mul3A_270 = arith.muli %scan3A_258, %mul3A_269 : i32
        %add3A_271 = arith.constant 0 : i32
        %add3A_272 = arith.addi %add3A_271, %mul3A_270 : i32
        %swap3A = arith.index_cast %add3A_272 : i32 to index
        %swap3A_273 = tpu.vector_load %arg7[%swap3A] {strides = array<i32>} : memref<1024xi32, #tpu.memory_space<vmem>>, vector<16xi32>,
        tpu.vector_store %arg7[%swap3A], %add3A_268 {strides = array<i32>} : memref<1024xi32, #tpu.memory_space<vmem>>, vector<16xi32>,
        %add3A_274 = arith.constant 1 : i32
        %add3A_275 = vector.broadcast %add3A_274 : i32 to vector<16xi32>
        %add3A_276 = arith.addi %mul3A_265, %add3A_275 : vector<16xi32>
        %mul3A_277 = arith.constant 16 : i32
        %mul3A_278 = arith.muli %scan3A_258, %mul3A_277 : i32
        %add3A_279 = arith.constant 512 : i32
        %add3A_280 = arith.addi %add3A_279, %mul3A_278 : i32
        %swap3A_281 = arith.index_cast %add3A_280 : i32 to index
        %swap3A_282 = tpu.vector_load %arg7[%swap3A_281] {strides = array<i32>} : memref<1024xi32, #tpu.memory_space<vmem>>, vector<16xi32>,
        tpu.vector_store %arg7[%swap3A_281], %add3A_276 {strides = array<i32>} : memref<1024xi32, #tpu.memory_space<vmem>>, vector<16xi32>,
        %scan3A_283 = arith.constant 1 : i32
        %scan3A_284 = arith.addi %scan3A_258, %scan3A_283 : i32
        %mul3A_285 = arith.constant 16 : i32
        %mul3A_286 = arith.muli %scan3A_284, %mul3A_285 : i32
        %get3A_287 = arith.index_cast %add3A_221 : i32 to index
        %get3A_288 = arith.index_cast %mul3A_286 : i32 to index
        %get3A_289 = tpu.vector_load %arg5[%get3A_287, %get3A_288] {strides = array<i32>} : memref<50x512xi32, #tpu.memory_space<vmem>>, vector<16xi32>,
        %mul3A_290 = arith.constant 2 : i32
        %mul3A_291 = vector.broadcast %mul3A_290 : i32 to vector<16xi32>
        %mul3A_292 = arith.muli %get3A_289, %mul3A_291 : vector<16xi32>
        %add3A_293 = arith.constant 0 : i32
        %add3A_294 = vector.broadcast %add3A_293 : i32 to vector<16xi32>
        %add3A_295 = arith.addi %mul3A_292, %add3A_294 : vector<16xi32>
        %mul3A_296 = arith.constant 16 : i32
        %mul3A_297 = arith.muli %scan3A_284, %mul3A_296 : i32
        %add3A_298 = arith.constant 0 : i32
        %add3A_299 = arith.addi %add3A_298, %mul3A_297 : i32
        %swap3A_300 = arith.index_cast %add3A_299 : i32 to index
        %swap3A_301 = tpu.vector_load %arg7[%swap3A_300] {strides = array<i32>} : memref<1024xi32, #tpu.memory_space<vmem>>, vector<16xi32>,
        tpu.vector_store %arg7[%swap3A_300], %add3A_295 {strides = array<i32>} : memref<1024xi32, #tpu.memory_space<vmem>>, vector<16xi32>,
        %add3A_302 = arith.constant 1 : i32
        %add3A_303 = vector.broadcast %add3A_302 : i32 to vector<16xi32>
        %add3A_304 = arith.addi %mul3A_292, %add3A_303 : vector<16xi32>
        %mul3A_305 = arith.constant 16 : i32
        %mul3A_306 = arith.muli %scan3A_284, %mul3A_305 : i32
        %add3A_307 = arith.constant 512 : i32
        %add3A_308 = arith.addi %add3A_307, %mul3A_306 : i32
        %swap3A_309 = arith.index_cast %add3A_308 : i32 to index
        %swap3A_310 = tpu.vector_load %arg7[%swap3A_309] {strides = array<i32>} : memref<1024xi32, #tpu.memory_space<vmem>>, vector<16xi32>,
        tpu.vector_store %arg7[%swap3A_309], %add3A_304 {strides = array<i32>} : memref<1024xi32, #tpu.memory_space<vmem>>, vector<16xi32>,
        %scan3A_311 = arith.constant 2 : i32
        %scan3A_312 = arith.addi %scan3A_258, %scan3A_311 : i32
        %mul3A_313 = arith.constant 16 : i32
        %mul3A_314 = arith.muli %scan3A_312, %mul3A_313 : i32
        %get3A_315 = arith.index_cast %add3A_221 : i32 to index
        %get3A_316 = arith.index_cast %mul3A_314 : i32 to index
        %get3A_317 = tpu.vector_load %arg5[%get3A_315, %get3A_316] {strides = array<i32>} : memref<50x512xi32, #tpu.memory_space<vmem>>, vector<16xi32>,
        %mul3A_318 = arith.constant 2 : i32
        %mul3A_319 = vector.broadcast %mul3A_318 : i32 to vector<16xi32>
        %mul3A_320 = arith.muli %get3A_317, %mul3A_319 : vector<16xi32>
        %add3A_321 = arith.constant 0 : i32
        %add3A_322 = vector.broadcast %add3A_321 : i32 to vector<16xi32>
        %add3A_323 = arith.addi %mul3A_320, %add3A_322 : vector<16xi32>
        %mul3A_324 = arith.constant 16 : i32
        %mul3A_325 = arith.muli %scan3A_312, %mul3A_324 : i32
        %add3A_326 = arith.constant 0 : i32
        %add3A_327 = arith.addi %add3A_326, %mul3A_325 : i32
        %swap3A_328 = arith.index_cast %add3A_327 : i32 to index
        %swap3A_329 = tpu.vector_load %arg7[%swap3A_328] {strides = array<i32>} : memref<1024xi32, #tpu.memory_space<vmem>>, vector<16xi32>,
        tpu.vector_store %arg7[%swap3A_328], %add3A_323 {strides = array<i32>} : memref<1024xi32, #tpu.memory_space<vmem>>, vector<16xi32>,
        %add3A_330 = arith.constant 1 : i32
        %add3A_331 = vector.broadcast %add3A_330 : i32 to vector<16xi32>
        %add3A_332 = arith.addi %mul3A_320, %add3A_331 : vector<16xi32>
        %mul3A_333 = arith.constant 16 : i32
        %mul3A_334 = arith.muli %scan3A_312, %mul3A_333 : i32
        %add3A_335 = arith.constant 512 : i32
        %add3A_336 = arith.addi %add3A_335, %mul3A_334 : i32
        %swap3A_337 = arith.index_cast %add3A_336 : i32 to index
        %swap3A_338 = tpu.vector_load %arg7[%swap3A_337] {strides = array<i32>} : memref<1024xi32, #tpu.memory_space<vmem>>, vector<16xi32>,
        tpu.vector_store %arg7[%swap3A_337], %add3A_332 {strides = array<i32>} : memref<1024xi32, #tpu.memory_space<vmem>>, vector<16xi32>,
        %scan3A_339 = arith.constant 3 : i32
        %scan3A_340 = arith.addi %scan3A_258, %scan3A_339 : i32
        %mul3A_341 = arith.constant 16 : i32
        %mul3A_342 = arith.muli %scan3A_340, %mul3A_341 : i32
        %get3A_343 = arith.index_cast %add3A_221 : i32 to index
        %get3A_344 = arith.index_cast %mul3A_342 : i32 to index
        %get3A_345 = tpu.vector_load %arg5[%get3A_343, %get3A_344] {strides = array<i32>} : memref<50x512xi32, #tpu.memory_space<vmem>>, vector<16xi32>,
        %mul3A_346 = arith.constant 2 : i32
        %mul3A_347 = vector.broadcast %mul3A_346 : i32 to vector<16xi32>
        %mul3A_348 = arith.muli %get3A_345, %mul3A_347 : vector<16xi32>
        %add3A_349 = arith.constant 0 : i32
        %add3A_350 = vector.broadcast %add3A_349 : i32 to vector<16xi32>
        %add3A_351 = arith.addi %mul3A_348, %add3A_350 : vector<16xi32>
        %mul3A_352 = arith.constant 16 : i32
        %mul3A_353 = arith.muli %scan3A_340, %mul3A_352 : i32
        %add3A_354 = arith.constant 0 : i32
        %add3A_355 = arith.addi %add3A_354, %mul3A_353 : i32
        %swap3A_356 = arith.index_cast %add3A_355 : i32 to index
        %swap3A_357 = tpu.vector_load %arg7[%swap3A_356] {strides = array<i32>} : memref<1024xi32, #tpu.memory_space<vmem>>, vector<16xi32>,
        tpu.vector_store %arg7[%swap3A_356], %add3A_351 {strides = array<i32>} : memref<1024xi32, #tpu.memory_space<vmem>>, vector<16xi32>,
        %add3A_358 = arith.constant 1 : i32
        %add3A_359 = vector.broadcast %add3A_358 : i32 to vector<16xi32>
        %add3A_360 = arith.addi %mul3A_348, %add3A_359 : vector<16xi32>
        %mul3A_361 = arith.constant 16 : i32
        %mul3A_362 = arith.muli %scan3A_340, %mul3A_361 : i32
        %add3A_363 = arith.constant 512 : i32
        %add3A_364 = arith.addi %add3A_363, %mul3A_362 : i32
        %swap3A_365 = arith.index_cast %add3A_364 : i32 to index
        %swap3A_366 = tpu.vector_load %arg7[%swap3A_365] {strides = array<i32>} : memref<1024xi32, #tpu.memory_space<vmem>>, vector<16xi32>,
        tpu.vector_store %arg7[%swap3A_365], %add3A_360 {strides = array<i32>} : memref<1024xi32, #tpu.memory_space<vmem>>, vector<16xi32>,
      }
      %scan3A_227 = arith.constant 32 : i32
      %dma_start3A_228 = arith.constant 0 : i32
      %dma_start3A_229 = arith.constant 0 : i32
      %dma_start3A_230 = tpu.memref_slice %arg2[%dma_start3A_228, %dma_start3A_229] : memref<2000000x16xf32, #tpu.memory_space<hbm>> -> memref<2000000x16xf32, #tpu.memory_space<hbm>>
      tpu.enqueue_indirect_dma source(%dma_start3A_230 : memref<2000000x16xf32, #tpu.memory_space<hbm>>) target(%arg10 : memref<1024x16xf32, #tpu.memory_space<vmem>>) offsets(%arg7 : memref<1024xi32, #tpu.memory_space<vmem>>) semaphore(%arg16 : memref<!tpu.dma_semaphore, #tpu.memory_space<semaphore_mem>>)
      %dma_wait3A_231 = arith.constant 0 : i32
      %dma_wait3A_232 = arith.constant 0 : i32
      %dma_wait3A_233 = tpu.memref_slice %arg2[%dma_wait3A_231, %dma_wait3A_232] : memref<2000000x16xf32, #tpu.memory_space<hbm>> -> memref<2000000x16xf32, #tpu.memory_space<hbm>>
      tpu.wait_indirect_dma semaphore(%arg17 : memref<!tpu.dma_semaphore, #tpu.memory_space<semaphore_mem>>) src(%dma_wait3A_233 : memref<2000000x16xf32, #tpu.memory_space<hbm>>) dst(%arg11 : memref<1024x16xf32, #tpu.memory_space<vmem>>)
      %ge3A_234 = arith.constant 1 : i32
      %ge3A_235 = arith.cmpi sge, %scan3A_134, %ge3A_234 : i32
      %convert_element_type3A_236 = arith.extui %ge3A_235 : i1 to i32
      %cond3A_237 = arith.constant 0 : i32
      %cond3A_238 = arith.cmpi ne, %convert_element_type3A_236, %cond3A_237 : i32
      scf.if %cond3A_238 {
        %dma_wait3A_258 = arith.constant 0 : i32
        %dma_wait3A_259 = arith.constant 0 : i32
        %dma_wait3A_260 = tpu.memref_slice %arg14[%dma_wait3A_258, %dma_wait3A_259] : memref<32x513xf32, #tpu.memory_space<vmem>> -> memref<32x512xf32, #tpu.memory_space<vmem>>
        %dma_wait3A_261 = arith.constant 0 : i32
        %dma_wait3A_262 = tpu.memref_slice %arg4[%add3A_219, %dma_wait3A_261, %mul3A_2] : memref<50x32x16384xf32, #tpu.memory_space<hbm>> -> memref<1x32x512xf32, #tpu.memory_space<hbm>>
        %dma_wait3A_263 = tpu.memref_squeeze %dma_wait3A_262 : memref<1x32x512xf32, #tpu.memory_space<hbm>> -> memref<32x512xf32, #tpu.memory_space<hbm>>
        %dma_wait3A_264 = arith.constant 0 : i32
        %dma_wait3A_265 = tpu.memref_slice %arg4[%add3A_219, %dma_wait3A_264, %mul3A_2] : memref<50x32x16384xf32, #tpu.memory_space<hbm>> -> memref<1x32x512xf32, #tpu.memory_space<hbm>>
        %dma_wait3A_266 = tpu.memref_squeeze %dma_wait3A_265 : memref<1x32x512xf32, #tpu.memory_space<hbm>> -> memref<32x512xf32, #tpu.memory_space<hbm>>
        %dma_wait3A_267 = arith.constant 0 : i32
        %dma_wait3A_268 = arith.constant 0 : i32
        %dma_wait3A_269 = tpu.memref_slice %arg14[%dma_wait3A_267, %dma_wait3A_268] : memref<32x513xf32, #tpu.memory_space<vmem>> -> memref<32x512xf32, #tpu.memory_space<vmem>>
        tpu.wait_dma2 semaphore(%arg20 : memref<!tpu.dma_semaphore, #tpu.memory_space<semaphore_mem>>) src(%dma_wait3A_269 : memref<32x512xf32, #tpu.memory_space<vmem>>) dst(%dma_wait3A_266 : memref<32x512xf32, #tpu.memory_space<hbm>>)
      } else {
      }
      %iota3A_239 = tpu.iota {dimensions = array<i32: 0>} : vector<16xi32>
      %scan3A_240 = arith.constant 0 : i32
      %scan3A_241 = arith.constant 0 : i32
      %scan3A_242 = arith.constant 64 : i32
      %scan3A_243 = arith.addi %scan3A_241, %scan3A_242 : i32
      %scan3A_244 = arith.constant 2 : i32
      scf.for %scan3A_258 = %scan3A_241 to %scan3A_243 step %scan3A_244  : i32 {
        %mul3A_259 = arith.constant 8 : i32
        %mul3A_260 = arith.muli %scan3A_258, %mul3A_259 : i32
        %add3A_261 = arith.constant 0 : i32
        %add3A_262 = arith.addi %mul3A_260, %add3A_261 : i32
        %broadcast_in_dim3A = vector.broadcast %add3A_262 : i32 to vector<16xi32>
        %add3A_263 = arith.constant 0 : i32
        %add3A_264 = arith.addi %add3A_263, %add3A_262 : i32
        %get3A = arith.index_cast %add3A_264 : i32 to index
        %get3A_265 = arith.constant 0 : index
        %get3A_266 = tpu.vector_load %arg11[%get3A, %get3A_265] {strides = array<i32>} : memref<1024x16xf32, #tpu.memory_space<vmem>>, vector<16xf32>,
        %add3A_267 = arith.constant 0 : i32
        %add3A_268 = vector.broadcast %add3A_267 : i32 to vector<16xi32>
        %add3A_269 = arith.addi %iota3A_239, %add3A_268 : vector<16xi32>
        tpu.vector_store_idx %arg14[%add3A_269, %broadcast_in_dim3A], %get3A_266 : memref<32x513xf32, #tpu.memory_space<vmem>>[vector<16xi32>, vector<16xi32>], vector<16xf32>,
        %add3A_270 = arith.constant 512 : i32
        %add3A_271 = arith.addi %add3A_270, %add3A_262 : i32
        %get3A_272 = arith.index_cast %add3A_271 : i32 to index
        %get3A_273 = arith.constant 0 : index
        %get3A_274 = tpu.vector_load %arg11[%get3A_272, %get3A_273] {strides = array<i32>} : memref<1024x16xf32, #tpu.memory_space<vmem>>, vector<16xf32>,
        %add3A_275 = arith.constant 16 : i32
        %add3A_276 = vector.broadcast %add3A_275 : i32 to vector<16xi32>
        %add3A_277 = arith.addi %iota3A_239, %add3A_276 : vector<16xi32>
        tpu.vector_store_idx %arg14[%add3A_277, %broadcast_in_dim3A], %get3A_274 : memref<32x513xf32, #tpu.memory_space<vmem>>[vector<16xi32>, vector<16xi32>], vector<16xf32>,
        %mul3A_278 = arith.constant 8 : i32
        %mul3A_279 = arith.muli %scan3A_258, %mul3A_278 : i32
        %add3A_280 = arith.constant 1 : i32
        %add3A_281 = arith.addi %mul3A_279, %add3A_280 : i32
        %broadcast_in_dim3A_282 = vector.broadcast %add3A_281 : i32 to vector<16xi32>
        %add3A_283 = arith.constant 0 : i32
        %add3A_284 = arith.addi %add3A_283, %add3A_281 : i32
        %get3A_285 = arith.index_cast %add3A_284 : i32 to index
        %get3A_286 = arith.constant 0 : index
        %get3A_287 = tpu.vector_load %arg11[%get3A_285, %get3A_286] {strides = array<i32>} : memref<1024x16xf32, #tpu.memory_space<vmem>>, vector<16xf32>,
        %add3A_288 = arith.constant 0 : i32
        %add3A_289 = vector.broadcast %add3A_288 : i32 to vector<16xi32>
        %add3A_290 = arith.addi %iota3A_239, %add3A_289 : vector<16xi32>
        tpu.vector_store_idx %arg14[%add3A_290, %broadcast_in_dim3A_282], %get3A_287 : memref<32x513xf32, #tpu.memory_space<vmem>>[vector<16xi32>, vector<16xi32>], vector<16xf32>,
        %add3A_291 = arith.constant 512 : i32
        %add3A_292 = arith.addi %add3A_291, %add3A_281 : i32
        %get3A_293 = arith.index_cast %add3A_292 : i32 to index
        %get3A_294 = arith.constant 0 : index
        %get3A_295 = tpu.vector_load %arg11[%get3A_293, %get3A_294] {strides = array<i32>} : memref<1024x16xf32, #tpu.memory_space<vmem>>, vector<16xf32>,
        %add3A_296 = arith.constant 16 : i32
        %add3A_297 = vector.broadcast %add3A_296 : i32 to vector<16xi32>
        %add3A_298 = arith.addi %iota3A_239, %add3A_297 : vector<16xi32>
        tpu.vector_store_idx %arg14[%add3A_298, %broadcast_in_dim3A_282], %get3A_295 : memref<32x513xf32, #tpu.memory_space<vmem>>[vector<16xi32>, vector<16xi32>], vector<16xf32>,
        %mul3A_299 = arith.constant 8 : i32
        %mul3A_300 = arith.muli %scan3A_258, %mul3A_299 : i32
        %add3A_301 = arith.constant 2 : i32
        %add3A_302 = arith.addi %mul3A_300, %add3A_301 : i32
        %broadcast_in_dim3A_303 = vector.broadcast %add3A_302 : i32 to vector<16xi32>
        %add3A_304 = arith.constant 0 : i32
        %add3A_305 = arith.addi %add3A_304, %add3A_302 : i32
        %get3A_306 = arith.index_cast %add3A_305 : i32 to index
        %get3A_307 = arith.constant 0 : index
        %get3A_308 = tpu.vector_load %arg11[%get3A_306, %get3A_307] {strides = array<i32>} : memref<1024x16xf32, #tpu.memory_space<vmem>>, vector<16xf32>,
        %add3A_309 = arith.constant 0 : i32
        %add3A_310 = vector.broadcast %add3A_309 : i32 to vector<16xi32>
        %add3A_311 = arith.addi %iota3A_239, %add3A_310 : vector<16xi32>
        tpu.vector_store_idx %arg14[%add3A_311, %broadcast_in_dim3A_303], %get3A_308 : memref<32x513xf32, #tpu.memory_space<vmem>>[vector<16xi32>, vector<16xi32>], vector<16xf32>,
        %add3A_312 = arith.constant 512 : i32
        %add3A_313 = arith.addi %add3A_312, %add3A_302 : i32
        %get3A_314 = arith.index_cast %add3A_313 : i32 to index
        %get3A_315 = arith.constant 0 : index
        %get3A_316 = tpu.vector_load %arg11[%get3A_314, %get3A_315] {strides = array<i32>} : memref<1024x16xf32, #tpu.memory_space<vmem>>, vector<16xf32>,
        %add3A_317 = arith.constant 16 : i32
        %add3A_318 = vector.broadcast %add3A_317 : i32 to vector<16xi32>
        %add3A_319 = arith.addi %iota3A_239, %add3A_318 : vector<16xi32>
        tpu.vector_store_idx %arg14[%add3A_319, %broadcast_in_dim3A_303], %get3A_316 : memref<32x513xf32, #tpu.memory_space<vmem>>[vector<16xi32>, vector<16xi32>], vector<16xf32>,
        %mul3A_320 = arith.constant 8 : i32
        %mul3A_321 = arith.muli %scan3A_258, %mul3A_320 : i32
        %add3A_322 = arith.constant 3 : i32
        %add3A_323 = arith.addi %mul3A_321, %add3A_322 : i32
        %broadcast_in_dim3A_324 = vector.broadcast %add3A_323 : i32 to vector<16xi32>
        %add3A_325 = arith.constant 0 : i32
        %add3A_326 = arith.addi %add3A_325, %add3A_323 : i32
        %get3A_327 = arith.index_cast %add3A_326 : i32 to index
        %get3A_328 = arith.constant 0 : index
        %get3A_329 = tpu.vector_load %arg11[%get3A_327, %get3A_328] {strides = array<i32>} : memref<1024x16xf32, #tpu.memory_space<vmem>>, vector<16xf32>,
        %add3A_330 = arith.constant 0 : i32
        %add3A_331 = vector.broadcast %add3A_330 : i32 to vector<16xi32>
        %add3A_332 = arith.addi %iota3A_239, %add3A_331 : vector<16xi32>
        tpu.vector_store_idx %arg14[%add3A_332, %broadcast_in_dim3A_324], %get3A_329 : memref<32x513xf32, #tpu.memory_space<vmem>>[vector<16xi32>, vector<16xi32>], vector<16xf32>,
        %add3A_333 = arith.constant 512 : i32
        %add3A_334 = arith.addi %add3A_333, %add3A_323 : i32
        %get3A_335 = arith.index_cast %add3A_334 : i32 to index
        %get3A_336 = arith.constant 0 : index
        %get3A_337 = tpu.vector_load %arg11[%get3A_335, %get3A_336] {strides = array<i32>} : memref<1024x16xf32, #tpu.memory_space<vmem>>, vector<16xf32>,
        %add3A_338 = arith.constant 16 : i32
        %add3A_339 = vector.broadcast %add3A_338 : i32 to vector<16xi32>
        %add3A_340 = arith.addi %iota3A_239, %add3A_339 : vector<16xi32>
        tpu.vector_store_idx %arg14[%add3A_340, %broadcast_in_dim3A_324], %get3A_337 : memref<32x513xf32, #tpu.memory_space<vmem>>[vector<16xi32>, vector<16xi32>], vector<16xf32>,
        %mul3A_341 = arith.constant 8 : i32
        %mul3A_342 = arith.muli %scan3A_258, %mul3A_341 : i32
        %add3A_343 = arith.constant 4 : i32
        %add3A_344 = arith.addi %mul3A_342, %add3A_343 : i32
        %broadcast_in_dim3A_345 = vector.broadcast %add3A_344 : i32 to vector<16xi32>
        %add3A_346 = arith.constant 0 : i32
        %add3A_347 = arith.addi %add3A_346, %add3A_344 : i32
        %get3A_348 = arith.index_cast %add3A_347 : i32 to index
        %get3A_349 = arith.constant 0 : index
        %get3A_350 = tpu.vector_load %arg11[%get3A_348, %get3A_349] {strides = array<i32>} : memref<1024x16xf32, #tpu.memory_space<vmem>>, vector<16xf32>,
        %add3A_351 = arith.constant 0 : i32
        %add3A_352 = vector.broadcast %add3A_351 : i32 to vector<16xi32>
        %add3A_353 = arith.addi %iota3A_239, %add3A_352 : vector<16xi32>
        tpu.vector_store_idx %arg14[%add3A_353, %broadcast_in_dim3A_345], %get3A_350 : memref<32x513xf32, #tpu.memory_space<vmem>>[vector<16xi32>, vector<16xi32>], vector<16xf32>,
        %add3A_354 = arith.constant 512 : i32
        %add3A_355 = arith.addi %add3A_354, %add3A_344 : i32
        %get3A_356 = arith.index_cast %add3A_355 : i32 to index
        %get3A_357 = arith.constant 0 : index
        %get3A_358 = tpu.vector_load %arg11[%get3A_356, %get3A_357] {strides = array<i32>} : memref<1024x16xf32, #tpu.memory_space<vmem>>, vector<16xf32>,
        %add3A_359 = arith.constant 16 : i32
        %add3A_360 = vector.broadcast %add3A_359 : i32 to vector<16xi32>
        %add3A_361 = arith.addi %iota3A_239, %add3A_360 : vector<16xi32>
        tpu.vector_store_idx %arg14[%add3A_361, %broadcast_in_dim3A_345], %get3A_358 : memref<32x513xf32, #tpu.memory_space<vmem>>[vector<16xi32>, vector<16xi32>], vector<16xf32>,
        %mul3A_362 = arith.constant 8 : i32
        %mul3A_363 = arith.muli %scan3A_258, %mul3A_362 : i32
        %add3A_364 = arith.constant 5 : i32
        %add3A_365 = arith.addi %mul3A_363, %add3A_364 : i32
        %broadcast_in_dim3A_366 = vector.broadcast %add3A_365 : i32 to vector<16xi32>
        %add3A_367 = arith.constant 0 : i32
        %add3A_368 = arith.addi %add3A_367, %add3A_365 : i32
        %get3A_369 = arith.index_cast %add3A_368 : i32 to index
        %get3A_370 = arith.constant 0 : index
        %get3A_371 = tpu.vector_load %arg11[%get3A_369, %get3A_370] {strides = array<i32>} : memref<1024x16xf32, #tpu.memory_space<vmem>>, vector<16xf32>,
        %add3A_372 = arith.constant 0 : i32
        %add3A_373 = vector.broadcast %add3A_372 : i32 to vector<16xi32>
        %add3A_374 = arith.addi %iota3A_239, %add3A_373 : vector<16xi32>
        tpu.vector_store_idx %arg14[%add3A_374, %broadcast_in_dim3A_366], %get3A_371 : memref<32x513xf32, #tpu.memory_space<vmem>>[vector<16xi32>, vector<16xi32>], vector<16xf32>,
        %add3A_375 = arith.constant 512 : i32
        %add3A_376 = arith.addi %add3A_375, %add3A_365 : i32
        %get3A_377 = arith.index_cast %add3A_376 : i32 to index
        %get3A_378 = arith.constant 0 : index
        %get3A_379 = tpu.vector_load %arg11[%get3A_377, %get3A_378] {strides = array<i32>} : memref<1024x16xf32, #tpu.memory_space<vmem>>, vector<16xf32>,
        %add3A_380 = arith.constant 16 : i32
        %add3A_381 = vector.broadcast %add3A_380 : i32 to vector<16xi32>
        %add3A_382 = arith.addi %iota3A_239, %add3A_381 : vector<16xi32>
        tpu.vector_store_idx %arg14[%add3A_382, %broadcast_in_dim3A_366], %get3A_379 : memref<32x513xf32, #tpu.memory_space<vmem>>[vector<16xi32>, vector<16xi32>], vector<16xf32>,
        %mul3A_383 = arith.constant 8 : i32
        %mul3A_384 = arith.muli %scan3A_258, %mul3A_383 : i32
        %add3A_385 = arith.constant 6 : i32
        %add3A_386 = arith.addi %mul3A_384, %add3A_385 : i32
        %broadcast_in_dim3A_387 = vector.broadcast %add3A_386 : i32 to vector<16xi32>
        %add3A_388 = arith.constant 0 : i32
        %add3A_389 = arith.addi %add3A_388, %add3A_386 : i32
        %get3A_390 = arith.index_cast %add3A_389 : i32 to index
        %get3A_391 = arith.constant 0 : index
        %get3A_392 = tpu.vector_load %arg11[%get3A_390, %get3A_391] {strides = array<i32>} : memref<1024x16xf32, #tpu.memory_space<vmem>>, vector<16xf32>,
        %add3A_393 = arith.constant 0 : i32
        %add3A_394 = vector.broadcast %add3A_393 : i32 to vector<16xi32>
        %add3A_395 = arith.addi %iota3A_239, %add3A_394 : vector<16xi32>
        tpu.vector_store_idx %arg14[%add3A_395, %broadcast_in_dim3A_387], %get3A_392 : memref<32x513xf32, #tpu.memory_space<vmem>>[vector<16xi32>, vector<16xi32>], vector<16xf32>,
        %add3A_396 = arith.constant 512 : i32
        %add3A_397 = arith.addi %add3A_396, %add3A_386 : i32
        %get3A_398 = arith.index_cast %add3A_397 : i32 to index
        %get3A_399 = arith.constant 0 : index
        %get3A_400 = tpu.vector_load %arg11[%get3A_398, %get3A_399] {strides = array<i32>} : memref<1024x16xf32, #tpu.memory_space<vmem>>, vector<16xf32>,
        %add3A_401 = arith.constant 16 : i32
        %add3A_402 = vector.broadcast %add3A_401 : i32 to vector<16xi32>
        %add3A_403 = arith.addi %iota3A_239, %add3A_402 : vector<16xi32>
        tpu.vector_store_idx %arg14[%add3A_403, %broadcast_in_dim3A_387], %get3A_400 : memref<32x513xf32, #tpu.memory_space<vmem>>[vector<16xi32>, vector<16xi32>], vector<16xf32>,
        %mul3A_404 = arith.constant 8 : i32
        %mul3A_405 = arith.muli %scan3A_258, %mul3A_404 : i32
        %add3A_406 = arith.constant 7 : i32
        %add3A_407 = arith.addi %mul3A_405, %add3A_406 : i32
        %broadcast_in_dim3A_408 = vector.broadcast %add3A_407 : i32 to vector<16xi32>
        %add3A_409 = arith.constant 0 : i32
        %add3A_410 = arith.addi %add3A_409, %add3A_407 : i32
        %get3A_411 = arith.index_cast %add3A_410 : i32 to index
        %get3A_412 = arith.constant 0 : index
        %get3A_413 = tpu.vector_load %arg11[%get3A_411, %get3A_412] {strides = array<i32>} : memref<1024x16xf32, #tpu.memory_space<vmem>>, vector<16xf32>,
        %add3A_414 = arith.constant 0 : i32
        %add3A_415 = vector.broadcast %add3A_414 : i32 to vector<16xi32>
        %add3A_416 = arith.addi %iota3A_239, %add3A_415 : vector<16xi32>
        tpu.vector_store_idx %arg14[%add3A_416, %broadcast_in_dim3A_408], %get3A_413 : memref<32x513xf32, #tpu.memory_space<vmem>>[vector<16xi32>, vector<16xi32>], vector<16xf32>,
        %add3A_417 = arith.constant 512 : i32
        %add3A_418 = arith.addi %add3A_417, %add3A_407 : i32
        %get3A_419 = arith.index_cast %add3A_418 : i32 to index
        %get3A_420 = arith.constant 0 : index
        %get3A_421 = tpu.vector_load %arg11[%get3A_419, %get3A_420] {strides = array<i32>} : memref<1024x16xf32, #tpu.memory_space<vmem>>, vector<16xf32>,
        %add3A_422 = arith.constant 16 : i32
        %add3A_423 = vector.broadcast %add3A_422 : i32 to vector<16xi32>
        %add3A_424 = arith.addi %iota3A_239, %add3A_423 : vector<16xi32>
        tpu.vector_store_idx %arg14[%add3A_424, %broadcast_in_dim3A_408], %get3A_421 : memref<32x513xf32, #tpu.memory_space<vmem>>[vector<16xi32>, vector<16xi32>], vector<16xf32>,
        %scan3A_425 = arith.constant 1 : i32
        %scan3A_426 = arith.addi %scan3A_258, %scan3A_425 : i32
        %mul3A_427 = arith.constant 8 : i32
        %mul3A_428 = arith.muli %scan3A_426, %mul3A_427 : i32
        %add3A_429 = arith.constant 0 : i32
        %add3A_430 = arith.addi %mul3A_428, %add3A_429 : i32
        %broadcast_in_dim3A_431 = vector.broadcast %add3A_430 : i32 to vector<16xi32>
        %add3A_432 = arith.constant 0 : i32
        %add3A_433 = arith.addi %add3A_432, %add3A_430 : i32
        %get3A_434 = arith.index_cast %add3A_433 : i32 to index
        %get3A_435 = arith.constant 0 : index
        %get3A_436 = tpu.vector_load %arg11[%get3A_434, %get3A_435] {strides = array<i32>} : memref<1024x16xf32, #tpu.memory_space<vmem>>, vector<16xf32>,
        %add3A_437 = arith.constant 0 : i32
        %add3A_438 = vector.broadcast %add3A_437 : i32 to vector<16xi32>
        %add3A_439 = arith.addi %iota3A_239, %add3A_438 : vector<16xi32>
        tpu.vector_store_idx %arg14[%add3A_439, %broadcast_in_dim3A_431], %get3A_436 : memref<32x513xf32, #tpu.memory_space<vmem>>[vector<16xi32>, vector<16xi32>], vector<16xf32>,
        %add3A_440 = arith.constant 512 : i32
        %add3A_441 = arith.addi %add3A_440, %add3A_430 : i32
        %get3A_442 = arith.index_cast %add3A_441 : i32 to index
        %get3A_443 = arith.constant 0 : index
        %get3A_444 = tpu.vector_load %arg11[%get3A_442, %get3A_443] {strides = array<i32>} : memref<1024x16xf32, #tpu.memory_space<vmem>>, vector<16xf32>,
        %add3A_445 = arith.constant 16 : i32
        %add3A_446 = vector.broadcast %add3A_445 : i32 to vector<16xi32>
        %add3A_447 = arith.addi %iota3A_239, %add3A_446 : vector<16xi32>
        tpu.vector_store_idx %arg14[%add3A_447, %broadcast_in_dim3A_431], %get3A_444 : memref<32x513xf32, #tpu.memory_space<vmem>>[vector<16xi32>, vector<16xi32>], vector<16xf32>,
        %mul3A_448 = arith.constant 8 : i32
        %mul3A_449 = arith.muli %scan3A_426, %mul3A_448 : i32
        %add3A_450 = arith.constant 1 : i32
        %add3A_451 = arith.addi %mul3A_449, %add3A_450 : i32
        %broadcast_in_dim3A_452 = vector.broadcast %add3A_451 : i32 to vector<16xi32>
        %add3A_453 = arith.constant 0 : i32
        %add3A_454 = arith.addi %add3A_453, %add3A_451 : i32
        %get3A_455 = arith.index_cast %add3A_454 : i32 to index
        %get3A_456 = arith.constant 0 : index
        %get3A_457 = tpu.vector_load %arg11[%get3A_455, %get3A_456] {strides = array<i32>} : memref<1024x16xf32, #tpu.memory_space<vmem>>, vector<16xf32>,
        %add3A_458 = arith.constant 0 : i32
        %add3A_459 = vector.broadcast %add3A_458 : i32 to vector<16xi32>
        %add3A_460 = arith.addi %iota3A_239, %add3A_459 : vector<16xi32>
        tpu.vector_store_idx %arg14[%add3A_460, %broadcast_in_dim3A_452], %get3A_457 : memref<32x513xf32, #tpu.memory_space<vmem>>[vector<16xi32>, vector<16xi32>], vector<16xf32>,
        %add3A_461 = arith.constant 512 : i32
        %add3A_462 = arith.addi %add3A_461, %add3A_451 : i32
        %get3A_463 = arith.index_cast %add3A_462 : i32 to index
        %get3A_464 = arith.constant 0 : index
        %get3A_465 = tpu.vector_load %arg11[%get3A_463, %get3A_464] {strides = array<i32>} : memref<1024x16xf32, #tpu.memory_space<vmem>>, vector<16xf32>,
        %add3A_466 = arith.constant 16 : i32
        %add3A_467 = vector.broadcast %add3A_466 : i32 to vector<16xi32>
        %add3A_468 = arith.addi %iota3A_239, %add3A_467 : vector<16xi32>
        tpu.vector_store_idx %arg14[%add3A_468, %broadcast_in_dim3A_452], %get3A_465 : memref<32x513xf32, #tpu.memory_space<vmem>>[vector<16xi32>, vector<16xi32>], vector<16xf32>,
        %mul3A_469 = arith.constant 8 : i32
        %mul3A_470 = arith.muli %scan3A_426, %mul3A_469 : i32
        %add3A_471 = arith.constant 2 : i32
        %add3A_472 = arith.addi %mul3A_470, %add3A_471 : i32
        %broadcast_in_dim3A_473 = vector.broadcast %add3A_472 : i32 to vector<16xi32>
        %add3A_474 = arith.constant 0 : i32
        %add3A_475 = arith.addi %add3A_474, %add3A_472 : i32
        %get3A_476 = arith.index_cast %add3A_475 : i32 to index
        %get3A_477 = arith.constant 0 : index
        %get3A_478 = tpu.vector_load %arg11[%get3A_476, %get3A_477] {strides = array<i32>} : memref<1024x16xf32, #tpu.memory_space<vmem>>, vector<16xf32>,
        %add3A_479 = arith.constant 0 : i32
        %add3A_480 = vector.broadcast %add3A_479 : i32 to vector<16xi32>
        %add3A_481 = arith.addi %iota3A_239, %add3A_480 : vector<16xi32>
        tpu.vector_store_idx %arg14[%add3A_481, %broadcast_in_dim3A_473], %get3A_478 : memref<32x513xf32, #tpu.memory_space<vmem>>[vector<16xi32>, vector<16xi32>], vector<16xf32>,
        %add3A_482 = arith.constant 512 : i32
        %add3A_483 = arith.addi %add3A_482, %add3A_472 : i32
        %get3A_484 = arith.index_cast %add3A_483 : i32 to index
        %get3A_485 = arith.constant 0 : index
        %get3A_486 = tpu.vector_load %arg11[%get3A_484, %get3A_485] {strides = array<i32>} : memref<1024x16xf32, #tpu.memory_space<vmem>>, vector<16xf32>,
        %add3A_487 = arith.constant 16 : i32
        %add3A_488 = vector.broadcast %add3A_487 : i32 to vector<16xi32>
        %add3A_489 = arith.addi %iota3A_239, %add3A_488 : vector<16xi32>
        tpu.vector_store_idx %arg14[%add3A_489, %broadcast_in_dim3A_473], %get3A_486 : memref<32x513xf32, #tpu.memory_space<vmem>>[vector<16xi32>, vector<16xi32>], vector<16xf32>,
        %mul3A_490 = arith.constant 8 : i32
        %mul3A_491 = arith.muli %scan3A_426, %mul3A_490 : i32
        %add3A_492 = arith.constant 3 : i32
        %add3A_493 = arith.addi %mul3A_491, %add3A_492 : i32
        %broadcast_in_dim3A_494 = vector.broadcast %add3A_493 : i32 to vector<16xi32>
        %add3A_495 = arith.constant 0 : i32
        %add3A_496 = arith.addi %add3A_495, %add3A_493 : i32
        %get3A_497 = arith.index_cast %add3A_496 : i32 to index
        %get3A_498 = arith.constant 0 : index
        %get3A_499 = tpu.vector_load %arg11[%get3A_497, %get3A_498] {strides = array<i32>} : memref<1024x16xf32, #tpu.memory_space<vmem>>, vector<16xf32>,
        %add3A_500 = arith.constant 0 : i32
        %add3A_501 = vector.broadcast %add3A_500 : i32 to vector<16xi32>
        %add3A_502 = arith.addi %iota3A_239, %add3A_501 : vector<16xi32>
        tpu.vector_store_idx %arg14[%add3A_502, %broadcast_in_dim3A_494], %get3A_499 : memref<32x513xf32, #tpu.memory_space<vmem>>[vector<16xi32>, vector<16xi32>], vector<16xf32>,
        %add3A_503 = arith.constant 512 : i32
        %add3A_504 = arith.addi %add3A_503, %add3A_493 : i32
        %get3A_505 = arith.index_cast %add3A_504 : i32 to index
        %get3A_506 = arith.constant 0 : index
        %get3A_507 = tpu.vector_load %arg11[%get3A_505, %get3A_506] {strides = array<i32>} : memref<1024x16xf32, #tpu.memory_space<vmem>>, vector<16xf32>,
        %add3A_508 = arith.constant 16 : i32
        %add3A_509 = vector.broadcast %add3A_508 : i32 to vector<16xi32>
        %add3A_510 = arith.addi %iota3A_239, %add3A_509 : vector<16xi32>
        tpu.vector_store_idx %arg14[%add3A_510, %broadcast_in_dim3A_494], %get3A_507 : memref<32x513xf32, #tpu.memory_space<vmem>>[vector<16xi32>, vector<16xi32>], vector<16xf32>,
        %mul3A_511 = arith.constant 8 : i32
        %mul3A_512 = arith.muli %scan3A_426, %mul3A_511 : i32
        %add3A_513 = arith.constant 4 : i32
        %add3A_514 = arith.addi %mul3A_512, %add3A_513 : i32
        %broadcast_in_dim3A_515 = vector.broadcast %add3A_514 : i32 to vector<16xi32>
        %add3A_516 = arith.constant 0 : i32
        %add3A_517 = arith.addi %add3A_516, %add3A_514 : i32
        %get3A_518 = arith.index_cast %add3A_517 : i32 to index
        %get3A_519 = arith.constant 0 : index
        %get3A_520 = tpu.vector_load %arg11[%get3A_518, %get3A_519] {strides = array<i32>} : memref<1024x16xf32, #tpu.memory_space<vmem>>, vector<16xf32>,
        %add3A_521 = arith.constant 0 : i32
        %add3A_522 = vector.broadcast %add3A_521 : i32 to vector<16xi32>
        %add3A_523 = arith.addi %iota3A_239, %add3A_522 : vector<16xi32>
        tpu.vector_store_idx %arg14[%add3A_523, %broadcast_in_dim3A_515], %get3A_520 : memref<32x513xf32, #tpu.memory_space<vmem>>[vector<16xi32>, vector<16xi32>], vector<16xf32>,
        %add3A_524 = arith.constant 512 : i32
        %add3A_525 = arith.addi %add3A_524, %add3A_514 : i32
        %get3A_526 = arith.index_cast %add3A_525 : i32 to index
        %get3A_527 = arith.constant 0 : index
        %get3A_528 = tpu.vector_load %arg11[%get3A_526, %get3A_527] {strides = array<i32>} : memref<1024x16xf32, #tpu.memory_space<vmem>>, vector<16xf32>,
        %add3A_529 = arith.constant 16 : i32
        %add3A_530 = vector.broadcast %add3A_529 : i32 to vector<16xi32>
        %add3A_531 = arith.addi %iota3A_239, %add3A_530 : vector<16xi32>
        tpu.vector_store_idx %arg14[%add3A_531, %broadcast_in_dim3A_515], %get3A_528 : memref<32x513xf32, #tpu.memory_space<vmem>>[vector<16xi32>, vector<16xi32>], vector<16xf32>,
        %mul3A_532 = arith.constant 8 : i32
        %mul3A_533 = arith.muli %scan3A_426, %mul3A_532 : i32
        %add3A_534 = arith.constant 5 : i32
        %add3A_535 = arith.addi %mul3A_533, %add3A_534 : i32
        %broadcast_in_dim3A_536 = vector.broadcast %add3A_535 : i32 to vector<16xi32>
        %add3A_537 = arith.constant 0 : i32
        %add3A_538 = arith.addi %add3A_537, %add3A_535 : i32
        %get3A_539 = arith.index_cast %add3A_538 : i32 to index
        %get3A_540 = arith.constant 0 : index
        %get3A_541 = tpu.vector_load %arg11[%get3A_539, %get3A_540] {strides = array<i32>} : memref<1024x16xf32, #tpu.memory_space<vmem>>, vector<16xf32>,
        %add3A_542 = arith.constant 0 : i32
        %add3A_543 = vector.broadcast %add3A_542 : i32 to vector<16xi32>
        %add3A_544 = arith.addi %iota3A_239, %add3A_543 : vector<16xi32>
        tpu.vector_store_idx %arg14[%add3A_544, %broadcast_in_dim3A_536], %get3A_541 : memref<32x513xf32, #tpu.memory_space<vmem>>[vector<16xi32>, vector<16xi32>], vector<16xf32>,
        %add3A_545 = arith.constant 512 : i32
        %add3A_546 = arith.addi %add3A_545, %add3A_535 : i32
        %get3A_547 = arith.index_cast %add3A_546 : i32 to index
        %get3A_548 = arith.constant 0 : index
        %get3A_549 = tpu.vector_load %arg11[%get3A_547, %get3A_548] {strides = array<i32>} : memref<1024x16xf32, #tpu.memory_space<vmem>>, vector<16xf32>,
        %add3A_550 = arith.constant 16 : i32
        %add3A_551 = vector.broadcast %add3A_550 : i32 to vector<16xi32>
        %add3A_552 = arith.addi %iota3A_239, %add3A_551 : vector<16xi32>
        tpu.vector_store_idx %arg14[%add3A_552, %broadcast_in_dim3A_536], %get3A_549 : memref<32x513xf32, #tpu.memory_space<vmem>>[vector<16xi32>, vector<16xi32>], vector<16xf32>,
        %mul3A_553 = arith.constant 8 : i32
        %mul3A_554 = arith.muli %scan3A_426, %mul3A_553 : i32
        %add3A_555 = arith.constant 6 : i32
        %add3A_556 = arith.addi %mul3A_554, %add3A_555 : i32
        %broadcast_in_dim3A_557 = vector.broadcast %add3A_556 : i32 to vector<16xi32>
        %add3A_558 = arith.constant 0 : i32
        %add3A_559 = arith.addi %add3A_558, %add3A_556 : i32
        %get3A_560 = arith.index_cast %add3A_559 : i32 to index
        %get3A_561 = arith.constant 0 : index
        %get3A_562 = tpu.vector_load %arg11[%get3A_560, %get3A_561] {strides = array<i32>} : memref<1024x16xf32, #tpu.memory_space<vmem>>, vector<16xf32>,
        %add3A_563 = arith.constant 0 : i32
        %add3A_564 = vector.broadcast %add3A_563 : i32 to vector<16xi32>
        %add3A_565 = arith.addi %iota3A_239, %add3A_564 : vector<16xi32>
        tpu.vector_store_idx %arg14[%add3A_565, %broadcast_in_dim3A_557], %get3A_562 : memref<32x513xf32, #tpu.memory_space<vmem>>[vector<16xi32>, vector<16xi32>], vector<16xf32>,
        %add3A_566 = arith.constant 512 : i32
        %add3A_567 = arith.addi %add3A_566, %add3A_556 : i32
        %get3A_568 = arith.index_cast %add3A_567 : i32 to index
        %get3A_569 = arith.constant 0 : index
        %get3A_570 = tpu.vector_load %arg11[%get3A_568, %get3A_569] {strides = array<i32>} : memref<1024x16xf32, #tpu.memory_space<vmem>>, vector<16xf32>,
        %add3A_571 = arith.constant 16 : i32
        %add3A_572 = vector.broadcast %add3A_571 : i32 to vector<16xi32>
        %add3A_573 = arith.addi %iota3A_239, %add3A_572 : vector<16xi32>
        tpu.vector_store_idx %arg14[%add3A_573, %broadcast_in_dim3A_557], %get3A_570 : memref<32x513xf32, #tpu.memory_space<vmem>>[vector<16xi32>, vector<16xi32>], vector<16xf32>,
        %mul3A_574 = arith.constant 8 : i32
        %mul3A_575 = arith.muli %scan3A_426, %mul3A_574 : i32
        %add3A_576 = arith.constant 7 : i32
        %add3A_577 = arith.addi %mul3A_575, %add3A_576 : i32
        %broadcast_in_dim3A_578 = vector.broadcast %add3A_577 : i32 to vector<16xi32>
        %add3A_579 = arith.constant 0 : i32
        %add3A_580 = arith.addi %add3A_579, %add3A_577 : i32
        %get3A_581 = arith.index_cast %add3A_580 : i32 to index
        %get3A_582 = arith.constant 0 : index
        %get3A_583 = tpu.vector_load %arg11[%get3A_581, %get3A_582] {strides = array<i32>} : memref<1024x16xf32, #tpu.memory_space<vmem>>, vector<16xf32>,
        %add3A_584 = arith.constant 0 : i32
        %add3A_585 = vector.broadcast %add3A_584 : i32 to vector<16xi32>
        %add3A_586 = arith.addi %iota3A_239, %add3A_585 : vector<16xi32>
        tpu.vector_store_idx %arg14[%add3A_586, %broadcast_in_dim3A_578], %get3A_583 : memref<32x513xf32, #tpu.memory_space<vmem>>[vector<16xi32>, vector<16xi32>], vector<16xf32>,
        %add3A_587 = arith.constant 512 : i32
        %add3A_588 = arith.addi %add3A_587, %add3A_577 : i32
        %get3A_589 = arith.index_cast %add3A_588 : i32 to index
        %get3A_590 = arith.constant 0 : index
        %get3A_591 = tpu.vector_load %arg11[%get3A_589, %get3A_590] {strides = array<i32>} : memref<1024x16xf32, #tpu.memory_space<vmem>>, vector<16xf32>,
        %add3A_592 = arith.constant 16 : i32
        %add3A_593 = vector.broadcast %add3A_592 : i32 to vector<16xi32>
        %add3A_594 = arith.addi %iota3A_239, %add3A_593 : vector<16xi32>
        tpu.vector_store_idx %arg14[%add3A_594, %broadcast_in_dim3A_578], %get3A_591 : memref<32x513xf32, #tpu.memory_space<vmem>>[vector<16xi32>, vector<16xi32>], vector<16xf32>,
      }
      %scan3A_245 = arith.constant 64 : i32
      %dma_start3A_246 = arith.constant 0 : i32
      %dma_start3A_247 = arith.constant 0 : i32
      %dma_start3A_248 = tpu.memref_slice %arg14[%dma_start3A_246, %dma_start3A_247] : memref<32x513xf32, #tpu.memory_space<vmem>> -> memref<32x512xf32, #tpu.memory_space<vmem>>
      %dma_start3A_249 = arith.constant 0 : i32
      %dma_start3A_250 = tpu.memref_slice %arg4[%add3A_219, %dma_start3A_249, %mul3A_2] : memref<50x32x16384xf32, #tpu.memory_space<hbm>> -> memref<1x32x512xf32, #tpu.memory_space<hbm>>
      %dma_start3A_251 = tpu.memref_squeeze %dma_start3A_250 : memref<1x32x512xf32, #tpu.memory_space<hbm>> -> memref<32x512xf32, #tpu.memory_space<hbm>>
      %dma_start3A_252 = arith.constant 0 : i32
      %dma_start3A_253 = tpu.memref_slice %arg4[%add3A_219, %dma_start3A_252, %mul3A_2] : memref<50x32x16384xf32, #tpu.memory_space<hbm>> -> memref<1x32x512xf32, #tpu.memory_space<hbm>>
      %dma_start3A_254 = tpu.memref_squeeze %dma_start3A_253 : memref<1x32x512xf32, #tpu.memory_space<hbm>> -> memref<32x512xf32, #tpu.memory_space<hbm>>
      %dma_start3A_255 = arith.constant 0 : i32
      %dma_start3A_256 = arith.constant 0 : i32
      %dma_start3A_257 = tpu.memref_slice %arg14[%dma_start3A_255, %dma_start3A_256] : memref<32x513xf32, #tpu.memory_space<vmem>> -> memref<32x512xf32, #tpu.memory_space<vmem>>
      tpu.enqueue_dma source(%dma_start3A_257 : memref<32x512xf32, #tpu.memory_space<vmem>>) target(%dma_start3A_254 : memref<32x512xf32, #tpu.memory_space<hbm>>) target_semaphore(%arg20 : memref<!tpu.dma_semaphore, #tpu.memory_space<semaphore_mem>>)
    }
    %scan3A_24 = arith.constant 16 : i32
    %dma_wait3A = arith.constant 0 : i32
    %dma_wait3A_25 = arith.constant 0 : i32
    %dma_wait3A_26 = tpu.memref_slice %arg2[%dma_wait3A, %dma_wait3A_25] : memref<2000000x16xf32, #tpu.memory_space<hbm>> -> memref<2000000x16xf32, #tpu.memory_space<hbm>>
    tpu.wait_indirect_dma semaphore(%arg15 : memref<!tpu.dma_semaphore, #tpu.memory_space<semaphore_mem>>) src(%dma_wait3A_26 : memref<2000000x16xf32, #tpu.memory_space<hbm>>) dst(%arg9 : memref<1024x16xf32, #tpu.memory_space<vmem>>)
    %dma_wait3A_27 = arith.constant 48 : i32
    %dma_wait3A_28 = arith.constant 0 : i32
    %dma_wait3A_29 = arith.constant 0 : i32
    %dma_wait3A_30 = tpu.memref_slice %arg12[%dma_wait3A_28, %dma_wait3A_29] : memref<32x513xf32, #tpu.memory_space<vmem>> -> memref<32x512xf32, #tpu.memory_space<vmem>>
    %dma_wait3A_31 = arith.constant 0 : i32
    %dma_wait3A_32 = tpu.memref_slice %arg4[%dma_wait3A_27, %dma_wait3A_31, %mul3A_2] : memref<50x32x16384xf32, #tpu.memory_space<hbm>> -> memref<1x32x512xf32, #tpu.memory_space<hbm>>
    %dma_wait3A_33 = tpu.memref_squeeze %dma_wait3A_32 : memref<1x32x512xf32, #tpu.memory_space<hbm>> -> memref<32x512xf32, #tpu.memory_space<hbm>>
    %dma_wait3A_34 = arith.constant 0 : i32
    %dma_wait3A_35 = tpu.memref_slice %arg4[%dma_wait3A_27, %dma_wait3A_34, %mul3A_2] : memref<50x32x16384xf32, #tpu.memory_space<hbm>> -> memref<1x32x512xf32, #tpu.memory_space<hbm>>
    %dma_wait3A_36 = tpu.memref_squeeze %dma_wait3A_35 : memref<1x32x512xf32, #tpu.memory_space<hbm>> -> memref<32x512xf32, #tpu.memory_space<hbm>>
    %dma_wait3A_37 = arith.constant 0 : i32
    %dma_wait3A_38 = arith.constant 0 : i32
    %dma_wait3A_39 = tpu.memref_slice %arg12[%dma_wait3A_37, %dma_wait3A_38] : memref<32x513xf32, #tpu.memory_space<vmem>> -> memref<32x512xf32, #tpu.memory_space<vmem>>
    tpu.wait_dma2 semaphore(%arg18 : memref<!tpu.dma_semaphore, #tpu.memory_space<semaphore_mem>>) src(%dma_wait3A_39 : memref<32x512xf32, #tpu.memory_space<vmem>>) dst(%dma_wait3A_36 : memref<32x512xf32, #tpu.memory_space<hbm>>)
    %iota3A = tpu.iota {dimensions = array<i32: 0>} : vector<16xi32>
    %scan3A_40 = arith.constant 0 : i32
    %scan3A_41 = arith.constant 0 : i32
    %scan3A_42 = arith.constant 64 : i32
    %scan3A_43 = arith.addi %scan3A_41, %scan3A_42 : i32
    %scan3A_44 = arith.constant 2 : i32
    scf.for %scan3A_134 = %scan3A_41 to %scan3A_43 step %scan3A_44  : i32 {
      %mul3A_135 = arith.constant 8 : i32
      %mul3A_136 = arith.muli %scan3A_134, %mul3A_135 : i32
      %add3A_137 = arith.constant 0 : i32
      %add3A_138 = arith.addi %mul3A_136, %add3A_137 : i32
      %broadcast_in_dim3A = vector.broadcast %add3A_138 : i32 to vector<16xi32>
      %add3A_139 = arith.constant 0 : i32
      %add3A_140 = arith.addi %add3A_139, %add3A_138 : i32
      %get3A = arith.index_cast %add3A_140 : i32 to index
      %get3A_141 = arith.constant 0 : index
      %get3A_142 = tpu.vector_load %arg9[%get3A, %get3A_141] {strides = array<i32>} : memref<1024x16xf32, #tpu.memory_space<vmem>>, vector<16xf32>,
      %add3A_143 = arith.constant 0 : i32
      %add3A_144 = vector.broadcast %add3A_143 : i32 to vector<16xi32>
      %add3A_145 = arith.addi %iota3A, %add3A_144 : vector<16xi32>
      tpu.vector_store_idx %arg12[%add3A_145, %broadcast_in_dim3A], %get3A_142 : memref<32x513xf32, #tpu.memory_space<vmem>>[vector<16xi32>, vector<16xi32>], vector<16xf32>,
      %add3A_146 = arith.constant 512 : i32
      %add3A_147 = arith.addi %add3A_146, %add3A_138 : i32
      %get3A_148 = arith.index_cast %add3A_147 : i32 to index
      %get3A_149 = arith.constant 0 : index
      %get3A_150 = tpu.vector_load %arg9[%get3A_148, %get3A_149] {strides = array<i32>} : memref<1024x16xf32, #tpu.memory_space<vmem>>, vector<16xf32>,
      %add3A_151 = arith.constant 16 : i32
      %add3A_152 = vector.broadcast %add3A_151 : i32 to vector<16xi32>
      %add3A_153 = arith.addi %iota3A, %add3A_152 : vector<16xi32>
      tpu.vector_store_idx %arg12[%add3A_153, %broadcast_in_dim3A], %get3A_150 : memref<32x513xf32, #tpu.memory_space<vmem>>[vector<16xi32>, vector<16xi32>], vector<16xf32>,
      %mul3A_154 = arith.constant 8 : i32
      %mul3A_155 = arith.muli %scan3A_134, %mul3A_154 : i32
      %add3A_156 = arith.constant 1 : i32
      %add3A_157 = arith.addi %mul3A_155, %add3A_156 : i32
      %broadcast_in_dim3A_158 = vector.broadcast %add3A_157 : i32 to vector<16xi32>
      %add3A_159 = arith.constant 0 : i32
      %add3A_160 = arith.addi %add3A_159, %add3A_157 : i32
      %get3A_161 = arith.index_cast %add3A_160 : i32 to index
      %get3A_162 = arith.constant 0 : index
      %get3A_163 = tpu.vector_load %arg9[%get3A_161, %get3A_162] {strides = array<i32>} : memref<1024x16xf32, #tpu.memory_space<vmem>>, vector<16xf32>,
      %add3A_164 = arith.constant 0 : i32
      %add3A_165 = vector.broadcast %add3A_164 : i32 to vector<16xi32>
      %add3A_166 = arith.addi %iota3A, %add3A_165 : vector<16xi32>
      tpu.vector_store_idx %arg12[%add3A_166, %broadcast_in_dim3A_158], %get3A_163 : memref<32x513xf32, #tpu.memory_space<vmem>>[vector<16xi32>, vector<16xi32>], vector<16xf32>,
      %add3A_167 = arith.constant 512 : i32
      %add3A_168 = arith.addi %add3A_167, %add3A_157 : i32
      %get3A_169 = arith.index_cast %add3A_168 : i32 to index
      %get3A_170 = arith.constant 0 : index
      %get3A_171 = tpu.vector_load %arg9[%get3A_169, %get3A_170] {strides = array<i32>} : memref<1024x16xf32, #tpu.memory_space<vmem>>, vector<16xf32>,
      %add3A_172 = arith.constant 16 : i32
      %add3A_173 = vector.broadcast %add3A_172 : i32 to vector<16xi32>
      %add3A_174 = arith.addi %iota3A, %add3A_173 : vector<16xi32>
      tpu.vector_store_idx %arg12[%add3A_174, %broadcast_in_dim3A_158], %get3A_171 : memref<32x513xf32, #tpu.memory_space<vmem>>[vector<16xi32>, vector<16xi32>], vector<16xf32>,
      %mul3A_175 = arith.constant 8 : i32
      %mul3A_176 = arith.muli %scan3A_134, %mul3A_175 : i32
      %add3A_177 = arith.constant 2 : i32
      %add3A_178 = arith.addi %mul3A_176, %add3A_177 : i32
      %broadcast_in_dim3A_179 = vector.broadcast %add3A_178 : i32 to vector<16xi32>
      %add3A_180 = arith.constant 0 : i32
      %add3A_181 = arith.addi %add3A_180, %add3A_178 : i32
      %get3A_182 = arith.index_cast %add3A_181 : i32 to index
      %get3A_183 = arith.constant 0 : index
      %get3A_184 = tpu.vector_load %arg9[%get3A_182, %get3A_183] {strides = array<i32>} : memref<1024x16xf32, #tpu.memory_space<vmem>>, vector<16xf32>,
      %add3A_185 = arith.constant 0 : i32
      %add3A_186 = vector.broadcast %add3A_185 : i32 to vector<16xi32>
      %add3A_187 = arith.addi %iota3A, %add3A_186 : vector<16xi32>
      tpu.vector_store_idx %arg12[%add3A_187, %broadcast_in_dim3A_179], %get3A_184 : memref<32x513xf32, #tpu.memory_space<vmem>>[vector<16xi32>, vector<16xi32>], vector<16xf32>,
      %add3A_188 = arith.constant 512 : i32
      %add3A_189 = arith.addi %add3A_188, %add3A_178 : i32
      %get3A_190 = arith.index_cast %add3A_189 : i32 to index
      %get3A_191 = arith.constant 0 : index
      %get3A_192 = tpu.vector_load %arg9[%get3A_190, %get3A_191] {strides = array<i32>} : memref<1024x16xf32, #tpu.memory_space<vmem>>, vector<16xf32>,
      %add3A_193 = arith.constant 16 : i32
      %add3A_194 = vector.broadcast %add3A_193 : i32 to vector<16xi32>
      %add3A_195 = arith.addi %iota3A, %add3A_194 : vector<16xi32>
      tpu.vector_store_idx %arg12[%add3A_195, %broadcast_in_dim3A_179], %get3A_192 : memref<32x513xf32, #tpu.memory_space<vmem>>[vector<16xi32>, vector<16xi32>], vector<16xf32>,
      %mul3A_196 = arith.constant 8 : i32
      %mul3A_197 = arith.muli %scan3A_134, %mul3A_196 : i32
      %add3A_198 = arith.constant 3 : i32
      %add3A_199 = arith.addi %mul3A_197, %add3A_198 : i32
      %broadcast_in_dim3A_200 = vector.broadcast %add3A_199 : i32 to vector<16xi32>
      %add3A_201 = arith.constant 0 : i32
      %add3A_202 = arith.addi %add3A_201, %add3A_199 : i32
      %get3A_203 = arith.index_cast %add3A_202 : i32 to index
      %get3A_204 = arith.constant 0 : index
      %get3A_205 = tpu.vector_load %arg9[%get3A_203, %get3A_204] {strides = array<i32>} : memref<1024x16xf32, #tpu.memory_space<vmem>>, vector<16xf32>,
      %add3A_206 = arith.constant 0 : i32
      %add3A_207 = vector.broadcast %add3A_206 : i32 to vector<16xi32>
      %add3A_208 = arith.addi %iota3A, %add3A_207 : vector<16xi32>
      tpu.vector_store_idx %arg12[%add3A_208, %broadcast_in_dim3A_200], %get3A_205 : memref<32x513xf32, #tpu.memory_space<vmem>>[vector<16xi32>, vector<16xi32>], vector<16xf32>,
      %add3A_209 = arith.constant 512 : i32
      %add3A_210 = arith.addi %add3A_209, %add3A_199 : i32
      %get3A_211 = arith.index_cast %add3A_210 : i32 to index
      %get3A_212 = arith.constant 0 : index
      %get3A_213 = tpu.vector_load %arg9[%get3A_211, %get3A_212] {strides = array<i32>} : memref<1024x16xf32, #tpu.memory_space<vmem>>, vector<16xf32>,
      %add3A_214 = arith.constant 16 : i32
      %add3A_215 = vector.broadcast %add3A_214 : i32 to vector<16xi32>
      %add3A_216 = arith.addi %iota3A, %add3A_215 : vector<16xi32>
      tpu.vector_store_idx %arg12[%add3A_216, %broadcast_in_dim3A_200], %get3A_213 : memref<32x513xf32, #tpu.memory_space<vmem>>[vector<16xi32>, vector<16xi32>], vector<16xf32>,
      %mul3A_217 = arith.constant 8 : i32
      %mul3A_218 = arith.muli %scan3A_134, %mul3A_217 : i32
      %add3A_219 = arith.constant 4 : i32
      %add3A_220 = arith.addi %mul3A_218, %add3A_219 : i32
      %broadcast_in_dim3A_221 = vector.broadcast %add3A_220 : i32 to vector<16xi32>
      %add3A_222 = arith.constant 0 : i32
      %add3A_223 = arith.addi %add3A_222, %add3A_220 : i32
      %get3A_224 = arith.index_cast %add3A_223 : i32 to index
      %get3A_225 = arith.constant 0 : index
      %get3A_226 = tpu.vector_load %arg9[%get3A_224, %get3A_225] {strides = array<i32>} : memref<1024x16xf32, #tpu.memory_space<vmem>>, vector<16xf32>,
      %add3A_227 = arith.constant 0 : i32
      %add3A_228 = vector.broadcast %add3A_227 : i32 to vector<16xi32>
      %add3A_229 = arith.addi %iota3A, %add3A_228 : vector<16xi32>
      tpu.vector_store_idx %arg12[%add3A_229, %broadcast_in_dim3A_221], %get3A_226 : memref<32x513xf32, #tpu.memory_space<vmem>>[vector<16xi32>, vector<16xi32>], vector<16xf32>,
      %add3A_230 = arith.constant 512 : i32
      %add3A_231 = arith.addi %add3A_230, %add3A_220 : i32
      %get3A_232 = arith.index_cast %add3A_231 : i32 to index
      %get3A_233 = arith.constant 0 : index
      %get3A_234 = tpu.vector_load %arg9[%get3A_232, %get3A_233] {strides = array<i32>} : memref<1024x16xf32, #tpu.memory_space<vmem>>, vector<16xf32>,
      %add3A_235 = arith.constant 16 : i32
      %add3A_236 = vector.broadcast %add3A_235 : i32 to vector<16xi32>
      %add3A_237 = arith.addi %iota3A, %add3A_236 : vector<16xi32>
      tpu.vector_store_idx %arg12[%add3A_237, %broadcast_in_dim3A_221], %get3A_234 : memref<32x513xf32, #tpu.memory_space<vmem>>[vector<16xi32>, vector<16xi32>], vector<16xf32>,
      %mul3A_238 = arith.constant 8 : i32
      %mul3A_239 = arith.muli %scan3A_134, %mul3A_238 : i32
      %add3A_240 = arith.constant 5 : i32
      %add3A_241 = arith.addi %mul3A_239, %add3A_240 : i32
      %broadcast_in_dim3A_242 = vector.broadcast %add3A_241 : i32 to vector<16xi32>
      %add3A_243 = arith.constant 0 : i32
      %add3A_244 = arith.addi %add3A_243, %add3A_241 : i32
      %get3A_245 = arith.index_cast %add3A_244 : i32 to index
      %get3A_246 = arith.constant 0 : index
      %get3A_247 = tpu.vector_load %arg9[%get3A_245, %get3A_246] {strides = array<i32>} : memref<1024x16xf32, #tpu.memory_space<vmem>>, vector<16xf32>,
      %add3A_248 = arith.constant 0 : i32
      %add3A_249 = vector.broadcast %add3A_248 : i32 to vector<16xi32>
      %add3A_250 = arith.addi %iota3A, %add3A_249 : vector<16xi32>
      tpu.vector_store_idx %arg12[%add3A_250, %broadcast_in_dim3A_242], %get3A_247 : memref<32x513xf32, #tpu.memory_space<vmem>>[vector<16xi32>, vector<16xi32>], vector<16xf32>,
      %add3A_251 = arith.constant 512 : i32
      %add3A_252 = arith.addi %add3A_251, %add3A_241 : i32
      %get3A_253 = arith.index_cast %add3A_252 : i32 to index
      %get3A_254 = arith.constant 0 : index
      %get3A_255 = tpu.vector_load %arg9[%get3A_253, %get3A_254] {strides = array<i32>} : memref<1024x16xf32, #tpu.memory_space<vmem>>, vector<16xf32>,
      %add3A_256 = arith.constant 16 : i32
      %add3A_257 = vector.broadcast %add3A_256 : i32 to vector<16xi32>
      %add3A_258 = arith.addi %iota3A, %add3A_257 : vector<16xi32>
      tpu.vector_store_idx %arg12[%add3A_258, %broadcast_in_dim3A_242], %get3A_255 : memref<32x513xf32, #tpu.memory_space<vmem>>[vector<16xi32>, vector<16xi32>], vector<16xf32>,
      %mul3A_259 = arith.constant 8 : i32
      %mul3A_260 = arith.muli %scan3A_134, %mul3A_259 : i32
      %add3A_261 = arith.constant 6 : i32
      %add3A_262 = arith.addi %mul3A_260, %add3A_261 : i32
      %broadcast_in_dim3A_263 = vector.broadcast %add3A_262 : i32 to vector<16xi32>
      %add3A_264 = arith.constant 0 : i32
      %add3A_265 = arith.addi %add3A_264, %add3A_262 : i32
      %get3A_266 = arith.index_cast %add3A_265 : i32 to index
      %get3A_267 = arith.constant 0 : index
      %get3A_268 = tpu.vector_load %arg9[%get3A_266, %get3A_267] {strides = array<i32>} : memref<1024x16xf32, #tpu.memory_space<vmem>>, vector<16xf32>,
      %add3A_269 = arith.constant 0 : i32
      %add3A_270 = vector.broadcast %add3A_269 : i32 to vector<16xi32>
      %add3A_271 = arith.addi %iota3A, %add3A_270 : vector<16xi32>
      tpu.vector_store_idx %arg12[%add3A_271, %broadcast_in_dim3A_263], %get3A_268 : memref<32x513xf32, #tpu.memory_space<vmem>>[vector<16xi32>, vector<16xi32>], vector<16xf32>,
      %add3A_272 = arith.constant 512 : i32
      %add3A_273 = arith.addi %add3A_272, %add3A_262 : i32
      %get3A_274 = arith.index_cast %add3A_273 : i32 to index
      %get3A_275 = arith.constant 0 : index
      %get3A_276 = tpu.vector_load %arg9[%get3A_274, %get3A_275] {strides = array<i32>} : memref<1024x16xf32, #tpu.memory_space<vmem>>, vector<16xf32>,
      %add3A_277 = arith.constant 16 : i32
      %add3A_278 = vector.broadcast %add3A_277 : i32 to vector<16xi32>
      %add3A_279 = arith.addi %iota3A, %add3A_278 : vector<16xi32>
      tpu.vector_store_idx %arg12[%add3A_279, %broadcast_in_dim3A_263], %get3A_276 : memref<32x513xf32, #tpu.memory_space<vmem>>[vector<16xi32>, vector<16xi32>], vector<16xf32>,
      %mul3A_280 = arith.constant 8 : i32
      %mul3A_281 = arith.muli %scan3A_134, %mul3A_280 : i32
      %add3A_282 = arith.constant 7 : i32
      %add3A_283 = arith.addi %mul3A_281, %add3A_282 : i32
      %broadcast_in_dim3A_284 = vector.broadcast %add3A_283 : i32 to vector<16xi32>
      %add3A_285 = arith.constant 0 : i32
      %add3A_286 = arith.addi %add3A_285, %add3A_283 : i32
      %get3A_287 = arith.index_cast %add3A_286 : i32 to index
      %get3A_288 = arith.constant 0 : index
      %get3A_289 = tpu.vector_load %arg9[%get3A_287, %get3A_288] {strides = array<i32>} : memref<1024x16xf32, #tpu.memory_space<vmem>>, vector<16xf32>,
      %add3A_290 = arith.constant 0 : i32
      %add3A_291 = vector.broadcast %add3A_290 : i32 to vector<16xi32>
      %add3A_292 = arith.addi %iota3A, %add3A_291 : vector<16xi32>
      tpu.vector_store_idx %arg12[%add3A_292, %broadcast_in_dim3A_284], %get3A_289 : memref<32x513xf32, #tpu.memory_space<vmem>>[vector<16xi32>, vector<16xi32>], vector<16xf32>,
      %add3A_293 = arith.constant 512 : i32
      %add3A_294 = arith.addi %add3A_293, %add3A_283 : i32
      %get3A_295 = arith.index_cast %add3A_294 : i32 to index
      %get3A_296 = arith.constant 0 : index
      %get3A_297 = tpu.vector_load %arg9[%get3A_295, %get3A_296] {strides = array<i32>} : memref<1024x16xf32, #tpu.memory_space<vmem>>, vector<16xf32>,
      %add3A_298 = arith.constant 16 : i32
      %add3A_299 = vector.broadcast %add3A_298 : i32 to vector<16xi32>
      %add3A_300 = arith.addi %iota3A, %add3A_299 : vector<16xi32>
      tpu.vector_store_idx %arg12[%add3A_300, %broadcast_in_dim3A_284], %get3A_297 : memref<32x513xf32, #tpu.memory_space<vmem>>[vector<16xi32>, vector<16xi32>], vector<16xf32>,
      %scan3A_301 = arith.constant 1 : i32
      %scan3A_302 = arith.addi %scan3A_134, %scan3A_301 : i32
      %mul3A_303 = arith.constant 8 : i32
      %mul3A_304 = arith.muli %scan3A_302, %mul3A_303 : i32
      %add3A_305 = arith.constant 0 : i32
      %add3A_306 = arith.addi %mul3A_304, %add3A_305 : i32
      %broadcast_in_dim3A_307 = vector.broadcast %add3A_306 : i32 to vector<16xi32>
      %add3A_308 = arith.constant 0 : i32
      %add3A_309 = arith.addi %add3A_308, %add3A_306 : i32
      %get3A_310 = arith.index_cast %add3A_309 : i32 to index
      %get3A_311 = arith.constant 0 : index
      %get3A_312 = tpu.vector_load %arg9[%get3A_310, %get3A_311] {strides = array<i32>} : memref<1024x16xf32, #tpu.memory_space<vmem>>, vector<16xf32>,
      %add3A_313 = arith.constant 0 : i32
      %add3A_314 = vector.broadcast %add3A_313 : i32 to vector<16xi32>
      %add3A_315 = arith.addi %iota3A, %add3A_314 : vector<16xi32>
      tpu.vector_store_idx %arg12[%add3A_315, %broadcast_in_dim3A_307], %get3A_312 : memref<32x513xf32, #tpu.memory_space<vmem>>[vector<16xi32>, vector<16xi32>], vector<16xf32>,
      %add3A_316 = arith.constant 512 : i32
      %add3A_317 = arith.addi %add3A_316, %add3A_306 : i32
      %get3A_318 = arith.index_cast %add3A_317 : i32 to index
      %get3A_319 = arith.constant 0 : index
      %get3A_320 = tpu.vector_load %arg9[%get3A_318, %get3A_319] {strides = array<i32>} : memref<1024x16xf32, #tpu.memory_space<vmem>>, vector<16xf32>,
      %add3A_321 = arith.constant 16 : i32
      %add3A_322 = vector.broadcast %add3A_321 : i32 to vector<16xi32>
      %add3A_323 = arith.addi %iota3A, %add3A_322 : vector<16xi32>
      tpu.vector_store_idx %arg12[%add3A_323, %broadcast_in_dim3A_307], %get3A_320 : memref<32x513xf32, #tpu.memory_space<vmem>>[vector<16xi32>, vector<16xi32>], vector<16xf32>,
      %mul3A_324 = arith.constant 8 : i32
      %mul3A_325 = arith.muli %scan3A_302, %mul3A_324 : i32
      %add3A_326 = arith.constant 1 : i32
      %add3A_327 = arith.addi %mul3A_325, %add3A_326 : i32
      %broadcast_in_dim3A_328 = vector.broadcast %add3A_327 : i32 to vector<16xi32>
      %add3A_329 = arith.constant 0 : i32
      %add3A_330 = arith.addi %add3A_329, %add3A_327 : i32
      %get3A_331 = arith.index_cast %add3A_330 : i32 to index
      %get3A_332 = arith.constant 0 : index
      %get3A_333 = tpu.vector_load %arg9[%get3A_331, %get3A_332] {strides = array<i32>} : memref<1024x16xf32, #tpu.memory_space<vmem>>, vector<16xf32>,
      %add3A_334 = arith.constant 0 : i32
      %add3A_335 = vector.broadcast %add3A_334 : i32 to vector<16xi32>
      %add3A_336 = arith.addi %iota3A, %add3A_335 : vector<16xi32>
      tpu.vector_store_idx %arg12[%add3A_336, %broadcast_in_dim3A_328], %get3A_333 : memref<32x513xf32, #tpu.memory_space<vmem>>[vector<16xi32>, vector<16xi32>], vector<16xf32>,
      %add3A_337 = arith.constant 512 : i32
      %add3A_338 = arith.addi %add3A_337, %add3A_327 : i32
      %get3A_339 = arith.index_cast %add3A_338 : i32 to index
      %get3A_340 = arith.constant 0 : index
      %get3A_341 = tpu.vector_load %arg9[%get3A_339, %get3A_340] {strides = array<i32>} : memref<1024x16xf32, #tpu.memory_space<vmem>>, vector<16xf32>,
      %add3A_342 = arith.constant 16 : i32
      %add3A_343 = vector.broadcast %add3A_342 : i32 to vector<16xi32>
      %add3A_344 = arith.addi %iota3A, %add3A_343 : vector<16xi32>
      tpu.vector_store_idx %arg12[%add3A_344, %broadcast_in_dim3A_328], %get3A_341 : memref<32x513xf32, #tpu.memory_space<vmem>>[vector<16xi32>, vector<16xi32>], vector<16xf32>,
      %mul3A_345 = arith.constant 8 : i32
      %mul3A_346 = arith.muli %scan3A_302, %mul3A_345 : i32
      %add3A_347 = arith.constant 2 : i32
      %add3A_348 = arith.addi %mul3A_346, %add3A_347 : i32
      %broadcast_in_dim3A_349 = vector.broadcast %add3A_348 : i32 to vector<16xi32>
      %add3A_350 = arith.constant 0 : i32
      %add3A_351 = arith.addi %add3A_350, %add3A_348 : i32
      %get3A_352 = arith.index_cast %add3A_351 : i32 to index
      %get3A_353 = arith.constant 0 : index
      %get3A_354 = tpu.vector_load %arg9[%get3A_352, %get3A_353] {strides = array<i32>} : memref<1024x16xf32, #tpu.memory_space<vmem>>, vector<16xf32>,
      %add3A_355 = arith.constant 0 : i32
      %add3A_356 = vector.broadcast %add3A_355 : i32 to vector<16xi32>
      %add3A_357 = arith.addi %iota3A, %add3A_356 : vector<16xi32>
      tpu.vector_store_idx %arg12[%add3A_357, %broadcast_in_dim3A_349], %get3A_354 : memref<32x513xf32, #tpu.memory_space<vmem>>[vector<16xi32>, vector<16xi32>], vector<16xf32>,
      %add3A_358 = arith.constant 512 : i32
      %add3A_359 = arith.addi %add3A_358, %add3A_348 : i32
      %get3A_360 = arith.index_cast %add3A_359 : i32 to index
      %get3A_361 = arith.constant 0 : index
      %get3A_362 = tpu.vector_load %arg9[%get3A_360, %get3A_361] {strides = array<i32>} : memref<1024x16xf32, #tpu.memory_space<vmem>>, vector<16xf32>,
      %add3A_363 = arith.constant 16 : i32
      %add3A_364 = vector.broadcast %add3A_363 : i32 to vector<16xi32>
      %add3A_365 = arith.addi %iota3A, %add3A_364 : vector<16xi32>
      tpu.vector_store_idx %arg12[%add3A_365, %broadcast_in_dim3A_349], %get3A_362 : memref<32x513xf32, #tpu.memory_space<vmem>>[vector<16xi32>, vector<16xi32>], vector<16xf32>,
      %mul3A_366 = arith.constant 8 : i32
      %mul3A_367 = arith.muli %scan3A_302, %mul3A_366 : i32
      %add3A_368 = arith.constant 3 : i32
      %add3A_369 = arith.addi %mul3A_367, %add3A_368 : i32
      %broadcast_in_dim3A_370 = vector.broadcast %add3A_369 : i32 to vector<16xi32>
      %add3A_371 = arith.constant 0 : i32
      %add3A_372 = arith.addi %add3A_371, %add3A_369 : i32
      %get3A_373 = arith.index_cast %add3A_372 : i32 to index
      %get3A_374 = arith.constant 0 : index
      %get3A_375 = tpu.vector_load %arg9[%get3A_373, %get3A_374] {strides = array<i32>} : memref<1024x16xf32, #tpu.memory_space<vmem>>, vector<16xf32>,
      %add3A_376 = arith.constant 0 : i32
      %add3A_377 = vector.broadcast %add3A_376 : i32 to vector<16xi32>
      %add3A_378 = arith.addi %iota3A, %add3A_377 : vector<16xi32>
      tpu.vector_store_idx %arg12[%add3A_378, %broadcast_in_dim3A_370], %get3A_375 : memref<32x513xf32, #tpu.memory_space<vmem>>[vector<16xi32>, vector<16xi32>], vector<16xf32>,
      %add3A_379 = arith.constant 512 : i32
      %add3A_380 = arith.addi %add3A_379, %add3A_369 : i32
      %get3A_381 = arith.index_cast %add3A_380 : i32 to index
      %get3A_382 = arith.constant 0 : index
      %get3A_383 = tpu.vector_load %arg9[%get3A_381, %get3A_382] {strides = array<i32>} : memref<1024x16xf32, #tpu.memory_space<vmem>>, vector<16xf32>,
      %add3A_384 = arith.constant 16 : i32
      %add3A_385 = vector.broadcast %add3A_384 : i32 to vector<16xi32>
      %add3A_386 = arith.addi %iota3A, %add3A_385 : vector<16xi32>
      tpu.vector_store_idx %arg12[%add3A_386, %broadcast_in_dim3A_370], %get3A_383 : memref<32x513xf32, #tpu.memory_space<vmem>>[vector<16xi32>, vector<16xi32>], vector<16xf32>,
      %mul3A_387 = arith.constant 8 : i32
      %mul3A_388 = arith.muli %scan3A_302, %mul3A_387 : i32
      %add3A_389 = arith.constant 4 : i32
      %add3A_390 = arith.addi %mul3A_388, %add3A_389 : i32
      %broadcast_in_dim3A_391 = vector.broadcast %add3A_390 : i32 to vector<16xi32>
      %add3A_392 = arith.constant 0 : i32
      %add3A_393 = arith.addi %add3A_392, %add3A_390 : i32
      %get3A_394 = arith.index_cast %add3A_393 : i32 to index
      %get3A_395 = arith.constant 0 : index
      %get3A_396 = tpu.vector_load %arg9[%get3A_394, %get3A_395] {strides = array<i32>} : memref<1024x16xf32, #tpu.memory_space<vmem>>, vector<16xf32>,
      %add3A_397 = arith.constant 0 : i32
      %add3A_398 = vector.broadcast %add3A_397 : i32 to vector<16xi32>
      %add3A_399 = arith.addi %iota3A, %add3A_398 : vector<16xi32>
      tpu.vector_store_idx %arg12[%add3A_399, %broadcast_in_dim3A_391], %get3A_396 : memref<32x513xf32, #tpu.memory_space<vmem>>[vector<16xi32>, vector<16xi32>], vector<16xf32>,
      %add3A_400 = arith.constant 512 : i32
      %add3A_401 = arith.addi %add3A_400, %add3A_390 : i32
      %get3A_402 = arith.index_cast %add3A_401 : i32 to index
      %get3A_403 = arith.constant 0 : index
      %get3A_404 = tpu.vector_load %arg9[%get3A_402, %get3A_403] {strides = array<i32>} : memref<1024x16xf32, #tpu.memory_space<vmem>>, vector<16xf32>,
      %add3A_405 = arith.constant 16 : i32
      %add3A_406 = vector.broadcast %add3A_405 : i32 to vector<16xi32>
      %add3A_407 = arith.addi %iota3A, %add3A_406 : vector<16xi32>
      tpu.vector_store_idx %arg12[%add3A_407, %broadcast_in_dim3A_391], %get3A_404 : memref<32x513xf32, #tpu.memory_space<vmem>>[vector<16xi32>, vector<16xi32>], vector<16xf32>,
      %mul3A_408 = arith.constant 8 : i32
      %mul3A_409 = arith.muli %scan3A_302, %mul3A_408 : i32
      %add3A_410 = arith.constant 5 : i32
      %add3A_411 = arith.addi %mul3A_409, %add3A_410 : i32
      %broadcast_in_dim3A_412 = vector.broadcast %add3A_411 : i32 to vector<16xi32>
      %add3A_413 = arith.constant 0 : i32
      %add3A_414 = arith.addi %add3A_413, %add3A_411 : i32
      %get3A_415 = arith.index_cast %add3A_414 : i32 to index
      %get3A_416 = arith.constant 0 : index
      %get3A_417 = tpu.vector_load %arg9[%get3A_415, %get3A_416] {strides = array<i32>} : memref<1024x16xf32, #tpu.memory_space<vmem>>, vector<16xf32>,
      %add3A_418 = arith.constant 0 : i32
      %add3A_419 = vector.broadcast %add3A_418 : i32 to vector<16xi32>
      %add3A_420 = arith.addi %iota3A, %add3A_419 : vector<16xi32>
      tpu.vector_store_idx %arg12[%add3A_420, %broadcast_in_dim3A_412], %get3A_417 : memref<32x513xf32, #tpu.memory_space<vmem>>[vector<16xi32>, vector<16xi32>], vector<16xf32>,
      %add3A_421 = arith.constant 512 : i32
      %add3A_422 = arith.addi %add3A_421, %add3A_411 : i32
      %get3A_423 = arith.index_cast %add3A_422 : i32 to index
      %get3A_424 = arith.constant 0 : index
      %get3A_425 = tpu.vector_load %arg9[%get3A_423, %get3A_424] {strides = array<i32>} : memref<1024x16xf32, #tpu.memory_space<vmem>>, vector<16xf32>,
      %add3A_426 = arith.constant 16 : i32
      %add3A_427 = vector.broadcast %add3A_426 : i32 to vector<16xi32>
      %add3A_428 = arith.addi %iota3A, %add3A_427 : vector<16xi32>
      tpu.vector_store_idx %arg12[%add3A_428, %broadcast_in_dim3A_412], %get3A_425 : memref<32x513xf32, #tpu.memory_space<vmem>>[vector<16xi32>, vector<16xi32>], vector<16xf32>,
      %mul3A_429 = arith.constant 8 : i32
      %mul3A_430 = arith.muli %scan3A_302, %mul3A_429 : i32
      %add3A_431 = arith.constant 6 : i32
      %add3A_432 = arith.addi %mul3A_430, %add3A_431 : i32
      %broadcast_in_dim3A_433 = vector.broadcast %add3A_432 : i32 to vector<16xi32>
      %add3A_434 = arith.constant 0 : i32
      %add3A_435 = arith.addi %add3A_434, %add3A_432 : i32
      %get3A_436 = arith.index_cast %add3A_435 : i32 to index
      %get3A_437 = arith.constant 0 : index
      %get3A_438 = tpu.vector_load %arg9[%get3A_436, %get3A_437] {strides = array<i32>} : memref<1024x16xf32, #tpu.memory_space<vmem>>, vector<16xf32>,
      %add3A_439 = arith.constant 0 : i32
      %add3A_440 = vector.broadcast %add3A_439 : i32 to vector<16xi32>
      %add3A_441 = arith.addi %iota3A, %add3A_440 : vector<16xi32>
      tpu.vector_store_idx %arg12[%add3A_441, %broadcast_in_dim3A_433], %get3A_438 : memref<32x513xf32, #tpu.memory_space<vmem>>[vector<16xi32>, vector<16xi32>], vector<16xf32>,
      %add3A_442 = arith.constant 512 : i32
      %add3A_443 = arith.addi %add3A_442, %add3A_432 : i32
      %get3A_444 = arith.index_cast %add3A_443 : i32 to index
      %get3A_445 = arith.constant 0 : index
      %get3A_446 = tpu.vector_load %arg9[%get3A_444, %get3A_445] {strides = array<i32>} : memref<1024x16xf32, #tpu.memory_space<vmem>>, vector<16xf32>,
      %add3A_447 = arith.constant 16 : i32
      %add3A_448 = vector.broadcast %add3A_447 : i32 to vector<16xi32>
      %add3A_449 = arith.addi %iota3A, %add3A_448 : vector<16xi32>
      tpu.vector_store_idx %arg12[%add3A_449, %broadcast_in_dim3A_433], %get3A_446 : memref<32x513xf32, #tpu.memory_space<vmem>>[vector<16xi32>, vector<16xi32>], vector<16xf32>,
      %mul3A_450 = arith.constant 8 : i32
      %mul3A_451 = arith.muli %scan3A_302, %mul3A_450 : i32
      %add3A_452 = arith.constant 7 : i32
      %add3A_453 = arith.addi %mul3A_451, %add3A_452 : i32
      %broadcast_in_dim3A_454 = vector.broadcast %add3A_453 : i32 to vector<16xi32>
      %add3A_455 = arith.constant 0 : i32
      %add3A_456 = arith.addi %add3A_455, %add3A_453 : i32
      %get3A_457 = arith.index_cast %add3A_456 : i32 to index
      %get3A_458 = arith.constant 0 : index
      %get3A_459 = tpu.vector_load %arg9[%get3A_457, %get3A_458] {strides = array<i32>} : memref<1024x16xf32, #tpu.memory_space<vmem>>, vector<16xf32>,
      %add3A_460 = arith.constant 0 : i32
      %add3A_461 = vector.broadcast %add3A_460 : i32 to vector<16xi32>
      %add3A_462 = arith.addi %iota3A, %add3A_461 : vector<16xi32>
      tpu.vector_store_idx %arg12[%add3A_462, %broadcast_in_dim3A_454], %get3A_459 : memref<32x513xf32, #tpu.memory_space<vmem>>[vector<16xi32>, vector<16xi32>], vector<16xf32>,
      %add3A_463 = arith.constant 512 : i32
      %add3A_464 = arith.addi %add3A_463, %add3A_453 : i32
      %get3A_465 = arith.index_cast %add3A_464 : i32 to index
      %get3A_466 = arith.constant 0 : index
      %get3A_467 = tpu.vector_load %arg9[%get3A_465, %get3A_466] {strides = array<i32>} : memref<1024x16xf32, #tpu.memory_space<vmem>>, vector<16xf32>,
      %add3A_468 = arith.constant 16 : i32
      %add3A_469 = vector.broadcast %add3A_468 : i32 to vector<16xi32>
      %add3A_470 = arith.addi %iota3A, %add3A_469 : vector<16xi32>
      tpu.vector_store_idx %arg12[%add3A_470, %broadcast_in_dim3A_454], %get3A_467 : memref<32x513xf32, #tpu.memory_space<vmem>>[vector<16xi32>, vector<16xi32>], vector<16xf32>,
    }
    %scan3A_45 = arith.constant 64 : i32
    %dma_start3A_46 = arith.constant 48 : i32
    %dma_start3A_47 = arith.constant 0 : i32
    %dma_start3A_48 = arith.constant 0 : i32
    %dma_start3A_49 = tpu.memref_slice %arg12[%dma_start3A_47, %dma_start3A_48] : memref<32x513xf32, #tpu.memory_space<vmem>> -> memref<32x512xf32, #tpu.memory_space<vmem>>
    %dma_start3A_50 = arith.constant 0 : i32
    %dma_start3A_51 = tpu.memref_slice %arg4[%dma_start3A_46, %dma_start3A_50, %mul3A_2] : memref<50x32x16384xf32, #tpu.memory_space<hbm>> -> memref<1x32x512xf32, #tpu.memory_space<hbm>>
    %dma_start3A_52 = tpu.memref_squeeze %dma_start3A_51 : memref<1x32x512xf32, #tpu.memory_space<hbm>> -> memref<32x512xf32, #tpu.memory_space<hbm>>
    %dma_start3A_53 = arith.constant 0 : i32
    %dma_start3A_54 = tpu.memref_slice %arg4[%dma_start3A_46, %dma_start3A_53, %mul3A_2] : memref<50x32x16384xf32, #tpu.memory_space<hbm>> -> memref<1x32x512xf32, #tpu.memory_space<hbm>>
    %dma_start3A_55 = tpu.memref_squeeze %dma_start3A_54 : memref<1x32x512xf32, #tpu.memory_space<hbm>> -> memref<32x512xf32, #tpu.memory_space<hbm>>
    %dma_start3A_56 = arith.constant 0 : i32
    %dma_start3A_57 = arith.constant 0 : i32
    %dma_start3A_58 = tpu.memref_slice %arg12[%dma_start3A_56, %dma_start3A_57] : memref<32x513xf32, #tpu.memory_space<vmem>> -> memref<32x512xf32, #tpu.memory_space<vmem>>
    tpu.enqueue_dma source(%dma_start3A_58 : memref<32x512xf32, #tpu.memory_space<vmem>>) target(%dma_start3A_55 : memref<32x512xf32, #tpu.memory_space<hbm>>) target_semaphore(%arg18 : memref<!tpu.dma_semaphore, #tpu.memory_space<semaphore_mem>>)
    %dma_wait3A_59 = arith.constant 0 : i32
    %dma_wait3A_60 = arith.constant 0 : i32
    %dma_wait3A_61 = tpu.memref_slice %arg2[%dma_wait3A_59, %dma_wait3A_60] : memref<2000000x16xf32, #tpu.memory_space<hbm>> -> memref<2000000x16xf32, #tpu.memory_space<hbm>>
    tpu.wait_indirect_dma semaphore(%arg16 : memref<!tpu.dma_semaphore, #tpu.memory_space<semaphore_mem>>) src(%dma_wait3A_61 : memref<2000000x16xf32, #tpu.memory_space<hbm>>) dst(%arg10 : memref<1024x16xf32, #tpu.memory_space<vmem>>)
    %dma_wait3A_62 = arith.constant 49 : i32
    %dma_wait3A_63 = arith.constant 0 : i32
    %dma_wait3A_64 = arith.constant 0 : i32
    %dma_wait3A_65 = tpu.memref_slice %arg13[%dma_wait3A_63, %dma_wait3A_64] : memref<32x513xf32, #tpu.memory_space<vmem>> -> memref<32x512xf32, #tpu.memory_space<vmem>>
    %dma_wait3A_66 = arith.constant 0 : i32
    %dma_wait3A_67 = tpu.memref_slice %arg4[%dma_wait3A_62, %dma_wait3A_66, %mul3A_2] : memref<50x32x16384xf32, #tpu.memory_space<hbm>> -> memref<1x32x512xf32, #tpu.memory_space<hbm>>
    %dma_wait3A_68 = tpu.memref_squeeze %dma_wait3A_67 : memref<1x32x512xf32, #tpu.memory_space<hbm>> -> memref<32x512xf32, #tpu.memory_space<hbm>>
    %dma_wait3A_69 = arith.constant 0 : i32
    %dma_wait3A_70 = tpu.memref_slice %arg4[%dma_wait3A_62, %dma_wait3A_69, %mul3A_2] : memref<50x32x16384xf32, #tpu.memory_space<hbm>> -> memref<1x32x512xf32, #tpu.memory_space<hbm>>
    %dma_wait3A_71 = tpu.memref_squeeze %dma_wait3A_70 : memref<1x32x512xf32, #tpu.memory_space<hbm>> -> memref<32x512xf32, #tpu.memory_space<hbm>>
    %dma_wait3A_72 = arith.constant 0 : i32
    %dma_wait3A_73 = arith.constant 0 : i32
    %dma_wait3A_74 = tpu.memref_slice %arg13[%dma_wait3A_72, %dma_wait3A_73] : memref<32x513xf32, #tpu.memory_space<vmem>> -> memref<32x512xf32, #tpu.memory_space<vmem>>
    tpu.wait_dma2 semaphore(%arg19 : memref<!tpu.dma_semaphore, #tpu.memory_space<semaphore_mem>>) src(%dma_wait3A_74 : memref<32x512xf32, #tpu.memory_space<vmem>>) dst(%dma_wait3A_71 : memref<32x512xf32, #tpu.memory_space<hbm>>)
    %iota3A_75 = tpu.iota {dimensions = array<i32: 0>} : vector<16xi32>
    %scan3A_76 = arith.constant 0 : i32
    %scan3A_77 = arith.constant 0 : i32
    %scan3A_78 = arith.constant 64 : i32
    %scan3A_79 = arith.addi %scan3A_77, %scan3A_78 : i32
    %scan3A_80 = arith.constant 2 : i32
    scf.for %scan3A_134 = %scan3A_77 to %scan3A_79 step %scan3A_80  : i32 {
      %mul3A_135 = arith.constant 8 : i32
      %mul3A_136 = arith.muli %scan3A_134, %mul3A_135 : i32
      %add3A_137 = arith.constant 0 : i32
      %add3A_138 = arith.addi %mul3A_136, %add3A_137 : i32
      %broadcast_in_dim3A = vector.broadcast %add3A_138 : i32 to vector<16xi32>
      %add3A_139 = arith.constant 0 : i32
      %add3A_140 = arith.addi %add3A_139, %add3A_138 : i32
      %get3A = arith.index_cast %add3A_140 : i32 to index
      %get3A_141 = arith.constant 0 : index
      %get3A_142 = tpu.vector_load %arg10[%get3A, %get3A_141] {strides = array<i32>} : memref<1024x16xf32, #tpu.memory_space<vmem>>, vector<16xf32>,
      %add3A_143 = arith.constant 0 : i32
      %add3A_144 = vector.broadcast %add3A_143 : i32 to vector<16xi32>
      %add3A_145 = arith.addi %iota3A_75, %add3A_144 : vector<16xi32>
      tpu.vector_store_idx %arg13[%add3A_145, %broadcast_in_dim3A], %get3A_142 : memref<32x513xf32, #tpu.memory_space<vmem>>[vector<16xi32>, vector<16xi32>], vector<16xf32>,
      %add3A_146 = arith.constant 512 : i32
      %add3A_147 = arith.addi %add3A_146, %add3A_138 : i32
      %get3A_148 = arith.index_cast %add3A_147 : i32 to index
      %get3A_149 = arith.constant 0 : index
      %get3A_150 = tpu.vector_load %arg10[%get3A_148, %get3A_149] {strides = array<i32>} : memref<1024x16xf32, #tpu.memory_space<vmem>>, vector<16xf32>,
      %add3A_151 = arith.constant 16 : i32
      %add3A_152 = vector.broadcast %add3A_151 : i32 to vector<16xi32>
      %add3A_153 = arith.addi %iota3A_75, %add3A_152 : vector<16xi32>
      tpu.vector_store_idx %arg13[%add3A_153, %broadcast_in_dim3A], %get3A_150 : memref<32x513xf32, #tpu.memory_space<vmem>>[vector<16xi32>, vector<16xi32>], vector<16xf32>,
      %mul3A_154 = arith.constant 8 : i32
      %mul3A_155 = arith.muli %scan3A_134, %mul3A_154 : i32
      %add3A_156 = arith.constant 1 : i32
      %add3A_157 = arith.addi %mul3A_155, %add3A_156 : i32
      %broadcast_in_dim3A_158 = vector.broadcast %add3A_157 : i32 to vector<16xi32>
      %add3A_159 = arith.constant 0 : i32
      %add3A_160 = arith.addi %add3A_159, %add3A_157 : i32
      %get3A_161 = arith.index_cast %add3A_160 : i32 to index
      %get3A_162 = arith.constant 0 : index
      %get3A_163 = tpu.vector_load %arg10[%get3A_161, %get3A_162] {strides = array<i32>} : memref<1024x16xf32, #tpu.memory_space<vmem>>, vector<16xf32>,
      %add3A_164 = arith.constant 0 : i32
      %add3A_165 = vector.broadcast %add3A_164 : i32 to vector<16xi32>
      %add3A_166 = arith.addi %iota3A_75, %add3A_165 : vector<16xi32>
      tpu.vector_store_idx %arg13[%add3A_166, %broadcast_in_dim3A_158], %get3A_163 : memref<32x513xf32, #tpu.memory_space<vmem>>[vector<16xi32>, vector<16xi32>], vector<16xf32>,
      %add3A_167 = arith.constant 512 : i32
      %add3A_168 = arith.addi %add3A_167, %add3A_157 : i32
      %get3A_169 = arith.index_cast %add3A_168 : i32 to index
      %get3A_170 = arith.constant 0 : index
      %get3A_171 = tpu.vector_load %arg10[%get3A_169, %get3A_170] {strides = array<i32>} : memref<1024x16xf32, #tpu.memory_space<vmem>>, vector<16xf32>,
      %add3A_172 = arith.constant 16 : i32
      %add3A_173 = vector.broadcast %add3A_172 : i32 to vector<16xi32>
      %add3A_174 = arith.addi %iota3A_75, %add3A_173 : vector<16xi32>
      tpu.vector_store_idx %arg13[%add3A_174, %broadcast_in_dim3A_158], %get3A_171 : memref<32x513xf32, #tpu.memory_space<vmem>>[vector<16xi32>, vector<16xi32>], vector<16xf32>,
      %mul3A_175 = arith.constant 8 : i32
      %mul3A_176 = arith.muli %scan3A_134, %mul3A_175 : i32
      %add3A_177 = arith.constant 2 : i32
      %add3A_178 = arith.addi %mul3A_176, %add3A_177 : i32
      %broadcast_in_dim3A_179 = vector.broadcast %add3A_178 : i32 to vector<16xi32>
      %add3A_180 = arith.constant 0 : i32
      %add3A_181 = arith.addi %add3A_180, %add3A_178 : i32
      %get3A_182 = arith.index_cast %add3A_181 : i32 to index
      %get3A_183 = arith.constant 0 : index
      %get3A_184 = tpu.vector_load %arg10[%get3A_182, %get3A_183] {strides = array<i32>} : memref<1024x16xf32, #tpu.memory_space<vmem>>, vector<16xf32>,
      %add3A_185 = arith.constant 0 : i32
      %add3A_186 = vector.broadcast %add3A_185 : i32 to vector<16xi32>
      %add3A_187 = arith.addi %iota3A_75, %add3A_186 : vector<16xi32>
      tpu.vector_store_idx %arg13[%add3A_187, %broadcast_in_dim3A_179], %get3A_184 : memref<32x513xf32, #tpu.memory_space<vmem>>[vector<16xi32>, vector<16xi32>], vector<16xf32>,
      %add3A_188 = arith.constant 512 : i32
      %add3A_189 = arith.addi %add3A_188, %add3A_178 : i32
      %get3A_190 = arith.index_cast %add3A_189 : i32 to index
      %get3A_191 = arith.constant 0 : index
      %get3A_192 = tpu.vector_load %arg10[%get3A_190, %get3A_191] {strides = array<i32>} : memref<1024x16xf32, #tpu.memory_space<vmem>>, vector<16xf32>,
      %add3A_193 = arith.constant 16 : i32
      %add3A_194 = vector.broadcast %add3A_193 : i32 to vector<16xi32>
      %add3A_195 = arith.addi %iota3A_75, %add3A_194 : vector<16xi32>
      tpu.vector_store_idx %arg13[%add3A_195, %broadcast_in_dim3A_179], %get3A_192 : memref<32x513xf32, #tpu.memory_space<vmem>>[vector<16xi32>, vector<16xi32>], vector<16xf32>,
      %mul3A_196 = arith.constant 8 : i32
      %mul3A_197 = arith.muli %scan3A_134, %mul3A_196 : i32
      %add3A_198 = arith.constant 3 : i32
      %add3A_199 = arith.addi %mul3A_197, %add3A_198 : i32
      %broadcast_in_dim3A_200 = vector.broadcast %add3A_199 : i32 to vector<16xi32>
      %add3A_201 = arith.constant 0 : i32
      %add3A_202 = arith.addi %add3A_201, %add3A_199 : i32
      %get3A_203 = arith.index_cast %add3A_202 : i32 to index
      %get3A_204 = arith.constant 0 : index
      %get3A_205 = tpu.vector_load %arg10[%get3A_203, %get3A_204] {strides = array<i32>} : memref<1024x16xf32, #tpu.memory_space<vmem>>, vector<16xf32>,
      %add3A_206 = arith.constant 0 : i32
      %add3A_207 = vector.broadcast %add3A_206 : i32 to vector<16xi32>
      %add3A_208 = arith.addi %iota3A_75, %add3A_207 : vector<16xi32>
      tpu.vector_store_idx %arg13[%add3A_208, %broadcast_in_dim3A_200], %get3A_205 : memref<32x513xf32, #tpu.memory_space<vmem>>[vector<16xi32>, vector<16xi32>], vector<16xf32>,
      %add3A_209 = arith.constant 512 : i32
      %add3A_210 = arith.addi %add3A_209, %add3A_199 : i32
      %get3A_211 = arith.index_cast %add3A_210 : i32 to index
      %get3A_212 = arith.constant 0 : index
      %get3A_213 = tpu.vector_load %arg10[%get3A_211, %get3A_212] {strides = array<i32>} : memref<1024x16xf32, #tpu.memory_space<vmem>>, vector<16xf32>,
      %add3A_214 = arith.constant 16 : i32
      %add3A_215 = vector.broadcast %add3A_214 : i32 to vector<16xi32>
      %add3A_216 = arith.addi %iota3A_75, %add3A_215 : vector<16xi32>
      tpu.vector_store_idx %arg13[%add3A_216, %broadcast_in_dim3A_200], %get3A_213 : memref<32x513xf32, #tpu.memory_space<vmem>>[vector<16xi32>, vector<16xi32>], vector<16xf32>,
      %mul3A_217 = arith.constant 8 : i32
      %mul3A_218 = arith.muli %scan3A_134, %mul3A_217 : i32
      %add3A_219 = arith.constant 4 : i32
      %add3A_220 = arith.addi %mul3A_218, %add3A_219 : i32
      %broadcast_in_dim3A_221 = vector.broadcast %add3A_220 : i32 to vector<16xi32>
      %add3A_222 = arith.constant 0 : i32
      %add3A_223 = arith.addi %add3A_222, %add3A_220 : i32
      %get3A_224 = arith.index_cast %add3A_223 : i32 to index
      %get3A_225 = arith.constant 0 : index
      %get3A_226 = tpu.vector_load %arg10[%get3A_224, %get3A_225] {strides = array<i32>} : memref<1024x16xf32, #tpu.memory_space<vmem>>, vector<16xf32>,
      %add3A_227 = arith.constant 0 : i32
      %add3A_228 = vector.broadcast %add3A_227 : i32 to vector<16xi32>
      %add3A_229 = arith.addi %iota3A_75, %add3A_228 : vector<16xi32>
      tpu.vector_store_idx %arg13[%add3A_229, %broadcast_in_dim3A_221], %get3A_226 : memref<32x513xf32, #tpu.memory_space<vmem>>[vector<16xi32>, vector<16xi32>], vector<16xf32>,
      %add3A_230 = arith.constant 512 : i32
      %add3A_231 = arith.addi %add3A_230, %add3A_220 : i32
      %get3A_232 = arith.index_cast %add3A_231 : i32 to index
      %get3A_233 = arith.constant 0 : index
      %get3A_234 = tpu.vector_load %arg10[%get3A_232, %get3A_233] {strides = array<i32>} : memref<1024x16xf32, #tpu.memory_space<vmem>>, vector<16xf32>,
      %add3A_235 = arith.constant 16 : i32
      %add3A_236 = vector.broadcast %add3A_235 : i32 to vector<16xi32>
      %add3A_237 = arith.addi %iota3A_75, %add3A_236 : vector<16xi32>
      tpu.vector_store_idx %arg13[%add3A_237, %broadcast_in_dim3A_221], %get3A_234 : memref<32x513xf32, #tpu.memory_space<vmem>>[vector<16xi32>, vector<16xi32>], vector<16xf32>,
      %mul3A_238 = arith.constant 8 : i32
      %mul3A_239 = arith.muli %scan3A_134, %mul3A_238 : i32
      %add3A_240 = arith.constant 5 : i32
      %add3A_241 = arith.addi %mul3A_239, %add3A_240 : i32
      %broadcast_in_dim3A_242 = vector.broadcast %add3A_241 : i32 to vector<16xi32>
      %add3A_243 = arith.constant 0 : i32
      %add3A_244 = arith.addi %add3A_243, %add3A_241 : i32
      %get3A_245 = arith.index_cast %add3A_244 : i32 to index
      %get3A_246 = arith.constant 0 : index
      %get3A_247 = tpu.vector_load %arg10[%get3A_245, %get3A_246] {strides = array<i32>} : memref<1024x16xf32, #tpu.memory_space<vmem>>, vector<16xf32>,
      %add3A_248 = arith.constant 0 : i32
      %add3A_249 = vector.broadcast %add3A_248 : i32 to vector<16xi32>
      %add3A_250 = arith.addi %iota3A_75, %add3A_249 : vector<16xi32>
      tpu.vector_store_idx %arg13[%add3A_250, %broadcast_in_dim3A_242], %get3A_247 : memref<32x513xf32, #tpu.memory_space<vmem>>[vector<16xi32>, vector<16xi32>], vector<16xf32>,
      %add3A_251 = arith.constant 512 : i32
      %add3A_252 = arith.addi %add3A_251, %add3A_241 : i32
      %get3A_253 = arith.index_cast %add3A_252 : i32 to index
      %get3A_254 = arith.constant 0 : index
      %get3A_255 = tpu.vector_load %arg10[%get3A_253, %get3A_254] {strides = array<i32>} : memref<1024x16xf32, #tpu.memory_space<vmem>>, vector<16xf32>,
      %add3A_256 = arith.constant 16 : i32
      %add3A_257 = vector.broadcast %add3A_256 : i32 to vector<16xi32>
      %add3A_258 = arith.addi %iota3A_75, %add3A_257 : vector<16xi32>
      tpu.vector_store_idx %arg13[%add3A_258, %broadcast_in_dim3A_242], %get3A_255 : memref<32x513xf32, #tpu.memory_space<vmem>>[vector<16xi32>, vector<16xi32>], vector<16xf32>,
      %mul3A_259 = arith.constant 8 : i32
      %mul3A_260 = arith.muli %scan3A_134, %mul3A_259 : i32
      %add3A_261 = arith.constant 6 : i32
      %add3A_262 = arith.addi %mul3A_260, %add3A_261 : i32
      %broadcast_in_dim3A_263 = vector.broadcast %add3A_262 : i32 to vector<16xi32>
      %add3A_264 = arith.constant 0 : i32
      %add3A_265 = arith.addi %add3A_264, %add3A_262 : i32
      %get3A_266 = arith.index_cast %add3A_265 : i32 to index
      %get3A_267 = arith.constant 0 : index
      %get3A_268 = tpu.vector_load %arg10[%get3A_266, %get3A_267] {strides = array<i32>} : memref<1024x16xf32, #tpu.memory_space<vmem>>, vector<16xf32>,
      %add3A_269 = arith.constant 0 : i32
      %add3A_270 = vector.broadcast %add3A_269 : i32 to vector<16xi32>
      %add3A_271 = arith.addi %iota3A_75, %add3A_270 : vector<16xi32>
      tpu.vector_store_idx %arg13[%add3A_271, %broadcast_in_dim3A_263], %get3A_268 : memref<32x513xf32, #tpu.memory_space<vmem>>[vector<16xi32>, vector<16xi32>], vector<16xf32>,
      %add3A_272 = arith.constant 512 : i32
      %add3A_273 = arith.addi %add3A_272, %add3A_262 : i32
      %get3A_274 = arith.index_cast %add3A_273 : i32 to index
      %get3A_275 = arith.constant 0 : index
      %get3A_276 = tpu.vector_load %arg10[%get3A_274, %get3A_275] {strides = array<i32>} : memref<1024x16xf32, #tpu.memory_space<vmem>>, vector<16xf32>,
      %add3A_277 = arith.constant 16 : i32
      %add3A_278 = vector.broadcast %add3A_277 : i32 to vector<16xi32>
      %add3A_279 = arith.addi %iota3A_75, %add3A_278 : vector<16xi32>
      tpu.vector_store_idx %arg13[%add3A_279, %broadcast_in_dim3A_263], %get3A_276 : memref<32x513xf32, #tpu.memory_space<vmem>>[vector<16xi32>, vector<16xi32>], vector<16xf32>,
      %mul3A_280 = arith.constant 8 : i32
      %mul3A_281 = arith.muli %scan3A_134, %mul3A_280 : i32
      %add3A_282 = arith.constant 7 : i32
      %add3A_283 = arith.addi %mul3A_281, %add3A_282 : i32
      %broadcast_in_dim3A_284 = vector.broadcast %add3A_283 : i32 to vector<16xi32>
      %add3A_285 = arith.constant 0 : i32
      %add3A_286 = arith.addi %add3A_285, %add3A_283 : i32
      %get3A_287 = arith.index_cast %add3A_286 : i32 to index
      %get3A_288 = arith.constant 0 : index
      %get3A_289 = tpu.vector_load %arg10[%get3A_287, %get3A_288] {strides = array<i32>} : memref<1024x16xf32, #tpu.memory_space<vmem>>, vector<16xf32>,
      %add3A_290 = arith.constant 0 : i32
      %add3A_291 = vector.broadcast %add3A_290 : i32 to vector<16xi32>
      %add3A_292 = arith.addi %iota3A_75, %add3A_291 : vector<16xi32>
      tpu.vector_store_idx %arg13[%add3A_292, %broadcast_in_dim3A_284], %get3A_289 : memref<32x513xf32, #tpu.memory_space<vmem>>[vector<16xi32>, vector<16xi32>], vector<16xf32>,
      %add3A_293 = arith.constant 512 : i32
      %add3A_294 = arith.addi %add3A_293, %add3A_283 : i32
      %get3A_295 = arith.index_cast %add3A_294 : i32 to index
      %get3A_296 = arith.constant 0 : index
      %get3A_297 = tpu.vector_load %arg10[%get3A_295, %get3A_296] {strides = array<i32>} : memref<1024x16xf32, #tpu.memory_space<vmem>>, vector<16xf32>,
      %add3A_298 = arith.constant 16 : i32
      %add3A_299 = vector.broadcast %add3A_298 : i32 to vector<16xi32>
      %add3A_300 = arith.addi %iota3A_75, %add3A_299 : vector<16xi32>
      tpu.vector_store_idx %arg13[%add3A_300, %broadcast_in_dim3A_284], %get3A_297 : memref<32x513xf32, #tpu.memory_space<vmem>>[vector<16xi32>, vector<16xi32>], vector<16xf32>,
      %scan3A_301 = arith.constant 1 : i32
      %scan3A_302 = arith.addi %scan3A_134, %scan3A_301 : i32
      %mul3A_303 = arith.constant 8 : i32
      %mul3A_304 = arith.muli %scan3A_302, %mul3A_303 : i32
      %add3A_305 = arith.constant 0 : i32
      %add3A_306 = arith.addi %mul3A_304, %add3A_305 : i32
      %broadcast_in_dim3A_307 = vector.broadcast %add3A_306 : i32 to vector<16xi32>
      %add3A_308 = arith.constant 0 : i32
      %add3A_309 = arith.addi %add3A_308, %add3A_306 : i32
      %get3A_310 = arith.index_cast %add3A_309 : i32 to index
      %get3A_311 = arith.constant 0 : index
      %get3A_312 = tpu.vector_load %arg10[%get3A_310, %get3A_311] {strides = array<i32>} : memref<1024x16xf32, #tpu.memory_space<vmem>>, vector<16xf32>,
      %add3A_313 = arith.constant 0 : i32
      %add3A_314 = vector.broadcast %add3A_313 : i32 to vector<16xi32>
      %add3A_315 = arith.addi %iota3A_75, %add3A_314 : vector<16xi32>
      tpu.vector_store_idx %arg13[%add3A_315, %broadcast_in_dim3A_307], %get3A_312 : memref<32x513xf32, #tpu.memory_space<vmem>>[vector<16xi32>, vector<16xi32>], vector<16xf32>,
      %add3A_316 = arith.constant 512 : i32
      %add3A_317 = arith.addi %add3A_316, %add3A_306 : i32
      %get3A_318 = arith.index_cast %add3A_317 : i32 to index
      %get3A_319 = arith.constant 0 : index
      %get3A_320 = tpu.vector_load %arg10[%get3A_318, %get3A_319] {strides = array<i32>} : memref<1024x16xf32, #tpu.memory_space<vmem>>, vector<16xf32>,
      %add3A_321 = arith.constant 16 : i32
      %add3A_322 = vector.broadcast %add3A_321 : i32 to vector<16xi32>
      %add3A_323 = arith.addi %iota3A_75, %add3A_322 : vector<16xi32>
      tpu.vector_store_idx %arg13[%add3A_323, %broadcast_in_dim3A_307], %get3A_320 : memref<32x513xf32, #tpu.memory_space<vmem>>[vector<16xi32>, vector<16xi32>], vector<16xf32>,
      %mul3A_324 = arith.constant 8 : i32
      %mul3A_325 = arith.muli %scan3A_302, %mul3A_324 : i32
      %add3A_326 = arith.constant 1 : i32
      %add3A_327 = arith.addi %mul3A_325, %add3A_326 : i32
      %broadcast_in_dim3A_328 = vector.broadcast %add3A_327 : i32 to vector<16xi32>
      %add3A_329 = arith.constant 0 : i32
      %add3A_330 = arith.addi %add3A_329, %add3A_327 : i32
      %get3A_331 = arith.index_cast %add3A_330 : i32 to index
      %get3A_332 = arith.constant 0 : index
      %get3A_333 = tpu.vector_load %arg10[%get3A_331, %get3A_332] {strides = array<i32>} : memref<1024x16xf32, #tpu.memory_space<vmem>>, vector<16xf32>,
      %add3A_334 = arith.constant 0 : i32
      %add3A_335 = vector.broadcast %add3A_334 : i32 to vector<16xi32>
      %add3A_336 = arith.addi %iota3A_75, %add3A_335 : vector<16xi32>
      tpu.vector_store_idx %arg13[%add3A_336, %broadcast_in_dim3A_328], %get3A_333 : memref<32x513xf32, #tpu.memory_space<vmem>>[vector<16xi32>, vector<16xi32>], vector<16xf32>,
      %add3A_337 = arith.constant 512 : i32
      %add3A_338 = arith.addi %add3A_337, %add3A_327 : i32
      %get3A_339 = arith.index_cast %add3A_338 : i32 to index
      %get3A_340 = arith.constant 0 : index
      %get3A_341 = tpu.vector_load %arg10[%get3A_339, %get3A_340] {strides = array<i32>} : memref<1024x16xf32, #tpu.memory_space<vmem>>, vector<16xf32>,
      %add3A_342 = arith.constant 16 : i32
      %add3A_343 = vector.broadcast %add3A_342 : i32 to vector<16xi32>
      %add3A_344 = arith.addi %iota3A_75, %add3A_343 : vector<16xi32>
      tpu.vector_store_idx %arg13[%add3A_344, %broadcast_in_dim3A_328], %get3A_341 : memref<32x513xf32, #tpu.memory_space<vmem>>[vector<16xi32>, vector<16xi32>], vector<16xf32>,
      %mul3A_345 = arith.constant 8 : i32
      %mul3A_346 = arith.muli %scan3A_302, %mul3A_345 : i32
      %add3A_347 = arith.constant 2 : i32
      %add3A_348 = arith.addi %mul3A_346, %add3A_347 : i32
      %broadcast_in_dim3A_349 = vector.broadcast %add3A_348 : i32 to vector<16xi32>
      %add3A_350 = arith.constant 0 : i32
      %add3A_351 = arith.addi %add3A_350, %add3A_348 : i32
      %get3A_352 = arith.index_cast %add3A_351 : i32 to index
      %get3A_353 = arith.constant 0 : index
      %get3A_354 = tpu.vector_load %arg10[%get3A_352, %get3A_353] {strides = array<i32>} : memref<1024x16xf32, #tpu.memory_space<vmem>>, vector<16xf32>,
      %add3A_355 = arith.constant 0 : i32
      %add3A_356 = vector.broadcast %add3A_355 : i32 to vector<16xi32>
      %add3A_357 = arith.addi %iota3A_75, %add3A_356 : vector<16xi32>
      tpu.vector_store_idx %arg13[%add3A_357, %broadcast_in_dim3A_349], %get3A_354 : memref<32x513xf32, #tpu.memory_space<vmem>>[vector<16xi32>, vector<16xi32>], vector<16xf32>,
      %add3A_358 = arith.constant 512 : i32
      %add3A_359 = arith.addi %add3A_358, %add3A_348 : i32
      %get3A_360 = arith.index_cast %add3A_359 : i32 to index
      %get3A_361 = arith.constant 0 : index
      %get3A_362 = tpu.vector_load %arg10[%get3A_360, %get3A_361] {strides = array<i32>} : memref<1024x16xf32, #tpu.memory_space<vmem>>, vector<16xf32>,
      %add3A_363 = arith.constant 16 : i32
      %add3A_364 = vector.broadcast %add3A_363 : i32 to vector<16xi32>
      %add3A_365 = arith.addi %iota3A_75, %add3A_364 : vector<16xi32>
      tpu.vector_store_idx %arg13[%add3A_365, %broadcast_in_dim3A_349], %get3A_362 : memref<32x513xf32, #tpu.memory_space<vmem>>[vector<16xi32>, vector<16xi32>], vector<16xf32>,
      %mul3A_366 = arith.constant 8 : i32
      %mul3A_367 = arith.muli %scan3A_302, %mul3A_366 : i32
      %add3A_368 = arith.constant 3 : i32
      %add3A_369 = arith.addi %mul3A_367, %add3A_368 : i32
      %broadcast_in_dim3A_370 = vector.broadcast %add3A_369 : i32 to vector<16xi32>
      %add3A_371 = arith.constant 0 : i32
      %add3A_372 = arith.addi %add3A_371, %add3A_369 : i32
      %get3A_373 = arith.index_cast %add3A_372 : i32 to index
      %get3A_374 = arith.constant 0 : index
      %get3A_375 = tpu.vector_load %arg10[%get3A_373, %get3A_374] {strides = array<i32>} : memref<1024x16xf32, #tpu.memory_space<vmem>>, vector<16xf32>,
      %add3A_376 = arith.constant 0 : i32
      %add3A_377 = vector.broadcast %add3A_376 : i32 to vector<16xi32>
      %add3A_378 = arith.addi %iota3A_75, %add3A_377 : vector<16xi32>
      tpu.vector_store_idx %arg13[%add3A_378, %broadcast_in_dim3A_370], %get3A_375 : memref<32x513xf32, #tpu.memory_space<vmem>>[vector<16xi32>, vector<16xi32>], vector<16xf32>,
      %add3A_379 = arith.constant 512 : i32
      %add3A_380 = arith.addi %add3A_379, %add3A_369 : i32
      %get3A_381 = arith.index_cast %add3A_380 : i32 to index
      %get3A_382 = arith.constant 0 : index
      %get3A_383 = tpu.vector_load %arg10[%get3A_381, %get3A_382] {strides = array<i32>} : memref<1024x16xf32, #tpu.memory_space<vmem>>, vector<16xf32>,
      %add3A_384 = arith.constant 16 : i32
      %add3A_385 = vector.broadcast %add3A_384 : i32 to vector<16xi32>
      %add3A_386 = arith.addi %iota3A_75, %add3A_385 : vector<16xi32>
      tpu.vector_store_idx %arg13[%add3A_386, %broadcast_in_dim3A_370], %get3A_383 : memref<32x513xf32, #tpu.memory_space<vmem>>[vector<16xi32>, vector<16xi32>], vector<16xf32>,
      %mul3A_387 = arith.constant 8 : i32
      %mul3A_388 = arith.muli %scan3A_302, %mul3A_387 : i32
      %add3A_389 = arith.constant 4 : i32
      %add3A_390 = arith.addi %mul3A_388, %add3A_389 : i32
      %broadcast_in_dim3A_391 = vector.broadcast %add3A_390 : i32 to vector<16xi32>
      %add3A_392 = arith.constant 0 : i32
      %add3A_393 = arith.addi %add3A_392, %add3A_390 : i32
      %get3A_394 = arith.index_cast %add3A_393 : i32 to index
      %get3A_395 = arith.constant 0 : index
      %get3A_396 = tpu.vector_load %arg10[%get3A_394, %get3A_395] {strides = array<i32>} : memref<1024x16xf32, #tpu.memory_space<vmem>>, vector<16xf32>,
      %add3A_397 = arith.constant 0 : i32
      %add3A_398 = vector.broadcast %add3A_397 : i32 to vector<16xi32>
      %add3A_399 = arith.addi %iota3A_75, %add3A_398 : vector<16xi32>
      tpu.vector_store_idx %arg13[%add3A_399, %broadcast_in_dim3A_391], %get3A_396 : memref<32x513xf32, #tpu.memory_space<vmem>>[vector<16xi32>, vector<16xi32>], vector<16xf32>,
      %add3A_400 = arith.constant 512 : i32
      %add3A_401 = arith.addi %add3A_400, %add3A_390 : i32
      %get3A_402 = arith.index_cast %add3A_401 : i32 to index
      %get3A_403 = arith.constant 0 : index
      %get3A_404 = tpu.vector_load %arg10[%get3A_402, %get3A_403] {strides = array<i32>} : memref<1024x16xf32, #tpu.memory_space<vmem>>, vector<16xf32>,
      %add3A_405 = arith.constant 16 : i32
      %add3A_406 = vector.broadcast %add3A_405 : i32 to vector<16xi32>
      %add3A_407 = arith.addi %iota3A_75, %add3A_406 : vector<16xi32>
      tpu.vector_store_idx %arg13[%add3A_407, %broadcast_in_dim3A_391], %get3A_404 : memref<32x513xf32, #tpu.memory_space<vmem>>[vector<16xi32>, vector<16xi32>], vector<16xf32>,
      %mul3A_408 = arith.constant 8 : i32
      %mul3A_409 = arith.muli %scan3A_302, %mul3A_408 : i32
      %add3A_410 = arith.constant 5 : i32
      %add3A_411 = arith.addi %mul3A_409, %add3A_410 : i32
      %broadcast_in_dim3A_412 = vector.broadcast %add3A_411 : i32 to vector<16xi32>
      %add3A_413 = arith.constant 0 : i32
      %add3A_414 = arith.addi %add3A_413, %add3A_411 : i32
      %get3A_415 = arith.index_cast %add3A_414 : i32 to index
      %get3A_416 = arith.constant 0 : index
      %get3A_417 = tpu.vector_load %arg10[%get3A_415, %get3A_416] {strides = array<i32>} : memref<1024x16xf32, #tpu.memory_space<vmem>>, vector<16xf32>,
      %add3A_418 = arith.constant 0 : i32
      %add3A_419 = vector.broadcast %add3A_418 : i32 to vector<16xi32>
      %add3A_420 = arith.addi %iota3A_75, %add3A_419 : vector<16xi32>
      tpu.vector_store_idx %arg13[%add3A_420, %broadcast_in_dim3A_412], %get3A_417 : memref<32x513xf32, #tpu.memory_space<vmem>>[vector<16xi32>, vector<16xi32>], vector<16xf32>,
      %add3A_421 = arith.constant 512 : i32
      %add3A_422 = arith.addi %add3A_421, %add3A_411 : i32
      %get3A_423 = arith.index_cast %add3A_422 : i32 to index
      %get3A_424 = arith.constant 0 : index
      %get3A_425 = tpu.vector_load %arg10[%get3A_423, %get3A_424] {strides = array<i32>} : memref<1024x16xf32, #tpu.memory_space<vmem>>, vector<16xf32>,
      %add3A_426 = arith.constant 16 : i32
      %add3A_427 = vector.broadcast %add3A_426 : i32 to vector<16xi32>
      %add3A_428 = arith.addi %iota3A_75, %add3A_427 : vector<16xi32>
      tpu.vector_store_idx %arg13[%add3A_428, %broadcast_in_dim3A_412], %get3A_425 : memref<32x513xf32, #tpu.memory_space<vmem>>[vector<16xi32>, vector<16xi32>], vector<16xf32>,
      %mul3A_429 = arith.constant 8 : i32
      %mul3A_430 = arith.muli %scan3A_302, %mul3A_429 : i32
      %add3A_431 = arith.constant 6 : i32
      %add3A_432 = arith.addi %mul3A_430, %add3A_431 : i32
      %broadcast_in_dim3A_433 = vector.broadcast %add3A_432 : i32 to vector<16xi32>
      %add3A_434 = arith.constant 0 : i32
      %add3A_435 = arith.addi %add3A_434, %add3A_432 : i32
      %get3A_436 = arith.index_cast %add3A_435 : i32 to index
      %get3A_437 = arith.constant 0 : index
      %get3A_438 = tpu.vector_load %arg10[%get3A_436, %get3A_437] {strides = array<i32>} : memref<1024x16xf32, #tpu.memory_space<vmem>>, vector<16xf32>,
      %add3A_439 = arith.constant 0 : i32
      %add3A_440 = vector.broadcast %add3A_439 : i32 to vector<16xi32>
      %add3A_441 = arith.addi %iota3A_75, %add3A_440 : vector<16xi32>
      tpu.vector_store_idx %arg13[%add3A_441, %broadcast_in_dim3A_433], %get3A_438 : memref<32x513xf32, #tpu.memory_space<vmem>>[vector<16xi32>, vector<16xi32>], vector<16xf32>,
      %add3A_442 = arith.constant 512 : i32
      %add3A_443 = arith.addi %add3A_442, %add3A_432 : i32
      %get3A_444 = arith.index_cast %add3A_443 : i32 to index
      %get3A_445 = arith.constant 0 : index
      %get3A_446 = tpu.vector_load %arg10[%get3A_444, %get3A_445] {strides = array<i32>} : memref<1024x16xf32, #tpu.memory_space<vmem>>, vector<16xf32>,
      %add3A_447 = arith.constant 16 : i32
      %add3A_448 = vector.broadcast %add3A_447 : i32 to vector<16xi32>
      %add3A_449 = arith.addi %iota3A_75, %add3A_448 : vector<16xi32>
      tpu.vector_store_idx %arg13[%add3A_449, %broadcast_in_dim3A_433], %get3A_446 : memref<32x513xf32, #tpu.memory_space<vmem>>[vector<16xi32>, vector<16xi32>], vector<16xf32>,
      %mul3A_450 = arith.constant 8 : i32
      %mul3A_451 = arith.muli %scan3A_302, %mul3A_450 : i32
      %add3A_452 = arith.constant 7 : i32
      %add3A_453 = arith.addi %mul3A_451, %add3A_452 : i32
      %broadcast_in_dim3A_454 = vector.broadcast %add3A_453 : i32 to vector<16xi32>
      %add3A_455 = arith.constant 0 : i32
      %add3A_456 = arith.addi %add3A_455, %add3A_453 : i32
      %get3A_457 = arith.index_cast %add3A_456 : i32 to index
      %get3A_458 = arith.constant 0 : index
      %get3A_459 = tpu.vector_load %arg10[%get3A_457, %get3A_458] {strides = array<i32>} : memref<1024x16xf32, #tpu.memory_space<vmem>>, vector<16xf32>,
      %add3A_460 = arith.constant 0 : i32
      %add3A_461 = vector.broadcast %add3A_460 : i32 to vector<16xi32>
      %add3A_462 = arith.addi %iota3A_75, %add3A_461 : vector<16xi32>
      tpu.vector_store_idx %arg13[%add3A_462, %broadcast_in_dim3A_454], %get3A_459 : memref<32x513xf32, #tpu.memory_space<vmem>>[vector<16xi32>, vector<16xi32>], vector<16xf32>,
      %add3A_463 = arith.constant 512 : i32
      %add3A_464 = arith.addi %add3A_463, %add3A_453 : i32
      %get3A_465 = arith.index_cast %add3A_464 : i32 to index
      %get3A_466 = arith.constant 0 : index
      %get3A_467 = tpu.vector_load %arg10[%get3A_465, %get3A_466] {strides = array<i32>} : memref<1024x16xf32, #tpu.memory_space<vmem>>, vector<16xf32>,
      %add3A_468 = arith.constant 16 : i32
      %add3A_469 = vector.broadcast %add3A_468 : i32 to vector<16xi32>
      %add3A_470 = arith.addi %iota3A_75, %add3A_469 : vector<16xi32>
      tpu.vector_store_idx %arg13[%add3A_470, %broadcast_in_dim3A_454], %get3A_467 : memref<32x513xf32, #tpu.memory_space<vmem>>[vector<16xi32>, vector<16xi32>], vector<16xf32>,
    }
    %scan3A_81 = arith.constant 64 : i32
    %dma_start3A_82 = arith.constant 49 : i32
    %dma_start3A_83 = arith.constant 0 : i32
    %dma_start3A_84 = arith.constant 0 : i32
    %dma_start3A_85 = tpu.memref_slice %arg13[%dma_start3A_83, %dma_start3A_84] : memref<32x513xf32, #tpu.memory_space<vmem>> -> memref<32x512xf32, #tpu.memory_space<vmem>>
    %dma_start3A_86 = arith.constant 0 : i32
    %dma_start3A_87 = tpu.memref_slice %arg4[%dma_start3A_82, %dma_start3A_86, %mul3A_2] : memref<50x32x16384xf32, #tpu.memory_space<hbm>> -> memref<1x32x512xf32, #tpu.memory_space<hbm>>
    %dma_start3A_88 = tpu.memref_squeeze %dma_start3A_87 : memref<1x32x512xf32, #tpu.memory_space<hbm>> -> memref<32x512xf32, #tpu.memory_space<hbm>>
    %dma_start3A_89 = arith.constant 0 : i32
    %dma_start3A_90 = tpu.memref_slice %arg4[%dma_start3A_82, %dma_start3A_89, %mul3A_2] : memref<50x32x16384xf32, #tpu.memory_space<hbm>> -> memref<1x32x512xf32, #tpu.memory_space<hbm>>
    %dma_start3A_91 = tpu.memref_squeeze %dma_start3A_90 : memref<1x32x512xf32, #tpu.memory_space<hbm>> -> memref<32x512xf32, #tpu.memory_space<hbm>>
    %dma_start3A_92 = arith.constant 0 : i32
    %dma_start3A_93 = arith.constant 0 : i32
    %dma_start3A_94 = tpu.memref_slice %arg13[%dma_start3A_92, %dma_start3A_93] : memref<32x513xf32, #tpu.memory_space<vmem>> -> memref<32x512xf32, #tpu.memory_space<vmem>>
    tpu.enqueue_dma source(%dma_start3A_94 : memref<32x512xf32, #tpu.memory_space<vmem>>) target(%dma_start3A_91 : memref<32x512xf32, #tpu.memory_space<hbm>>) target_semaphore(%arg19 : memref<!tpu.dma_semaphore, #tpu.memory_space<semaphore_mem>>)
    %dma_wait3A_95 = arith.constant 0 : i32
    %dma_wait3A_96 = arith.constant 0 : i32
    %dma_wait3A_97 = arith.constant 0 : i32
    %dma_wait3A_98 = tpu.memref_slice %arg12[%dma_wait3A_96, %dma_wait3A_97] : memref<32x513xf32, #tpu.memory_space<vmem>> -> memref<32x512xf32, #tpu.memory_space<vmem>>
    %dma_wait3A_99 = arith.constant 0 : i32
    %dma_wait3A_100 = tpu.memref_slice %arg4[%dma_wait3A_95, %dma_wait3A_99, %mul3A_2] : memref<50x32x16384xf32, #tpu.memory_space<hbm>> -> memref<1x32x512xf32, #tpu.memory_space<hbm>>
    %dma_wait3A_101 = tpu.memref_squeeze %dma_wait3A_100 : memref<1x32x512xf32, #tpu.memory_space<hbm>> -> memref<32x512xf32, #tpu.memory_space<hbm>>
    %dma_wait3A_102 = arith.constant 0 : i32
    %dma_wait3A_103 = tpu.memref_slice %arg4[%dma_wait3A_95, %dma_wait3A_102, %mul3A_2] : memref<50x32x16384xf32, #tpu.memory_space<hbm>> -> memref<1x32x512xf32, #tpu.memory_space<hbm>>
    %dma_wait3A_104 = tpu.memref_squeeze %dma_wait3A_103 : memref<1x32x512xf32, #tpu.memory_space<hbm>> -> memref<32x512xf32, #tpu.memory_space<hbm>>
    %dma_wait3A_105 = arith.constant 0 : i32
    %dma_wait3A_106 = arith.constant 0 : i32
    %dma_wait3A_107 = tpu.memref_slice %arg12[%dma_wait3A_105, %dma_wait3A_106] : memref<32x513xf32, #tpu.memory_space<vmem>> -> memref<32x512xf32, #tpu.memory_space<vmem>>
    tpu.wait_dma2 semaphore(%arg18 : memref<!tpu.dma_semaphore, #tpu.memory_space<semaphore_mem>>) src(%dma_wait3A_107 : memref<32x512xf32, #tpu.memory_space<vmem>>) dst(%dma_wait3A_104 : memref<32x512xf32, #tpu.memory_space<hbm>>)
    %dma_wait3A_108 = arith.constant 0 : i32
    %dma_wait3A_109 = arith.constant 0 : i32
    %dma_wait3A_110 = arith.constant 0 : i32
    %dma_wait3A_111 = tpu.memref_slice %arg13[%dma_wait3A_109, %dma_wait3A_110] : memref<32x513xf32, #tpu.memory_space<vmem>> -> memref<32x512xf32, #tpu.memory_space<vmem>>
    %dma_wait3A_112 = arith.constant 0 : i32
    %dma_wait3A_113 = tpu.memref_slice %arg4[%dma_wait3A_108, %dma_wait3A_112, %mul3A_2] : memref<50x32x16384xf32, #tpu.memory_space<hbm>> -> memref<1x32x512xf32, #tpu.memory_space<hbm>>
    %dma_wait3A_114 = tpu.memref_squeeze %dma_wait3A_113 : memref<1x32x512xf32, #tpu.memory_space<hbm>> -> memref<32x512xf32, #tpu.memory_space<hbm>>
    %dma_wait3A_115 = arith.constant 0 : i32
    %dma_wait3A_116 = tpu.memref_slice %arg4[%dma_wait3A_108, %dma_wait3A_115, %mul3A_2] : memref<50x32x16384xf32, #tpu.memory_space<hbm>> -> memref<1x32x512xf32, #tpu.memory_space<hbm>>
    %dma_wait3A_117 = tpu.memref_squeeze %dma_wait3A_116 : memref<1x32x512xf32, #tpu.memory_space<hbm>> -> memref<32x512xf32, #tpu.memory_space<hbm>>
    %dma_wait3A_118 = arith.constant 0 : i32
    %dma_wait3A_119 = arith.constant 0 : i32
    %dma_wait3A_120 = tpu.memref_slice %arg13[%dma_wait3A_118, %dma_wait3A_119] : memref<32x513xf32, #tpu.memory_space<vmem>> -> memref<32x512xf32, #tpu.memory_space<vmem>>
    tpu.wait_dma2 semaphore(%arg19 : memref<!tpu.dma_semaphore, #tpu.memory_space<semaphore_mem>>) src(%dma_wait3A_120 : memref<32x512xf32, #tpu.memory_space<vmem>>) dst(%dma_wait3A_117 : memref<32x512xf32, #tpu.memory_space<hbm>>)
    %dma_wait3A_121 = arith.constant 0 : i32
    %dma_wait3A_122 = arith.constant 0 : i32
    %dma_wait3A_123 = arith.constant 0 : i32
    %dma_wait3A_124 = tpu.memref_slice %arg14[%dma_wait3A_122, %dma_wait3A_123] : memref<32x513xf32, #tpu.memory_space<vmem>> -> memref<32x512xf32, #tpu.memory_space<vmem>>
    %dma_wait3A_125 = arith.constant 0 : i32
    %dma_wait3A_126 = tpu.memref_slice %arg4[%dma_wait3A_121, %dma_wait3A_125, %mul3A_2] : memref<50x32x16384xf32, #tpu.memory_space<hbm>> -> memref<1x32x512xf32, #tpu.memory_space<hbm>>
    %dma_wait3A_127 = tpu.memref_squeeze %dma_wait3A_126 : memref<1x32x512xf32, #tpu.memory_space<hbm>> -> memref<32x512xf32, #tpu.memory_space<hbm>>
    %dma_wait3A_128 = arith.constant 0 : i32
    %dma_wait3A_129 = tpu.memref_slice %arg4[%dma_wait3A_121, %dma_wait3A_128, %mul3A_2] : memref<50x32x16384xf32, #tpu.memory_space<hbm>> -> memref<1x32x512xf32, #tpu.memory_space<hbm>>
    %dma_wait3A_130 = tpu.memref_squeeze %dma_wait3A_129 : memref<1x32x512xf32, #tpu.memory_space<hbm>> -> memref<32x512xf32, #tpu.memory_space<hbm>>
    %dma_wait3A_131 = arith.constant 0 : i32
    %dma_wait3A_132 = arith.constant 0 : i32
    %dma_wait3A_133 = tpu.memref_slice %arg14[%dma_wait3A_131, %dma_wait3A_132] : memref<32x513xf32, #tpu.memory_space<vmem>> -> memref<32x512xf32, #tpu.memory_space<vmem>>
    tpu.wait_dma2 semaphore(%arg20 : memref<!tpu.dma_semaphore, #tpu.memory_space<semaphore_mem>>) src(%dma_wait3A_133 : memref<32x512xf32, #tpu.memory_space<vmem>>) dst(%dma_wait3A_130 : memref<32x512xf32, #tpu.memory_space<hbm>>)
    return
  }
}

</mosaic_0001>

<sc_bundles>
// kernel: kernel.3.cloned.1.call-start
scs
__scs_entry_jumppad:
0x0: {  	(pc) =	sbr.rel $0x88, $3  }
0x1: {  	(tag) =	ssettag $0x0;
	lr =	simm.s32 $0x1  }
0x2: {  	[smem:$0x3F9F] =	sst lr;
	_ =	strace $0xD0000000  }
0x3: {  	_ = 	snop  }
0x4: {  	_ = 	snop  }
0x5: {  	_ = 	snop  }
0x6: {  	_ = 	snop  }
0x7: {  	_ = 	snop  }
__scs_overlays_trampoline_lowered:
0x8: {  	[smem:$0x3FAE] =	sst s0  }
0x9: {  	[smem:$0x3FAF] =	sst s1  }
0xa: {  	[smem:$0x3FB0] =	sst s2  }
0xb: {  	[smem:$0x3FB1] =	sst s3  }
0xc: {  	[smem:$0x3FB2] =	sst s4  }
0xd: {  	[smem:$0x3FB3] =	sst s5  }
0xe: {  	[smem:$0x3FB4] =	sst s6  }
0xf: {  	[smem:$0x3FB5] =	sst s7  }
0x10: {  	[smem:$0x3FB6] =	sst s8  }
0x11: {  	[smem:$0x3FB7] =	sst s9;
	s0 =	simm.s32 @!p0 $0x0  }
0x12: {  	s1 =	sld [smem:$0x3F9D];
	s0 =	simm.s32 @p0 $0x1  }
0x13: {  	[smem:$0x3FB8] =	sst s0;
	s0 =	simm.s32 @!p1 $0x0  }
0x14: {  	s2 =	sld [smem:$0x3F9C];
	s0 =	simm.s32 @p1 $0x1  }
0x15: {  	[smem:$0x3FB9] =	sst s0;
	s0 =	simm.s32 @!p2 $0x0  }
0x16: {  	s3 =	sld [smem:$0x3FDB];
	s0 =	simm.s32 @p2 $0x1  }
0x17: {  	s4 =	simm.s32 $0x1BF5;
	[smem:$0x3FBB] =	sst s0  }
0x18: {  	s0 =	sld [smem:$0x3F9E];
	_ =	swait.ge [sflag:s4], $0x0  }
0x19: {  	s7 =	sld [smem:$0x3F9F]  }
0x1a: {  	s8 =	sadd.s32 $0xFFFFE003, lr  }
0x1b: {  	s9 =	sadd.s32 $0xFFFFFEF7, lr;
	s5 =	simm.s32 $0xFFFFFFFF;
	p2 =	slt.u32 s8, $0xFFFFF086  }
0x1c: {  	p1 =	slt.u32 s9, $0xF7A;
	s5 =	simm.s32 @!p2 $0x0  }
0x1d: {  	s5 =	simm.s32 @p1 $0x1;
	p0 =	seq.s32 s7, s2  }
0x1e: {  	s7 =	smul.u32 @!p0 $0xF7A, s2;
	p2 =	seq.s32 @!p0 s5, $0x0  }
0x1f: {  	s9 =	smul.u32 $0xF7A, s1;
	s8 =	simm.s32 @!p0 $0x1BF5;
	p2 =	por !p2, p0  }
0x20: {  	[sflag:s8] =	ssyncset.s32 @!p0 $0xFFFFF086;
	s6 =	sadd.s32 @!p0 s3, s7;
	s7 =	simm.s32 @!p0 $0x108  }
0x21: {  	s3 =	sadd.s32 s3, s9;
	s6 =	sadd.s32 @!p0 $0x88, s6;
	s7 =	simm.s32 @p2 $0x1082  }
0x22: {  	[simem:s7], [sflag:s8] =	dma.local @!p0 [hbm:s6], $0xF7A  }
0x23: {  	s9 =	sor.u32 $0xD0000000, s2;
	s6 =	simm.s32 $0x108;
	_ =	swait.ge @!p0 [sflag:s8], $0x0  }
0x24: {  	s3 =	sadd.s32 $0x88, s3;
	s6 =	simm.s32 @!p1 $0x1082;
	[sflag:s4] =	ssyncset.s32 $0xFFFFF086  }
0x25: {  	[simem:s6], [sflag:s4] =	dma.local [hbm:s3], $0xF7A  }
0x26: {  	[smem:$0x3F9F] =	sst s1;
	(tag) =	ssettag s2;
	_ =	strace s9  }
0x27: {  	s1 =	sld [smem:$0x3FAF]  }
0x28: {  	s2 =	sld [smem:$0x3FB0]  }
0x29: {  	s4 =	sld [smem:$0x3FB2]  }
0x2a: {  	p0 =	seq.s32 s5, $0x0;
	s5 =	sld [smem:$0x3FB3]  }
0x2b: {  	s6 =	sld [smem:$0x3FB4]  }
0x2c: {  	s7 =	sld [smem:$0x3FB5]  }
0x2d: {  	s3 =	simm.s32 $0x108;
	s8 =	sld [smem:$0x3FB6]  }
0x2e: {  	s3 =	simm.s32 @!p0 $0x1082;
	s9 =	sld [smem:$0x3FB7]  }
0x2f: {  	lr =	sadd.s32 s0, s3;
	s0 =	sld [smem:$0x3FAE]  }
0x30: {  	s3 =	sld [smem:$0x3FB1]  }
0x31: {  	[smem:$0x3FBA] =	sst s10  }
0x32: {  	s10 =	sld [smem:$0x3FB8];
	_ =	sdelay $0x3  }
0x33: {  	p0 =	seq.s32 s10, $0x1;
	s10 =	sld [smem:$0x3FBA];
	_ =	sdelay $0x3  }
0x34: {  	[smem:$0x3FBA] =	sst s10  }
0x35: {  	s10 =	sld [smem:$0x3FB9];
	_ =	sdelay $0x3  }
0x36: {  	p1 =	seq.s32 s10, $0x1;
	s10 =	sld [smem:$0x3FBA];
	_ =	sdelay $0x3  }
0x37: {  	[smem:$0x3FBA] =	sst s10  }
0x38: {  	s10 =	sld [smem:$0x3FBB]  }
0x39: {  	_ = 	snop;
	(pc) =	sbr.ind lr, $3  }
0x3a: {  	_ = 	snop  }
0x3b: {  	_ = 	snop  }
0x3c: {  	p2 =	seq.s32 s10, $0x1;
	s10 =	sld [smem:$0x3FBA]  }
0x3d: {  	_ =	shalt  }
0x3e: {  	_ =	shalt  }
0x3f: {  	_ =	shalt  }
0x40: {  	_ =	shalt  }
0x41: {  	_ =	shalt  }
0x42: {  	_ =	shalt  }
0x43: {  	_ =	shalt  }
0x44: {  	_ =	shalt  }
0x45: {  	_ =	shalt  }
0x46: {  	_ =	shalt  }
0x47: {  	_ =	shalt  }
0x48: {  	_ =	shalt  }
0x49: {  	_ =	shalt  }
0x4a: {  	_ =	shalt  }
0x4b: {  	_ =	shalt  }
0x4c: {  	_ =	shalt  }
0x4d: {  	_ =	shalt  }
0x4e: {  	_ =	shalt  }
0x4f: {  	_ =	shalt  }
0x50: {  	_ =	shalt  }
0x51: {  	_ =	shalt  }
0x52: {  	_ =	shalt  }
0x53: {  	_ =	shalt  }
0x54: {  	_ =	shalt  }
0x55: {  	_ =	shalt  }
0x56: {  	_ =	shalt  }
0x57: {  	_ =	shalt  }
0x58: {  	_ =	shalt  }
0x59: {  	_ =	shalt  }
0x5a: {  	_ =	shalt  }
0x5b: {  	_ =	shalt  }
0x5c: {  	_ =	shalt  }
0x5d: {  	_ =	shalt  }
0x5e: {  	_ =	shalt  }
0x5f: {  	_ =	shalt  }
0x60: {  	_ =	shalt  }
0x61: {  	_ =	shalt  }
0x62: {  	_ =	shalt  }
0x63: {  	_ =	shalt  }
0x64: {  	_ =	shalt  }
0x65: {  	_ =	shalt  }
0x66: {  	_ =	shalt  }
0x67: {  	_ =	shalt  }
0x68: {  	_ =	shalt  }
0x69: {  	_ =	shalt  }
0x6a: {  	_ =	shalt  }
0x6b: {  	_ =	shalt  }
0x6c: {  	_ =	shalt  }
0x6d: {  	_ =	shalt  }
0x6e: {  	_ =	shalt  }
0x6f: {  	_ =	shalt  }
0x70: {  	_ =	shalt  }
0x71: {  	_ =	shalt  }
0x72: {  	_ =	shalt  }
0x73: {  	_ =	shalt  }
0x74: {  	_ =	shalt  }
0x75: {  	_ =	shalt  }
0x76: {  	_ =	shalt  }
0x77: {  	_ =	shalt  }
0x78: {  	_ =	shalt  }
0x79: {  	_ =	shalt  }
0x7a: {  	_ =	shalt  }
0x7b: {  	_ =	shalt  }
0x7c: {  	_ =	shalt  }
0x7d: {  	_ =	shalt  }
0x7e: {  	_ =	shalt  }
0x7f: {  	_ =	shalt  }
0x80: {  	_ =	shalt  }
0x81: {  	_ =	shalt  }
0x82: {  	_ =	shalt  }
0x83: {  	_ =	shalt  }
0x84: {  	_ =	shalt  }
0x85: {  	_ =	shalt  }
0x86: {  	_ =	shalt  }
0x87: {  	_ =	shalt  }
.Lfunc_end0:
.L_simem_size_0:
called_computation_lowered:
.L_overlay_start_0:
0x88: {  	s2 =	sld [smem:$0x3FD9]  }
0x89: {  	s3 =	sld [smem:$0x3FFE];
	_ =	sdelay $0x1  }
0x8a: {  	s1 =	srdreg.scid  }
0x8b: {  	s0 =	sand.u32 $0x1, s1  }
0x8c: {  	s17 =	sshll.u32 s0, $0xA;
	s2 =	sadd.s32 s3, s2  }
0x8d: {  	s2 =	sadd.s32 s2, s17  }
0x8e: {  	[smem:$0x3FC6] =	sst s2  }
0x8f: {  	_ = 	snop  }
0x90: {  	s2 =	sld [smem:$0x3FD0];
	(tm) =	ssettm $0x1  }
0x91: {  	s18 =	sld [smem:$0x3FFB];
	_ =	sdelay $0x3  }
0x92: {  	_ =	strace s18  }
0x93: {  	s3 =	sld [smem:$0x3FFC];
	_ =	sdelay $0x3  }
0x94: {  	_ =	strace s3  }
0x95: {  	s3 =	sld [smem:$0x3FFD];
	_ =	sdelay $0x3  }
0x96: {  	_ =	strace s3  }
0x97: {  	_ =	strace $0x8FFFFFFF  }
0x98: {  	s19 =	sld [smem:$0x3FDB];
	_ =	sdelay $0x1  }
0x99: {  	s4 =	simm.s32 $_scs_section_size  }
0x9a: {  	s5 =	simm.s32 $_size__tile_overlayer_lowered;
	s6 =	simm.s32 $_tile_overlayer_lowered  }
0x9b: {  	s22 =	simm.s32 $0x1BFF;
	s21 =	sshll.u32 s6, $0x1;
	s3 =	sadd.s32 s4, s19  }
0x9c: {  	s7 =	simm.s32 $0x0;
	s20 =	sshll.u32 s5, $0x1;
	s5 =	sadd.s32 s21, s3  }
0x9d: {  	[timem:s7], [sflag:s22] =	dma.local [hbm:s5], s20  }
0x9e: {  	_ =	swait.ge [sflag:s22], s20  }
0x9f: {  	s4 =	ssub.s32 $0x0, s20;
	[sflag:s22] =	ssyncset.done $0x0  }
0xa0: {  	[sflag:s22] =	ssyncadd.s32 s4;
	_ =	sdelay $0x1  }
0xa1: {  	s23 =	simm.s32 $0x1B8B  }
0xa2: {  	_ =	swait.ge [sflag:s23], $0x1  }
0xa3: {  	[sflag:s23] =	ssyncset.done $0x0  }
0xa4: {  	s25 =	simm.s32 $0x1B8E;
	s24 =	sld [smem:$0x3FFE];
	[sflag:s23] =	ssyncadd.s32 $0xFFFFFFFF  }
0xa5: {  	s26 =	simm.s32 $execute0_lowered;
	[smem:$0x3FD2] =	sst s25  }
0xa6: {  	s5 =	sshll.u32 s26, $0x1;
	_ =	strace $0x80000046;
	[dreg:$0x1] =	wrdreg $0xFFFFFFFF  }
0xa7: {  	s28 =	simm.s32 $_size_execute0_lowered;
	s3 =	sadd.s32 s3, s5;
	[dreg:$0x0] =	wrdreg $0x0  }
0xa8: {  	s5 =	sshll.u32 s28, $0x1;
	[dreg:$0x2] =	wrdreg s3  }
0xa9: {  	[dreg:$0x3] =	wrdreg s5  }
0xaa: {  	[dreg:$0x4] =	wrdreg $0xC0  }
0xab: {  	_ =	task [dreg:s7], $0x5FFFF  }
0xac: {  	[dreg:$0x1] =	wrdreg $0xFFFFFFFF  }
0xad: {  	[dreg:$0x0] =	wrdreg $0x60  }
0xae: {  	[dreg:$0x2] =	wrdreg s24  }
0xaf: {  	[dreg:$0x3] =	wrdreg s2  }
0xb0: {  	[dreg:$0x4] =	wrdreg $0x9  }
0xb1: {  	_ =	task.clear_ibuf [dreg:s7], $0x5FFFF;
	_ =	strace $0x90000046  }
0xb2: {  	s29 =	simm.s32 $0x9;
	_ =	strace $0x80000048  }
0xb3: {  	_ =	swait.ge [sflag:s29], $0x1  }
0xb4: {  	[sflag:s29] =	ssyncadd.s32 $0xFFFFFFFF  }
0xb5: {  	_ =	strace $0x90000048  }
0xb6: {  	_ =	sfence  }
0xb7: {  	s30 =	sld [smem:$0x0];
	_ =	sdelay $0x2  }
0xb8: {  	s31 =	sshll.u32 s1, $0xD;
	s1 =	sshrl.u32 s1, $0x2  }
0xb9: {  	s3 =	sand.u32 $0x4000, s31;
	s1 =	sadd.s32 s1, s30  }
0xba: {  	s0 =	sor.u32 s3, s0;
	s1 =	sshll.u32 s1, $0x11  }
0xbb: {  	s0 =	sor.u32 s1, s0  }
0xbc: {  	s0 =	sadd.s32 $0x8F2B, s0  }
0xbd: {  	[sflag:s0] =	ssyncadd.remote.s32 $0x1  }
0xbe: {  	_ =	sfence.sel $0xFFFF  }
0xbf: {  	[dreg:$0x0] =	wrdreg $0xFFFFFFFF;
	(pc) =	sbr.abs _section_cstart, $3  }
0xc0: {  	[dreg:$0x1] =	wrdreg $0xFFFFFFFF  }
0xc1: {  	_ =	task.clear_ibuf [dreg:s7], $0x2FFFF;
	_ =	strace $0x9FFFFFFF  }
0xc2: {  	(tm) =	ssettm $0x7FFFFFFF  }
0xc3: {  	_ =	shalt  }
tec
execute0_lowered:
.L_overlay_start_1:
0x0: {  	(tag) =	ssettag $0x1  }
0x1: {  	s0 =	rddreg [dreg:$0x0]  }
0x2: {  	s1 =	rddreg [dreg:$0x1]  }
0x3: {  	s2 =	simm.s32 $0x0;
	s3 =	srdreg.scid;
	s5 =	stileid.u32  }
0x4: {  	s14 =	simm.s32 $0x400;
	s15 =	simm.s32 $0x6400;
	s16 =	simm.s32 $0x7000  }
0x5: {  	s17 =	simm.s32 $0x6800;
	s18 =	simm.s32 $0xB000;
	s19 =	simm.s32 $0x6C00  }
0x6: {  	s20 =	simm.s32 $0xF000;
	s21 =	simm.s32 $0x1;
	s22 =	simm.s32 $0x13000  }
0x7: {  	s23 =	simm.s32 $0x2;
	s24 =	simm.s32 $0x17100;
	s25 =	simm.s32 $0x3  }
0x8: {  	s28 =	simm.s32 $0x4;
	s29 =	simm.s32 $0x5;
	s31 =	simm.s32 $0x0  }
0x9: {  	[smem:$0x7FF] =	sst s2;
	s4 =	sand.u32 $0x1, s3;
	s5 =	sshll.u32 s5, $0xA  }
0xa: {  	s3 =	sadd.s32 $0xF42A00, s0;
	s6 =	sshll.u32 s4, $0x9;
	s7 =	ssub.s32 $0x2, s4  }
0xb: {  	_ =	strace $0x80000047;
	s4 =	sor.u32 s6, s5;
	s26 =	sshrl.u32 s7, $0x1  }
0xc: {  	s5 =	sadd.s32 $0x600, s0;
	s6 =	sshrl.u32 s4, $0x3;
	s0 =	ssub.s32 s7, s26  }
0xd: {  	s7 =	sor.u32 $0x80000, s4;
	s26 =	simm.s32 $0x1B200;
	s1 =	sadd.s32 s1, s6  }
0xe: {  	v0 =	vimm.s32 $0x0;
	vm0 =	vcmask $0x300;
	v1 =	vlaneseq.u32;
	s30 =	sadd.s32 s6, s5;
	s0 =	smax.u32 s0, $0x1;
	[dreg:$0x3] =	wrdreg s1  }
0xf: {  	v0 =	vsel vm0, $0x3, v0;
	v1 =	vmul.u32 $0x208, v1;
	s8 =	sadd.s32 $0x300000, s30;
	s9 =	sadd.s32 $0x310000, s30;
	[dreg:$0x4] =	wrdreg s0  }
.LBB2_1:
0x10: {  	s0 =	rddreg [dreg:$0x3]  }
0x11: {  	s1 =	simm.s32 $0x200;
	s6 =	simm.s32 $0x4000;
	s30 =	simm.s32 $0x7  }
0x12: {  	[tilespmem:s2], [sflag:$0x7] =	stream.strided.gather [hbm4b:s0+s1], $0x6400, s6, s1, $0x38;
	[tilespmem:$0x1F300] =	vst v63  }
0x13: {  	_ =	swait.ge [sflag:s30], $0x6400  }
0x14: {  	[sflag:s30] =	ssyncset.done $0x0  }
0x15: {  	[sflag:s30] =	ssyncadd.s32 $0xFFFF9C00  }
0x16: {  	v2 =	vld [tilespmem:$0x0];
	_ =	sdelay $0x1  }
0x17: {  	v3 =	vld [tilespmem:$0x10];
	_ =	sdelay $0x1  }
0x18: {  	v4 =	vld [tilespmem:$0x20]  }
0x19: {  	v2 =	vshll.u32 v2, $0x1  }
0x1a: {  	v5 =	vld [tilespmem:$0x30];
	[tilespmem:$0x6400] =	vst v2;
	v2 =	vor.u32 $0x1, v2  }
0x1b: {  	[tilespmem:$0x6600] =	vst v2;
	v2 =	vshll.u32 v3, $0x1  }
0x1c: {  	v3 =	vld [tilespmem:$0x40];
	[tilespmem:$0x6410] =	vst v2;
	v2 =	vor.u32 $0x1, v2  }
0x1d: {  	[tilespmem:$0x6610] =	vst v2;
	v2 =	vshll.u32 v4, $0x1  }
0x1e: {  	v26 =	vld [tilespmem:$0x50];
	[tilespmem:$0x6420] =	vst v2;
	v2 =	vor.u32 $0x1, v2  }
0x1f: {  	[tilespmem:$0x6620] =	vst v2;
	v2 =	vshll.u32 v5, $0x1  }
0x20: {  	v27 =	vld [tilespmem:$0x60];
	[tilespmem:$0x6430] =	vst v2;
	v2 =	vor.u32 $0x1, v2  }
0x21: {  	[tilespmem:$0x6630] =	vst v2;
	v2 =	vshll.u32 v3, $0x1  }
0x22: {  	v3 =	vld [tilespmem:$0x70];
	[tilespmem:$0x6440] =	vst v2;
	v2 =	vor.u32 $0x1, v2  }
0x23: {  	[tilespmem:$0x6640] =	vst v2;
	v2 =	vshll.u32 v26, $0x1  }
0x24: {  	v28 =	vld [tilespmem:$0x80];
	[tilespmem:$0x6450] =	vst v2;
	v2 =	vor.u32 $0x1, v2  }
0x25: {  	[tilespmem:$0x6650] =	vst v2;
	v2 =	vshll.u32 v27, $0x1  }
0x26: {  	v29 =	vld [tilespmem:$0x90];
	[tilespmem:$0x6460] =	vst v2;
	v2 =	vor.u32 $0x1, v2  }
0x27: {  	[tilespmem:$0x6660] =	vst v2;
	v2 =	vshll.u32 v3, $0x1  }
0x28: {  	v3 =	vld [tilespmem:$0xA0];
	[tilespmem:$0x6470] =	vst v2;
	v2 =	vor.u32 $0x1, v2  }
0x29: {  	[tilespmem:$0x6670] =	vst v2;
	v2 =	vshll.u32 v28, $0x1  }
0x2a: {  	v30 =	vld [tilespmem:$0xB0];
	[tilespmem:$0x6480] =	vst v2;
	v2 =	vor.u32 $0x1, v2  }
0x2b: {  	[tilespmem:$0x6680] =	vst v2;
	v2 =	vshll.u32 v29, $0x1  }
0x2c: {  	v31 =	vld [tilespmem:$0xC0];
	[tilespmem:$0x6490] =	vst v2;
	v2 =	vor.u32 $0x1, v2  }
0x2d: {  	[tilespmem:$0x6690] =	vst v2;
	v2 =	vshll.u32 v3, $0x1  }
0x2e: {  	v3 =	vld [tilespmem:$0xD0];
	[tilespmem:$0x64A0] =	vst v2;
	v2 =	vor.u32 $0x1, v2  }
0x2f: {  	[tilespmem:$0x66A0] =	vst v2;
	v2 =	vshll.u32 v30, $0x1  }
0x30: {  	v32 =	vld [tilespmem:$0xE0];
	[tilespmem:$0x64B0] =	vst v2;
	v2 =	vor.u32 $0x1, v2  }
0x31: {  	[tilespmem:$0x66B0] =	vst v2;
	v2 =	vshll.u32 v31, $0x1  }
0x32: {  	v33 =	vld [tilespmem:$0xF0];
	[tilespmem:$0x64C0] =	vst v2;
	v2 =	vor.u32 $0x1, v2  }
0x33: {  	[tilespmem:$0x66C0] =	vst v2;
	v2 =	vshll.u32 v3, $0x1  }
0x34: {  	v3 =	vld [tilespmem:$0x100];
	[tilespmem:$0x64D0] =	vst v2;
	v2 =	vor.u32 $0x1, v2  }
0x35: {  	[tilespmem:$0x66D0] =	vst v2;
	v2 =	vshll.u32 v32, $0x1  }
0x36: {  	v34 =	vld [tilespmem:$0x110];
	[tilespmem:$0x64E0] =	vst v2;
	v2 =	vor.u32 $0x1, v2  }
0x37: {  	[tilespmem:$0x66E0] =	vst v2;
	v2 =	vshll.u32 v33, $0x1  }
0x38: {  	v35 =	vld [tilespmem:$0x120];
	[tilespmem:$0x64F0] =	vst v2;
	v2 =	vor.u32 $0x1, v2  }
0x39: {  	[tilespmem:$0x66F0] =	vst v2;
	v2 =	vshll.u32 v3, $0x1  }
0x3a: {  	v3 =	vld [tilespmem:$0x130];
	[tilespmem:$0x6500] =	vst v2;
	v2 =	vor.u32 $0x1, v2  }
0x3b: {  	[tilespmem:$0x6700] =	vst v2;
	v2 =	vshll.u32 v34, $0x1  }
0x3c: {  	v36 =	vld [tilespmem:$0x140];
	[tilespmem:$0x6510] =	vst v2;
	v2 =	vor.u32 $0x1, v2  }
0x3d: {  	[tilespmem:$0x6710] =	vst v2;
	v2 =	vshll.u32 v35, $0x1  }
0x3e: {  	v37 =	vld [tilespmem:$0x150];
	[tilespmem:$0x6520] =	vst v2;
	v2 =	vor.u32 $0x1, v2  }
0x3f: {  	[tilespmem:$0x6720] =	vst v2;
	v2 =	vshll.u32 v3, $0x1  }
0x40: {  	v3 =	vld [tilespmem:$0x160];
	[tilespmem:$0x6530] =	vst v2;
	v2 =	vor.u32 $0x1, v2  }
0x41: {  	[tilespmem:$0x6730] =	vst v2;
	v2 =	vshll.u32 v36, $0x1  }
0x42: {  	v38 =	vld [tilespmem:$0x170];
	[tilespmem:$0x6540] =	vst v2;
	v2 =	vor.u32 $0x1, v2  }
0x43: {  	[tilespmem:$0x6740] =	vst v2;
	v2 =	vshll.u32 v37, $0x1  }
0x44: {  	v39 =	vld [tilespmem:$0x180];
	[tilespmem:$0x6550] =	vst v2;
	v2 =	vor.u32 $0x1, v2  }
0x45: {  	[tilespmem:$0x6750] =	vst v2;
	v2 =	vshll.u32 v3, $0x1  }
0x46: {  	v3 =	vld [tilespmem:$0x190];
	[tilespmem:$0x6560] =	vst v2;
	v2 =	vor.u32 $0x1, v2  }
0x47: {  	[tilespmem:$0x6760] =	vst v2;
	v2 =	vshll.u32 v38, $0x1  }
0x48: {  	v40 =	vld [tilespmem:$0x1A0];
	[tilespmem:$0x6570] =	vst v2;
	v2 =	vor.u32 $0x1, v2  }
0x49: {  	[tilespmem:$0x6770] =	vst v2;
	v2 =	vshll.u32 v39, $0x1  }
0x4a: {  	v41 =	vld [tilespmem:$0x1B0];
	[tilespmem:$0x6580] =	vst v2;
	v2 =	vor.u32 $0x1, v2  }
0x4b: {  	[tilespmem:$0x6780] =	vst v2;
	v2 =	vshll.u32 v3, $0x1  }
0x4c: {  	v3 =	vld [tilespmem:$0x1C0];
	[tilespmem:$0x6590] =	vst v2;
	v2 =	vor.u32 $0x1, v2  }
0x4d: {  	[tilespmem:$0x6790] =	vst v2;
	v2 =	vshll.u32 v40, $0x1  }
0x4e: {  	v42 =	vld [tilespmem:$0x1D0];
	[tilespmem:$0x65A0] =	vst v2;
	v2 =	vor.u32 $0x1, v2  }
0x4f: {  	[tilespmem:$0x67A0] =	vst v2;
	v2 =	vshll.u32 v41, $0x1  }
0x50: {  	v43 =	vld [tilespmem:$0x1E0];
	[tilespmem:$0x65B0] =	vst v2;
	v2 =	vor.u32 $0x1, v2  }
0x51: {  	[tilespmem:$0x67B0] =	vst v2;
	v2 =	vshll.u32 v3, $0x1  }
0x52: {  	v3 =	vld [tilespmem:$0x1F0];
	[tilespmem:$0x65C0] =	vst v2;
	v2 =	vor.u32 $0x1, v2  }
0x53: {  	[tilespmem:$0x67C0] =	vst v2;
	v2 =	vshll.u32 v42, $0x1  }
0x54: {  	[tilespmem:$0x65D0] =	vst v2;
	v2 =	vor.u32 $0x1, v2  }
0x55: {  	[tilespmem:$0x67D0] =	vst v2;
	v2 =	vshll.u32 v43, $0x1  }
0x56: {  	[tilespmem:$0x65E0] =	vst v2;
	v2 =	vor.u32 $0x1, v2  }
0x57: {  	[tilespmem:$0x67E0] =	vst v2;
	v2 =	vshll.u32 v3, $0x1  }
0x58: {  	[tilespmem:$0x65F0] =	vst v2;
	v2 =	vor.u32 $0x1, v2  }
0x59: {  	[tilespmem:$0x67F0] =	vst v2  }
0x5a: {  	[tilespmem:s16], [sflag:$0x1] =	stream.indirect.gather [hbm4b:s3+s14], $0x10, s15, s14, $0xb8;
	[tilespmem:$0x1F300] =	vst v63  }
0x5b: {  	v2 =	vld [tilespmem:$0x200];
	_ =	sdelay $0x1  }
0x5c: {  	v3 =	vld [tilespmem:$0x210];
	_ =	sdelay $0x1  }
0x5d: {  	v44 =	vld [tilespmem:$0x220]  }
0x5e: {  	v2 =	vshll.u32 v2, $0x1  }
0x5f: {  	v45 =	vld [tilespmem:$0x230];
	[tilespmem:$0x6800] =	vst v2;
	v2 =	vor.u32 $0x1, v2  }
0x60: {  	[tilespmem:$0x6A00] =	vst v2;
	v2 =	vshll.u32 v3, $0x1  }
0x61: {  	v3 =	vld [tilespmem:$0x240];
	[tilespmem:$0x6810] =	vst v2;
	v2 =	vor.u32 $0x1, v2  }
0x62: {  	[tilespmem:$0x6A10] =	vst v2;
	v2 =	vshll.u32 v44, $0x1  }
0x63: {  	v46 =	vld [tilespmem:$0x250];
	[tilespmem:$0x6820] =	vst v2;
	v2 =	vor.u32 $0x1, v2  }
0x64: {  	[tilespmem:$0x6A20] =	vst v2;
	v2 =	vshll.u32 v45, $0x1  }
0x65: {  	v47 =	vld [tilespmem:$0x260];
	[tilespmem:$0x6830] =	vst v2;
	v2 =	vor.u32 $0x1, v2  }
0x66: {  	[tilespmem:$0x6A30] =	vst v2;
	v2 =	vshll.u32 v3, $0x1  }
0x67: {  	v3 =	vld [tilespmem:$0x270];
	[tilespmem:$0x6840] =	vst v2;
	v2 =	vor.u32 $0x1, v2  }
0x68: {  	[tilespmem:$0x6A40] =	vst v2;
	v2 =	vshll.u32 v46, $0x1  }
0x69: {  	v48 =	vld [tilespmem:$0x280];
	[tilespmem:$0x6850] =	vst v2;
	v2 =	vor.u32 $0x1, v2  }
0x6a: {  	[tilespmem:$0x6A50] =	vst v2;
	v2 =	vshll.u32 v47, $0x1  }
0x6b: {  	v49 =	vld [tilespmem:$0x290];
	[tilespmem:$0x6860] =	vst v2;
	v2 =	vor.u32 $0x1, v2  }
0x6c: {  	[tilespmem:$0x6A60] =	vst v2;
	v2 =	vshll.u32 v3, $0x1  }
0x6d: {  	v3 =	vld [tilespmem:$0x2A0];
	[tilespmem:$0x6870] =	vst v2;
	v2 =	vor.u32 $0x1, v2  }
0x6e: {  	[tilespmem:$0x6A70] =	vst v2;
	v2 =	vshll.u32 v48, $0x1  }
0x6f: {  	v50 =	vld [tilespmem:$0x2B0];
	[tilespmem:$0x6880] =	vst v2;
	v2 =	vor.u32 $0x1, v2  }
0x70: {  	[tilespmem:$0x6A80] =	vst v2;
	v2 =	vshll.u32 v49, $0x1  }
0x71: {  	v51 =	vld [tilespmem:$0x2C0];
	[tilespmem:$0x6890] =	vst v2;
	v2 =	vor.u32 $0x1, v2  }
0x72: {  	[tilespmem:$0x6A90] =	vst v2;
	v2 =	vshll.u32 v3, $0x1  }
0x73: {  	v3 =	vld [tilespmem:$0x2D0];
	[tilespmem:$0x68A0] =	vst v2;
	v2 =	vor.u32 $0x1, v2  }
0x74: {  	[tilespmem:$0x6AA0] =	vst v2;
	v2 =	vshll.u32 v50, $0x1  }
0x75: {  	v52 =	vld [tilespmem:$0x2E0];
	[tilespmem:$0x68B0] =	vst v2;
	v2 =	vor.u32 $0x1, v2  }
0x76: {  	[tilespmem:$0x6AB0] =	vst v2;
	v2 =	vshll.u32 v51, $0x1  }
0x77: {  	v53 =	vld [tilespmem:$0x2F0];
	[tilespmem:$0x68C0] =	vst v2;
	v2 =	vor.u32 $0x1, v2  }
0x78: {  	[tilespmem:$0x6AC0] =	vst v2;
	v2 =	vshll.u32 v3, $0x1  }
0x79: {  	v3 =	vld [tilespmem:$0x300];
	[tilespmem:$0x68D0] =	vst v2;
	v2 =	vor.u32 $0x1, v2  }
0x7a: {  	[tilespmem:$0x6AD0] =	vst v2;
	v2 =	vshll.u32 v52, $0x1  }
0x7b: {  	v54 =	vld [tilespmem:$0x310];
	[tilespmem:$0x68E0] =	vst v2;
	v2 =	vor.u32 $0x1, v2  }
0x7c: {  	[tilespmem:$0x6AE0] =	vst v2;
	v2 =	vshll.u32 v53, $0x1  }
0x7d: {  	v55 =	vld [tilespmem:$0x320];
	[tilespmem:$0x68F0] =	vst v2;
	v2 =	vor.u32 $0x1, v2  }
0x7e: {  	[tilespmem:$0x6AF0] =	vst v2;
	v2 =	vshll.u32 v3, $0x1  }
0x7f: {  	v3 =	vld [tilespmem:$0x330];
	[tilespmem:$0x6900] =	vst v2;
	v2 =	vor.u32 $0x1, v2  }
0x80: {  	[tilespmem:$0x6B00] =	vst v2;
	v2 =	vshll.u32 v54, $0x1  }
0x81: {  	v56 =	vld [tilespmem:$0x340];
	[tilespmem:$0x6910] =	vst v2;
	v2 =	vor.u32 $0x1, v2  }
0x82: {  	[tilespmem:$0x6B10] =	vst v2;
	v2 =	vshll.u32 v55, $0x1  }
0x83: {  	v57 =	vld [tilespmem:$0x350];
	[tilespmem:$0x6920] =	vst v2;
	v2 =	vor.u32 $0x1, v2  }
0x84: {  	[tilespmem:$0x6B20] =	vst v2;
	v2 =	vshll.u32 v3, $0x1  }
0x85: {  	v3 =	vld [tilespmem:$0x360];
	[tilespmem:$0x6930] =	vst v2;
	v2 =	vor.u32 $0x1, v2  }
0x86: {  	[tilespmem:$0x6B30] =	vst v2;
	v2 =	vshll.u32 v56, $0x1  }
0x87: {  	v58 =	vld [tilespmem:$0x370];
	[tilespmem:$0x6940] =	vst v2;
	v2 =	vor.u32 $0x1, v2  }
0x88: {  	[tilespmem:$0x6B40] =	vst v2;
	v2 =	vshll.u32 v57, $0x1  }
0x89: {  	v59 =	vld [tilespmem:$0x380];
	[tilespmem:$0x6950] =	vst v2;
	v2 =	vor.u32 $0x1, v2  }
0x8a: {  	[tilespmem:$0x6B50] =	vst v2;
	v2 =	vshll.u32 v3, $0x1  }
0x8b: {  	v3 =	vld [tilespmem:$0x390];
	[tilespmem:$0x6960] =	vst v2;
	v2 =	vor.u32 $0x1, v2  }
0x8c: {  	[tilespmem:$0x6B60] =	vst v2;
	v2 =	vshll.u32 v58, $0x1  }
0x8d: {  	v60 =	vld [tilespmem:$0x3A0];
	[tilespmem:$0x6970] =	vst v2;
	v2 =	vor.u32 $0x1, v2  }
0x8e: {  	[tilespmem:$0x6B70] =	vst v2;
	v2 =	vshll.u32 v59, $0x1  }
0x8f: {  	v61 =	vld [tilespmem:$0x3B0];
	[tilespmem:$0x6980] =	vst v2;
	v2 =	vor.u32 $0x1, v2  }
0x90: {  	[tilespmem:$0x6B80] =	vst v2;
	v2 =	vshll.u32 v3, $0x1  }
0x91: {  	v3 =	vld [tilespmem:$0x3C0];
	[tilespmem:$0x6990] =	vst v2;
	v2 =	vor.u32 $0x1, v2  }
0x92: {  	[tilespmem:$0x6B90] =	vst v2;
	v2 =	vshll.u32 v60, $0x1  }
0x93: {  	v62 =	vld [tilespmem:$0x3D0];
	[tilespmem:$0x69A0] =	vst v2;
	v2 =	vor.u32 $0x1, v2  }
0x94: {  	[tilespmem:$0x6BA0] =	vst v2;
	v2 =	vshll.u32 v61, $0x1  }
0x95: {  	v63 =	vld [tilespmem:$0x3E0];
	[tilespmem:$0x69B0] =	vst v2;
	v2 =	vor.u32 $0x1, v2  }
0x96: {  	[tilespmem:$0x6BB0] =	vst v2;
	v2 =	vshll.u32 v3, $0x1  }
0x97: {  	v3 =	vld [tilespmem:$0x3F0];
	[tilespmem:$0x69C0] =	vst v2;
	v2 =	vor.u32 $0x1, v2  }
0x98: {  	[tilespmem:$0x6BC0] =	vst v2;
	v2 =	vshll.u32 v62, $0x1  }
0x99: {  	[tilespmem:$0x69D0] =	vst v2;
	v2 =	vor.u32 $0x1, v2  }
0x9a: {  	[tilespmem:$0x6BD0] =	vst v2;
	v2 =	vshll.u32 v63, $0x1  }
0x9b: {  	[tilespmem:$0x69E0] =	vst v2;
	v2 =	vor.u32 $0x1, v2  }
0x9c: {  	[tilespmem:$0x6BE0] =	vst v2;
	v2 =	vshll.u32 v3, $0x1  }
0x9d: {  	[tilespmem:$0x69F0] =	vst v2;
	v2 =	vor.u32 $0x1, v2  }
0x9e: {  	s0 =	simm.s32 $0x0;
	[tilespmem:$0x6BF0] =	vst v2  }
0x9f: {  	[tilespmem:s18], [sflag:$0x2] =	stream.indirect.gather [hbm4b:s3+s14], $0x10, s17, s14, $0xb8;
	[tilespmem:$0x1F300] =	vst v63  }
.LBB2_2:
0xa0: {  	s1 =	smul.u32 $0x3, s0;
	_ =	sdelay $0x1  }
0xa1: {  	s1 =	sadd.s32 $0x2, s1  }
0xa2: {  	s6 =	sshll.u32 s1, $0x9  }
0xa3: {  	s6 =	sand.u32 $0x3FFFFE00, s6  }
0xa4: {  	v2 =	vld [tilespmem:s6+$0x0];
	_ =	sdelay $0x4  }
0xa5: {  	v2 =	vshll.u32 v2, $0x1  }
0xa6: {  	[tilespmem:$0x6C00] =	vst v2;
	v2 =	vor.u32 $0x1, v2  }
0xa7: {  	[tilespmem:$0x6E00] =	vst v2  }
0xa8: {  	v2 =	vld [tilespmem:s6+$0x10];
	_ =	sdelay $0x4  }
0xa9: {  	v2 =	vshll.u32 v2, $0x1  }
0xaa: {  	[tilespmem:$0x6C10] =	vst v2;
	v2 =	vor.u32 $0x1, v2  }
0xab: {  	[tilespmem:$0x6E10] =	vst v2  }
0xac: {  	v2 =	vld [tilespmem:s6+$0x20];
	_ =	sdelay $0x4  }
0xad: {  	v2 =	vshll.u32 v2, $0x1  }
0xae: {  	[tilespmem:$0x6C20] =	vst v2;
	v2 =	vor.u32 $0x1, v2  }
0xaf: {  	[tilespmem:$0x6E20] =	vst v2  }
0xb0: {  	v2 =	vld [tilespmem:s6+$0x30];
	_ =	sdelay $0x4  }
0xb1: {  	v2 =	vshll.u32 v2, $0x1  }
0xb2: {  	[tilespmem:$0x6C30] =	vst v2;
	v2 =	vor.u32 $0x1, v2  }
0xb3: {  	[tilespmem:$0x6E30] =	vst v2  }
0xb4: {  	v2 =	vld [tilespmem:s6+$0x40];
	_ =	sdelay $0x4  }
0xb5: {  	v2 =	vshll.u32 v2, $0x1  }
0xb6: {  	[tilespmem:$0x6C40] =	vst v2;
	v2 =	vor.u32 $0x1, v2  }
0xb7: {  	[tilespmem:$0x6E40] =	vst v2  }
0xb8: {  	v2 =	vld [tilespmem:s6+$0x50];
	_ =	sdelay $0x4  }
0xb9: {  	v2 =	vshll.u32 v2, $0x1  }
0xba: {  	[tilespmem:$0x6C50] =	vst v2;
	v2 =	vor.u32 $0x1, v2  }
0xbb: {  	[tilespmem:$0x6E50] =	vst v2  }
0xbc: {  	v2 =	vld [tilespmem:s6+$0x60];
	_ =	sdelay $0x4  }
0xbd: {  	v2 =	vshll.u32 v2, $0x1  }
0xbe: {  	[tilespmem:$0x6C60] =	vst v2;
	v2 =	vor.u32 $0x1, v2  }
0xbf: {  	[tilespmem:$0x6E60] =	vst v2  }
0xc0: {  	v2 =	vld [tilespmem:s6+$0x70];
	_ =	sdelay $0x4  }
0xc1: {  	v2 =	vshll.u32 v2, $0x1  }
0xc2: {  	[tilespmem:$0x6C70] =	vst v2;
	v2 =	vor.u32 $0x1, v2  }
0xc3: {  	[tilespmem:$0x6E70] =	vst v2  }
0xc4: {  	v2 =	vld [tilespmem:s6+$0x80];
	_ =	sdelay $0x4  }
0xc5: {  	v2 =	vshll.u32 v2, $0x1  }
0xc6: {  	[tilespmem:$0x6C80] =	vst v2;
	v2 =	vor.u32 $0x1, v2  }
0xc7: {  	[tilespmem:$0x6E80] =	vst v2  }
0xc8: {  	v2 =	vld [tilespmem:s6+$0x90];
	_ =	sdelay $0x4  }
0xc9: {  	v2 =	vshll.u32 v2, $0x1  }
0xca: {  	[tilespmem:$0x6C90] =	vst v2;
	v2 =	vor.u32 $0x1, v2  }
0xcb: {  	[tilespmem:$0x6E90] =	vst v2  }
0xcc: {  	v2 =	vld [tilespmem:s6+$0xA0];
	_ =	sdelay $0x4  }
0xcd: {  	v2 =	vshll.u32 v2, $0x1  }
0xce: {  	[tilespmem:$0x6CA0] =	vst v2;
	v2 =	vor.u32 $0x1, v2  }
0xcf: {  	[tilespmem:$0x6EA0] =	vst v2  }
0xd0: {  	v2 =	vld [tilespmem:s6+$0xB0];
	_ =	sdelay $0x4  }
0xd1: {  	v2 =	vshll.u32 v2, $0x1  }
0xd2: {  	[tilespmem:$0x6CB0] =	vst v2;
	v2 =	vor.u32 $0x1, v2  }
0xd3: {  	[tilespmem:$0x6EB0] =	vst v2  }
0xd4: {  	v2 =	vld [tilespmem:s6+$0xC0];
	_ =	sdelay $0x4  }
0xd5: {  	v2 =	vshll.u32 v2, $0x1  }
0xd6: {  	[tilespmem:$0x6CC0] =	vst v2;
	v2 =	vor.u32 $0x1, v2  }
0xd7: {  	[tilespmem:$0x6EC0] =	vst v2  }
0xd8: {  	v2 =	vld [tilespmem:s6+$0xD0];
	_ =	sdelay $0x4  }
0xd9: {  	v2 =	vshll.u32 v2, $0x1  }
0xda: {  	[tilespmem:$0x6CD0] =	vst v2;
	v2 =	vor.u32 $0x1, v2  }
0xdb: {  	[tilespmem:$0x6ED0] =	vst v2  }
0xdc: {  	v2 =	vld [tilespmem:s6+$0xE0];
	_ =	sdelay $0x4  }
0xdd: {  	v2 =	vshll.u32 v2, $0x1  }
0xde: {  	[tilespmem:$0x6CE0] =	vst v2;
	v2 =	vor.u32 $0x1, v2  }
0xdf: {  	[tilespmem:$0x6EE0] =	vst v2  }
0xe0: {  	v2 =	vld [tilespmem:s6+$0xF0];
	_ =	sdelay $0x4  }
0xe1: {  	v2 =	vshll.u32 v2, $0x1  }
0xe2: {  	[tilespmem:$0x6CF0] =	vst v2;
	v2 =	vor.u32 $0x1, v2  }
0xe3: {  	[tilespmem:$0x6EF0] =	vst v2  }
0xe4: {  	v2 =	vld [tilespmem:s6+$0x100];
	_ =	sdelay $0x4  }
0xe5: {  	v2 =	vshll.u32 v2, $0x1  }
0xe6: {  	[tilespmem:$0x6D00] =	vst v2;
	v2 =	vor.u32 $0x1, v2  }
0xe7: {  	[tilespmem:$0x6F00] =	vst v2  }
0xe8: {  	v2 =	vld [tilespmem:s6+$0x110];
	_ =	sdelay $0x4  }
0xe9: {  	v2 =	vshll.u32 v2, $0x1  }
0xea: {  	[tilespmem:$0x6D10] =	vst v2;
	v2 =	vor.u32 $0x1, v2  }
0xeb: {  	[tilespmem:$0x6F10] =	vst v2  }
0xec: {  	v2 =	vld [tilespmem:s6+$0x120];
	_ =	sdelay $0x4  }
0xed: {  	v2 =	vshll.u32 v2, $0x1  }
0xee: {  	[tilespmem:$0x6D20] =	vst v2;
	v2 =	vor.u32 $0x1, v2  }
0xef: {  	[tilespmem:$0x6F20] =	vst v2  }
0xf0: {  	v2 =	vld [tilespmem:s6+$0x130];
	_ =	sdelay $0x4  }
0xf1: {  	v2 =	vshll.u32 v2, $0x1  }
0xf2: {  	[tilespmem:$0x6D30] =	vst v2;
	v2 =	vor.u32 $0x1, v2  }
0xf3: {  	[tilespmem:$0x6F30] =	vst v2  }
0xf4: {  	v2 =	vld [tilespmem:s6+$0x140];
	_ =	sdelay $0x4  }
0xf5: {  	v2 =	vshll.u32 v2, $0x1  }
0xf6: {  	[tilespmem:$0x6D40] =	vst v2;
	v2 =	vor.u32 $0x1, v2  }
0xf7: {  	[tilespmem:$0x6F40] =	vst v2  }
0xf8: {  	v2 =	vld [tilespmem:s6+$0x150];
	_ =	sdelay $0x4  }
0xf9: {  	v2 =	vshll.u32 v2, $0x1  }
0xfa: {  	[tilespmem:$0x6D50] =	vst v2;
	v2 =	vor.u32 $0x1, v2  }
0xfb: {  	[tilespmem:$0x6F50] =	vst v2  }
0xfc: {  	v2 =	vld [tilespmem:s6+$0x160];
	_ =	sdelay $0x4  }
0xfd: {  	v2 =	vshll.u32 v2, $0x1  }
0xfe: {  	[tilespmem:$0x6D60] =	vst v2;
	v2 =	vor.u32 $0x1, v2  }
0xff: {  	[tilespmem:$0x6F60] =	vst v2  }
0x100: {  	v2 =	vld [tilespmem:s6+$0x170];
	_ =	sdelay $0x4  }
0x101: {  	v2 =	vshll.u32 v2, $0x1  }
0x102: {  	[tilespmem:$0x6D70] =	vst v2;
	v2 =	vor.u32 $0x1, v2  }
0x103: {  	[tilespmem:$0x6F70] =	vst v2  }
0x104: {  	v2 =	vld [tilespmem:s6+$0x180];
	_ =	sdelay $0x4  }
0x105: {  	v2 =	vshll.u32 v2, $0x1  }
0x106: {  	[tilespmem:$0x6D80] =	vst v2;
	v2 =	vor.u32 $0x1, v2  }
0x107: {  	[tilespmem:$0x6F80] =	vst v2  }
0x108: {  	v2 =	vld [tilespmem:s6+$0x190];
	_ =	sdelay $0x4  }
0x109: {  	v2 =	vshll.u32 v2, $0x1  }
0x10a: {  	[tilespmem:$0x6D90] =	vst v2;
	v2 =	vor.u32 $0x1, v2  }
0x10b: {  	[tilespmem:$0x6F90] =	vst v2  }
0x10c: {  	v2 =	vld [tilespmem:s6+$0x1A0];
	_ =	sdelay $0x4  }
0x10d: {  	v2 =	vshll.u32 v2, $0x1  }
0x10e: {  	[tilespmem:$0x6DA0] =	vst v2;
	v2 =	vor.u32 $0x1, v2  }
0x10f: {  	[tilespmem:$0x6FA0] =	vst v2  }
0x110: {  	v2 =	vld [tilespmem:s6+$0x1B0];
	_ =	sdelay $0x4  }
0x111: {  	v2 =	vshll.u32 v2, $0x1  }
0x112: {  	[tilespmem:$0x6DB0] =	vst v2;
	v2 =	vor.u32 $0x1, v2  }
0x113: {  	[tilespmem:$0x6FB0] =	vst v2  }
0x114: {  	v2 =	vld [tilespmem:s6+$0x1C0];
	_ =	sdelay $0x4  }
0x115: {  	v2 =	vshll.u32 v2, $0x1  }
0x116: {  	[tilespmem:$0x6DC0] =	vst v2;
	v2 =	vor.u32 $0x1, v2  }
0x117: {  	[tilespmem:$0x6FC0] =	vst v2  }
0x118: {  	v2 =	vld [tilespmem:s6+$0x1D0];
	_ =	sdelay $0x4  }
0x119: {  	v2 =	vshll.u32 v2, $0x1  }
0x11a: {  	[tilespmem:$0x6DD0] =	vst v2;
	v2 =	vor.u32 $0x1, v2  }
0x11b: {  	[tilespmem:$0x6FD0] =	vst v2  }
0x11c: {  	v2 =	vld [tilespmem:s6+$0x1E0];
	_ =	sdelay $0x4  }
0x11d: {  	v2 =	vshll.u32 v2, $0x1  }
0x11e: {  	[tilespmem:$0x6DE0] =	vst v2;
	v2 =	vor.u32 $0x1, v2  }
0x11f: {  	[tilespmem:$0x6FE0] =	vst v2  }
0x120: {  	v2 =	vld [tilespmem:s6+$0x1F0];
	_ =	sdelay $0x4  }
0x121: {  	v2 =	vshll.u32 v2, $0x1  }
0x122: {  	[tilespmem:$0x6DF0] =	vst v2;
	v2 =	vor.u32 $0x1, v2  }
0x123: {  	[tilespmem:$0x6FF0] =	vst v2  }
0x124: {  	[tilespmem:s20], [sflag:$0x3] =	stream.indirect.gather [hbm4b:s3+s14], $0x10, s19, s14, $0xb8;
	[tilespmem:$0x1F300] =	vst v63  }
0x125: {  	s11 =	simm.s32 $0x0;
	_ =	swait.ge [sflag:s21], $0x4000  }
0x126: {  	p0 =	seq.s32 s0, $0x0;
	v2 =	vmov s11;
	[sflag:s21] =	ssyncset.done $0x0  }
0x127: {  	s6 =	simm.s32 @!p0 $0x4;
	v2 =	vshrl.u32 v2, $0x3;
	[sflag:s21] =	ssyncadd.s32 $0xFFFFC000  }
0x128: {  	v2 =	vshll.u32 v2, v0;
	_ =	swait.ge @!p0 [sflag:s6], $0x4000  }
0x129: {  	v3 =	vbroadcast v2, $0x0;
	[sflag:s6] =	ssyncset.done @!p0 $0x0  }
0x12a: {  	s11 =	simm.s32 $0x9000;
	[sflag:s6] =	ssyncadd.s32 @!p0 $0xFFFFC000  }
0x12b: {  	v4 =	vadd.s32 v1, v3;
	v2 =	vld [tilespmem:s11+$0xFFFFE000];
	_ =	sdelay $0x4  }
0x12c: {  	[tilespmem:v4+s22+$0x0] =	vst.idx.msk $0xffff, v2;
	v2 =	vadd.s32 $0x2080, v1  }
0x12d: {  	s12 =	simm.s32 $0x1;
	v4 =	vld [tilespmem:s11+$0x0];
	v3 =	vadd.s32 v2, v3  }
0x12e: {  	v5 =	vmov s12  }
0x12f: {  	v5 =	vshrl.u32 v5, $0x3  }
0x130: {  	v5 =	vshll.u32 v5, v0  }
0x131: {  	v5 =	vbroadcast v5, $0x0  }
0x132: {  	[tilespmem:v3+s22+$0x0] =	vst.idx.msk $0xffff, v4;
	v3 =	vor.u32 $0x1, v1  }
0x133: {  	v4 =	vld [tilespmem:s11+$0xFFFFE010];
	v6 =	vadd.s32 v3, v5;
	_ =	sdelay $0x4  }
0x134: {  	[tilespmem:v6+s22+$0x0] =	vst.idx.msk $0xffff, v4;
	v4 =	vadd.s32 $0x2081, v1  }
0x135: {  	s13 =	simm.s32 $0x2;
	v6 =	vld [tilespmem:s11+$0x10];
	v5 =	vadd.s32 v4, v5  }
0x136: {  	v7 =	vmov s13  }
0x137: {  	v7 =	vshrl.u32 v7, $0x3  }
0x138: {  	v7 =	vshll.u32 v7, v0  }
0x139: {  	v7 =	vbroadcast v7, $0x0  }
0x13a: {  	[tilespmem:v5+s22+$0x0] =	vst.idx.msk $0xffff, v6;
	v5 =	vor.u32 $0x2, v1  }
0x13b: {  	v6 =	vld [tilespmem:s11+$0xFFFFE020];
	v8 =	vadd.s32 v5, v7;
	_ =	sdelay $0x4  }
0x13c: {  	[tilespmem:v8+s22+$0x0] =	vst.idx.msk $0xffff, v6;
	v6 =	vadd.s32 $0x2082, v1  }
0x13d: {  	s30 =	simm.s32 $0x3;
	v8 =	vld [tilespmem:s11+$0x20];
	v7 =	vadd.s32 v6, v7  }
0x13e: {  	v9 =	vmov s30  }
0x13f: {  	v9 =	vshrl.u32 v9, $0x3  }
0x140: {  	v9 =	vshll.u32 v9, v0  }
0x141: {  	v9 =	vbroadcast v9, $0x0  }
0x142: {  	[tilespmem:v7+s22+$0x0] =	vst.idx.msk $0xffff, v8;
	v7 =	vor.u32 $0x3, v1  }
0x143: {  	v8 =	vld [tilespmem:s11+$0xFFFFE030];
	v10 =	vadd.s32 v7, v9;
	_ =	sdelay $0x4  }
0x144: {  	[tilespmem:v10+s22+$0x0] =	vst.idx.msk $0xffff, v8;
	v8 =	vadd.s32 $0x2083, v1  }
0x145: {  	s10 =	simm.s32 $0x4;
	v10 =	vld [tilespmem:s11+$0x30];
	v9 =	vadd.s32 v8, v9  }
0x146: {  	v11 =	vmov s10  }
0x147: {  	v11 =	vshrl.u32 v11, $0x3  }
0x148: {  	v11 =	vshll.u32 v11, v0  }
0x149: {  	v11 =	vbroadcast v11, $0x0  }
0x14a: {  	[tilespmem:v9+s22+$0x0] =	vst.idx.msk $0xffff, v10;
	v9 =	vor.u32 $0x4, v1  }
0x14b: {  	v10 =	vld [tilespmem:s11+$0xFFFFE040];
	v12 =	vadd.s32 v9, v11;
	_ =	sdelay $0x4  }
0x14c: {  	[tilespmem:v12+s22+$0x0] =	vst.idx.msk $0xffff, v10;
	v10 =	vadd.s32 $0x2084, v1  }
0x14d: {  	s12 =	simm.s32 $0x5;
	v12 =	vld [tilespmem:s11+$0x40];
	v11 =	vadd.s32 v10, v11  }
0x14e: {  	v13 =	vmov s12  }
0x14f: {  	v13 =	vshrl.u32 v13, $0x3  }
0x150: {  	v13 =	vshll.u32 v13, v0  }
0x151: {  	v13 =	vbroadcast v13, $0x0  }
0x152: {  	[tilespmem:v11+s22+$0x0] =	vst.idx.msk $0xffff, v12;
	v11 =	vor.u32 $0x5, v1  }
0x153: {  	v12 =	vld [tilespmem:s11+$0xFFFFE050];
	v14 =	vadd.s32 v11, v13;
	_ =	sdelay $0x4  }
0x154: {  	[tilespmem:v14+s22+$0x0] =	vst.idx.msk $0xffff, v12;
	v12 =	vadd.s32 $0x2085, v1  }
0x155: {  	s13 =	simm.s32 $0x6;
	v14 =	vld [tilespmem:s11+$0x50];
	v13 =	vadd.s32 v12, v13  }
0x156: {  	v15 =	vmov s13  }
0x157: {  	v15 =	vshrl.u32 v15, $0x3  }
0x158: {  	v15 =	vshll.u32 v15, v0  }
0x159: {  	v15 =	vbroadcast v15, $0x0  }
0x15a: {  	[tilespmem:v13+s22+$0x0] =	vst.idx.msk $0xffff, v14;
	v13 =	vor.u32 $0x6, v1  }
0x15b: {  	v14 =	vld [tilespmem:s11+$0xFFFFE060];
	v16 =	vadd.s32 v13, v15;
	_ =	sdelay $0x4  }
0x15c: {  	[tilespmem:v16+s22+$0x0] =	vst.idx.msk $0xffff, v14;
	v14 =	vadd.s32 $0x2086, v1  }
0x15d: {  	s30 =	simm.s32 $0x7;
	v16 =	vld [tilespmem:s11+$0x60];
	v15 =	vadd.s32 v14, v15  }
0x15e: {  	v17 =	vmov s30  }
0x15f: {  	v17 =	vshrl.u32 v17, $0x3  }
0x160: {  	v17 =	vshll.u32 v17, v0  }
0x161: {  	v17 =	vbroadcast v17, $0x0  }
0x162: {  	[tilespmem:v15+s22+$0x0] =	vst.idx.msk $0xffff, v16;
	v15 =	vor.u32 $0x7, v1  }
0x163: {  	v16 =	vld [tilespmem:s11+$0xFFFFE070];
	v18 =	vadd.s32 v15, v17;
	_ =	sdelay $0x4  }
0x164: {  	[tilespmem:v18+s22+$0x0] =	vst.idx.msk $0xffff, v16;
	v16 =	vadd.s32 $0x2087, v1  }
0x165: {  	s10 =	simm.s32 $0x8;
	v18 =	vld [tilespmem:s11+$0x70];
	v17 =	vadd.s32 v16, v17  }
0x166: {  	v19 =	vmov s10  }
0x167: {  	v19 =	vshrl.u32 v19, $0x3  }
0x168: {  	v19 =	vshll.u32 v19, v0  }
0x169: {  	v19 =	vbroadcast v19, $0x0  }
0x16a: {  	[tilespmem:v17+s22+$0x0] =	vst.idx.msk $0xffff, v18  }
0x16b: {  	v18 =	vadd.s32 v1, v19;
	v17 =	vld [tilespmem:s11+$0xFFFFE080];
	_ =	sdelay $0x4  }
0x16c: {  	[tilespmem:v18+s22+$0x0] =	vst.idx.msk $0xffff, v17  }
0x16d: {  	s12 =	simm.s32 $0x9;
	v18 =	vadd.s32 v2, v19;
	v17 =	vld [tilespmem:s11+$0x80]  }
0x16e: {  	v19 =	vmov s12  }
0x16f: {  	v19 =	vshrl.u32 v19, $0x3  }
0x170: {  	v19 =	vshll.u32 v19, v0  }
0x171: {  	v19 =	vbroadcast v19, $0x0  }
0x172: {  	[tilespmem:v18+s22+$0x0] =	vst.idx.msk $0xffff, v17  }
0x173: {  	v18 =	vadd.s32 v3, v19;
	v17 =	vld [tilespmem:s11+$0xFFFFE090];
	_ =	sdelay $0x4  }
0x174: {  	[tilespmem:v18+s22+$0x0] =	vst.idx.msk $0xffff, v17  }
0x175: {  	s13 =	simm.s32 $0xA;
	v18 =	vadd.s32 v4, v19;
	v17 =	vld [tilespmem:s11+$0x90]  }
0x176: {  	v19 =	vmov s13  }
0x177: {  	v19 =	vshrl.u32 v19, $0x3  }
0x178: {  	v19 =	vshll.u32 v19, v0  }
0x179: {  	v19 =	vbroadcast v19, $0x0  }
0x17a: {  	[tilespmem:v18+s22+$0x0] =	vst.idx.msk $0xffff, v17  }
0x17b: {  	v18 =	vadd.s32 v5, v19;
	v17 =	vld [tilespmem:s11+$0xFFFFE0A0];
	_ =	sdelay $0x4  }
0x17c: {  	[tilespmem:v18+s22+$0x0] =	vst.idx.msk $0xffff, v17  }
0x17d: {  	s30 =	simm.s32 $0xB;
	v18 =	vadd.s32 v6, v19;
	v17 =	vld [tilespmem:s11+$0xA0]  }
0x17e: {  	v19 =	vmov s30  }
0x17f: {  	v19 =	vshrl.u32 v19, $0x3  }
0x180: {  	v19 =	vshll.u32 v19, v0  }
0x181: {  	v19 =	vbroadcast v19, $0x0  }
0x182: {  	[tilespmem:v18+s22+$0x0] =	vst.idx.msk $0xffff, v17  }
0x183: {  	v18 =	vadd.s32 v7, v19;
	v17 =	vld [tilespmem:s11+$0xFFFFE0B0];
	_ =	sdelay $0x4  }
0x184: {  	[tilespmem:v18+s22+$0x0] =	vst.idx.msk $0xffff, v17  }
0x185: {  	s10 =	simm.s32 $0xC;
	v18 =	vadd.s32 v8, v19;
	v17 =	vld [tilespmem:s11+$0xB0]  }
0x186: {  	v19 =	vmov s10  }
0x187: {  	v19 =	vshrl.u32 v19, $0x3  }
0x188: {  	v19 =	vshll.u32 v19, v0  }
0x189: {  	v19 =	vbroadcast v19, $0x0  }
0x18a: {  	[tilespmem:v18+s22+$0x0] =	vst.idx.msk $0xffff, v17  }
0x18b: {  	v18 =	vadd.s32 v9, v19;
	v17 =	vld [tilespmem:s11+$0xFFFFE0C0];
	_ =	sdelay $0x4  }
0x18c: {  	[tilespmem:v18+s22+$0x0] =	vst.idx.msk $0xffff, v17  }
0x18d: {  	s12 =	simm.s32 $0xD;
	v18 =	vadd.s32 v10, v19;
	v17 =	vld [tilespmem:s11+$0xC0]  }
0x18e: {  	v19 =	vmov s12  }
0x18f: {  	v19 =	vshrl.u32 v19, $0x3  }
0x190: {  	v19 =	vshll.u32 v19, v0  }
0x191: {  	v19 =	vbroadcast v19, $0x0  }
0x192: {  	[tilespmem:v18+s22+$0x0] =	vst.idx.msk $0xffff, v17  }
0x193: {  	v18 =	vadd.s32 v11, v19;
	v17 =	vld [tilespmem:s11+$0xFFFFE0D0];
	_ =	sdelay $0x4  }
0x194: {  	[tilespmem:v18+s22+$0x0] =	vst.idx.msk $0xffff, v17  }
0x195: {  	s13 =	simm.s32 $0xE;
	v18 =	vadd.s32 v12, v19;
	v17 =	vld [tilespmem:s11+$0xD0]  }
0x196: {  	v19 =	vmov s13  }
0x197: {  	v19 =	vshrl.u32 v19, $0x3  }
0x198: {  	v19 =	vshll.u32 v19, v0  }
0x199: {  	v19 =	vbroadcast v19, $0x0  }
0x19a: {  	[tilespmem:v18+s22+$0x0] =	vst.idx.msk $0xffff, v17  }
0x19b: {  	v18 =	vadd.s32 v13, v19;
	v17 =	vld [tilespmem:s11+$0xFFFFE0E0];
	_ =	sdelay $0x4  }
0x19c: {  	[tilespmem:v18+s22+$0x0] =	vst.idx.msk $0xffff, v17  }
0x19d: {  	s30 =	simm.s32 $0xF;
	v19 =	vadd.s32 v14, v19;
	v18 =	vld [tilespmem:s11+$0xE0]  }
0x19e: {  	v17 =	vmov s30  }
0x19f: {  	v17 =	vshrl.u32 v17, $0x3  }
0x1a0: {  	v17 =	vshll.u32 v17, v0  }
0x1a1: {  	v17 =	vbroadcast v17, $0x0  }
0x1a2: {  	[tilespmem:v19+s22+$0x0] =	vst.idx.msk $0xffff, v18  }
0x1a3: {  	v19 =	vadd.s32 v15, v17;
	v18 =	vld [tilespmem:s11+$0xFFFFE0F0];
	_ =	sdelay $0x4  }
0x1a4: {  	s6 =	simm.s32 $0x0;
	s10 =	simm.s32 $0x1F;
	[tilespmem:v19+s22+$0x0] =	vst.idx.msk $0xffff, v18  }
.LBB2_3:
0x1a5: {  	s12 =	sadd.s32 $0xFFFFFFF1, s10;
	s6 =	sadd.s32 $0x2, s6;
	v18 =	vld [tilespmem:s11+$0xF0];
	v17 =	vadd.s32 v16, v17  }
0x1a6: {  	v19 =	vmov s12;
	p1 =	slt.u32 s6, $0x3E  }
0x1a7: {  	v19 =	vshrl.u32 v19, $0x3  }
0x1a8: {  	v19 =	vshll.u32 v19, v0  }
0x1a9: {  	v19 =	vbroadcast v19, $0x0  }
0x1aa: {  	s11 =	sadd.s32 $0x100, s11;
	[tilespmem:v17+s22+$0x0] =	vst.idx.msk $0xffff, v18  }
0x1ab: {  	v17 =	vld [tilespmem:s11+$0xFFFFE000];
	v18 =	vadd.s32 v1, v19;
	_ =	sdelay $0x4  }
0x1ac: {  	[tilespmem:v18+s22+$0x0] =	vst.idx.msk $0xffff, v17  }
0x1ad: {  	s12 =	sadd.s32 $0xFFFFFFF2, s10;
	v18 =	vadd.s32 v2, v19;
	v17 =	vld [tilespmem:s11+$0x0]  }
0x1ae: {  	v19 =	vmov s12  }
0x1af: {  	v19 =	vshrl.u32 v19, $0x3  }
0x1b0: {  	v19 =	vshll.u32 v19, v0  }
0x1b1: {  	v19 =	vbroadcast v19, $0x0  }
0x1b2: {  	[tilespmem:v18+s22+$0x0] =	vst.idx.msk $0xffff, v17  }
0x1b3: {  	v18 =	vadd.s32 v3, v19;
	v17 =	vld [tilespmem:s11+$0xFFFFE010];
	_ =	sdelay $0x4  }
0x1b4: {  	[tilespmem:v18+s22+$0x0] =	vst.idx.msk $0xffff, v17  }
0x1b5: {  	s12 =	sadd.s32 $0xFFFFFFF3, s10;
	v18 =	vadd.s32 v4, v19;
	v17 =	vld [tilespmem:s11+$0x10]  }
0x1b6: {  	v19 =	vmov s12  }
0x1b7: {  	v19 =	vshrl.u32 v19, $0x3  }
0x1b8: {  	v19 =	vshll.u32 v19, v0  }
0x1b9: {  	v19 =	vbroadcast v19, $0x0  }
0x1ba: {  	[tilespmem:v18+s22+$0x0] =	vst.idx.msk $0xffff, v17  }
0x1bb: {  	v18 =	vadd.s32 v5, v19;
	v17 =	vld [tilespmem:s11+$0xFFFFE020];
	_ =	sdelay $0x4  }
0x1bc: {  	[tilespmem:v18+s22+$0x0] =	vst.idx.msk $0xffff, v17  }
0x1bd: {  	s12 =	sadd.s32 $0xFFFFFFF4, s10;
	v18 =	vadd.s32 v6, v19;
	v17 =	vld [tilespmem:s11+$0x20]  }
0x1be: {  	v19 =	vmov s12  }
0x1bf: {  	v19 =	vshrl.u32 v19, $0x3  }
0x1c0: {  	v19 =	vshll.u32 v19, v0  }
0x1c1: {  	v19 =	vbroadcast v19, $0x0  }
0x1c2: {  	[tilespmem:v18+s22+$0x0] =	vst.idx.msk $0xffff, v17  }
0x1c3: {  	v18 =	vadd.s32 v7, v19;
	v17 =	vld [tilespmem:s11+$0xFFFFE030];
	_ =	sdelay $0x4  }
0x1c4: {  	[tilespmem:v18+s22+$0x0] =	vst.idx.msk $0xffff, v17  }
0x1c5: {  	s12 =	sadd.s32 $0xFFFFFFF5, s10;
	v18 =	vadd.s32 v8, v19;
	v17 =	vld [tilespmem:s11+$0x30]  }
0x1c6: {  	v19 =	vmov s12  }
0x1c7: {  	v19 =	vshrl.u32 v19, $0x3  }
0x1c8: {  	v19 =	vshll.u32 v19, v0  }
0x1c9: {  	v19 =	vbroadcast v19, $0x0  }
0x1ca: {  	[tilespmem:v18+s22+$0x0] =	vst.idx.msk $0xffff, v17  }
0x1cb: {  	v18 =	vadd.s32 v9, v19;
	v17 =	vld [tilespmem:s11+$0xFFFFE040];
	_ =	sdelay $0x4  }
0x1cc: {  	[tilespmem:v18+s22+$0x0] =	vst.idx.msk $0xffff, v17  }
0x1cd: {  	s12 =	sadd.s32 $0xFFFFFFF6, s10;
	v18 =	vadd.s32 v10, v19;
	v17 =	vld [tilespmem:s11+$0x40]  }
0x1ce: {  	v19 =	vmov s12  }
0x1cf: {  	v19 =	vshrl.u32 v19, $0x3  }
0x1d0: {  	v19 =	vshll.u32 v19, v0  }
0x1d1: {  	v19 =	vbroadcast v19, $0x0  }
0x1d2: {  	[tilespmem:v18+s22+$0x0] =	vst.idx.msk $0xffff, v17  }
0x1d3: {  	v18 =	vadd.s32 v11, v19;
	v17 =	vld [tilespmem:s11+$0xFFFFE050];
	_ =	sdelay $0x4  }
0x1d4: {  	[tilespmem:v18+s22+$0x0] =	vst.idx.msk $0xffff, v17  }
0x1d5: {  	s12 =	sadd.s32 $0xFFFFFFF7, s10;
	v18 =	vadd.s32 v12, v19;
	v17 =	vld [tilespmem:s11+$0x50]  }
0x1d6: {  	v19 =	vmov s12  }
0x1d7: {  	v19 =	vshrl.u32 v19, $0x3  }
0x1d8: {  	v19 =	vshll.u32 v19, v0  }
0x1d9: {  	v19 =	vbroadcast v19, $0x0  }
0x1da: {  	[tilespmem:v18+s22+$0x0] =	vst.idx.msk $0xffff, v17  }
0x1db: {  	v18 =	vadd.s32 v13, v19;
	v17 =	vld [tilespmem:s11+$0xFFFFE060];
	_ =	sdelay $0x4  }
0x1dc: {  	[tilespmem:v18+s22+$0x0] =	vst.idx.msk $0xffff, v17  }
0x1dd: {  	s12 =	sadd.s32 $0xFFFFFFF8, s10;
	v18 =	vadd.s32 v14, v19;
	v17 =	vld [tilespmem:s11+$0x60]  }
0x1de: {  	v19 =	vmov s12  }
0x1df: {  	v19 =	vshrl.u32 v19, $0x3  }
0x1e0: {  	v19 =	vshll.u32 v19, v0  }
0x1e1: {  	v19 =	vbroadcast v19, $0x0  }
0x1e2: {  	[tilespmem:v18+s22+$0x0] =	vst.idx.msk $0xffff, v17  }
0x1e3: {  	v18 =	vadd.s32 v15, v19;
	v17 =	vld [tilespmem:s11+$0xFFFFE070];
	_ =	sdelay $0x4  }
0x1e4: {  	[tilespmem:v18+s22+$0x0] =	vst.idx.msk $0xffff, v17  }
0x1e5: {  	s12 =	sadd.s32 $0xFFFFFFF9, s10;
	v18 =	vadd.s32 v16, v19;
	v17 =	vld [tilespmem:s11+$0x70]  }
0x1e6: {  	v19 =	vmov s12  }
0x1e7: {  	v19 =	vshrl.u32 v19, $0x3  }
0x1e8: {  	v19 =	vshll.u32 v19, v0  }
0x1e9: {  	v19 =	vbroadcast v19, $0x0  }
0x1ea: {  	[tilespmem:v18+s22+$0x0] =	vst.idx.msk $0xffff, v17  }
0x1eb: {  	v18 =	vadd.s32 v1, v19;
	v17 =	vld [tilespmem:s11+$0xFFFFE080];
	_ =	sdelay $0x4  }
0x1ec: {  	[tilespmem:v18+s22+$0x0] =	vst.idx.msk $0xffff, v17  }
0x1ed: {  	s12 =	sadd.s32 $0xFFFFFFFA, s10;
	v18 =	vadd.s32 v2, v19;
	v17 =	vld [tilespmem:s11+$0x80]  }
0x1ee: {  	v19 =	vmov s12  }
0x1ef: {  	v19 =	vshrl.u32 v19, $0x3  }
0x1f0: {  	v19 =	vshll.u32 v19, v0  }
0x1f1: {  	v19 =	vbroadcast v19, $0x0  }
0x1f2: {  	[tilespmem:v18+s22+$0x0] =	vst.idx.msk $0xffff, v17  }
0x1f3: {  	v18 =	vadd.s32 v3, v19;
	v17 =	vld [tilespmem:s11+$0xFFFFE090];
	_ =	sdelay $0x4  }
0x1f4: {  	[tilespmem:v18+s22+$0x0] =	vst.idx.msk $0xffff, v17  }
0x1f5: {  	s12 =	sadd.s32 $0xFFFFFFFB, s10;
	v18 =	vadd.s32 v4, v19;
	v17 =	vld [tilespmem:s11+$0x90]  }
0x1f6: {  	v19 =	vmov s12  }
0x1f7: {  	v19 =	vshrl.u32 v19, $0x3  }
0x1f8: {  	v19 =	vshll.u32 v19, v0  }
0x1f9: {  	v19 =	vbroadcast v19, $0x0  }
0x1fa: {  	[tilespmem:v18+s22+$0x0] =	vst.idx.msk $0xffff, v17  }
0x1fb: {  	v18 =	vadd.s32 v5, v19;
	v17 =	vld [tilespmem:s11+$0xFFFFE0A0];
	_ =	sdelay $0x4  }
0x1fc: {  	[tilespmem:v18+s22+$0x0] =	vst.idx.msk $0xffff, v17  }
0x1fd: {  	s12 =	sadd.s32 $0xFFFFFFFC, s10;
	v18 =	vadd.s32 v6, v19;
	v17 =	vld [tilespmem:s11+$0xA0]  }
0x1fe: {  	v19 =	vmov s12  }
0x1ff: {  	v19 =	vshrl.u32 v19, $0x3  }
0x200: {  	v19 =	vshll.u32 v19, v0  }
0x201: {  	v19 =	vbroadcast v19, $0x0  }
0x202: {  	[tilespmem:v18+s22+$0x0] =	vst.idx.msk $0xffff, v17  }
0x203: {  	v18 =	vadd.s32 v7, v19;
	v17 =	vld [tilespmem:s11+$0xFFFFE0B0];
	_ =	sdelay $0x4  }
0x204: {  	[tilespmem:v18+s22+$0x0] =	vst.idx.msk $0xffff, v17  }
0x205: {  	s12 =	sadd.s32 $0xFFFFFFFD, s10;
	v18 =	vadd.s32 v8, v19;
	v17 =	vld [tilespmem:s11+$0xB0]  }
0x206: {  	v19 =	vmov s12  }
0x207: {  	v19 =	vshrl.u32 v19, $0x3  }
0x208: {  	v19 =	vshll.u32 v19, v0  }
0x209: {  	v19 =	vbroadcast v19, $0x0  }
0x20a: {  	[tilespmem:v18+s22+$0x0] =	vst.idx.msk $0xffff, v17  }
0x20b: {  	v18 =	vadd.s32 v9, v19;
	v17 =	vld [tilespmem:s11+$0xFFFFE0C0];
	_ =	sdelay $0x4  }
0x20c: {  	[tilespmem:v18+s22+$0x0] =	vst.idx.msk $0xffff, v17  }
0x20d: {  	s12 =	sadd.s32 $0xFFFFFFFE, s10;
	v18 =	vadd.s32 v10, v19;
	v17 =	vld [tilespmem:s11+$0xC0]  }
0x20e: {  	v19 =	vmov s12  }
0x20f: {  	v19 =	vshrl.u32 v19, $0x3  }
0x210: {  	v19 =	vshll.u32 v19, v0  }
0x211: {  	v19 =	vbroadcast v19, $0x0  }
0x212: {  	[tilespmem:v18+s22+$0x0] =	vst.idx.msk $0xffff, v17  }
0x213: {  	v18 =	vadd.s32 v11, v19;
	v17 =	vld [tilespmem:s11+$0xFFFFE0D0];
	_ =	sdelay $0x4  }
0x214: {  	[tilespmem:v18+s22+$0x0] =	vst.idx.msk $0xffff, v17  }
0x215: {  	s12 =	sadd.s32 $0xFFFFFFFF, s10;
	v18 =	vadd.s32 v12, v19;
	v17 =	vld [tilespmem:s11+$0xD0]  }
0x216: {  	v19 =	vmov s12  }
0x217: {  	v19 =	vshrl.u32 v19, $0x3  }
0x218: {  	v19 =	vshll.u32 v19, v0  }
0x219: {  	v19 =	vbroadcast v19, $0x0  }
0x21a: {  	[tilespmem:v18+s22+$0x0] =	vst.idx.msk $0xffff, v17  }
0x21b: {  	v18 =	vadd.s32 v13, v19;
	v17 =	vld [tilespmem:s11+$0xFFFFE0E0];
	_ =	sdelay $0x4  }
0x21c: {  	[tilespmem:v18+s22+$0x0] =	vst.idx.msk $0xffff, v17  }
0x21d: {  	v19 =	vadd.s32 v14, v19;
	v18 =	vld [tilespmem:s11+$0xE0]  }
0x21e: {  	v17 =	vmov s10  }
0x21f: {  	v17 =	vshrl.u32 v17, $0x3  }
0x220: {  	v17 =	vshll.u32 v17, v0  }
0x221: {  	v17 =	vbroadcast v17, $0x0  }
0x222: {  	[tilespmem:v19+s22+$0x0] =	vst.idx.msk $0xffff, v18  }
0x223: {  	v19 =	vadd.s32 v15, v17;
	v18 =	vld [tilespmem:s11+$0xFFFFE0F0]  }
.Ltmp0:
0x224: {  	(pc) =	sbr.rel @p1 .LBB2_3-.Ltmp0, $2  }
0x225: {  	_ =	sdelay $0x2  }
0x226: {  	s10 =	sadd.s32 $0x10, s10;
	[tilespmem:v19+s22+$0x0] =	vst.idx.msk $0xffff, v18  }
0x227: {  	v18 =	vld [tilespmem:s11+$0xF0];
	v17 =	vadd.s32 v16, v17;
	s12 =	smul.u32 $0x180000, s0;
	_ =	sdelay $0x1  }
0x228: {  	s6 =	sor.u32 s4, s12  }
0x229: {  	s6 =	sshrl.u32 s6, $0x3  }
0x22a: {  	s10 =	simm.s32 $0x13000;
	s6 =	sadd.s32 s5, s6  }
0x22b: {  	s11 =	simm.s32 $0x800;
	s13 =	simm.s32 $0x13208;
	[tilespmem:v17+s22+$0x0] =	vst.idx.msk $0xffff, v18;
	s30 =	sadd.s32 $0x0, s6  }
.LBB2_5:
0x22c: {  	[hbm4b:s30+s2] =	stream.linear.scatter [tilespmem:s10], [sflag:$0x4], $0x200, $0x38;
	[tilespmem:$0x1F300] =	vst v63  }
0x22d: {  	s30 =	smov.u32 s11;
	s10 =	smov.u32 s13;
	p1 =	seq.s32 s11, $0xF800  }
.Ltmp1:
0x22e: {  	s11 =	sadd.s32 $0x800, s11;
	(pc) =	sbr.rel @!p1 .LBB2_5-.Ltmp1, $2  }
0x22f: {  	_ =	sdelay $0x2  }
0x230: {  	s13 =	sadd.s32 $0x208, s13;
	s30 =	sadd.s32 s30, s6  }
0x231: {  	s6 =	smul.u32 $0x1800, s0  }
0x232: {  	[hbm4b:s30+s2] =	stream.linear.scatter [tilespmem:s10], [sflag:$0x4], $0x200, $0x38;
	[tilespmem:$0x1F300] =	vst v63  }
0x233: {  	s11 =	sshra.s32 s6, $0x2  }
0x234: {  	v17 =	vld [tilespmem:s11+$0x600];
	_ =	sdelay $0x4  }
0x235: {  	v17 =	vshll.u32 v17, $0x1  }
0x236: {  	[tilespmem:$0x6400] =	vst v17;
	v17 =	vor.u32 $0x1, v17  }
0x237: {  	[tilespmem:$0x6600] =	vst v17  }
0x238: {  	v17 =	vld [tilespmem:s11+$0x610];
	_ =	sdelay $0x4  }
0x239: {  	v17 =	vshll.u32 v17, $0x1  }
0x23a: {  	[tilespmem:$0x6410] =	vst v17;
	v17 =	vor.u32 $0x1, v17  }
0x23b: {  	[tilespmem:$0x6610] =	vst v17  }
0x23c: {  	v17 =	vld [tilespmem:s11+$0x620];
	_ =	sdelay $0x4  }
0x23d: {  	v17 =	vshll.u32 v17, $0x1  }
0x23e: {  	[tilespmem:$0x6420] =	vst v17;
	v17 =	vor.u32 $0x1, v17  }
0x23f: {  	[tilespmem:$0x6620] =	vst v17  }
0x240: {  	v17 =	vld [tilespmem:s11+$0x630];
	_ =	sdelay $0x4  }
0x241: {  	v17 =	vshll.u32 v17, $0x1  }
0x242: {  	[tilespmem:$0x6430] =	vst v17;
	v17 =	vor.u32 $0x1, v17  }
0x243: {  	[tilespmem:$0x6630] =	vst v17  }
0x244: {  	v17 =	vld [tilespmem:s11+$0x640];
	_ =	sdelay $0x4  }
0x245: {  	v17 =	vshll.u32 v17, $0x1  }
0x246: {  	[tilespmem:$0x6440] =	vst v17;
	v17 =	vor.u32 $0x1, v17  }
0x247: {  	[tilespmem:$0x6640] =	vst v17  }
0x248: {  	v17 =	vld [tilespmem:s11+$0x650];
	_ =	sdelay $0x4  }
0x249: {  	v17 =	vshll.u32 v17, $0x1  }
0x24a: {  	[tilespmem:$0x6450] =	vst v17;
	v17 =	vor.u32 $0x1, v17  }
0x24b: {  	[tilespmem:$0x6650] =	vst v17  }
0x24c: {  	v17 =	vld [tilespmem:s11+$0x660];
	_ =	sdelay $0x4  }
0x24d: {  	v17 =	vshll.u32 v17, $0x1  }
0x24e: {  	[tilespmem:$0x6460] =	vst v17;
	v17 =	vor.u32 $0x1, v17  }
0x24f: {  	[tilespmem:$0x6660] =	vst v17  }
0x250: {  	v17 =	vld [tilespmem:s11+$0x670];
	_ =	sdelay $0x4  }
0x251: {  	v17 =	vshll.u32 v17, $0x1  }
0x252: {  	[tilespmem:$0x6470] =	vst v17;
	v17 =	vor.u32 $0x1, v17  }
0x253: {  	[tilespmem:$0x6670] =	vst v17  }
0x254: {  	v17 =	vld [tilespmem:s11+$0x680];
	_ =	sdelay $0x4  }
0x255: {  	v17 =	vshll.u32 v17, $0x1  }
0x256: {  	[tilespmem:$0x6480] =	vst v17;
	v17 =	vor.u32 $0x1, v17  }
0x257: {  	[tilespmem:$0x6680] =	vst v17  }
0x258: {  	v17 =	vld [tilespmem:s11+$0x690];
	_ =	sdelay $0x4  }
0x259: {  	v17 =	vshll.u32 v17, $0x1  }
0x25a: {  	[tilespmem:$0x6490] =	vst v17;
	v17 =	vor.u32 $0x1, v17  }
0x25b: {  	[tilespmem:$0x6690] =	vst v17  }
0x25c: {  	v17 =	vld [tilespmem:s11+$0x6A0];
	_ =	sdelay $0x4  }
0x25d: {  	v17 =	vshll.u32 v17, $0x1  }
0x25e: {  	[tilespmem:$0x64A0] =	vst v17;
	v17 =	vor.u32 $0x1, v17  }
0x25f: {  	[tilespmem:$0x66A0] =	vst v17  }
0x260: {  	v17 =	vld [tilespmem:s11+$0x6B0];
	_ =	sdelay $0x4  }
0x261: {  	v17 =	vshll.u32 v17, $0x1  }
0x262: {  	[tilespmem:$0x64B0] =	vst v17;
	v17 =	vor.u32 $0x1, v17  }
0x263: {  	[tilespmem:$0x66B0] =	vst v17  }
0x264: {  	v17 =	vld [tilespmem:s11+$0x6C0];
	_ =	sdelay $0x4  }
0x265: {  	v17 =	vshll.u32 v17, $0x1  }
0x266: {  	[tilespmem:$0x64C0] =	vst v17;
	v17 =	vor.u32 $0x1, v17  }
0x267: {  	[tilespmem:$0x66C0] =	vst v17  }
0x268: {  	v17 =	vld [tilespmem:s11+$0x6D0];
	_ =	sdelay $0x4  }
0x269: {  	v17 =	vshll.u32 v17, $0x1  }
0x26a: {  	[tilespmem:$0x64D0] =	vst v17;
	v17 =	vor.u32 $0x1, v17  }
0x26b: {  	[tilespmem:$0x66D0] =	vst v17  }
0x26c: {  	v17 =	vld [tilespmem:s11+$0x6E0];
	_ =	sdelay $0x4  }
0x26d: {  	v17 =	vshll.u32 v17, $0x1  }
0x26e: {  	[tilespmem:$0x64E0] =	vst v17;
	v17 =	vor.u32 $0x1, v17  }
0x26f: {  	[tilespmem:$0x66E0] =	vst v17  }
0x270: {  	v17 =	vld [tilespmem:s11+$0x6F0];
	_ =	sdelay $0x4  }
0x271: {  	v17 =	vshll.u32 v17, $0x1  }
0x272: {  	[tilespmem:$0x64F0] =	vst v17;
	v17 =	vor.u32 $0x1, v17  }
0x273: {  	[tilespmem:$0x66F0] =	vst v17  }
0x274: {  	v17 =	vld [tilespmem:s11+$0x700];
	_ =	sdelay $0x4  }
0x275: {  	v17 =	vshll.u32 v17, $0x1  }
0x276: {  	[tilespmem:$0x6500] =	vst v17;
	v17 =	vor.u32 $0x1, v17  }
0x277: {  	[tilespmem:$0x6700] =	vst v17  }
0x278: {  	v17 =	vld [tilespmem:s11+$0x710];
	_ =	sdelay $0x4  }
0x279: {  	v17 =	vshll.u32 v17, $0x1  }
0x27a: {  	[tilespmem:$0x6510] =	vst v17;
	v17 =	vor.u32 $0x1, v17  }
0x27b: {  	[tilespmem:$0x6710] =	vst v17  }
0x27c: {  	v17 =	vld [tilespmem:s11+$0x720];
	_ =	sdelay $0x4  }
0x27d: {  	v17 =	vshll.u32 v17, $0x1  }
0x27e: {  	[tilespmem:$0x6520] =	vst v17;
	v17 =	vor.u32 $0x1, v17  }
0x27f: {  	[tilespmem:$0x6720] =	vst v17  }
0x280: {  	v17 =	vld [tilespmem:s11+$0x730];
	_ =	sdelay $0x4  }
0x281: {  	v17 =	vshll.u32 v17, $0x1  }
0x282: {  	[tilespmem:$0x6530] =	vst v17;
	v17 =	vor.u32 $0x1, v17  }
0x283: {  	[tilespmem:$0x6730] =	vst v17  }
0x284: {  	v17 =	vld [tilespmem:s11+$0x740];
	_ =	sdelay $0x4  }
0x285: {  	v17 =	vshll.u32 v17, $0x1  }
0x286: {  	[tilespmem:$0x6540] =	vst v17;
	v17 =	vor.u32 $0x1, v17  }
0x287: {  	[tilespmem:$0x6740] =	vst v17  }
0x288: {  	v17 =	vld [tilespmem:s11+$0x750];
	_ =	sdelay $0x4  }
0x289: {  	v17 =	vshll.u32 v17, $0x1  }
0x28a: {  	[tilespmem:$0x6550] =	vst v17;
	v17 =	vor.u32 $0x1, v17  }
0x28b: {  	[tilespmem:$0x6750] =	vst v17  }
0x28c: {  	v17 =	vld [tilespmem:s11+$0x760];
	_ =	sdelay $0x4  }
0x28d: {  	v17 =	vshll.u32 v17, $0x1  }
0x28e: {  	[tilespmem:$0x6560] =	vst v17;
	v17 =	vor.u32 $0x1, v17  }
0x28f: {  	[tilespmem:$0x6760] =	vst v17  }
0x290: {  	v17 =	vld [tilespmem:s11+$0x770];
	_ =	sdelay $0x4  }
0x291: {  	v17 =	vshll.u32 v17, $0x1  }
0x292: {  	[tilespmem:$0x6570] =	vst v17;
	v17 =	vor.u32 $0x1, v17  }
0x293: {  	[tilespmem:$0x6770] =	vst v17  }
0x294: {  	v17 =	vld [tilespmem:s11+$0x780];
	_ =	sdelay $0x4  }
0x295: {  	v17 =	vshll.u32 v17, $0x1  }
0x296: {  	[tilespmem:$0x6580] =	vst v17;
	v17 =	vor.u32 $0x1, v17  }
0x297: {  	[tilespmem:$0x6780] =	vst v17  }
0x298: {  	v17 =	vld [tilespmem:s11+$0x790];
	_ =	sdelay $0x4  }
0x299: {  	v17 =	vshll.u32 v17, $0x1  }
0x29a: {  	[tilespmem:$0x6590] =	vst v17;
	v17 =	vor.u32 $0x1, v17  }
0x29b: {  	[tilespmem:$0x6790] =	vst v17  }
0x29c: {  	v17 =	vld [tilespmem:s11+$0x7A0];
	_ =	sdelay $0x4  }
0x29d: {  	v17 =	vshll.u32 v17, $0x1  }
0x29e: {  	[tilespmem:$0x65A0] =	vst v17;
	v17 =	vor.u32 $0x1, v17  }
0x29f: {  	[tilespmem:$0x67A0] =	vst v17  }
0x2a0: {  	v17 =	vld [tilespmem:s11+$0x7B0];
	_ =	sdelay $0x4  }
0x2a1: {  	v17 =	vshll.u32 v17, $0x1  }
0x2a2: {  	[tilespmem:$0x65B0] =	vst v17;
	v17 =	vor.u32 $0x1, v17  }
0x2a3: {  	[tilespmem:$0x67B0] =	vst v17  }
0x2a4: {  	v17 =	vld [tilespmem:s11+$0x7C0];
	_ =	sdelay $0x4  }
0x2a5: {  	v17 =	vshll.u32 v17, $0x1  }
0x2a6: {  	[tilespmem:$0x65C0] =	vst v17;
	v17 =	vor.u32 $0x1, v17  }
0x2a7: {  	[tilespmem:$0x67C0] =	vst v17  }
0x2a8: {  	v17 =	vld [tilespmem:s11+$0x7D0];
	_ =	sdelay $0x4  }
0x2a9: {  	v17 =	vshll.u32 v17, $0x1  }
0x2aa: {  	[tilespmem:$0x65D0] =	vst v17;
	v17 =	vor.u32 $0x1, v17  }
0x2ab: {  	[tilespmem:$0x67D0] =	vst v17  }
0x2ac: {  	v17 =	vld [tilespmem:s11+$0x7E0];
	_ =	sdelay $0x4  }
0x2ad: {  	v17 =	vshll.u32 v17, $0x1  }
0x2ae: {  	[tilespmem:$0x65E0] =	vst v17;
	v17 =	vor.u32 $0x1, v17  }
0x2af: {  	[tilespmem:$0x67E0] =	vst v17  }
0x2b0: {  	v17 =	vld [tilespmem:s11+$0x7F0];
	_ =	sdelay $0x4  }
0x2b1: {  	v17 =	vshll.u32 v17, $0x1  }
0x2b2: {  	[tilespmem:$0x65F0] =	vst v17;
	v17 =	vor.u32 $0x1, v17  }
0x2b3: {  	[tilespmem:$0x67F0] =	vst v17  }
0x2b4: {  	[tilespmem:s16], [sflag:$0x1] =	stream.indirect.gather [hbm4b:s3+s14], $0x10, s15, s14, $0xb8;
	[tilespmem:$0x1F300] =	vst v63  }
0x2b5: {  	s13 =	simm.s32 $0x0;
	_ =	swait.ge [sflag:s23], $0x4000  }
0x2b6: {  	v17 =	vmov s13;
	[sflag:s23] =	ssyncset.done $0x0  }
0x2b7: {  	s6 =	simm.s32 @!p0 $0x5;
	v17 =	vshrl.u32 v17, $0x3;
	[sflag:s23] =	ssyncadd.s32 $0xFFFFC000  }
0x2b8: {  	v17 =	vshll.u32 v17, v0;
	_ =	swait.ge @!p0 [sflag:s6], $0x4000  }
0x2b9: {  	v17 =	vbroadcast v17, $0x0;
	[sflag:s6] =	ssyncset.done @!p0 $0x0  }
0x2ba: {  	[sflag:s6] =	ssyncadd.s32 @!p0 $0xFFFFC000;
	s6 =	simm.s32 $0xD000  }
0x2bb: {  	v19 =	vadd.s32 v1, v17;
	v18 =	vld [tilespmem:s6+$0xFFFFE000];
	_ =	sdelay $0x4  }
0x2bc: {  	[tilespmem:v19+s24+$0x0] =	vst.idx.msk $0xffff, v18  }
0x2bd: {  	s30 =	simm.s32 $0x1;
	v17 =	vadd.s32 v2, v17;
	v18 =	vld [tilespmem:s6+$0x0]  }
0x2be: {  	v19 =	vmov s30  }
0x2bf: {  	v19 =	vshrl.u32 v19, $0x3  }
0x2c0: {  	v19 =	vshll.u32 v19, v0  }
0x2c1: {  	v19 =	vbroadcast v19, $0x0  }
0x2c2: {  	[tilespmem:v17+s24+$0x0] =	vst.idx.msk $0xffff, v18  }
0x2c3: {  	v18 =	vadd.s32 v3, v19;
	v17 =	vld [tilespmem:s6+$0xFFFFE010];
	_ =	sdelay $0x4  }
0x2c4: {  	[tilespmem:v18+s24+$0x0] =	vst.idx.msk $0xffff, v17  }
0x2c5: {  	s13 =	simm.s32 $0x2;
	v18 =	vadd.s32 v4, v19;
	v17 =	vld [tilespmem:s6+$0x10]  }
0x2c6: {  	v19 =	vmov s13  }
0x2c7: {  	v19 =	vshrl.u32 v19, $0x3  }
0x2c8: {  	v19 =	vshll.u32 v19, v0  }
0x2c9: {  	v19 =	vbroadcast v19, $0x0  }
0x2ca: {  	[tilespmem:v18+s24+$0x0] =	vst.idx.msk $0xffff, v17  }
0x2cb: {  	v18 =	vadd.s32 v5, v19;
	v17 =	vld [tilespmem:s6+$0xFFFFE020];
	_ =	sdelay $0x4  }
0x2cc: {  	[tilespmem:v18+s24+$0x0] =	vst.idx.msk $0xffff, v17  }
0x2cd: {  	s30 =	simm.s32 $0x3;
	v18 =	vadd.s32 v6, v19;
	v17 =	vld [tilespmem:s6+$0x20]  }
0x2ce: {  	v19 =	vmov s30  }
0x2cf: {  	v19 =	vshrl.u32 v19, $0x3  }
0x2d0: {  	v19 =	vshll.u32 v19, v0  }
0x2d1: {  	v19 =	vbroadcast v19, $0x0  }
0x2d2: {  	[tilespmem:v18+s24+$0x0] =	vst.idx.msk $0xffff, v17  }
0x2d3: {  	v18 =	vadd.s32 v7, v19;
	v17 =	vld [tilespmem:s6+$0xFFFFE030];
	_ =	sdelay $0x4  }
0x2d4: {  	[tilespmem:v18+s24+$0x0] =	vst.idx.msk $0xffff, v17  }
0x2d5: {  	s13 =	simm.s32 $0x4;
	v18 =	vadd.s32 v8, v19;
	v17 =	vld [tilespmem:s6+$0x30]  }
0x2d6: {  	v19 =	vmov s13  }
0x2d7: {  	v19 =	vshrl.u32 v19, $0x3  }
0x2d8: {  	v19 =	vshll.u32 v19, v0  }
0x2d9: {  	v19 =	vbroadcast v19, $0x0  }
0x2da: {  	[tilespmem:v18+s24+$0x0] =	vst.idx.msk $0xffff, v17  }
0x2db: {  	v18 =	vadd.s32 v9, v19;
	v17 =	vld [tilespmem:s6+$0xFFFFE040];
	_ =	sdelay $0x4  }
0x2dc: {  	[tilespmem:v18+s24+$0x0] =	vst.idx.msk $0xffff, v17  }
0x2dd: {  	s30 =	simm.s32 $0x5;
	v18 =	vadd.s32 v10, v19;
	v17 =	vld [tilespmem:s6+$0x40]  }
0x2de: {  	v19 =	vmov s30  }
0x2df: {  	v19 =	vshrl.u32 v19, $0x3  }
0x2e0: {  	v19 =	vshll.u32 v19, v0  }
0x2e1: {  	v19 =	vbroadcast v19, $0x0  }
0x2e2: {  	[tilespmem:v18+s24+$0x0] =	vst.idx.msk $0xffff, v17  }
0x2e3: {  	v18 =	vadd.s32 v11, v19;
	v17 =	vld [tilespmem:s6+$0xFFFFE050];
	_ =	sdelay $0x4  }
0x2e4: {  	[tilespmem:v18+s24+$0x0] =	vst.idx.msk $0xffff, v17  }
0x2e5: {  	s13 =	simm.s32 $0x6;
	v18 =	vadd.s32 v12, v19;
	v17 =	vld [tilespmem:s6+$0x50]  }
0x2e6: {  	v19 =	vmov s13  }
0x2e7: {  	v19 =	vshrl.u32 v19, $0x3  }
0x2e8: {  	v19 =	vshll.u32 v19, v0  }
0x2e9: {  	v19 =	vbroadcast v19, $0x0  }
0x2ea: {  	[tilespmem:v18+s24+$0x0] =	vst.idx.msk $0xffff, v17  }
0x2eb: {  	v18 =	vadd.s32 v13, v19;
	v17 =	vld [tilespmem:s6+$0xFFFFE060];
	_ =	sdelay $0x4  }
0x2ec: {  	[tilespmem:v18+s24+$0x0] =	vst.idx.msk $0xffff, v17  }
0x2ed: {  	s30 =	simm.s32 $0x7;
	v18 =	vadd.s32 v14, v19;
	v17 =	vld [tilespmem:s6+$0x60]  }
0x2ee: {  	v19 =	vmov s30  }
0x2ef: {  	v19 =	vshrl.u32 v19, $0x3  }
0x2f0: {  	v19 =	vshll.u32 v19, v0  }
0x2f1: {  	v19 =	vbroadcast v19, $0x0  }
0x2f2: {  	[tilespmem:v18+s24+$0x0] =	vst.idx.msk $0xffff, v17  }
0x2f3: {  	v18 =	vadd.s32 v15, v19;
	v17 =	vld [tilespmem:s6+$0xFFFFE070];
	_ =	sdelay $0x4  }
0x2f4: {  	[tilespmem:v18+s24+$0x0] =	vst.idx.msk $0xffff, v17  }
0x2f5: {  	s13 =	simm.s32 $0x8;
	v18 =	vadd.s32 v16, v19;
	v17 =	vld [tilespmem:s6+$0x70]  }
0x2f6: {  	v19 =	vmov s13  }
0x2f7: {  	v19 =	vshrl.u32 v19, $0x3  }
0x2f8: {  	v19 =	vshll.u32 v19, v0  }
0x2f9: {  	v19 =	vbroadcast v19, $0x0  }
0x2fa: {  	[tilespmem:v18+s24+$0x0] =	vst.idx.msk $0xffff, v17  }
0x2fb: {  	v18 =	vadd.s32 v1, v19;
	v17 =	vld [tilespmem:s6+$0xFFFFE080];
	_ =	sdelay $0x4  }
0x2fc: {  	[tilespmem:v18+s24+$0x0] =	vst.idx.msk $0xffff, v17  }
0x2fd: {  	s30 =	simm.s32 $0x9;
	v18 =	vadd.s32 v2, v19;
	v17 =	vld [tilespmem:s6+$0x80]  }
0x2fe: {  	v19 =	vmov s30  }
0x2ff: {  	v19 =	vshrl.u32 v19, $0x3  }
0x300: {  	v19 =	vshll.u32 v19, v0  }
0x301: {  	v19 =	vbroadcast v19, $0x0  }
0x302: {  	[tilespmem:v18+s24+$0x0] =	vst.idx.msk $0xffff, v17  }
0x303: {  	v18 =	vadd.s32 v3, v19;
	v17 =	vld [tilespmem:s6+$0xFFFFE090];
	_ =	sdelay $0x4  }
0x304: {  	[tilespmem:v18+s24+$0x0] =	vst.idx.msk $0xffff, v17  }
0x305: {  	s13 =	simm.s32 $0xA;
	v18 =	vadd.s32 v4, v19;
	v17 =	vld [tilespmem:s6+$0x90]  }
0x306: {  	v19 =	vmov s13  }
0x307: {  	v19 =	vshrl.u32 v19, $0x3  }
0x308: {  	v19 =	vshll.u32 v19, v0  }
0x309: {  	v19 =	vbroadcast v19, $0x0  }
0x30a: {  	[tilespmem:v18+s24+$0x0] =	vst.idx.msk $0xffff, v17  }
0x30b: {  	v18 =	vadd.s32 v5, v19;
	v17 =	vld [tilespmem:s6+$0xFFFFE0A0];
	_ =	sdelay $0x4  }
0x30c: {  	[tilespmem:v18+s24+$0x0] =	vst.idx.msk $0xffff, v17  }
0x30d: {  	s30 =	simm.s32 $0xB;
	v18 =	vadd.s32 v6, v19;
	v17 =	vld [tilespmem:s6+$0xA0]  }
0x30e: {  	v19 =	vmov s30  }
0x30f: {  	v19 =	vshrl.u32 v19, $0x3  }
0x310: {  	v19 =	vshll.u32 v19, v0  }
0x311: {  	v19 =	vbroadcast v19, $0x0  }
0x312: {  	[tilespmem:v18+s24+$0x0] =	vst.idx.msk $0xffff, v17  }
0x313: {  	v18 =	vadd.s32 v7, v19;
	v17 =	vld [tilespmem:s6+$0xFFFFE0B0];
	_ =	sdelay $0x4  }
0x314: {  	[tilespmem:v18+s24+$0x0] =	vst.idx.msk $0xffff, v17  }
0x315: {  	s13 =	simm.s32 $0xC;
	v18 =	vadd.s32 v8, v19;
	v17 =	vld [tilespmem:s6+$0xB0]  }
0x316: {  	v19 =	vmov s13  }
0x317: {  	v19 =	vshrl.u32 v19, $0x3  }
0x318: {  	v19 =	vshll.u32 v19, v0  }
0x319: {  	v19 =	vbroadcast v19, $0x0  }
0x31a: {  	[tilespmem:v18+s24+$0x0] =	vst.idx.msk $0xffff, v17  }
0x31b: {  	v18 =	vadd.s32 v9, v19;
	v17 =	vld [tilespmem:s6+$0xFFFFE0C0];
	_ =	sdelay $0x4  }
0x31c: {  	[tilespmem:v18+s24+$0x0] =	vst.idx.msk $0xffff, v17  }
0x31d: {  	s30 =	simm.s32 $0xD;
	v18 =	vadd.s32 v10, v19;
	v17 =	vld [tilespmem:s6+$0xC0]  }
0x31e: {  	v19 =	vmov s30  }
0x31f: {  	v19 =	vshrl.u32 v19, $0x3  }
0x320: {  	v19 =	vshll.u32 v19, v0  }
0x321: {  	v19 =	vbroadcast v19, $0x0  }
0x322: {  	[tilespmem:v18+s24+$0x0] =	vst.idx.msk $0xffff, v17  }
0x323: {  	v18 =	vadd.s32 v11, v19;
	v17 =	vld [tilespmem:s6+$0xFFFFE0D0];
	_ =	sdelay $0x4  }
0x324: {  	[tilespmem:v18+s24+$0x0] =	vst.idx.msk $0xffff, v17  }
0x325: {  	s13 =	simm.s32 $0xE;
	v18 =	vadd.s32 v12, v19;
	v17 =	vld [tilespmem:s6+$0xD0]  }
0x326: {  	v19 =	vmov s13  }
0x327: {  	v19 =	vshrl.u32 v19, $0x3  }
0x328: {  	v19 =	vshll.u32 v19, v0  }
0x329: {  	v19 =	vbroadcast v19, $0x0  }
0x32a: {  	[tilespmem:v18+s24+$0x0] =	vst.idx.msk $0xffff, v17  }
0x32b: {  	v18 =	vadd.s32 v13, v19;
	v17 =	vld [tilespmem:s6+$0xFFFFE0E0];
	_ =	sdelay $0x4  }
0x32c: {  	[tilespmem:v18+s24+$0x0] =	vst.idx.msk $0xffff, v17  }
0x32d: {  	s30 =	simm.s32 $0xF;
	v19 =	vadd.s32 v14, v19;
	v18 =	vld [tilespmem:s6+$0xE0]  }
0x32e: {  	v17 =	vmov s30  }
0x32f: {  	v17 =	vshrl.u32 v17, $0x3  }
0x330: {  	v17 =	vshll.u32 v17, v0  }
0x331: {  	v17 =	vbroadcast v17, $0x0  }
0x332: {  	[tilespmem:v19+s24+$0x0] =	vst.idx.msk $0xffff, v18  }
0x333: {  	v19 =	vadd.s32 v15, v17;
	v18 =	vld [tilespmem:s6+$0xFFFFE0F0];
	_ =	sdelay $0x4  }
0x334: {  	s10 =	simm.s32 $0x0;
	s13 =	simm.s32 $0x1F;
	[tilespmem:v19+s24+$0x0] =	vst.idx.msk $0xffff, v18  }
.LBB2_7:
0x335: {  	s30 =	sadd.s32 $0xFFFFFFF1, s13;
	s10 =	sadd.s32 $0x2, s10;
	v18 =	vld [tilespmem:s6+$0xF0];
	v17 =	vadd.s32 v16, v17  }
0x336: {  	v19 =	vmov s30;
	p1 =	slt.u32 s10, $0x3E  }
0x337: {  	v19 =	vshrl.u32 v19, $0x3  }
0x338: {  	v19 =	vshll.u32 v19, v0  }
0x339: {  	v19 =	vbroadcast v19, $0x0  }
0x33a: {  	s6 =	sadd.s32 $0x100, s6;
	[tilespmem:v17+s24+$0x0] =	vst.idx.msk $0xffff, v18  }
0x33b: {  	v17 =	vld [tilespmem:s6+$0xFFFFE000];
	v18 =	vadd.s32 v1, v19;
	_ =	sdelay $0x4  }
0x33c: {  	[tilespmem:v18+s24+$0x0] =	vst.idx.msk $0xffff, v17  }
0x33d: {  	s30 =	sadd.s32 $0xFFFFFFF2, s13;
	v18 =	vadd.s32 v2, v19;
	v17 =	vld [tilespmem:s6+$0x0]  }
0x33e: {  	v19 =	vmov s30  }
0x33f: {  	v19 =	vshrl.u32 v19, $0x3  }
0x340: {  	v19 =	vshll.u32 v19, v0  }
0x341: {  	v19 =	vbroadcast v19, $0x0  }
0x342: {  	[tilespmem:v18+s24+$0x0] =	vst.idx.msk $0xffff, v17  }
0x343: {  	v18 =	vadd.s32 v3, v19;
	v17 =	vld [tilespmem:s6+$0xFFFFE010];
	_ =	sdelay $0x4  }
0x344: {  	[tilespmem:v18+s24+$0x0] =	vst.idx.msk $0xffff, v17  }
0x345: {  	s30 =	sadd.s32 $0xFFFFFFF3, s13;
	v18 =	vadd.s32 v4, v19;
	v17 =	vld [tilespmem:s6+$0x10]  }
0x346: {  	v19 =	vmov s30  }
0x347: {  	v19 =	vshrl.u32 v19, $0x3  }
0x348: {  	v19 =	vshll.u32 v19, v0  }
0x349: {  	v19 =	vbroadcast v19, $0x0  }
0x34a: {  	[tilespmem:v18+s24+$0x0] =	vst.idx.msk $0xffff, v17  }
0x34b: {  	v18 =	vadd.s32 v5, v19;
	v17 =	vld [tilespmem:s6+$0xFFFFE020];
	_ =	sdelay $0x4  }
0x34c: {  	[tilespmem:v18+s24+$0x0] =	vst.idx.msk $0xffff, v17  }
0x34d: {  	s30 =	sadd.s32 $0xFFFFFFF4, s13;
	v18 =	vadd.s32 v6, v19;
	v17 =	vld [tilespmem:s6+$0x20]  }
0x34e: {  	v19 =	vmov s30  }
0x34f: {  	v19 =	vshrl.u32 v19, $0x3  }
0x350: {  	v19 =	vshll.u32 v19, v0  }
0x351: {  	v19 =	vbroadcast v19, $0x0  }
0x352: {  	[tilespmem:v18+s24+$0x0] =	vst.idx.msk $0xffff, v17  }
0x353: {  	v18 =	vadd.s32 v7, v19;
	v17 =	vld [tilespmem:s6+$0xFFFFE030];
	_ =	sdelay $0x4  }
0x354: {  	[tilespmem:v18+s24+$0x0] =	vst.idx.msk $0xffff, v17  }
0x355: {  	s30 =	sadd.s32 $0xFFFFFFF5, s13;
	v18 =	vadd.s32 v8, v19;
	v17 =	vld [tilespmem:s6+$0x30]  }
0x356: {  	v19 =	vmov s30  }
0x357: {  	v19 =	vshrl.u32 v19, $0x3  }
0x358: {  	v19 =	vshll.u32 v19, v0  }
0x359: {  	v19 =	vbroadcast v19, $0x0  }
0x35a: {  	[tilespmem:v18+s24+$0x0] =	vst.idx.msk $0xffff, v17  }
0x35b: {  	v18 =	vadd.s32 v9, v19;
	v17 =	vld [tilespmem:s6+$0xFFFFE040];
	_ =	sdelay $0x4  }
0x35c: {  	[tilespmem:v18+s24+$0x0] =	vst.idx.msk $0xffff, v17  }
0x35d: {  	s30 =	sadd.s32 $0xFFFFFFF6, s13;
	v18 =	vadd.s32 v10, v19;
	v17 =	vld [tilespmem:s6+$0x40]  }
0x35e: {  	v19 =	vmov s30  }
0x35f: {  	v19 =	vshrl.u32 v19, $0x3  }
0x360: {  	v19 =	vshll.u32 v19, v0  }
0x361: {  	v19 =	vbroadcast v19, $0x0  }
0x362: {  	[tilespmem:v18+s24+$0x0] =	vst.idx.msk $0xffff, v17  }
0x363: {  	v18 =	vadd.s32 v11, v19;
	v17 =	vld [tilespmem:s6+$0xFFFFE050];
	_ =	sdelay $0x4  }
0x364: {  	[tilespmem:v18+s24+$0x0] =	vst.idx.msk $0xffff, v17  }
0x365: {  	s30 =	sadd.s32 $0xFFFFFFF7, s13;
	v18 =	vadd.s32 v12, v19;
	v17 =	vld [tilespmem:s6+$0x50]  }
0x366: {  	v19 =	vmov s30  }
0x367: {  	v19 =	vshrl.u32 v19, $0x3  }
0x368: {  	v19 =	vshll.u32 v19, v0  }
0x369: {  	v19 =	vbroadcast v19, $0x0  }
0x36a: {  	[tilespmem:v18+s24+$0x0] =	vst.idx.msk $0xffff, v17  }
0x36b: {  	v18 =	vadd.s32 v13, v19;
	v17 =	vld [tilespmem:s6+$0xFFFFE060];
	_ =	sdelay $0x4  }
0x36c: {  	[tilespmem:v18+s24+$0x0] =	vst.idx.msk $0xffff, v17  }
0x36d: {  	s30 =	sadd.s32 $0xFFFFFFF8, s13;
	v18 =	vadd.s32 v14, v19;
	v17 =	vld [tilespmem:s6+$0x60]  }
0x36e: {  	v19 =	vmov s30  }
0x36f: {  	v19 =	vshrl.u32 v19, $0x3  }
0x370: {  	v19 =	vshll.u32 v19, v0  }
0x371: {  	v19 =	vbroadcast v19, $0x0  }
0x372: {  	[tilespmem:v18+s24+$0x0] =	vst.idx.msk $0xffff, v17  }
0x373: {  	v18 =	vadd.s32 v15, v19;
	v17 =	vld [tilespmem:s6+$0xFFFFE070];
	_ =	sdelay $0x4  }
0x374: {  	[tilespmem:v18+s24+$0x0] =	vst.idx.msk $0xffff, v17  }
0x375: {  	s30 =	sadd.s32 $0xFFFFFFF9, s13;
	v18 =	vadd.s32 v16, v19;
	v17 =	vld [tilespmem:s6+$0x70]  }
0x376: {  	v19 =	vmov s30  }
0x377: {  	v19 =	vshrl.u32 v19, $0x3  }
0x378: {  	v19 =	vshll.u32 v19, v0  }
0x379: {  	v19 =	vbroadcast v19, $0x0  }
0x37a: {  	[tilespmem:v18+s24+$0x0] =	vst.idx.msk $0xffff, v17  }
0x37b: {  	v18 =	vadd.s32 v1, v19;
	v17 =	vld [tilespmem:s6+$0xFFFFE080];
	_ =	sdelay $0x4  }
0x37c: {  	[tilespmem:v18+s24+$0x0] =	vst.idx.msk $0xffff, v17  }
0x37d: {  	s30 =	sadd.s32 $0xFFFFFFFA, s13;
	v18 =	vadd.s32 v2, v19;
	v17 =	vld [tilespmem:s6+$0x80]  }
0x37e: {  	v19 =	vmov s30  }
0x37f: {  	v19 =	vshrl.u32 v19, $0x3  }
0x380: {  	v19 =	vshll.u32 v19, v0  }
0x381: {  	v19 =	vbroadcast v19, $0x0  }
0x382: {  	[tilespmem:v18+s24+$0x0] =	vst.idx.msk $0xffff, v17  }
0x383: {  	v18 =	vadd.s32 v3, v19;
	v17 =	vld [tilespmem:s6+$0xFFFFE090];
	_ =	sdelay $0x4  }
0x384: {  	[tilespmem:v18+s24+$0x0] =	vst.idx.msk $0xffff, v17  }
0x385: {  	s30 =	sadd.s32 $0xFFFFFFFB, s13;
	v18 =	vadd.s32 v4, v19;
	v17 =	vld [tilespmem:s6+$0x90]  }
0x386: {  	v19 =	vmov s30  }
0x387: {  	v19 =	vshrl.u32 v19, $0x3  }
0x388: {  	v19 =	vshll.u32 v19, v0  }
0x389: {  	v19 =	vbroadcast v19, $0x0  }
0x38a: {  	[tilespmem:v18+s24+$0x0] =	vst.idx.msk $0xffff, v17  }
0x38b: {  	v18 =	vadd.s32 v5, v19;
	v17 =	vld [tilespmem:s6+$0xFFFFE0A0];
	_ =	sdelay $0x4  }
0x38c: {  	[tilespmem:v18+s24+$0x0] =	vst.idx.msk $0xffff, v17  }
0x38d: {  	s30 =	sadd.s32 $0xFFFFFFFC, s13;
	v18 =	vadd.s32 v6, v19;
	v17 =	vld [tilespmem:s6+$0xA0]  }
0x38e: {  	v19 =	vmov s30  }
0x38f: {  	v19 =	vshrl.u32 v19, $0x3  }
0x390: {  	v19 =	vshll.u32 v19, v0  }
0x391: {  	v19 =	vbroadcast v19, $0x0  }
0x392: {  	[tilespmem:v18+s24+$0x0] =	vst.idx.msk $0xffff, v17  }
0x393: {  	v18 =	vadd.s32 v7, v19;
	v17 =	vld [tilespmem:s6+$0xFFFFE0B0];
	_ =	sdelay $0x4  }
0x394: {  	[tilespmem:v18+s24+$0x0] =	vst.idx.msk $0xffff, v17  }
0x395: {  	s30 =	sadd.s32 $0xFFFFFFFD, s13;
	v18 =	vadd.s32 v8, v19;
	v17 =	vld [tilespmem:s6+$0xB0]  }
0x396: {  	v19 =	vmov s30  }
0x397: {  	v19 =	vshrl.u32 v19, $0x3  }
0x398: {  	v19 =	vshll.u32 v19, v0  }
0x399: {  	v19 =	vbroadcast v19, $0x0  }
0x39a: {  	[tilespmem:v18+s24+$0x0] =	vst.idx.msk $0xffff, v17  }
0x39b: {  	v18 =	vadd.s32 v9, v19;
	v17 =	vld [tilespmem:s6+$0xFFFFE0C0];
	_ =	sdelay $0x4  }
0x39c: {  	[tilespmem:v18+s24+$0x0] =	vst.idx.msk $0xffff, v17  }
0x39d: {  	s30 =	sadd.s32 $0xFFFFFFFE, s13;
	v18 =	vadd.s32 v10, v19;
	v17 =	vld [tilespmem:s6+$0xC0]  }
0x39e: {  	v19 =	vmov s30  }
0x39f: {  	v19 =	vshrl.u32 v19, $0x3  }
0x3a0: {  	v19 =	vshll.u32 v19, v0  }
0x3a1: {  	v19 =	vbroadcast v19, $0x0  }
0x3a2: {  	[tilespmem:v18+s24+$0x0] =	vst.idx.msk $0xffff, v17  }
0x3a3: {  	v18 =	vadd.s32 v11, v19;
	v17 =	vld [tilespmem:s6+$0xFFFFE0D0];
	_ =	sdelay $0x4  }
0x3a4: {  	[tilespmem:v18+s24+$0x0] =	vst.idx.msk $0xffff, v17  }
0x3a5: {  	s30 =	sadd.s32 $0xFFFFFFFF, s13;
	v18 =	vadd.s32 v12, v19;
	v17 =	vld [tilespmem:s6+$0xD0]  }
0x3a6: {  	v19 =	vmov s30  }
0x3a7: {  	v19 =	vshrl.u32 v19, $0x3  }
0x3a8: {  	v19 =	vshll.u32 v19, v0  }
0x3a9: {  	v19 =	vbroadcast v19, $0x0  }
0x3aa: {  	[tilespmem:v18+s24+$0x0] =	vst.idx.msk $0xffff, v17  }
0x3ab: {  	v18 =	vadd.s32 v13, v19;
	v17 =	vld [tilespmem:s6+$0xFFFFE0E0];
	_ =	sdelay $0x4  }
0x3ac: {  	[tilespmem:v18+s24+$0x0] =	vst.idx.msk $0xffff, v17  }
0x3ad: {  	v19 =	vadd.s32 v14, v19;
	v18 =	vld [tilespmem:s6+$0xE0]  }
0x3ae: {  	v17 =	vmov s13  }
0x3af: {  	v17 =	vshrl.u32 v17, $0x3  }
0x3b0: {  	v17 =	vshll.u32 v17, v0  }
0x3b1: {  	v17 =	vbroadcast v17, $0x0  }
0x3b2: {  	[tilespmem:v19+s24+$0x0] =	vst.idx.msk $0xffff, v18  }
0x3b3: {  	v19 =	vadd.s32 v15, v17;
	v18 =	vld [tilespmem:s6+$0xFFFFE0F0]  }
.Ltmp2:
0x3b4: {  	(pc) =	sbr.rel @p1 .LBB2_7-.Ltmp2, $2  }
0x3b5: {  	_ =	sdelay $0x2  }
0x3b6: {  	s13 =	sadd.s32 $0x10, s13;
	[tilespmem:v19+s24+$0x0] =	vst.idx.msk $0xffff, v18  }
0x3b7: {  	v18 =	vld [tilespmem:s6+$0xF0];
	v17 =	vadd.s32 v16, v17;
	_ =	sdelay $0x1  }
0x3b8: {  	s13 =	sadd.s32 s7, s12  }
0x3b9: {  	s6 =	sshrl.u32 s13, $0x3  }
0x3ba: {  	s10 =	simm.s32 $0x17100;
	s6 =	sadd.s32 s5, s6  }
0x3bb: {  	s12 =	simm.s32 $0x800;
	s13 =	simm.s32 $0x17308;
	s30 =	sadd.s32 $0x0, s6;
	[tilespmem:v17+s24+$0x0] =	vst.idx.msk $0xffff, v18  }
.LBB2_9:
0x3bc: {  	[hbm4b:s30+s2] =	stream.linear.scatter [tilespmem:s10], [sflag:$0x5], $0x200, $0x38;
	[tilespmem:$0x1F300] =	vst v63  }
0x3bd: {  	s30 =	smov.u32 s12;
	s10 =	smov.u32 s13;
	p1 =	seq.s32 s12, $0xF800  }
.Ltmp3:
0x3be: {  	s12 =	sadd.s32 $0x800, s12;
	(pc) =	sbr.rel @!p1 .LBB2_9-.Ltmp3, $2  }
0x3bf: {  	_ =	sdelay $0x2  }
0x3c0: {  	s13 =	sadd.s32 $0x208, s13;
	s30 =	sadd.s32 s30, s6  }
0x3c1: {  	[hbm4b:s30+s2] =	stream.linear.scatter [tilespmem:s10], [sflag:$0x5], $0x200, $0x38;
	[tilespmem:$0x1F300] =	vst v63  }
0x3c2: {  	v17 =	vld [tilespmem:s11+$0x800];
	_ =	sdelay $0x4  }
0x3c3: {  	v17 =	vshll.u32 v17, $0x1  }
0x3c4: {  	[tilespmem:$0x6800] =	vst v17;
	v17 =	vor.u32 $0x1, v17  }
0x3c5: {  	[tilespmem:$0x6A00] =	vst v17  }
0x3c6: {  	v17 =	vld [tilespmem:s11+$0x810];
	_ =	sdelay $0x4  }
0x3c7: {  	v17 =	vshll.u32 v17, $0x1  }
0x3c8: {  	[tilespmem:$0x6810] =	vst v17;
	v17 =	vor.u32 $0x1, v17  }
0x3c9: {  	[tilespmem:$0x6A10] =	vst v17  }
0x3ca: {  	v17 =	vld [tilespmem:s11+$0x820];
	_ =	sdelay $0x4  }
0x3cb: {  	v17 =	vshll.u32 v17, $0x1  }
0x3cc: {  	[tilespmem:$0x6820] =	vst v17;
	v17 =	vor.u32 $0x1, v17  }
0x3cd: {  	[tilespmem:$0x6A20] =	vst v17  }
0x3ce: {  	v17 =	vld [tilespmem:s11+$0x830];
	_ =	sdelay $0x4  }
0x3cf: {  	v17 =	vshll.u32 v17, $0x1  }
0x3d0: {  	[tilespmem:$0x6830] =	vst v17;
	v17 =	vor.u32 $0x1, v17  }
0x3d1: {  	[tilespmem:$0x6A30] =	vst v17  }
0x3d2: {  	v17 =	vld [tilespmem:s11+$0x840];
	_ =	sdelay $0x4  }
0x3d3: {  	v17 =	vshll.u32 v17, $0x1  }
0x3d4: {  	[tilespmem:$0x6840] =	vst v17;
	v17 =	vor.u32 $0x1, v17  }
0x3d5: {  	[tilespmem:$0x6A40] =	vst v17  }
0x3d6: {  	v17 =	vld [tilespmem:s11+$0x850];
	_ =	sdelay $0x4  }
0x3d7: {  	v17 =	vshll.u32 v17, $0x1  }
0x3d8: {  	[tilespmem:$0x6850] =	vst v17;
	v17 =	vor.u32 $0x1, v17  }
0x3d9: {  	[tilespmem:$0x6A50] =	vst v17  }
0x3da: {  	v17 =	vld [tilespmem:s11+$0x860];
	_ =	sdelay $0x4  }
0x3db: {  	v17 =	vshll.u32 v17, $0x1  }
0x3dc: {  	[tilespmem:$0x6860] =	vst v17;
	v17 =	vor.u32 $0x1, v17  }
0x3dd: {  	[tilespmem:$0x6A60] =	vst v17  }
0x3de: {  	v17 =	vld [tilespmem:s11+$0x870];
	_ =	sdelay $0x4  }
0x3df: {  	v17 =	vshll.u32 v17, $0x1  }
0x3e0: {  	[tilespmem:$0x6870] =	vst v17;
	v17 =	vor.u32 $0x1, v17  }
0x3e1: {  	[tilespmem:$0x6A70] =	vst v17  }
0x3e2: {  	v17 =	vld [tilespmem:s11+$0x880];
	_ =	sdelay $0x4  }
0x3e3: {  	v17 =	vshll.u32 v17, $0x1  }
0x3e4: {  	[tilespmem:$0x6880] =	vst v17;
	v17 =	vor.u32 $0x1, v17  }
0x3e5: {  	[tilespmem:$0x6A80] =	vst v17  }
0x3e6: {  	v17 =	vld [tilespmem:s11+$0x890];
	_ =	sdelay $0x4  }
0x3e7: {  	v17 =	vshll.u32 v17, $0x1  }
0x3e8: {  	[tilespmem:$0x6890] =	vst v17;
	v17 =	vor.u32 $0x1, v17  }
0x3e9: {  	[tilespmem:$0x6A90] =	vst v17  }
0x3ea: {  	v17 =	vld [tilespmem:s11+$0x8A0];
	_ =	sdelay $0x4  }
0x3eb: {  	v17 =	vshll.u32 v17, $0x1  }
0x3ec: {  	[tilespmem:$0x68A0] =	vst v17;
	v17 =	vor.u32 $0x1, v17  }
0x3ed: {  	[tilespmem:$0x6AA0] =	vst v17  }
0x3ee: {  	v17 =	vld [tilespmem:s11+$0x8B0];
	_ =	sdelay $0x4  }
0x3ef: {  	v17 =	vshll.u32 v17, $0x1  }
0x3f0: {  	[tilespmem:$0x68B0] =	vst v17;
	v17 =	vor.u32 $0x1, v17  }
0x3f1: {  	[tilespmem:$0x6AB0] =	vst v17  }
0x3f2: {  	v17 =	vld [tilespmem:s11+$0x8C0];
	_ =	sdelay $0x4  }
0x3f3: {  	v17 =	vshll.u32 v17, $0x1  }
0x3f4: {  	[tilespmem:$0x68C0] =	vst v17;
	v17 =	vor.u32 $0x1, v17  }
0x3f5: {  	[tilespmem:$0x6AC0] =	vst v17  }
0x3f6: {  	v17 =	vld [tilespmem:s11+$0x8D0];
	_ =	sdelay $0x4  }
0x3f7: {  	v17 =	vshll.u32 v17, $0x1  }
0x3f8: {  	[tilespmem:$0x68D0] =	vst v17;
	v17 =	vor.u32 $0x1, v17  }
0x3f9: {  	[tilespmem:$0x6AD0] =	vst v17  }
0x3fa: {  	v17 =	vld [tilespmem:s11+$0x8E0];
	_ =	sdelay $0x4  }
0x3fb: {  	v17 =	vshll.u32 v17, $0x1  }
0x3fc: {  	[tilespmem:$0x68E0] =	vst v17;
	v17 =	vor.u32 $0x1, v17  }
0x3fd: {  	[tilespmem:$0x6AE0] =	vst v17  }
0x3fe: {  	v17 =	vld [tilespmem:s11+$0x8F0];
	_ =	sdelay $0x4  }
0x3ff: {  	v17 =	vshll.u32 v17, $0x1  }
0x400: {  	[tilespmem:$0x68F0] =	vst v17;
	v17 =	vor.u32 $0x1, v17  }
0x401: {  	[tilespmem:$0x6AF0] =	vst v17  }
0x402: {  	v17 =	vld [tilespmem:s11+$0x900];
	_ =	sdelay $0x4  }
0x403: {  	v17 =	vshll.u32 v17, $0x1  }
0x404: {  	[tilespmem:$0x6900] =	vst v17;
	v17 =	vor.u32 $0x1, v17  }
0x405: {  	[tilespmem:$0x6B00] =	vst v17  }
0x406: {  	v17 =	vld [tilespmem:s11+$0x910];
	_ =	sdelay $0x4  }
0x407: {  	v17 =	vshll.u32 v17, $0x1  }
0x408: {  	[tilespmem:$0x6910] =	vst v17;
	v17 =	vor.u32 $0x1, v17  }
0x409: {  	[tilespmem:$0x6B10] =	vst v17  }
0x40a: {  	v17 =	vld [tilespmem:s11+$0x920];
	_ =	sdelay $0x4  }
0x40b: {  	v17 =	vshll.u32 v17, $0x1  }
0x40c: {  	[tilespmem:$0x6920] =	vst v17;
	v17 =	vor.u32 $0x1, v17  }
0x40d: {  	[tilespmem:$0x6B20] =	vst v17  }
0x40e: {  	v17 =	vld [tilespmem:s11+$0x930];
	_ =	sdelay $0x4  }
0x40f: {  	v17 =	vshll.u32 v17, $0x1  }
0x410: {  	[tilespmem:$0x6930] =	vst v17;
	v17 =	vor.u32 $0x1, v17  }
0x411: {  	[tilespmem:$0x6B30] =	vst v17  }
0x412: {  	v17 =	vld [tilespmem:s11+$0x940];
	_ =	sdelay $0x4  }
0x413: {  	v17 =	vshll.u32 v17, $0x1  }
0x414: {  	[tilespmem:$0x6940] =	vst v17;
	v17 =	vor.u32 $0x1, v17  }
0x415: {  	[tilespmem:$0x6B40] =	vst v17  }
0x416: {  	v17 =	vld [tilespmem:s11+$0x950];
	_ =	sdelay $0x4  }
0x417: {  	v17 =	vshll.u32 v17, $0x1  }
0x418: {  	[tilespmem:$0x6950] =	vst v17;
	v17 =	vor.u32 $0x1, v17  }
0x419: {  	[tilespmem:$0x6B50] =	vst v17  }
0x41a: {  	v17 =	vld [tilespmem:s11+$0x960];
	_ =	sdelay $0x4  }
0x41b: {  	v17 =	vshll.u32 v17, $0x1  }
0x41c: {  	[tilespmem:$0x6960] =	vst v17;
	v17 =	vor.u32 $0x1, v17  }
0x41d: {  	[tilespmem:$0x6B60] =	vst v17  }
0x41e: {  	v17 =	vld [tilespmem:s11+$0x970];
	_ =	sdelay $0x4  }
0x41f: {  	v17 =	vshll.u32 v17, $0x1  }
0x420: {  	[tilespmem:$0x6970] =	vst v17;
	v17 =	vor.u32 $0x1, v17  }
0x421: {  	[tilespmem:$0x6B70] =	vst v17  }
0x422: {  	v17 =	vld [tilespmem:s11+$0x980];
	_ =	sdelay $0x4  }
0x423: {  	v17 =	vshll.u32 v17, $0x1  }
0x424: {  	[tilespmem:$0x6980] =	vst v17;
	v17 =	vor.u32 $0x1, v17  }
0x425: {  	[tilespmem:$0x6B80] =	vst v17  }
0x426: {  	v17 =	vld [tilespmem:s11+$0x990];
	_ =	sdelay $0x4  }
0x427: {  	v17 =	vshll.u32 v17, $0x1  }
0x428: {  	[tilespmem:$0x6990] =	vst v17;
	v17 =	vor.u32 $0x1, v17  }
0x429: {  	[tilespmem:$0x6B90] =	vst v17  }
0x42a: {  	v17 =	vld [tilespmem:s11+$0x9A0];
	_ =	sdelay $0x4  }
0x42b: {  	v17 =	vshll.u32 v17, $0x1  }
0x42c: {  	[tilespmem:$0x69A0] =	vst v17;
	v17 =	vor.u32 $0x1, v17  }
0x42d: {  	[tilespmem:$0x6BA0] =	vst v17  }
0x42e: {  	v17 =	vld [tilespmem:s11+$0x9B0];
	_ =	sdelay $0x4  }
0x42f: {  	v17 =	vshll.u32 v17, $0x1  }
0x430: {  	[tilespmem:$0x69B0] =	vst v17;
	v17 =	vor.u32 $0x1, v17  }
0x431: {  	[tilespmem:$0x6BB0] =	vst v17  }
0x432: {  	v17 =	vld [tilespmem:s11+$0x9C0];
	_ =	sdelay $0x4  }
0x433: {  	v17 =	vshll.u32 v17, $0x1  }
0x434: {  	[tilespmem:$0x69C0] =	vst v17;
	v17 =	vor.u32 $0x1, v17  }
0x435: {  	[tilespmem:$0x6BC0] =	vst v17  }
0x436: {  	v17 =	vld [tilespmem:s11+$0x9D0];
	_ =	sdelay $0x4  }
0x437: {  	v17 =	vshll.u32 v17, $0x1  }
0x438: {  	[tilespmem:$0x69D0] =	vst v17;
	v17 =	vor.u32 $0x1, v17  }
0x439: {  	[tilespmem:$0x6BD0] =	vst v17  }
0x43a: {  	v17 =	vld [tilespmem:s11+$0x9E0];
	_ =	sdelay $0x4  }
0x43b: {  	v17 =	vshll.u32 v17, $0x1  }
0x43c: {  	[tilespmem:$0x69E0] =	vst v17;
	v17 =	vor.u32 $0x1, v17  }
0x43d: {  	[tilespmem:$0x6BE0] =	vst v17  }
0x43e: {  	v17 =	vld [tilespmem:s11+$0x9F0];
	_ =	sdelay $0x4  }
0x43f: {  	v17 =	vshll.u32 v17, $0x1  }
0x440: {  	[tilespmem:$0x69F0] =	vst v17;
	v17 =	vor.u32 $0x1, v17  }
0x441: {  	[tilespmem:$0x6BF0] =	vst v17  }
0x442: {  	[tilespmem:s18], [sflag:$0x2] =	stream.indirect.gather [hbm4b:s3+s14], $0x10, s17, s14, $0xb8;
	[tilespmem:$0x1F300] =	vst v63  }
0x443: {  	s11 =	simm.s32 $0x0;
	_ =	swait.ge [sflag:s25], $0x4000  }
0x444: {  	v17 =	vmov s11;
	[sflag:s25] =	ssyncset.done $0x0  }
0x445: {  	s6 =	simm.s32 @!p0 $0x6;
	v17 =	vshrl.u32 v17, $0x3;
	[sflag:s25] =	ssyncadd.s32 $0xFFFFC000  }
0x446: {  	v17 =	vshll.u32 v17, v0;
	_ =	swait.ge @!p0 [sflag:s6], $0x4000  }
0x447: {  	v17 =	vbroadcast v17, $0x0;
	[sflag:s6] =	ssyncset.done @!p0 $0x0  }
0x448: {  	[sflag:s6] =	ssyncadd.s32 @!p0 $0xFFFFC000;
	s6 =	simm.s32 $0x11000  }
0x449: {  	v19 =	vadd.s32 v1, v17;
	v18 =	vld [tilespmem:s6+$0xFFFFE000];
	_ =	sdelay $0x4  }
0x44a: {  	[tilespmem:v19+s26+$0x0] =	vst.idx.msk $0xffff, v18  }
0x44b: {  	s12 =	simm.s32 $0x1;
	v17 =	vadd.s32 v2, v17;
	v18 =	vld [tilespmem:s6+$0x0]  }
0x44c: {  	v19 =	vmov s12  }
0x44d: {  	v19 =	vshrl.u32 v19, $0x3  }
0x44e: {  	v19 =	vshll.u32 v19, v0  }
0x44f: {  	v19 =	vbroadcast v19, $0x0  }
0x450: {  	[tilespmem:v17+s26+$0x0] =	vst.idx.msk $0xffff, v18  }
0x451: {  	v18 =	vadd.s32 v3, v19;
	v17 =	vld [tilespmem:s6+$0xFFFFE010];
	_ =	sdelay $0x4  }
0x452: {  	[tilespmem:v18+s26+$0x0] =	vst.idx.msk $0xffff, v17  }
0x453: {  	s13 =	simm.s32 $0x2;
	v18 =	vadd.s32 v4, v19;
	v17 =	vld [tilespmem:s6+$0x10]  }
0x454: {  	v19 =	vmov s13  }
0x455: {  	v19 =	vshrl.u32 v19, $0x3  }
0x456: {  	v19 =	vshll.u32 v19, v0  }
0x457: {  	v19 =	vbroadcast v19, $0x0  }
0x458: {  	[tilespmem:v18+s26+$0x0] =	vst.idx.msk $0xffff, v17  }
0x459: {  	v18 =	vadd.s32 v5, v19;
	v17 =	vld [tilespmem:s6+$0xFFFFE020];
	_ =	sdelay $0x4  }
0x45a: {  	[tilespmem:v18+s26+$0x0] =	vst.idx.msk $0xffff, v17  }
0x45b: {  	s30 =	simm.s32 $0x3;
	v18 =	vadd.s32 v6, v19;
	v17 =	vld [tilespmem:s6+$0x20]  }
0x45c: {  	v19 =	vmov s30  }
0x45d: {  	v19 =	vshrl.u32 v19, $0x3  }
0x45e: {  	v19 =	vshll.u32 v19, v0  }
0x45f: {  	v19 =	vbroadcast v19, $0x0  }
0x460: {  	[tilespmem:v18+s26+$0x0] =	vst.idx.msk $0xffff, v17  }
0x461: {  	v18 =	vadd.s32 v7, v19;
	v17 =	vld [tilespmem:s6+$0xFFFFE030];
	_ =	sdelay $0x4  }
0x462: {  	[tilespmem:v18+s26+$0x0] =	vst.idx.msk $0xffff, v17  }
0x463: {  	s11 =	simm.s32 $0x4;
	v18 =	vadd.s32 v8, v19;
	v17 =	vld [tilespmem:s6+$0x30]  }
0x464: {  	v19 =	vmov s11  }
0x465: {  	v19 =	vshrl.u32 v19, $0x3  }
0x466: {  	v19 =	vshll.u32 v19, v0  }
0x467: {  	v19 =	vbroadcast v19, $0x0  }
0x468: {  	[tilespmem:v18+s26+$0x0] =	vst.idx.msk $0xffff, v17  }
0x469: {  	v18 =	vadd.s32 v9, v19;
	v17 =	vld [tilespmem:s6+$0xFFFFE040];
	_ =	sdelay $0x4  }
0x46a: {  	[tilespmem:v18+s26+$0x0] =	vst.idx.msk $0xffff, v17  }
0x46b: {  	s12 =	simm.s32 $0x5;
	v18 =	vadd.s32 v10, v19;
	v17 =	vld [tilespmem:s6+$0x40]  }
0x46c: {  	v19 =	vmov s12  }
0x46d: {  	v19 =	vshrl.u32 v19, $0x3  }
0x46e: {  	v19 =	vshll.u32 v19, v0  }
0x46f: {  	v19 =	vbroadcast v19, $0x0  }
0x470: {  	[tilespmem:v18+s26+$0x0] =	vst.idx.msk $0xffff, v17  }
0x471: {  	v18 =	vadd.s32 v11, v19;
	v17 =	vld [tilespmem:s6+$0xFFFFE050];
	_ =	sdelay $0x4  }
0x472: {  	[tilespmem:v18+s26+$0x0] =	vst.idx.msk $0xffff, v17  }
0x473: {  	s13 =	simm.s32 $0x6;
	v18 =	vadd.s32 v12, v19;
	v17 =	vld [tilespmem:s6+$0x50]  }
0x474: {  	v19 =	vmov s13  }
0x475: {  	v19 =	vshrl.u32 v19, $0x3  }
0x476: {  	v19 =	vshll.u32 v19, v0  }
0x477: {  	v19 =	vbroadcast v19, $0x0  }
0x478: {  	[tilespmem:v18+s26+$0x0] =	vst.idx.msk $0xffff, v17  }
0x479: {  	v18 =	vadd.s32 v13, v19;
	v17 =	vld [tilespmem:s6+$0xFFFFE060];
	_ =	sdelay $0x4  }
0x47a: {  	[tilespmem:v18+s26+$0x0] =	vst.idx.msk $0xffff, v17  }
0x47b: {  	s30 =	simm.s32 $0x7;
	v18 =	vadd.s32 v14, v19;
	v17 =	vld [tilespmem:s6+$0x60]  }
0x47c: {  	v19 =	vmov s30  }
0x47d: {  	v19 =	vshrl.u32 v19, $0x3  }
0x47e: {  	v19 =	vshll.u32 v19, v0  }
0x47f: {  	v19 =	vbroadcast v19, $0x0  }
0x480: {  	[tilespmem:v18+s26+$0x0] =	vst.idx.msk $0xffff, v17  }
0x481: {  	v18 =	vadd.s32 v15, v19;
	v17 =	vld [tilespmem:s6+$0xFFFFE070];
	_ =	sdelay $0x4  }
0x482: {  	[tilespmem:v18+s26+$0x0] =	vst.idx.msk $0xffff, v17  }
0x483: {  	s11 =	simm.s32 $0x8;
	v18 =	vadd.s32 v16, v19;
	v17 =	vld [tilespmem:s6+$0x70]  }
0x484: {  	v19 =	vmov s11  }
0x485: {  	v19 =	vshrl.u32 v19, $0x3  }
0x486: {  	v19 =	vshll.u32 v19, v0  }
0x487: {  	v19 =	vbroadcast v19, $0x0  }
0x488: {  	[tilespmem:v18+s26+$0x0] =	vst.idx.msk $0xffff, v17  }
0x489: {  	v18 =	vadd.s32 v1, v19;
	v17 =	vld [tilespmem:s6+$0xFFFFE080];
	_ =	sdelay $0x4  }
0x48a: {  	[tilespmem:v18+s26+$0x0] =	vst.idx.msk $0xffff, v17  }
0x48b: {  	s12 =	simm.s32 $0x9;
	v18 =	vadd.s32 v2, v19;
	v17 =	vld [tilespmem:s6+$0x80]  }
0x48c: {  	v19 =	vmov s12  }
0x48d: {  	v19 =	vshrl.u32 v19, $0x3  }
0x48e: {  	v19 =	vshll.u32 v19, v0  }
0x48f: {  	v19 =	vbroadcast v19, $0x0  }
0x490: {  	[tilespmem:v18+s26+$0x0] =	vst.idx.msk $0xffff, v17  }
0x491: {  	v18 =	vadd.s32 v3, v19;
	v17 =	vld [tilespmem:s6+$0xFFFFE090];
	_ =	sdelay $0x4  }
0x492: {  	[tilespmem:v18+s26+$0x0] =	vst.idx.msk $0xffff, v17  }
0x493: {  	s13 =	simm.s32 $0xA;
	v18 =	vadd.s32 v4, v19;
	v17 =	vld [tilespmem:s6+$0x90]  }
0x494: {  	v19 =	vmov s13  }
0x495: {  	v19 =	vshrl.u32 v19, $0x3  }
0x496: {  	v19 =	vshll.u32 v19, v0  }
0x497: {  	v19 =	vbroadcast v19, $0x0  }
0x498: {  	[tilespmem:v18+s26+$0x0] =	vst.idx.msk $0xffff, v17  }
0x499: {  	v18 =	vadd.s32 v5, v19;
	v17 =	vld [tilespmem:s6+$0xFFFFE0A0];
	_ =	sdelay $0x4  }
0x49a: {  	[tilespmem:v18+s26+$0x0] =	vst.idx.msk $0xffff, v17  }
0x49b: {  	s30 =	simm.s32 $0xB;
	v18 =	vadd.s32 v6, v19;
	v17 =	vld [tilespmem:s6+$0xA0]  }
0x49c: {  	v19 =	vmov s30  }
0x49d: {  	v19 =	vshrl.u32 v19, $0x3  }
0x49e: {  	v19 =	vshll.u32 v19, v0  }
0x49f: {  	v19 =	vbroadcast v19, $0x0  }
0x4a0: {  	[tilespmem:v18+s26+$0x0] =	vst.idx.msk $0xffff, v17  }
0x4a1: {  	v18 =	vadd.s32 v7, v19;
	v17 =	vld [tilespmem:s6+$0xFFFFE0B0];
	_ =	sdelay $0x4  }
0x4a2: {  	[tilespmem:v18+s26+$0x0] =	vst.idx.msk $0xffff, v17  }
0x4a3: {  	s11 =	simm.s32 $0xC;
	v18 =	vadd.s32 v8, v19;
	v17 =	vld [tilespmem:s6+$0xB0]  }
0x4a4: {  	v19 =	vmov s11  }
0x4a5: {  	v19 =	vshrl.u32 v19, $0x3  }
0x4a6: {  	v19 =	vshll.u32 v19, v0  }
0x4a7: {  	v19 =	vbroadcast v19, $0x0  }
0x4a8: {  	[tilespmem:v18+s26+$0x0] =	vst.idx.msk $0xffff, v17  }
0x4a9: {  	v18 =	vadd.s32 v9, v19;
	v17 =	vld [tilespmem:s6+$0xFFFFE0C0];
	_ =	sdelay $0x4  }
0x4aa: {  	[tilespmem:v18+s26+$0x0] =	vst.idx.msk $0xffff, v17  }
0x4ab: {  	s12 =	simm.s32 $0xD;
	v18 =	vadd.s32 v10, v19;
	v17 =	vld [tilespmem:s6+$0xC0]  }
0x4ac: {  	v19 =	vmov s12  }
0x4ad: {  	v19 =	vshrl.u32 v19, $0x3  }
0x4ae: {  	v19 =	vshll.u32 v19, v0  }
0x4af: {  	v19 =	vbroadcast v19, $0x0  }
0x4b0: {  	[tilespmem:v18+s26+$0x0] =	vst.idx.msk $0xffff, v17  }
0x4b1: {  	v18 =	vadd.s32 v11, v19;
	v17 =	vld [tilespmem:s6+$0xFFFFE0D0];
	_ =	sdelay $0x4  }
0x4b2: {  	[tilespmem:v18+s26+$0x0] =	vst.idx.msk $0xffff, v17  }
0x4b3: {  	s13 =	simm.s32 $0xE;
	v18 =	vadd.s32 v12, v19;
	v17 =	vld [tilespmem:s6+$0xD0]  }
0x4b4: {  	v19 =	vmov s13  }
0x4b5: {  	v19 =	vshrl.u32 v19, $0x3  }
0x4b6: {  	v19 =	vshll.u32 v19, v0  }
0x4b7: {  	v19 =	vbroadcast v19, $0x0  }
0x4b8: {  	[tilespmem:v18+s26+$0x0] =	vst.idx.msk $0xffff, v17  }
0x4b9: {  	v18 =	vadd.s32 v13, v19;
	v17 =	vld [tilespmem:s6+$0xFFFFE0E0];
	_ =	sdelay $0x4  }
0x4ba: {  	[tilespmem:v18+s26+$0x0] =	vst.idx.msk $0xffff, v17  }
0x4bb: {  	s30 =	simm.s32 $0xF;
	v19 =	vadd.s32 v14, v19;
	v18 =	vld [tilespmem:s6+$0xE0]  }
0x4bc: {  	v17 =	vmov s30  }
0x4bd: {  	v17 =	vshrl.u32 v17, $0x3  }
0x4be: {  	v17 =	vshll.u32 v17, v0  }
0x4bf: {  	v17 =	vbroadcast v17, $0x0  }
0x4c0: {  	[tilespmem:v19+s26+$0x0] =	vst.idx.msk $0xffff, v18  }
0x4c1: {  	v19 =	vadd.s32 v15, v17;
	v18 =	vld [tilespmem:s6+$0xFFFFE0F0];
	_ =	sdelay $0x4  }
0x4c2: {  	s10 =	simm.s32 $0x0;
	s11 =	simm.s32 $0x1F;
	[tilespmem:v19+s26+$0x0] =	vst.idx.msk $0xffff, v18  }
.LBB2_11:
0x4c3: {  	s12 =	sadd.s32 $0xFFFFFFF1, s11;
	s10 =	sadd.s32 $0x2, s10;
	v18 =	vld [tilespmem:s6+$0xF0];
	v17 =	vadd.s32 v16, v17  }
0x4c4: {  	v19 =	vmov s12;
	p0 =	slt.u32 s10, $0x3E  }
0x4c5: {  	v19 =	vshrl.u32 v19, $0x3  }
0x4c6: {  	v19 =	vshll.u32 v19, v0  }
0x4c7: {  	v19 =	vbroadcast v19, $0x0  }
0x4c8: {  	s6 =	sadd.s32 $0x100, s6;
	[tilespmem:v17+s26+$0x0] =	vst.idx.msk $0xffff, v18  }
0x4c9: {  	v17 =	vld [tilespmem:s6+$0xFFFFE000];
	v18 =	vadd.s32 v1, v19;
	_ =	sdelay $0x4  }
0x4ca: {  	[tilespmem:v18+s26+$0x0] =	vst.idx.msk $0xffff, v17  }
0x4cb: {  	s12 =	sadd.s32 $0xFFFFFFF2, s11;
	v18 =	vadd.s32 v2, v19;
	v17 =	vld [tilespmem:s6+$0x0]  }
0x4cc: {  	v19 =	vmov s12  }
0x4cd: {  	v19 =	vshrl.u32 v19, $0x3  }
0x4ce: {  	v19 =	vshll.u32 v19, v0  }
0x4cf: {  	v19 =	vbroadcast v19, $0x0  }
0x4d0: {  	[tilespmem:v18+s26+$0x0] =	vst.idx.msk $0xffff, v17  }
0x4d1: {  	v18 =	vadd.s32 v3, v19;
	v17 =	vld [tilespmem:s6+$0xFFFFE010];
	_ =	sdelay $0x4  }
0x4d2: {  	[tilespmem:v18+s26+$0x0] =	vst.idx.msk $0xffff, v17  }
0x4d3: {  	s12 =	sadd.s32 $0xFFFFFFF3, s11;
	v18 =	vadd.s32 v4, v19;
	v17 =	vld [tilespmem:s6+$0x10]  }
0x4d4: {  	v19 =	vmov s12  }
0x4d5: {  	v19 =	vshrl.u32 v19, $0x3  }
0x4d6: {  	v19 =	vshll.u32 v19, v0  }
0x4d7: {  	v19 =	vbroadcast v19, $0x0  }
0x4d8: {  	[tilespmem:v18+s26+$0x0] =	vst.idx.msk $0xffff, v17  }
0x4d9: {  	v18 =	vadd.s32 v5, v19;
	v17 =	vld [tilespmem:s6+$0xFFFFE020];
	_ =	sdelay $0x4  }
0x4da: {  	[tilespmem:v18+s26+$0x0] =	vst.idx.msk $0xffff, v17  }
0x4db: {  	s12 =	sadd.s32 $0xFFFFFFF4, s11;
	v18 =	vadd.s32 v6, v19;
	v17 =	vld [tilespmem:s6+$0x20]  }
0x4dc: {  	v19 =	vmov s12  }
0x4dd: {  	v19 =	vshrl.u32 v19, $0x3  }
0x4de: {  	v19 =	vshll.u32 v19, v0  }
0x4df: {  	v19 =	vbroadcast v19, $0x0  }
0x4e0: {  	[tilespmem:v18+s26+$0x0] =	vst.idx.msk $0xffff, v17  }
0x4e1: {  	v18 =	vadd.s32 v7, v19;
	v17 =	vld [tilespmem:s6+$0xFFFFE030];
	_ =	sdelay $0x4  }
0x4e2: {  	[tilespmem:v18+s26+$0x0] =	vst.idx.msk $0xffff, v17  }
0x4e3: {  	s12 =	sadd.s32 $0xFFFFFFF5, s11;
	v18 =	vadd.s32 v8, v19;
	v17 =	vld [tilespmem:s6+$0x30]  }
0x4e4: {  	v19 =	vmov s12  }
0x4e5: {  	v19 =	vshrl.u32 v19, $0x3  }
0x4e6: {  	v19 =	vshll.u32 v19, v0  }
0x4e7: {  	v19 =	vbroadcast v19, $0x0  }
0x4e8: {  	[tilespmem:v18+s26+$0x0] =	vst.idx.msk $0xffff, v17  }
0x4e9: {  	v18 =	vadd.s32 v9, v19;
	v17 =	vld [tilespmem:s6+$0xFFFFE040];
	_ =	sdelay $0x4  }
0x4ea: {  	[tilespmem:v18+s26+$0x0] =	vst.idx.msk $0xffff, v17  }
0x4eb: {  	s12 =	sadd.s32 $0xFFFFFFF6, s11;
	v18 =	vadd.s32 v10, v19;
	v17 =	vld [tilespmem:s6+$0x40]  }
0x4ec: {  	v19 =	vmov s12  }
0x4ed: {  	v19 =	vshrl.u32 v19, $0x3  }
0x4ee: {  	v19 =	vshll.u32 v19, v0  }
0x4ef: {  	v19 =	vbroadcast v19, $0x0  }
0x4f0: {  	[tilespmem:v18+s26+$0x0] =	vst.idx.msk $0xffff, v17  }
0x4f1: {  	v18 =	vadd.s32 v11, v19;
	v17 =	vld [tilespmem:s6+$0xFFFFE050];
	_ =	sdelay $0x4  }
0x4f2: {  	[tilespmem:v18+s26+$0x0] =	vst.idx.msk $0xffff, v17  }
0x4f3: {  	s12 =	sadd.s32 $0xFFFFFFF7, s11;
	v18 =	vadd.s32 v12, v19;
	v17 =	vld [tilespmem:s6+$0x50]  }
0x4f4: {  	v19 =	vmov s12  }
0x4f5: {  	v19 =	vshrl.u32 v19, $0x3  }
0x4f6: {  	v19 =	vshll.u32 v19, v0  }
0x4f7: {  	v19 =	vbroadcast v19, $0x0  }
0x4f8: {  	[tilespmem:v18+s26+$0x0] =	vst.idx.msk $0xffff, v17  }
0x4f9: {  	v18 =	vadd.s32 v13, v19;
	v17 =	vld [tilespmem:s6+$0xFFFFE060];
	_ =	sdelay $0x4  }
0x4fa: {  	[tilespmem:v18+s26+$0x0] =	vst.idx.msk $0xffff, v17  }
0x4fb: {  	s12 =	sadd.s32 $0xFFFFFFF8, s11;
	v18 =	vadd.s32 v14, v19;
	v17 =	vld [tilespmem:s6+$0x60]  }
0x4fc: {  	v19 =	vmov s12  }
0x4fd: {  	v19 =	vshrl.u32 v19, $0x3  }
0x4fe: {  	v19 =	vshll.u32 v19, v0  }
0x4ff: {  	v19 =	vbroadcast v19, $0x0  }
0x500: {  	[tilespmem:v18+s26+$0x0] =	vst.idx.msk $0xffff, v17  }
0x501: {  	v18 =	vadd.s32 v15, v19;
	v17 =	vld [tilespmem:s6+$0xFFFFE070];
	_ =	sdelay $0x4  }
0x502: {  	[tilespmem:v18+s26+$0x0] =	vst.idx.msk $0xffff, v17  }
0x503: {  	s12 =	sadd.s32 $0xFFFFFFF9, s11;
	v18 =	vadd.s32 v16, v19;
	v17 =	vld [tilespmem:s6+$0x70]  }
0x504: {  	v19 =	vmov s12  }
0x505: {  	v19 =	vshrl.u32 v19, $0x3  }
0x506: {  	v19 =	vshll.u32 v19, v0  }
0x507: {  	v19 =	vbroadcast v19, $0x0  }
0x508: {  	[tilespmem:v18+s26+$0x0] =	vst.idx.msk $0xffff, v17  }
0x509: {  	v18 =	vadd.s32 v1, v19;
	v17 =	vld [tilespmem:s6+$0xFFFFE080];
	_ =	sdelay $0x4  }
0x50a: {  	[tilespmem:v18+s26+$0x0] =	vst.idx.msk $0xffff, v17  }
0x50b: {  	s12 =	sadd.s32 $0xFFFFFFFA, s11;
	v18 =	vadd.s32 v2, v19;
	v17 =	vld [tilespmem:s6+$0x80]  }
0x50c: {  	v19 =	vmov s12  }
0x50d: {  	v19 =	vshrl.u32 v19, $0x3  }
0x50e: {  	v19 =	vshll.u32 v19, v0  }
0x50f: {  	v19 =	vbroadcast v19, $0x0  }
0x510: {  	[tilespmem:v18+s26+$0x0] =	vst.idx.msk $0xffff, v17  }
0x511: {  	v18 =	vadd.s32 v3, v19;
	v17 =	vld [tilespmem:s6+$0xFFFFE090];
	_ =	sdelay $0x4  }
0x512: {  	[tilespmem:v18+s26+$0x0] =	vst.idx.msk $0xffff, v17  }
0x513: {  	s12 =	sadd.s32 $0xFFFFFFFB, s11;
	v18 =	vadd.s32 v4, v19;
	v17 =	vld [tilespmem:s6+$0x90]  }
0x514: {  	v19 =	vmov s12  }
0x515: {  	v19 =	vshrl.u32 v19, $0x3  }
0x516: {  	v19 =	vshll.u32 v19, v0  }
0x517: {  	v19 =	vbroadcast v19, $0x0  }
0x518: {  	[tilespmem:v18+s26+$0x0] =	vst.idx.msk $0xffff, v17  }
0x519: {  	v18 =	vadd.s32 v5, v19;
	v17 =	vld [tilespmem:s6+$0xFFFFE0A0];
	_ =	sdelay $0x4  }
0x51a: {  	[tilespmem:v18+s26+$0x0] =	vst.idx.msk $0xffff, v17  }
0x51b: {  	s12 =	sadd.s32 $0xFFFFFFFC, s11;
	v18 =	vadd.s32 v6, v19;
	v17 =	vld [tilespmem:s6+$0xA0]  }
0x51c: {  	v19 =	vmov s12  }
0x51d: {  	v19 =	vshrl.u32 v19, $0x3  }
0x51e: {  	v19 =	vshll.u32 v19, v0  }
0x51f: {  	v19 =	vbroadcast v19, $0x0  }
0x520: {  	[tilespmem:v18+s26+$0x0] =	vst.idx.msk $0xffff, v17  }
0x521: {  	v18 =	vadd.s32 v7, v19;
	v17 =	vld [tilespmem:s6+$0xFFFFE0B0];
	_ =	sdelay $0x4  }
0x522: {  	[tilespmem:v18+s26+$0x0] =	vst.idx.msk $0xffff, v17  }
0x523: {  	s12 =	sadd.s32 $0xFFFFFFFD, s11;
	v18 =	vadd.s32 v8, v19;
	v17 =	vld [tilespmem:s6+$0xB0]  }
0x524: {  	v19 =	vmov s12  }
0x525: {  	v19 =	vshrl.u32 v19, $0x3  }
0x526: {  	v19 =	vshll.u32 v19, v0  }
0x527: {  	v19 =	vbroadcast v19, $0x0  }
0x528: {  	[tilespmem:v18+s26+$0x0] =	vst.idx.msk $0xffff, v17  }
0x529: {  	v18 =	vadd.s32 v9, v19;
	v17 =	vld [tilespmem:s6+$0xFFFFE0C0];
	_ =	sdelay $0x4  }
0x52a: {  	[tilespmem:v18+s26+$0x0] =	vst.idx.msk $0xffff, v17  }
0x52b: {  	s12 =	sadd.s32 $0xFFFFFFFE, s11;
	v18 =	vadd.s32 v10, v19;
	v17 =	vld [tilespmem:s6+$0xC0]  }
0x52c: {  	v19 =	vmov s12  }
0x52d: {  	v19 =	vshrl.u32 v19, $0x3  }
0x52e: {  	v19 =	vshll.u32 v19, v0  }
0x52f: {  	v19 =	vbroadcast v19, $0x0  }
0x530: {  	[tilespmem:v18+s26+$0x0] =	vst.idx.msk $0xffff, v17  }
0x531: {  	v18 =	vadd.s32 v11, v19;
	v17 =	vld [tilespmem:s6+$0xFFFFE0D0];
	_ =	sdelay $0x4  }
0x532: {  	[tilespmem:v18+s26+$0x0] =	vst.idx.msk $0xffff, v17  }
0x533: {  	s12 =	sadd.s32 $0xFFFFFFFF, s11;
	v18 =	vadd.s32 v12, v19;
	v17 =	vld [tilespmem:s6+$0xD0]  }
0x534: {  	v19 =	vmov s12  }
0x535: {  	v19 =	vshrl.u32 v19, $0x3  }
0x536: {  	v19 =	vshll.u32 v19, v0  }
0x537: {  	v19 =	vbroadcast v19, $0x0  }
0x538: {  	[tilespmem:v18+s26+$0x0] =	vst.idx.msk $0xffff, v17  }
0x539: {  	v18 =	vadd.s32 v13, v19;
	v17 =	vld [tilespmem:s6+$0xFFFFE0E0];
	_ =	sdelay $0x4  }
0x53a: {  	[tilespmem:v18+s26+$0x0] =	vst.idx.msk $0xffff, v17  }
0x53b: {  	v19 =	vadd.s32 v14, v19;
	v18 =	vld [tilespmem:s6+$0xE0]  }
0x53c: {  	v17 =	vmov s11  }
0x53d: {  	v17 =	vshrl.u32 v17, $0x3  }
0x53e: {  	v17 =	vshll.u32 v17, v0  }
0x53f: {  	v17 =	vbroadcast v17, $0x0  }
0x540: {  	[tilespmem:v19+s26+$0x0] =	vst.idx.msk $0xffff, v18  }
0x541: {  	v19 =	vadd.s32 v15, v17;
	v18 =	vld [tilespmem:s6+$0xFFFFE0F0]  }
.Ltmp4:
0x542: {  	(pc) =	sbr.rel @p0 .LBB2_11-.Ltmp4, $2  }
0x543: {  	_ =	sdelay $0x2  }
0x544: {  	s11 =	sadd.s32 $0x10, s11;
	[tilespmem:v19+s26+$0x0] =	vst.idx.msk $0xffff, v18  }
0x545: {  	v18 =	vld [tilespmem:s6+$0xF0];
	v17 =	vadd.s32 v16, v17  }
0x546: {  	s1 =	sshll.u32 s1, $0x13  }
0x547: {  	s1 =	sor.u32 s4, s1  }
0x548: {  	s1 =	sshrl.u32 s1, $0x3  }
0x549: {  	s6 =	simm.s32 $0x1B200;
	s1 =	sadd.s32 s5, s1  }
0x54a: {  	s10 =	simm.s32 $0x800;
	s11 =	simm.s32 $0x1B408;
	s12 =	sadd.s32 $0x0, s1;
	[tilespmem:v17+s26+$0x0] =	vst.idx.msk $0xffff, v18  }
.LBB2_13:
0x54b: {  	[hbm4b:s12+s2] =	stream.linear.scatter [tilespmem:s6], [sflag:$0x6], $0x200, $0x38;
	[tilespmem:$0x1F300] =	vst v63  }
0x54c: {  	s12 =	smov.u32 s10;
	s6 =	smov.u32 s11;
	p0 =	sne.s32 s10, $0xF800  }
.Ltmp5:
0x54d: {  	s10 =	sadd.s32 $0x800, s10;
	(pc) =	sbr.rel @p0 .LBB2_13-.Ltmp5, $2  }
0x54e: {  	_ =	sdelay $0x2  }
0x54f: {  	s11 =	sadd.s32 $0x208, s11;
	s12 =	sadd.s32 s12, s1  }
0x550: {  	s0 =	sadd.s32 $0x1, s0  }
0x551: {  	p0 =	sne.s32 s0, $0x10  }
.Ltmp6:
0x552: {  	_ = 	snop;
	(pc) =	sbr.rel @p0 .LBB2_2-.Ltmp6, $2  }
0x553: {  	_ =	sdelay $0x2  }
0x554: {  	[hbm4b:s12+s2] =	stream.linear.scatter [tilespmem:s6], [sflag:$0x6], $0x200, $0x38;
	[tilespmem:$0x1F300] =	vst v63  }
0x555: {  	_ =	swait.ge [sflag:s21], $0x4000;
	s6 =	simm.s32 $0x0  }
0x556: {  	[sflag:s21] =	ssyncset.done $0x0;
	v17 =	vmov s6  }
0x557: {  	[sflag:s21] =	ssyncadd.s32 $0xFFFFC000;
	v17 =	vshrl.u32 v17, $0x3  }
0x558: {  	_ =	swait.ge [sflag:s28], $0x4000;
	v17 =	vshll.u32 v17, v0  }
0x559: {  	[sflag:s28] =	ssyncset.done $0x0;
	v17 =	vbroadcast v17, $0x0  }
0x55a: {  	s0 =	simm.s32 $0x9000;
	[sflag:s28] =	ssyncadd.s32 $0xFFFFC000  }
0x55b: {  	v18 =	vld [tilespmem:s0+$0xFFFFE000];
	v19 =	vadd.s32 v1, v17;
	_ =	sdelay $0x4  }
0x55c: {  	[tilespmem:v19+s22+$0x0] =	vst.idx.msk $0xffff, v18  }
0x55d: {  	s11 =	simm.s32 $0x1;
	v17 =	vadd.s32 v2, v17;
	v18 =	vld [tilespmem:s0+$0x0]  }
0x55e: {  	v19 =	vmov s11  }
0x55f: {  	v19 =	vshrl.u32 v19, $0x3  }
0x560: {  	v19 =	vshll.u32 v19, v0  }
0x561: {  	v19 =	vbroadcast v19, $0x0  }
0x562: {  	[tilespmem:v17+s22+$0x0] =	vst.idx.msk $0xffff, v18  }
0x563: {  	v18 =	vadd.s32 v3, v19;
	v17 =	vld [tilespmem:s0+$0xFFFFE010];
	_ =	sdelay $0x4  }
0x564: {  	[tilespmem:v18+s22+$0x0] =	vst.idx.msk $0xffff, v17  }
0x565: {  	s12 =	simm.s32 $0x2;
	v18 =	vadd.s32 v4, v19;
	v17 =	vld [tilespmem:s0+$0x10]  }
0x566: {  	v19 =	vmov s12  }
0x567: {  	v19 =	vshrl.u32 v19, $0x3  }
0x568: {  	v19 =	vshll.u32 v19, v0  }
0x569: {  	v19 =	vbroadcast v19, $0x0  }
0x56a: {  	[tilespmem:v18+s22+$0x0] =	vst.idx.msk $0xffff, v17  }
0x56b: {  	v18 =	vadd.s32 v5, v19;
	v17 =	vld [tilespmem:s0+$0xFFFFE020];
	_ =	sdelay $0x4  }
0x56c: {  	[tilespmem:v18+s22+$0x0] =	vst.idx.msk $0xffff, v17  }
0x56d: {  	s13 =	simm.s32 $0x3;
	v18 =	vadd.s32 v6, v19;
	v17 =	vld [tilespmem:s0+$0x20]  }
0x56e: {  	v19 =	vmov s13  }
0x56f: {  	v19 =	vshrl.u32 v19, $0x3  }
0x570: {  	v19 =	vshll.u32 v19, v0  }
0x571: {  	v19 =	vbroadcast v19, $0x0  }
0x572: {  	[tilespmem:v18+s22+$0x0] =	vst.idx.msk $0xffff, v17  }
0x573: {  	v18 =	vadd.s32 v7, v19;
	v17 =	vld [tilespmem:s0+$0xFFFFE030];
	_ =	sdelay $0x4  }
0x574: {  	[tilespmem:v18+s22+$0x0] =	vst.idx.msk $0xffff, v17  }
0x575: {  	s30 =	simm.s32 $0x4;
	v18 =	vadd.s32 v8, v19;
	v17 =	vld [tilespmem:s0+$0x30]  }
0x576: {  	v19 =	vmov s30  }
0x577: {  	v19 =	vshrl.u32 v19, $0x3  }
0x578: {  	v19 =	vshll.u32 v19, v0  }
0x579: {  	v19 =	vbroadcast v19, $0x0  }
0x57a: {  	[tilespmem:v18+s22+$0x0] =	vst.idx.msk $0xffff, v17  }
0x57b: {  	v18 =	vadd.s32 v9, v19;
	v17 =	vld [tilespmem:s0+$0xFFFFE040];
	_ =	sdelay $0x4  }
0x57c: {  	[tilespmem:v18+s22+$0x0] =	vst.idx.msk $0xffff, v17  }
0x57d: {  	s10 =	simm.s32 $0x5;
	v18 =	vadd.s32 v10, v19;
	v17 =	vld [tilespmem:s0+$0x40]  }
0x57e: {  	v19 =	vmov s10  }
0x57f: {  	v19 =	vshrl.u32 v19, $0x3  }
0x580: {  	v19 =	vshll.u32 v19, v0  }
0x581: {  	v19 =	vbroadcast v19, $0x0  }
0x582: {  	[tilespmem:v18+s22+$0x0] =	vst.idx.msk $0xffff, v17  }
0x583: {  	v18 =	vadd.s32 v11, v19;
	v17 =	vld [tilespmem:s0+$0xFFFFE050];
	_ =	sdelay $0x4  }
0x584: {  	[tilespmem:v18+s22+$0x0] =	vst.idx.msk $0xffff, v17  }
0x585: {  	s11 =	simm.s32 $0x6;
	v18 =	vadd.s32 v12, v19;
	v17 =	vld [tilespmem:s0+$0x50]  }
0x586: {  	v19 =	vmov s11  }
0x587: {  	v19 =	vshrl.u32 v19, $0x3  }
0x588: {  	v19 =	vshll.u32 v19, v0  }
0x589: {  	v19 =	vbroadcast v19, $0x0  }
0x58a: {  	[tilespmem:v18+s22+$0x0] =	vst.idx.msk $0xffff, v17  }
0x58b: {  	v18 =	vadd.s32 v13, v19;
	v17 =	vld [tilespmem:s0+$0xFFFFE060];
	_ =	sdelay $0x4  }
0x58c: {  	[tilespmem:v18+s22+$0x0] =	vst.idx.msk $0xffff, v17  }
0x58d: {  	s12 =	simm.s32 $0x7;
	v18 =	vadd.s32 v14, v19;
	v17 =	vld [tilespmem:s0+$0x60]  }
0x58e: {  	v19 =	vmov s12  }
0x58f: {  	v19 =	vshrl.u32 v19, $0x3  }
0x590: {  	v19 =	vshll.u32 v19, v0  }
0x591: {  	v19 =	vbroadcast v19, $0x0  }
0x592: {  	[tilespmem:v18+s22+$0x0] =	vst.idx.msk $0xffff, v17  }
0x593: {  	v18 =	vadd.s32 v15, v19;
	v17 =	vld [tilespmem:s0+$0xFFFFE070];
	_ =	sdelay $0x4  }
0x594: {  	[tilespmem:v18+s22+$0x0] =	vst.idx.msk $0xffff, v17  }
0x595: {  	s13 =	simm.s32 $0x8;
	v18 =	vadd.s32 v16, v19;
	v17 =	vld [tilespmem:s0+$0x70]  }
0x596: {  	v19 =	vmov s13  }
0x597: {  	v19 =	vshrl.u32 v19, $0x3  }
0x598: {  	v19 =	vshll.u32 v19, v0  }
0x599: {  	v19 =	vbroadcast v19, $0x0  }
0x59a: {  	[tilespmem:v18+s22+$0x0] =	vst.idx.msk $0xffff, v17  }
0x59b: {  	v18 =	vadd.s32 v1, v19;
	v17 =	vld [tilespmem:s0+$0xFFFFE080];
	_ =	sdelay $0x4  }
0x59c: {  	[tilespmem:v18+s22+$0x0] =	vst.idx.msk $0xffff, v17  }
0x59d: {  	s30 =	simm.s32 $0x9;
	v18 =	vadd.s32 v2, v19;
	v17 =	vld [tilespmem:s0+$0x80]  }
0x59e: {  	v19 =	vmov s30  }
0x59f: {  	v19 =	vshrl.u32 v19, $0x3  }
0x5a0: {  	v19 =	vshll.u32 v19, v0  }
0x5a1: {  	v19 =	vbroadcast v19, $0x0  }
0x5a2: {  	[tilespmem:v18+s22+$0x0] =	vst.idx.msk $0xffff, v17  }
0x5a3: {  	v18 =	vadd.s32 v3, v19;
	v17 =	vld [tilespmem:s0+$0xFFFFE090];
	_ =	sdelay $0x4  }
0x5a4: {  	[tilespmem:v18+s22+$0x0] =	vst.idx.msk $0xffff, v17  }
0x5a5: {  	s10 =	simm.s32 $0xA;
	v18 =	vadd.s32 v4, v19;
	v17 =	vld [tilespmem:s0+$0x90]  }
0x5a6: {  	v19 =	vmov s10  }
0x5a7: {  	v19 =	vshrl.u32 v19, $0x3  }
0x5a8: {  	v19 =	vshll.u32 v19, v0  }
0x5a9: {  	v19 =	vbroadcast v19, $0x0  }
0x5aa: {  	[tilespmem:v18+s22+$0x0] =	vst.idx.msk $0xffff, v17  }
0x5ab: {  	v18 =	vadd.s32 v5, v19;
	v17 =	vld [tilespmem:s0+$0xFFFFE0A0];
	_ =	sdelay $0x4  }
0x5ac: {  	[tilespmem:v18+s22+$0x0] =	vst.idx.msk $0xffff, v17  }
0x5ad: {  	s11 =	simm.s32 $0xB;
	v18 =	vadd.s32 v6, v19;
	v17 =	vld [tilespmem:s0+$0xA0]  }
0x5ae: {  	v19 =	vmov s11  }
0x5af: {  	v19 =	vshrl.u32 v19, $0x3  }
0x5b0: {  	v19 =	vshll.u32 v19, v0  }
0x5b1: {  	v19 =	vbroadcast v19, $0x0  }
0x5b2: {  	[tilespmem:v18+s22+$0x0] =	vst.idx.msk $0xffff, v17  }
0x5b3: {  	v18 =	vadd.s32 v7, v19;
	v17 =	vld [tilespmem:s0+$0xFFFFE0B0];
	_ =	sdelay $0x4  }
0x5b4: {  	[tilespmem:v18+s22+$0x0] =	vst.idx.msk $0xffff, v17  }
0x5b5: {  	s12 =	simm.s32 $0xC;
	v18 =	vadd.s32 v8, v19;
	v17 =	vld [tilespmem:s0+$0xB0]  }
0x5b6: {  	v19 =	vmov s12  }
0x5b7: {  	v19 =	vshrl.u32 v19, $0x3  }
0x5b8: {  	v19 =	vshll.u32 v19, v0  }
0x5b9: {  	v19 =	vbroadcast v19, $0x0  }
0x5ba: {  	[tilespmem:v18+s22+$0x0] =	vst.idx.msk $0xffff, v17  }
0x5bb: {  	v18 =	vadd.s32 v9, v19;
	v17 =	vld [tilespmem:s0+$0xFFFFE0C0];
	_ =	sdelay $0x4  }
0x5bc: {  	[tilespmem:v18+s22+$0x0] =	vst.idx.msk $0xffff, v17  }
0x5bd: {  	s13 =	simm.s32 $0xD;
	v18 =	vadd.s32 v10, v19;
	v17 =	vld [tilespmem:s0+$0xC0]  }
0x5be: {  	v19 =	vmov s13  }
0x5bf: {  	v19 =	vshrl.u32 v19, $0x3  }
0x5c0: {  	v19 =	vshll.u32 v19, v0  }
0x5c1: {  	v19 =	vbroadcast v19, $0x0  }
0x5c2: {  	[tilespmem:v18+s22+$0x0] =	vst.idx.msk $0xffff, v17  }
0x5c3: {  	v18 =	vadd.s32 v11, v19;
	v17 =	vld [tilespmem:s0+$0xFFFFE0D0];
	_ =	sdelay $0x4  }
0x5c4: {  	[tilespmem:v18+s22+$0x0] =	vst.idx.msk $0xffff, v17  }
0x5c5: {  	s30 =	simm.s32 $0xE;
	v18 =	vadd.s32 v12, v19;
	v17 =	vld [tilespmem:s0+$0xD0]  }
0x5c6: {  	v19 =	vmov s30  }
0x5c7: {  	v19 =	vshrl.u32 v19, $0x3  }
0x5c8: {  	v19 =	vshll.u32 v19, v0  }
0x5c9: {  	v19 =	vbroadcast v19, $0x0  }
0x5ca: {  	[tilespmem:v18+s22+$0x0] =	vst.idx.msk $0xffff, v17  }
0x5cb: {  	v18 =	vadd.s32 v13, v19;
	v17 =	vld [tilespmem:s0+$0xFFFFE0E0];
	_ =	sdelay $0x4  }
0x5cc: {  	[tilespmem:v18+s22+$0x0] =	vst.idx.msk $0xffff, v17  }
0x5cd: {  	s1 =	simm.s32 $0xF;
	v19 =	vadd.s32 v14, v19;
	v18 =	vld [tilespmem:s0+$0xE0]  }
0x5ce: {  	v17 =	vmov s1  }
0x5cf: {  	v17 =	vshrl.u32 v17, $0x3  }
0x5d0: {  	v17 =	vshll.u32 v17, v0  }
0x5d1: {  	v17 =	vbroadcast v17, $0x0  }
0x5d2: {  	[tilespmem:v19+s22+$0x0] =	vst.idx.msk $0xffff, v18  }
0x5d3: {  	v19 =	vadd.s32 v15, v17;
	v18 =	vld [tilespmem:s0+$0xFFFFE0F0];
	_ =	sdelay $0x4  }
0x5d4: {  	s6 =	simm.s32 $0x1F;
	s1 =	simm.s32 $0x0;
	[tilespmem:v19+s22+$0x0] =	vst.idx.msk $0xffff, v18  }
.LBB2_16:
0x5d5: {  	s10 =	sadd.s32 $0xFFFFFFF1, s6;
	s1 =	sadd.s32 $0x2, s1;
	v18 =	vld [tilespmem:s0+$0xF0];
	v17 =	vadd.s32 v16, v17  }
0x5d6: {  	v19 =	vmov s10;
	p0 =	slt.u32 s1, $0x3E  }
0x5d7: {  	v19 =	vshrl.u32 v19, $0x3  }
0x5d8: {  	v19 =	vshll.u32 v19, v0  }
0x5d9: {  	v19 =	vbroadcast v19, $0x0  }
0x5da: {  	s0 =	sadd.s32 $0x100, s0;
	[tilespmem:v17+s22+$0x0] =	vst.idx.msk $0xffff, v18  }
0x5db: {  	v17 =	vld [tilespmem:s0+$0xFFFFE000];
	v18 =	vadd.s32 v1, v19;
	_ =	sdelay $0x4  }
0x5dc: {  	[tilespmem:v18+s22+$0x0] =	vst.idx.msk $0xffff, v17  }
0x5dd: {  	s10 =	sadd.s32 $0xFFFFFFF2, s6;
	v18 =	vadd.s32 v2, v19;
	v17 =	vld [tilespmem:s0+$0x0]  }
0x5de: {  	v19 =	vmov s10  }
0x5df: {  	v19 =	vshrl.u32 v19, $0x3  }
0x5e0: {  	v19 =	vshll.u32 v19, v0  }
0x5e1: {  	v19 =	vbroadcast v19, $0x0  }
0x5e2: {  	[tilespmem:v18+s22+$0x0] =	vst.idx.msk $0xffff, v17  }
0x5e3: {  	v18 =	vadd.s32 v3, v19;
	v17 =	vld [tilespmem:s0+$0xFFFFE010];
	_ =	sdelay $0x4  }
0x5e4: {  	[tilespmem:v18+s22+$0x0] =	vst.idx.msk $0xffff, v17  }
0x5e5: {  	s10 =	sadd.s32 $0xFFFFFFF3, s6;
	v18 =	vadd.s32 v4, v19;
	v17 =	vld [tilespmem:s0+$0x10]  }
0x5e6: {  	v19 =	vmov s10  }
0x5e7: {  	v19 =	vshrl.u32 v19, $0x3  }
0x5e8: {  	v19 =	vshll.u32 v19, v0  }
0x5e9: {  	v19 =	vbroadcast v19, $0x0  }
0x5ea: {  	[tilespmem:v18+s22+$0x0] =	vst.idx.msk $0xffff, v17  }
0x5eb: {  	v18 =	vadd.s32 v5, v19;
	v17 =	vld [tilespmem:s0+$0xFFFFE020];
	_ =	sdelay $0x4  }
0x5ec: {  	[tilespmem:v18+s22+$0x0] =	vst.idx.msk $0xffff, v17  }
0x5ed: {  	s10 =	sadd.s32 $0xFFFFFFF4, s6;
	v18 =	vadd.s32 v6, v19;
	v17 =	vld [tilespmem:s0+$0x20]  }
0x5ee: {  	v19 =	vmov s10  }
0x5ef: {  	v19 =	vshrl.u32 v19, $0x3  }
0x5f0: {  	v19 =	vshll.u32 v19, v0  }
0x5f1: {  	v19 =	vbroadcast v19, $0x0  }
0x5f2: {  	[tilespmem:v18+s22+$0x0] =	vst.idx.msk $0xffff, v17  }
0x5f3: {  	v18 =	vadd.s32 v7, v19;
	v17 =	vld [tilespmem:s0+$0xFFFFE030];
	_ =	sdelay $0x4  }
0x5f4: {  	[tilespmem:v18+s22+$0x0] =	vst.idx.msk $0xffff, v17  }
0x5f5: {  	s10 =	sadd.s32 $0xFFFFFFF5, s6;
	v18 =	vadd.s32 v8, v19;
	v17 =	vld [tilespmem:s0+$0x30]  }
0x5f6: {  	v19 =	vmov s10  }
0x5f7: {  	v19 =	vshrl.u32 v19, $0x3  }
0x5f8: {  	v19 =	vshll.u32 v19, v0  }
0x5f9: {  	v19 =	vbroadcast v19, $0x0  }
0x5fa: {  	[tilespmem:v18+s22+$0x0] =	vst.idx.msk $0xffff, v17  }
0x5fb: {  	v18 =	vadd.s32 v9, v19;
	v17 =	vld [tilespmem:s0+$0xFFFFE040];
	_ =	sdelay $0x4  }
0x5fc: {  	[tilespmem:v18+s22+$0x0] =	vst.idx.msk $0xffff, v17  }
0x5fd: {  	s10 =	sadd.s32 $0xFFFFFFF6, s6;
	v18 =	vadd.s32 v10, v19;
	v17 =	vld [tilespmem:s0+$0x40]  }
0x5fe: {  	v19 =	vmov s10  }
0x5ff: {  	v19 =	vshrl.u32 v19, $0x3  }
0x600: {  	v19 =	vshll.u32 v19, v0  }
0x601: {  	v19 =	vbroadcast v19, $0x0  }
0x602: {  	[tilespmem:v18+s22+$0x0] =	vst.idx.msk $0xffff, v17  }
0x603: {  	v18 =	vadd.s32 v11, v19;
	v17 =	vld [tilespmem:s0+$0xFFFFE050];
	_ =	sdelay $0x4  }
0x604: {  	[tilespmem:v18+s22+$0x0] =	vst.idx.msk $0xffff, v17  }
0x605: {  	s10 =	sadd.s32 $0xFFFFFFF7, s6;
	v18 =	vadd.s32 v12, v19;
	v17 =	vld [tilespmem:s0+$0x50]  }
0x606: {  	v19 =	vmov s10  }
0x607: {  	v19 =	vshrl.u32 v19, $0x3  }
0x608: {  	v19 =	vshll.u32 v19, v0  }
0x609: {  	v19 =	vbroadcast v19, $0x0  }
0x60a: {  	[tilespmem:v18+s22+$0x0] =	vst.idx.msk $0xffff, v17  }
0x60b: {  	v18 =	vadd.s32 v13, v19;
	v17 =	vld [tilespmem:s0+$0xFFFFE060];
	_ =	sdelay $0x4  }
0x60c: {  	[tilespmem:v18+s22+$0x0] =	vst.idx.msk $0xffff, v17  }
0x60d: {  	s10 =	sadd.s32 $0xFFFFFFF8, s6;
	v18 =	vadd.s32 v14, v19;
	v17 =	vld [tilespmem:s0+$0x60]  }
0x60e: {  	v19 =	vmov s10  }
0x60f: {  	v19 =	vshrl.u32 v19, $0x3  }
0x610: {  	v19 =	vshll.u32 v19, v0  }
0x611: {  	v19 =	vbroadcast v19, $0x0  }
0x612: {  	[tilespmem:v18+s22+$0x0] =	vst.idx.msk $0xffff, v17  }
0x613: {  	v18 =	vadd.s32 v15, v19;
	v17 =	vld [tilespmem:s0+$0xFFFFE070];
	_ =	sdelay $0x4  }
0x614: {  	[tilespmem:v18+s22+$0x0] =	vst.idx.msk $0xffff, v17  }
0x615: {  	s10 =	sadd.s32 $0xFFFFFFF9, s6;
	v18 =	vadd.s32 v16, v19;
	v17 =	vld [tilespmem:s0+$0x70]  }
0x616: {  	v19 =	vmov s10  }
0x617: {  	v19 =	vshrl.u32 v19, $0x3  }
0x618: {  	v19 =	vshll.u32 v19, v0  }
0x619: {  	v19 =	vbroadcast v19, $0x0  }
0x61a: {  	[tilespmem:v18+s22+$0x0] =	vst.idx.msk $0xffff, v17  }
0x61b: {  	v18 =	vadd.s32 v1, v19;
	v17 =	vld [tilespmem:s0+$0xFFFFE080];
	_ =	sdelay $0x4  }
0x61c: {  	[tilespmem:v18+s22+$0x0] =	vst.idx.msk $0xffff, v17  }
0x61d: {  	s10 =	sadd.s32 $0xFFFFFFFA, s6;
	v18 =	vadd.s32 v2, v19;
	v17 =	vld [tilespmem:s0+$0x80]  }
0x61e: {  	v19 =	vmov s10  }
0x61f: {  	v19 =	vshrl.u32 v19, $0x3  }
0x620: {  	v19 =	vshll.u32 v19, v0  }
0x621: {  	v19 =	vbroadcast v19, $0x0  }
0x622: {  	[tilespmem:v18+s22+$0x0] =	vst.idx.msk $0xffff, v17  }
0x623: {  	v18 =	vadd.s32 v3, v19;
	v17 =	vld [tilespmem:s0+$0xFFFFE090];
	_ =	sdelay $0x4  }
0x624: {  	[tilespmem:v18+s22+$0x0] =	vst.idx.msk $0xffff, v17  }
0x625: {  	s10 =	sadd.s32 $0xFFFFFFFB, s6;
	v18 =	vadd.s32 v4, v19;
	v17 =	vld [tilespmem:s0+$0x90]  }
0x626: {  	v19 =	vmov s10  }
0x627: {  	v19 =	vshrl.u32 v19, $0x3  }
0x628: {  	v19 =	vshll.u32 v19, v0  }
0x629: {  	v19 =	vbroadcast v19, $0x0  }
0x62a: {  	[tilespmem:v18+s22+$0x0] =	vst.idx.msk $0xffff, v17  }
0x62b: {  	v18 =	vadd.s32 v5, v19;
	v17 =	vld [tilespmem:s0+$0xFFFFE0A0];
	_ =	sdelay $0x4  }
0x62c: {  	[tilespmem:v18+s22+$0x0] =	vst.idx.msk $0xffff, v17  }
0x62d: {  	s10 =	sadd.s32 $0xFFFFFFFC, s6;
	v18 =	vadd.s32 v6, v19;
	v17 =	vld [tilespmem:s0+$0xA0]  }
0x62e: {  	v19 =	vmov s10  }
0x62f: {  	v19 =	vshrl.u32 v19, $0x3  }
0x630: {  	v19 =	vshll.u32 v19, v0  }
0x631: {  	v19 =	vbroadcast v19, $0x0  }
0x632: {  	[tilespmem:v18+s22+$0x0] =	vst.idx.msk $0xffff, v17  }
0x633: {  	v18 =	vadd.s32 v7, v19;
	v17 =	vld [tilespmem:s0+$0xFFFFE0B0];
	_ =	sdelay $0x4  }
0x634: {  	[tilespmem:v18+s22+$0x0] =	vst.idx.msk $0xffff, v17  }
0x635: {  	s10 =	sadd.s32 $0xFFFFFFFD, s6;
	v18 =	vadd.s32 v8, v19;
	v17 =	vld [tilespmem:s0+$0xB0]  }
0x636: {  	v19 =	vmov s10  }
0x637: {  	v19 =	vshrl.u32 v19, $0x3  }
0x638: {  	v19 =	vshll.u32 v19, v0  }
0x639: {  	v19 =	vbroadcast v19, $0x0  }
0x63a: {  	[tilespmem:v18+s22+$0x0] =	vst.idx.msk $0xffff, v17  }
0x63b: {  	v18 =	vadd.s32 v9, v19;
	v17 =	vld [tilespmem:s0+$0xFFFFE0C0];
	_ =	sdelay $0x4  }
0x63c: {  	[tilespmem:v18+s22+$0x0] =	vst.idx.msk $0xffff, v17  }
0x63d: {  	s10 =	sadd.s32 $0xFFFFFFFE, s6;
	v18 =	vadd.s32 v10, v19;
	v17 =	vld [tilespmem:s0+$0xC0]  }
0x63e: {  	v19 =	vmov s10  }
0x63f: {  	v19 =	vshrl.u32 v19, $0x3  }
0x640: {  	v19 =	vshll.u32 v19, v0  }
0x641: {  	v19 =	vbroadcast v19, $0x0  }
0x642: {  	[tilespmem:v18+s22+$0x0] =	vst.idx.msk $0xffff, v17  }
0x643: {  	v18 =	vadd.s32 v11, v19;
	v17 =	vld [tilespmem:s0+$0xFFFFE0D0];
	_ =	sdelay $0x4  }
0x644: {  	[tilespmem:v18+s22+$0x0] =	vst.idx.msk $0xffff, v17  }
0x645: {  	s10 =	sadd.s32 $0xFFFFFFFF, s6;
	v18 =	vadd.s32 v12, v19;
	v17 =	vld [tilespmem:s0+$0xD0]  }
0x646: {  	v19 =	vmov s10  }
0x647: {  	v19 =	vshrl.u32 v19, $0x3  }
0x648: {  	v19 =	vshll.u32 v19, v0  }
0x649: {  	v19 =	vbroadcast v19, $0x0  }
0x64a: {  	[tilespmem:v18+s22+$0x0] =	vst.idx.msk $0xffff, v17  }
0x64b: {  	v18 =	vadd.s32 v13, v19;
	v17 =	vld [tilespmem:s0+$0xFFFFE0E0];
	_ =	sdelay $0x4  }
0x64c: {  	[tilespmem:v18+s22+$0x0] =	vst.idx.msk $0xffff, v17  }
0x64d: {  	v19 =	vadd.s32 v14, v19;
	v18 =	vld [tilespmem:s0+$0xE0]  }
0x64e: {  	v17 =	vmov s6  }
0x64f: {  	v17 =	vshrl.u32 v17, $0x3  }
0x650: {  	v17 =	vshll.u32 v17, v0  }
0x651: {  	v17 =	vbroadcast v17, $0x0  }
0x652: {  	[tilespmem:v19+s22+$0x0] =	vst.idx.msk $0xffff, v18  }
0x653: {  	v19 =	vadd.s32 v15, v17;
	v18 =	vld [tilespmem:s0+$0xFFFFE0F0]  }
.Ltmp7:
0x654: {  	(pc) =	sbr.rel @p0 .LBB2_16-.Ltmp7, $2  }
0x655: {  	_ =	sdelay $0x2  }
0x656: {  	s6 =	sadd.s32 $0x10, s6;
	[tilespmem:v19+s22+$0x0] =	vst.idx.msk $0xffff, v18  }
0x657: {  	v18 =	vld [tilespmem:s0+$0xF0];
	v17 =	vadd.s32 v16, v17;
	_ =	sdelay $0x3  }
0x658: {  	s0 =	simm.s32 $0x13000  }
0x659: {  	s1 =	simm.s32 $0x800;
	s10 =	sadd.s32 $0x0, s8;
	s6 =	simm.s32 $0x13208;
	[tilespmem:v17+s22+$0x0] =	vst.idx.msk $0xffff, v18  }
.LBB2_18:
0x65a: {  	[hbm4b:s10+s2] =	stream.linear.scatter [tilespmem:s0], [sflag:$0x4], $0x200, $0x38;
	[tilespmem:$0x1F300] =	vst v63  }
0x65b: {  	s10 =	smov.u32 s1;
	s0 =	smov.u32 s6;
	p0 =	sne.s32 s1, $0xF800  }
.Ltmp8:
0x65c: {  	s1 =	sadd.s32 $0x800, s1;
	(pc) =	sbr.rel @p0 .LBB2_18-.Ltmp8, $2  }
0x65d: {  	_ =	sdelay $0x2  }
0x65e: {  	s6 =	sadd.s32 $0x208, s6;
	s10 =	sadd.s32 s10, s8  }
0x65f: {  	[hbm4b:s10+s2] =	stream.linear.scatter [tilespmem:s0], [sflag:$0x4], $0x200, $0x38;
	[tilespmem:$0x1F300] =	vst v63  }
0x660: {  	s6 =	simm.s32 $0x0;
	_ =	swait.ge [sflag:s23], $0x4000  }
0x661: {  	v17 =	vmov s6;
	[sflag:s23] =	ssyncset.done $0x0  }
0x662: {  	v17 =	vshrl.u32 v17, $0x3;
	[sflag:s23] =	ssyncadd.s32 $0xFFFFC000  }
0x663: {  	v17 =	vshll.u32 v17, v0;
	_ =	swait.ge [sflag:s29], $0x4000  }
0x664: {  	v17 =	vbroadcast v17, $0x0;
	[sflag:s29] =	ssyncset.done $0x0  }
0x665: {  	s0 =	simm.s32 $0xD000;
	[sflag:s29] =	ssyncadd.s32 $0xFFFFC000  }
0x666: {  	v19 =	vadd.s32 v1, v17;
	v18 =	vld [tilespmem:s0+$0xFFFFE000];
	_ =	sdelay $0x4  }
0x667: {  	[tilespmem:v19+s24+$0x0] =	vst.idx.msk $0xffff, v18  }
0x668: {  	s11 =	simm.s32 $0x1;
	v17 =	vadd.s32 v2, v17;
	v18 =	vld [tilespmem:s0+$0x0]  }
0x669: {  	v19 =	vmov s11  }
0x66a: {  	v19 =	vshrl.u32 v19, $0x3  }
0x66b: {  	v19 =	vshll.u32 v19, v0  }
0x66c: {  	v19 =	vbroadcast v19, $0x0  }
0x66d: {  	[tilespmem:v17+s24+$0x0] =	vst.idx.msk $0xffff, v18  }
0x66e: {  	v18 =	vadd.s32 v3, v19;
	v17 =	vld [tilespmem:s0+$0xFFFFE010];
	_ =	sdelay $0x4  }
0x66f: {  	[tilespmem:v18+s24+$0x0] =	vst.idx.msk $0xffff, v17  }
0x670: {  	s12 =	simm.s32 $0x2;
	v18 =	vadd.s32 v4, v19;
	v17 =	vld [tilespmem:s0+$0x10]  }
0x671: {  	v19 =	vmov s12  }
0x672: {  	v19 =	vshrl.u32 v19, $0x3  }
0x673: {  	v19 =	vshll.u32 v19, v0  }
0x674: {  	v19 =	vbroadcast v19, $0x0  }
0x675: {  	[tilespmem:v18+s24+$0x0] =	vst.idx.msk $0xffff, v17  }
0x676: {  	v18 =	vadd.s32 v5, v19;
	v17 =	vld [tilespmem:s0+$0xFFFFE020];
	_ =	sdelay $0x4  }
0x677: {  	[tilespmem:v18+s24+$0x0] =	vst.idx.msk $0xffff, v17  }
0x678: {  	s13 =	simm.s32 $0x3;
	v18 =	vadd.s32 v6, v19;
	v17 =	vld [tilespmem:s0+$0x20]  }
0x679: {  	v19 =	vmov s13  }
0x67a: {  	v19 =	vshrl.u32 v19, $0x3  }
0x67b: {  	v19 =	vshll.u32 v19, v0  }
0x67c: {  	v19 =	vbroadcast v19, $0x0  }
0x67d: {  	[tilespmem:v18+s24+$0x0] =	vst.idx.msk $0xffff, v17  }
0x67e: {  	v18 =	vadd.s32 v7, v19;
	v17 =	vld [tilespmem:s0+$0xFFFFE030];
	_ =	sdelay $0x4  }
0x67f: {  	[tilespmem:v18+s24+$0x0] =	vst.idx.msk $0xffff, v17  }
0x680: {  	s30 =	simm.s32 $0x4;
	v18 =	vadd.s32 v8, v19;
	v17 =	vld [tilespmem:s0+$0x30]  }
0x681: {  	v19 =	vmov s30  }
0x682: {  	v19 =	vshrl.u32 v19, $0x3  }
0x683: {  	v19 =	vshll.u32 v19, v0  }
0x684: {  	v19 =	vbroadcast v19, $0x0  }
0x685: {  	[tilespmem:v18+s24+$0x0] =	vst.idx.msk $0xffff, v17  }
0x686: {  	v18 =	vadd.s32 v9, v19;
	v17 =	vld [tilespmem:s0+$0xFFFFE040];
	_ =	sdelay $0x4  }
0x687: {  	[tilespmem:v18+s24+$0x0] =	vst.idx.msk $0xffff, v17  }
0x688: {  	s10 =	simm.s32 $0x5;
	v18 =	vadd.s32 v10, v19;
	v17 =	vld [tilespmem:s0+$0x40]  }
0x689: {  	v19 =	vmov s10  }
0x68a: {  	v19 =	vshrl.u32 v19, $0x3  }
0x68b: {  	v19 =	vshll.u32 v19, v0  }
0x68c: {  	v19 =	vbroadcast v19, $0x0  }
0x68d: {  	[tilespmem:v18+s24+$0x0] =	vst.idx.msk $0xffff, v17  }
0x68e: {  	v18 =	vadd.s32 v11, v19;
	v17 =	vld [tilespmem:s0+$0xFFFFE050];
	_ =	sdelay $0x4  }
0x68f: {  	[tilespmem:v18+s24+$0x0] =	vst.idx.msk $0xffff, v17  }
0x690: {  	s11 =	simm.s32 $0x6;
	v18 =	vadd.s32 v12, v19;
	v17 =	vld [tilespmem:s0+$0x50]  }
0x691: {  	v19 =	vmov s11  }
0x692: {  	v19 =	vshrl.u32 v19, $0x3  }
0x693: {  	v19 =	vshll.u32 v19, v0  }
0x694: {  	v19 =	vbroadcast v19, $0x0  }
0x695: {  	[tilespmem:v18+s24+$0x0] =	vst.idx.msk $0xffff, v17  }
0x696: {  	v18 =	vadd.s32 v13, v19;
	v17 =	vld [tilespmem:s0+$0xFFFFE060];
	_ =	sdelay $0x4  }
0x697: {  	[tilespmem:v18+s24+$0x0] =	vst.idx.msk $0xffff, v17  }
0x698: {  	s12 =	simm.s32 $0x7;
	v18 =	vadd.s32 v14, v19;
	v17 =	vld [tilespmem:s0+$0x60]  }
0x699: {  	v19 =	vmov s12  }
0x69a: {  	v19 =	vshrl.u32 v19, $0x3  }
0x69b: {  	v19 =	vshll.u32 v19, v0  }
0x69c: {  	v19 =	vbroadcast v19, $0x0  }
0x69d: {  	[tilespmem:v18+s24+$0x0] =	vst.idx.msk $0xffff, v17  }
0x69e: {  	v18 =	vadd.s32 v15, v19;
	v17 =	vld [tilespmem:s0+$0xFFFFE070];
	_ =	sdelay $0x4  }
0x69f: {  	[tilespmem:v18+s24+$0x0] =	vst.idx.msk $0xffff, v17  }
0x6a0: {  	s13 =	simm.s32 $0x8;
	v18 =	vadd.s32 v16, v19;
	v17 =	vld [tilespmem:s0+$0x70]  }
0x6a1: {  	v19 =	vmov s13  }
0x6a2: {  	v19 =	vshrl.u32 v19, $0x3  }
0x6a3: {  	v19 =	vshll.u32 v19, v0  }
0x6a4: {  	v19 =	vbroadcast v19, $0x0  }
0x6a5: {  	[tilespmem:v18+s24+$0x0] =	vst.idx.msk $0xffff, v17  }
0x6a6: {  	v18 =	vadd.s32 v1, v19;
	v17 =	vld [tilespmem:s0+$0xFFFFE080];
	_ =	sdelay $0x4  }
0x6a7: {  	[tilespmem:v18+s24+$0x0] =	vst.idx.msk $0xffff, v17  }
0x6a8: {  	s30 =	simm.s32 $0x9;
	v18 =	vadd.s32 v2, v19;
	v17 =	vld [tilespmem:s0+$0x80]  }
0x6a9: {  	v19 =	vmov s30  }
0x6aa: {  	v19 =	vshrl.u32 v19, $0x3  }
0x6ab: {  	v19 =	vshll.u32 v19, v0  }
0x6ac: {  	v19 =	vbroadcast v19, $0x0  }
0x6ad: {  	[tilespmem:v18+s24+$0x0] =	vst.idx.msk $0xffff, v17  }
0x6ae: {  	v18 =	vadd.s32 v3, v19;
	v17 =	vld [tilespmem:s0+$0xFFFFE090];
	_ =	sdelay $0x4  }
0x6af: {  	[tilespmem:v18+s24+$0x0] =	vst.idx.msk $0xffff, v17  }
0x6b0: {  	s10 =	simm.s32 $0xA;
	v18 =	vadd.s32 v4, v19;
	v17 =	vld [tilespmem:s0+$0x90]  }
0x6b1: {  	v19 =	vmov s10  }
0x6b2: {  	v19 =	vshrl.u32 v19, $0x3  }
0x6b3: {  	v19 =	vshll.u32 v19, v0  }
0x6b4: {  	v19 =	vbroadcast v19, $0x0  }
0x6b5: {  	[tilespmem:v18+s24+$0x0] =	vst.idx.msk $0xffff, v17  }
0x6b6: {  	v18 =	vadd.s32 v5, v19;
	v17 =	vld [tilespmem:s0+$0xFFFFE0A0];
	_ =	sdelay $0x4  }
0x6b7: {  	[tilespmem:v18+s24+$0x0] =	vst.idx.msk $0xffff, v17  }
0x6b8: {  	s11 =	simm.s32 $0xB;
	v18 =	vadd.s32 v6, v19;
	v17 =	vld [tilespmem:s0+$0xA0]  }
0x6b9: {  	v19 =	vmov s11  }
0x6ba: {  	v19 =	vshrl.u32 v19, $0x3  }
0x6bb: {  	v19 =	vshll.u32 v19, v0  }
0x6bc: {  	v19 =	vbroadcast v19, $0x0  }
0x6bd: {  	[tilespmem:v18+s24+$0x0] =	vst.idx.msk $0xffff, v17  }
0x6be: {  	v18 =	vadd.s32 v7, v19;
	v17 =	vld [tilespmem:s0+$0xFFFFE0B0];
	_ =	sdelay $0x4  }
0x6bf: {  	[tilespmem:v18+s24+$0x0] =	vst.idx.msk $0xffff, v17  }
0x6c0: {  	s12 =	simm.s32 $0xC;
	v18 =	vadd.s32 v8, v19;
	v17 =	vld [tilespmem:s0+$0xB0]  }
0x6c1: {  	v19 =	vmov s12  }
0x6c2: {  	v19 =	vshrl.u32 v19, $0x3  }
0x6c3: {  	v19 =	vshll.u32 v19, v0  }
0x6c4: {  	v19 =	vbroadcast v19, $0x0  }
0x6c5: {  	[tilespmem:v18+s24+$0x0] =	vst.idx.msk $0xffff, v17  }
0x6c6: {  	v18 =	vadd.s32 v9, v19;
	v17 =	vld [tilespmem:s0+$0xFFFFE0C0];
	_ =	sdelay $0x4  }
0x6c7: {  	[tilespmem:v18+s24+$0x0] =	vst.idx.msk $0xffff, v17  }
0x6c8: {  	s13 =	simm.s32 $0xD;
	v18 =	vadd.s32 v10, v19;
	v17 =	vld [tilespmem:s0+$0xC0]  }
0x6c9: {  	v19 =	vmov s13  }
0x6ca: {  	v19 =	vshrl.u32 v19, $0x3  }
0x6cb: {  	v19 =	vshll.u32 v19, v0  }
0x6cc: {  	v19 =	vbroadcast v19, $0x0  }
0x6cd: {  	[tilespmem:v18+s24+$0x0] =	vst.idx.msk $0xffff, v17  }
0x6ce: {  	v18 =	vadd.s32 v11, v19;
	v17 =	vld [tilespmem:s0+$0xFFFFE0D0];
	_ =	sdelay $0x4  }
0x6cf: {  	[tilespmem:v18+s24+$0x0] =	vst.idx.msk $0xffff, v17  }
0x6d0: {  	s30 =	simm.s32 $0xE;
	v18 =	vadd.s32 v12, v19;
	v17 =	vld [tilespmem:s0+$0xD0]  }
0x6d1: {  	v19 =	vmov s30  }
0x6d2: {  	v19 =	vshrl.u32 v19, $0x3  }
0x6d3: {  	v19 =	vshll.u32 v19, v0  }
0x6d4: {  	v19 =	vbroadcast v19, $0x0  }
0x6d5: {  	[tilespmem:v18+s24+$0x0] =	vst.idx.msk $0xffff, v17  }
0x6d6: {  	v18 =	vadd.s32 v13, v19;
	v17 =	vld [tilespmem:s0+$0xFFFFE0E0];
	_ =	sdelay $0x4  }
0x6d7: {  	[tilespmem:v18+s24+$0x0] =	vst.idx.msk $0xffff, v17  }
0x6d8: {  	s1 =	simm.s32 $0xF;
	v19 =	vadd.s32 v14, v19;
	v18 =	vld [tilespmem:s0+$0xE0]  }
0x6d9: {  	v17 =	vmov s1  }
0x6da: {  	v17 =	vshrl.u32 v17, $0x3  }
0x6db: {  	v17 =	vshll.u32 v17, v0  }
0x6dc: {  	v17 =	vbroadcast v17, $0x0  }
0x6dd: {  	[tilespmem:v19+s24+$0x0] =	vst.idx.msk $0xffff, v18  }
0x6de: {  	v19 =	vadd.s32 v15, v17;
	v18 =	vld [tilespmem:s0+$0xFFFFE0F0];
	_ =	sdelay $0x4  }
0x6df: {  	s6 =	simm.s32 $0x1F;
	s1 =	simm.s32 $0x0;
	[tilespmem:v19+s24+$0x0] =	vst.idx.msk $0xffff, v18  }
.LBB2_20:
0x6e0: {  	s10 =	sadd.s32 $0xFFFFFFF1, s6;
	s1 =	sadd.s32 $0x2, s1;
	v18 =	vld [tilespmem:s0+$0xF0];
	v17 =	vadd.s32 v16, v17  }
0x6e1: {  	v19 =	vmov s10;
	p0 =	slt.u32 s1, $0x3E  }
0x6e2: {  	v19 =	vshrl.u32 v19, $0x3  }
0x6e3: {  	v19 =	vshll.u32 v19, v0  }
0x6e4: {  	v19 =	vbroadcast v19, $0x0  }
0x6e5: {  	s0 =	sadd.s32 $0x100, s0;
	[tilespmem:v17+s24+$0x0] =	vst.idx.msk $0xffff, v18  }
0x6e6: {  	v17 =	vld [tilespmem:s0+$0xFFFFE000];
	v18 =	vadd.s32 v1, v19;
	_ =	sdelay $0x4  }
0x6e7: {  	[tilespmem:v18+s24+$0x0] =	vst.idx.msk $0xffff, v17  }
0x6e8: {  	s10 =	sadd.s32 $0xFFFFFFF2, s6;
	v18 =	vadd.s32 v2, v19;
	v17 =	vld [tilespmem:s0+$0x0]  }
0x6e9: {  	v19 =	vmov s10  }
0x6ea: {  	v19 =	vshrl.u32 v19, $0x3  }
0x6eb: {  	v19 =	vshll.u32 v19, v0  }
0x6ec: {  	v19 =	vbroadcast v19, $0x0  }
0x6ed: {  	[tilespmem:v18+s24+$0x0] =	vst.idx.msk $0xffff, v17  }
0x6ee: {  	v18 =	vadd.s32 v3, v19;
	v17 =	vld [tilespmem:s0+$0xFFFFE010];
	_ =	sdelay $0x4  }
0x6ef: {  	[tilespmem:v18+s24+$0x0] =	vst.idx.msk $0xffff, v17  }
0x6f0: {  	s10 =	sadd.s32 $0xFFFFFFF3, s6;
	v18 =	vadd.s32 v4, v19;
	v17 =	vld [tilespmem:s0+$0x10]  }
0x6f1: {  	v19 =	vmov s10  }
0x6f2: {  	v19 =	vshrl.u32 v19, $0x3  }
0x6f3: {  	v19 =	vshll.u32 v19, v0  }
0x6f4: {  	v19 =	vbroadcast v19, $0x0  }
0x6f5: {  	[tilespmem:v18+s24+$0x0] =	vst.idx.msk $0xffff, v17  }
0x6f6: {  	v18 =	vadd.s32 v5, v19;
	v17 =	vld [tilespmem:s0+$0xFFFFE020];
	_ =	sdelay $0x4  }
0x6f7: {  	[tilespmem:v18+s24+$0x0] =	vst.idx.msk $0xffff, v17  }
0x6f8: {  	s10 =	sadd.s32 $0xFFFFFFF4, s6;
	v18 =	vadd.s32 v6, v19;
	v17 =	vld [tilespmem:s0+$0x20]  }
0x6f9: {  	v19 =	vmov s10  }
0x6fa: {  	v19 =	vshrl.u32 v19, $0x3  }
0x6fb: {  	v19 =	vshll.u32 v19, v0  }
0x6fc: {  	v19 =	vbroadcast v19, $0x0  }
0x6fd: {  	[tilespmem:v18+s24+$0x0] =	vst.idx.msk $0xffff, v17  }
0x6fe: {  	v18 =	vadd.s32 v7, v19;
	v17 =	vld [tilespmem:s0+$0xFFFFE030];
	_ =	sdelay $0x4  }
0x6ff: {  	[tilespmem:v18+s24+$0x0] =	vst.idx.msk $0xffff, v17  }
0x700: {  	s10 =	sadd.s32 $0xFFFFFFF5, s6;
	v18 =	vadd.s32 v8, v19;
	v17 =	vld [tilespmem:s0+$0x30]  }
0x701: {  	v19 =	vmov s10  }
0x702: {  	v19 =	vshrl.u32 v19, $0x3  }
0x703: {  	v19 =	vshll.u32 v19, v0  }
0x704: {  	v19 =	vbroadcast v19, $0x0  }
0x705: {  	[tilespmem:v18+s24+$0x0] =	vst.idx.msk $0xffff, v17  }
0x706: {  	v18 =	vadd.s32 v9, v19;
	v17 =	vld [tilespmem:s0+$0xFFFFE040];
	_ =	sdelay $0x4  }
0x707: {  	[tilespmem:v18+s24+$0x0] =	vst.idx.msk $0xffff, v17  }
0x708: {  	s10 =	sadd.s32 $0xFFFFFFF6, s6;
	v18 =	vadd.s32 v10, v19;
	v17 =	vld [tilespmem:s0+$0x40]  }
0x709: {  	v19 =	vmov s10  }
0x70a: {  	v19 =	vshrl.u32 v19, $0x3  }
0x70b: {  	v19 =	vshll.u32 v19, v0  }
0x70c: {  	v19 =	vbroadcast v19, $0x0  }
0x70d: {  	[tilespmem:v18+s24+$0x0] =	vst.idx.msk $0xffff, v17  }
0x70e: {  	v18 =	vadd.s32 v11, v19;
	v17 =	vld [tilespmem:s0+$0xFFFFE050];
	_ =	sdelay $0x4  }
0x70f: {  	[tilespmem:v18+s24+$0x0] =	vst.idx.msk $0xffff, v17  }
0x710: {  	s10 =	sadd.s32 $0xFFFFFFF7, s6;
	v18 =	vadd.s32 v12, v19;
	v17 =	vld [tilespmem:s0+$0x50]  }
0x711: {  	v19 =	vmov s10  }
0x712: {  	v19 =	vshrl.u32 v19, $0x3  }
0x713: {  	v19 =	vshll.u32 v19, v0  }
0x714: {  	v19 =	vbroadcast v19, $0x0  }
0x715: {  	[tilespmem:v18+s24+$0x0] =	vst.idx.msk $0xffff, v17  }
0x716: {  	v18 =	vadd.s32 v13, v19;
	v17 =	vld [tilespmem:s0+$0xFFFFE060];
	_ =	sdelay $0x4  }
0x717: {  	[tilespmem:v18+s24+$0x0] =	vst.idx.msk $0xffff, v17  }
0x718: {  	s10 =	sadd.s32 $0xFFFFFFF8, s6;
	v18 =	vadd.s32 v14, v19;
	v17 =	vld [tilespmem:s0+$0x60]  }
0x719: {  	v19 =	vmov s10  }
0x71a: {  	v19 =	vshrl.u32 v19, $0x3  }
0x71b: {  	v19 =	vshll.u32 v19, v0  }
0x71c: {  	v19 =	vbroadcast v19, $0x0  }
0x71d: {  	[tilespmem:v18+s24+$0x0] =	vst.idx.msk $0xffff, v17  }
0x71e: {  	v18 =	vadd.s32 v15, v19;
	v17 =	vld [tilespmem:s0+$0xFFFFE070];
	_ =	sdelay $0x4  }
0x71f: {  	[tilespmem:v18+s24+$0x0] =	vst.idx.msk $0xffff, v17  }
0x720: {  	s10 =	sadd.s32 $0xFFFFFFF9, s6;
	v18 =	vadd.s32 v16, v19;
	v17 =	vld [tilespmem:s0+$0x70]  }
0x721: {  	v19 =	vmov s10  }
0x722: {  	v19 =	vshrl.u32 v19, $0x3  }
0x723: {  	v19 =	vshll.u32 v19, v0  }
0x724: {  	v19 =	vbroadcast v19, $0x0  }
0x725: {  	[tilespmem:v18+s24+$0x0] =	vst.idx.msk $0xffff, v17  }
0x726: {  	v18 =	vadd.s32 v1, v19;
	v17 =	vld [tilespmem:s0+$0xFFFFE080];
	_ =	sdelay $0x4  }
0x727: {  	[tilespmem:v18+s24+$0x0] =	vst.idx.msk $0xffff, v17  }
0x728: {  	s10 =	sadd.s32 $0xFFFFFFFA, s6;
	v18 =	vadd.s32 v2, v19;
	v17 =	vld [tilespmem:s0+$0x80]  }
0x729: {  	v19 =	vmov s10  }
0x72a: {  	v19 =	vshrl.u32 v19, $0x3  }
0x72b: {  	v19 =	vshll.u32 v19, v0  }
0x72c: {  	v19 =	vbroadcast v19, $0x0  }
0x72d: {  	[tilespmem:v18+s24+$0x0] =	vst.idx.msk $0xffff, v17  }
0x72e: {  	v18 =	vadd.s32 v3, v19;
	v17 =	vld [tilespmem:s0+$0xFFFFE090];
	_ =	sdelay $0x4  }
0x72f: {  	[tilespmem:v18+s24+$0x0] =	vst.idx.msk $0xffff, v17  }
0x730: {  	s10 =	sadd.s32 $0xFFFFFFFB, s6;
	v18 =	vadd.s32 v4, v19;
	v17 =	vld [tilespmem:s0+$0x90]  }
0x731: {  	v19 =	vmov s10  }
0x732: {  	v19 =	vshrl.u32 v19, $0x3  }
0x733: {  	v19 =	vshll.u32 v19, v0  }
0x734: {  	v19 =	vbroadcast v19, $0x0  }
0x735: {  	[tilespmem:v18+s24+$0x0] =	vst.idx.msk $0xffff, v17  }
0x736: {  	v18 =	vadd.s32 v5, v19;
	v17 =	vld [tilespmem:s0+$0xFFFFE0A0];
	_ =	sdelay $0x4  }
0x737: {  	[tilespmem:v18+s24+$0x0] =	vst.idx.msk $0xffff, v17  }
0x738: {  	s10 =	sadd.s32 $0xFFFFFFFC, s6;
	v18 =	vadd.s32 v6, v19;
	v17 =	vld [tilespmem:s0+$0xA0]  }
0x739: {  	v19 =	vmov s10  }
0x73a: {  	v19 =	vshrl.u32 v19, $0x3  }
0x73b: {  	v19 =	vshll.u32 v19, v0  }
0x73c: {  	v19 =	vbroadcast v19, $0x0  }
0x73d: {  	[tilespmem:v18+s24+$0x0] =	vst.idx.msk $0xffff, v17  }
0x73e: {  	v18 =	vadd.s32 v7, v19;
	v17 =	vld [tilespmem:s0+$0xFFFFE0B0];
	_ =	sdelay $0x4  }
0x73f: {  	[tilespmem:v18+s24+$0x0] =	vst.idx.msk $0xffff, v17  }
0x740: {  	s10 =	sadd.s32 $0xFFFFFFFD, s6;
	v18 =	vadd.s32 v8, v19;
	v17 =	vld [tilespmem:s0+$0xB0]  }
0x741: {  	v19 =	vmov s10  }
0x742: {  	v19 =	vshrl.u32 v19, $0x3  }
0x743: {  	v19 =	vshll.u32 v19, v0  }
0x744: {  	v19 =	vbroadcast v19, $0x0  }
0x745: {  	[tilespmem:v18+s24+$0x0] =	vst.idx.msk $0xffff, v17  }
0x746: {  	v18 =	vadd.s32 v9, v19;
	v17 =	vld [tilespmem:s0+$0xFFFFE0C0];
	_ =	sdelay $0x4  }
0x747: {  	[tilespmem:v18+s24+$0x0] =	vst.idx.msk $0xffff, v17  }
0x748: {  	s10 =	sadd.s32 $0xFFFFFFFE, s6;
	v18 =	vadd.s32 v10, v19;
	v17 =	vld [tilespmem:s0+$0xC0]  }
0x749: {  	v19 =	vmov s10  }
0x74a: {  	v19 =	vshrl.u32 v19, $0x3  }
0x74b: {  	v19 =	vshll.u32 v19, v0  }
0x74c: {  	v19 =	vbroadcast v19, $0x0  }
0x74d: {  	[tilespmem:v18+s24+$0x0] =	vst.idx.msk $0xffff, v17  }
0x74e: {  	v18 =	vadd.s32 v11, v19;
	v17 =	vld [tilespmem:s0+$0xFFFFE0D0];
	_ =	sdelay $0x4  }
0x74f: {  	[tilespmem:v18+s24+$0x0] =	vst.idx.msk $0xffff, v17  }
0x750: {  	s10 =	sadd.s32 $0xFFFFFFFF, s6;
	v18 =	vadd.s32 v12, v19;
	v17 =	vld [tilespmem:s0+$0xD0]  }
0x751: {  	v19 =	vmov s10  }
0x752: {  	v19 =	vshrl.u32 v19, $0x3  }
0x753: {  	v19 =	vshll.u32 v19, v0  }
0x754: {  	v19 =	vbroadcast v19, $0x0  }
0x755: {  	[tilespmem:v18+s24+$0x0] =	vst.idx.msk $0xffff, v17  }
0x756: {  	v18 =	vadd.s32 v13, v19;
	v17 =	vld [tilespmem:s0+$0xFFFFE0E0];
	_ =	sdelay $0x4  }
0x757: {  	[tilespmem:v18+s24+$0x0] =	vst.idx.msk $0xffff, v17  }
0x758: {  	v19 =	vadd.s32 v14, v19;
	v18 =	vld [tilespmem:s0+$0xE0]  }
0x759: {  	v17 =	vmov s6  }
0x75a: {  	v17 =	vshrl.u32 v17, $0x3  }
0x75b: {  	v17 =	vshll.u32 v17, v0  }
0x75c: {  	v17 =	vbroadcast v17, $0x0  }
0x75d: {  	[tilespmem:v19+s24+$0x0] =	vst.idx.msk $0xffff, v18  }
0x75e: {  	v19 =	vadd.s32 v15, v17;
	v18 =	vld [tilespmem:s0+$0xFFFFE0F0]  }
.Ltmp9:
0x75f: {  	(pc) =	sbr.rel @p0 .LBB2_20-.Ltmp9, $2  }
0x760: {  	_ =	sdelay $0x2  }
0x761: {  	s6 =	sadd.s32 $0x10, s6;
	[tilespmem:v19+s24+$0x0] =	vst.idx.msk $0xffff, v18  }
0x762: {  	v2 =	vld [tilespmem:s0+$0xF0];
	v3 =	vadd.s32 v16, v17;
	_ =	sdelay $0x3  }
0x763: {  	s0 =	simm.s32 $0x17100  }
0x764: {  	s1 =	simm.s32 $0x800;
	s10 =	sadd.s32 $0x0, s9;
	s6 =	simm.s32 $0x17308;
	[tilespmem:v3+s24+$0x0] =	vst.idx.msk $0xffff, v2  }
.LBB2_22:
0x765: {  	[hbm4b:s10+s2] =	stream.linear.scatter [tilespmem:s0], [sflag:$0x5], $0x200, $0x38;
	[tilespmem:$0x1F300] =	vst v63  }
0x766: {  	s10 =	smov.u32 s1;
	s0 =	smov.u32 s6;
	p0 =	sne.s32 s1, $0xF800  }
.Ltmp10:
0x767: {  	s1 =	sadd.s32 $0x800, s1;
	(pc) =	sbr.rel @p0 .LBB2_22-.Ltmp10, $2  }
0x768: {  	_ =	sdelay $0x2  }
0x769: {  	s6 =	sadd.s32 $0x208, s6;
	s10 =	sadd.s32 s10, s9  }
0x76a: {  	[hbm4b:s10+s2] =	stream.linear.scatter [tilespmem:s0], [sflag:$0x5], $0x200, $0x38;
	[tilespmem:$0x1F300] =	vst v63  }
0x76b: {  	_ =	swait.ge [sflag:s28], $0x4000  }
0x76c: {  	[sflag:s28] =	ssyncset.done $0x0  }
0x76d: {  	[sflag:s28] =	ssyncadd.s32 $0xFFFFC000  }
0x76e: {  	_ =	swait.ge [sflag:s29], $0x4000  }
0x76f: {  	[sflag:s29] =	ssyncset.done $0x0  }
0x770: {  	s1 =	simm.s32 $0x6;
	[sflag:s29] =	ssyncadd.s32 $0xFFFFC000  }
0x771: {  	_ =	swait.ge [sflag:s1], $0x4000  }
0x772: {  	s31 =	sadd.s32 $0x1, s31;
	s30 =	rddreg [dreg:$0x4]  }
0x773: {  	p0 =	sne.s32 s31, s30  }
.Ltmp11:
0x774: {  	_ = 	snop;
	(pc) =	sbr.rel @p0 .LBB2_1-.Ltmp11, $3  }
0x775: {  	_ =	sdelay $0x1  }
0x776: {  	[sflag:s1] =	ssyncset.done $0x0  }
0x777: {  	[sflag:s1] =	ssyncadd.s32 $0xFFFFC000  }
0x778: {  	_ =	sfence.sel $0x180000  }
0x779: {  	[bflag:$0x0] =	sbarrier.arrive $0xFFFF  }
0x77a: {  	_ =	strace $0x90000047  }
0x77b: {  	s0 =	stileid.u32;
	[bflag:$0x2] =	sbarrier.arrive $0xFFFF  }
0x77c: {  	p0 =	sne.s32 s0, $0x0;
	s0 =	rddreg [dreg:$0x2]  }
0x77d: {  	s0 =	sadd.s32 @!p0 $0x100000, s0  }
0x77e: {  	[sflag:s0] =	ssyncadd.tile.s32 @!p0 $0x1;
	_ =	shalt  }
.Lfunc_end2:
_tile_overlayer_lowered:
.L_overlay_start_2:
0x77f: {  	(tag) =	ssettag $0x2  }
0x780: {  	s0 =	rddreg [dreg:$0x0];
	s2 =	stileid.u32  }
0x781: {  	s1 =	rddreg [dreg:$0x1];
	p0 =	sne.s32 s2, $0x0  }
0x782: {  	s3 =	rddreg [dreg:$0x2];
	[bflag:$0x3] =	sbarrier.arrive $0xFFFF;
	s2 =	simm.s32 @!p0 $0x1C07  }
0x783: {  	[timem:s3], [sflag:s2] =	dma.local @!p0 [hbm:s0], s1  }
0x784: {  	s0 =	simm.s32 @!p0 $0x7  }
0x785: {  	_ =	swait.ge @!p0 [sflag:s0], s1  }
0x786: {  	s1 =	ssub.s32 @!p0 $0x0, s1;
	[sflag:s0] =	ssyncset.done @!p0 $0x0  }
0x787: {  	[sflag:s0] =	ssyncadd.s32 @!p0 s1  }
0x788: {  	[bflag:$0x3] =	sbarrier.arrive $0xFFFF  }
0x789: {  	_ =	shalt  }

</sc_bundles>
